<compile_context>
chip_gen: v7x
topology: tpu7x:2x2x1
jax: 0.10.2.dev20260603
libtpu: 0.0.44.dev20260713+nightly
codegen_flags: <defaults>
</compile_context>

<pallas_src>
import functools

import jax
import jax.numpy as jnp
from jax import lax
from jax.experimental import pallas as pl
from jax.experimental.pallas import tpu as pltpu
from jax.experimental.pallas import tpu_sc as plsc

N_NODES = 10000
D_IN = 128
D_HID = 16
D_OUT = 128

NC = 2
NS = 16
LANES = 16
GCHUNK = 512
NBUF = 8
LOOKAHEAD = 4
HBLK = 320
N_ACC = 10240
ROWS_PER_SUB = N_ACC // NS

_mesh = plsc.VectorSubcoreMesh(core_axis_name="c", subcore_axis_name="s")
_sc_params = pltpu.CompilerParams(use_tc_tiling_on_sc=False)


def _make_seg_sum(n_g, with_counts):
    out_types = [jax.ShapeDtypeStruct((NC, N_ACC, LANES), jnp.float32)]
    if with_counts:
        out_types.append(jax.ShapeDtypeStruct((NC, N_ACC, LANES), jnp.float32))
    scratch = (
        [
            pltpu.VMEM((n_g, GCHUNK), jnp.int32),
            pltpu.VMEM((n_g, GCHUNK), jnp.int32),
            pltpu.VMEM((GCHUNK, LANES), jnp.float32),
            pltpu.VMEM_SHARED((N_ACC, LANES), jnp.float32),
            pltpu.VMEM_SHARED((N_ACC, LANES), jnp.float32),
        ]
        + [pltpu.VMEM((GCHUNK, LANES), jnp.float32)] * NBUF
        + [pltpu.SemaphoreType.DMA] * (2 * NBUF + 1)
    )

    def body(*refs):
        if with_counts:
            (feat_hbm, src_hbm, dst_hbm, zero_hbm, ones_hbm, out_hbm, cnt_hbm,
             src_v, dst_v, ones_v, acc_sh, cnt_sh, *rest) = refs
        else:
            (feat_hbm, src_hbm, dst_hbm, zero_hbm, ones_hbm, out_hbm,
             src_v, dst_v, ones_v, acc_sh, cnt_sh, *rest) = refs
            cnt_hbm = None
        bufs = rest[:NBUF]
        gsem = rest[NBUF:2 * NBUF]
        ssem = rest[2 * NBUF:3 * NBUF]
        tsem = rest[3 * NBUF]
        c = lax.axis_index("c")
        s = lax.axis_index("s")
        rows = pl.ds(s * ROWS_PER_SUB, ROWS_PER_SUB)
        pltpu.sync_copy(zero_hbm.at[rows], acc_sh.at[rows])
        if with_counts:
            pltpu.sync_copy(zero_hbm.at[rows], cnt_sh.at[rows])
            pltpu.sync_copy(ones_hbm, ones_v)
        pltpu.sync_copy(src_hbm.at[c].at[s], src_v)
        pltpu.sync_copy(dst_hbm.at[c].at[s], dst_v)
        plsc.subcore_barrier()

        gds = [None] * n_g
        sds = [None] * n_g
        cds = []
        for j in range(min(LOOKAHEAD, n_g)):
            gds[j] = pltpu.async_copy(feat_hbm.at[src_v.at[j]],
                                      bufs[j % NBUF], gsem[j % NBUF])
        for j in range(n_g):
            nj = j + LOOKAHEAD
            if nj < n_g:
                if nj >= NBUF:
                    sds[nj - NBUF].wait()
                gds[nj] = pltpu.async_copy(feat_hbm.at[src_v.at[nj]],
                                           bufs[nj % NBUF], gsem[nj % NBUF])
            gds[j].wait()
            sds[j] = pltpu.async_copy(bufs[j % NBUF], acc_sh.at[dst_v.at[j]],
                                      ssem[j % NBUF], add=True)
            if with_counts:
                cds.append(pltpu.async_copy(ones_v, cnt_sh.at[dst_v.at[j]],
                                            tsem, add=True))
        for j in range(max(0, n_g - NBUF), n_g):
            sds[j].wait()
        for d in cds:
            d.wait()

        plsc.subcore_barrier()
        pltpu.sync_copy(acc_sh.at[rows], out_hbm.at[c].at[rows])
        if with_counts:
            pltpu.sync_copy(cnt_sh.at[rows], cnt_hbm.at[c].at[rows])

    return pl.kernel(body, out_type=out_types, mesh=_mesh,
                     scratch_types=scratch, compiler_params=_sc_params)


def _make_seg_h(n_g):
    out_types = [jax.ShapeDtypeStruct((NC, N_ACC, LANES), jnp.float32),
                 jax.ShapeDtypeStruct((NC, N_ACC, LANES), jnp.float32)]
    scratch = (
        [
            pltpu.VMEM((n_g, GCHUNK), jnp.int32),
            pltpu.VMEM((n_g, GCHUNK), jnp.int32),
            pltpu.VMEM_SHARED((N_ACC, LANES), jnp.float32),
        ]
        + [pltpu.VMEM((GCHUNK, LANES), jnp.float32)] * NBUF
        + [pltpu.SemaphoreType.DMA] * (2 * NBUF)
    )

    def body(p1_hbm, c1_hbm, xb_hbm, src_hbm, dst_hbm, zero_hbm,
             out_hbm, h_hbm, src_v, dst_v, acc_sh, *rest):
        bufs = rest[:NBUF]
        gsem = rest[NBUF:2 * NBUF]
        ssem = rest[2 * NBUF:3 * NBUF]
        c = lax.axis_index("c")
        s = lax.axis_index("s")
        rows = pl.ds(s * ROWS_PER_SUB, ROWS_PER_SUB)
        pltpu.sync_copy(zero_hbm.at[rows], acc_sh.at[rows])
        pltpu.sync_copy(src_hbm.at[c].at[s], src_v)
        pltpu.sync_copy(dst_hbm.at[c].at[s], dst_v)

        blk = pl.ds(0, HBLK)
        for b in range(ROWS_PER_SUB // HBLK):
            rb = pl.ds(s * ROWS_PER_SUB + b * HBLK, HBLK)
            pltpu.sync_copy(p1_hbm.at[0].at[rb], bufs[0].at[blk])
            pltpu.sync_copy(p1_hbm.at[1].at[rb], bufs[1].at[blk])
            pltpu.sync_copy(c1_hbm.at[0].at[rb], bufs[2].at[blk])
            pltpu.sync_copy(c1_hbm.at[1].at[rb], bufs[3].at[blk])
            pltpu.sync_copy(xb_hbm.at[rb], bufs[4].at[blk])

            @pl.loop(0, HBLK)
            def _(r):
                rr = (pl.ds(r, 1), pl.ds(0, LANES))
                p = bufs[0][rr] + bufs[1][rr]
                cn = jnp.maximum(bufs[2][rr] + bufs[3][rr], 1.0)
                bufs[5][rr] = jnp.maximum(p / cn + bufs[4][rr], 0.0)

            pltpu.sync_copy(bufs[5].at[blk], h_hbm.at[c].at[rb])
        plsc.subcore_barrier()

        feat_hbm = h_hbm.at[c]
        gds = [None] * n_g
        sds = [None] * n_g
        for j in range(min(LOOKAHEAD, n_g)):
            gds[j] = pltpu.async_copy(feat_hbm.at[src_v.at[j]],
                                      bufs[j % NBUF], gsem[j % NBUF])
        for j in range(n_g):
            nj = j + LOOKAHEAD
            if nj < n_g:
                if nj >= NBUF:
                    sds[nj - NBUF].wait()
                gds[nj] = pltpu.async_copy(feat_hbm.at[src_v.at[nj]],
                                           bufs[nj % NBUF], gsem[nj % NBUF])
            gds[j].wait()
            sds[j] = pltpu.async_copy(bufs[j % NBUF], acc_sh.at[dst_v.at[j]],
                                      ssem[j % NBUF], add=True)
        for j in range(max(0, n_g - NBUF), n_g):
            sds[j].wait()

        plsc.subcore_barrier()
        pltpu.sync_copy(acc_sh.at[rows], out_hbm.at[c].at[rows])

    return pl.kernel(body, out_type=out_types, mesh=_mesh,
                     scratch_types=scratch, compiler_params=_sc_params)


def _mm_in_body(x_ref, wl_ref, wr_ref, b1_ref, y1_ref, xb_ref):
    x = x_ref[...]
    y1_ref[...] = jnp.dot(x, wl_ref[...], preferred_element_type=jnp.float32)
    xb_ref[...] = jnp.dot(
        x, wr_ref[...], preferred_element_type=jnp.float32) + b1_ref[...]


def _h_body(p_ref, cp_ref, xr_ref, b1_ref, h_ref, cnt_ref):
    cnt = cp_ref[0] + cp_ref[1]
    mean = (p_ref[0] + p_ref[1]) / jnp.maximum(cnt, 1.0)
    h_ref[...] = jnp.maximum(mean + b1_ref[...] + xr_ref[...], 0.0)
    cnt_ref[...] = cnt


def _out_body(p2_ref, c1_ref, h_ref, w2l_ref, b2_ref, w2r_ref, o_ref):
    cnt = c1_ref[0] + c1_ref[1]
    mean2 = (p2_ref[0] + p2_ref[1]) / jnp.maximum(cnt, 1.0)
    o_ref[...] = (
        jnp.dot(mean2, w2l_ref[...], preferred_element_type=jnp.float32)
        + b2_ref[...]
        + jnp.dot(h_ref[0], w2r_ref[...], preferred_element_type=jnp.float32)
    )


@jax.jit
def _impl(x, edge_index, W1l, b1, W1r, W2l, b2, W2r):
    src = edge_index[0].astype(jnp.int32)
    dst = edge_index[1].astype(jnp.int32)
    e = src.shape[0]
    n_g = -(-e // (NC * NS * GCHUNK))
    if n_g % 2:
        n_g += 1
    e_pad = NC * NS * n_g * GCHUNK
    pad_i = jnp.arange(e_pad - e, dtype=jnp.int32)
    src3 = jnp.concatenate(
        [src, pad_i % N_NODES]).reshape(NC, NS, n_g, GCHUNK)
    dst3 = jnp.concatenate(
        [dst, N_NODES + pad_i % (N_ACC - N_NODES)]).reshape(
            NC, NS, n_g, GCHUNK)
    xp = jnp.zeros((N_ACC, D_IN), jnp.float32).at[:N_NODES].set(x)
    zero = jnp.zeros((N_ACC, LANES), jnp.float32)
    ones = jnp.ones((GCHUNK, LANES), jnp.float32)

    y1, xb = pl.pallas_call(
        _mm_in_body,
        out_shape=[jax.ShapeDtypeStruct((N_ACC, D_HID), jnp.float32)] * 2,
    )(xp, W1l, W1r, b1.reshape(1, D_HID))

    seg_c = _make_seg_sum(n_g, with_counts=True)
    p1, c1 = seg_c(y1, src3, dst3, zero, ones)

    seg_h = _make_seg_h(n_g)
    p2, h2 = seg_h(p1, c1, xb, src3, dst3, zero)

    out = pl.pallas_call(
        _out_body,
        out_shape=jax.ShapeDtypeStruct((N_ACC, D_OUT), jnp.float32),
    )(p2, c1, h2, W2l, b2.reshape(1, D_OUT), W2r)
    return out[:N_NODES]


def kernel(x, edge_index, W1l, b1, W1r, W2l, b2, W2r):
    return _impl(x, edge_index, W1l, b1, W1r, W2l, b2, W2r)

# --- scband reference (transcript-rebuilt; emitter-appended) ---
"""Pipeline reference for scband-graph-sage-7524782702739 (READ-ONLY COPY).

The authoritative reference and input builder live on the scoring server;
editing this copy changes nothing except your own understanding.
"""

import jax, jax.numpy as jnp
import numpy as np

N_NODES = 10000
N_EDGES = 320000
D_IN = 128
D_HID = 16
D_OUT = 128


def sage_conv(x, edge_index, Wl, bl, Wr):
    # PyG SAGEConv with mean aggregation:
    # out = lin_l(mean_{j in N(i)} x_j) + lin_r(x_i), bias in lin_l
    src = edge_index[0]
    dst = edge_index[1]
    msg = jnp.take(x, src, axis=0)                                  # gather [E, d]
    agg = jax.ops.segment_sum(msg, dst, num_segments=N_NODES)       # scatter-add [N, d]
    cnt = jax.ops.segment_sum(jnp.ones((msg.shape[0],), x.dtype), dst, num_segments=N_NODES)
    mean = agg / jnp.clip(cnt, 1.0)[:, None]
    return mean @ Wl + bl + x @ Wr


def setup_inputs(seed: int = 0) -> dict:
    key = jax.random.key(seed)
    ks = jax.random.split(key, 9)
    x = jax.random.normal(ks[0], (N_NODES, D_IN), dtype=jnp.float32)
    edge_index = jax.random.randint(ks[1], (2, N_EDGES), 0, N_NODES)
    s1 = 1.0 / np.sqrt(D_IN)
    s2 = 1.0 / np.sqrt(D_HID)
    W1l = jax.random.uniform(ks[2], (D_IN, D_HID), jnp.float32, -s1, s1)
    b1 = jax.random.uniform(ks[3], (D_HID,), jnp.float32, -s1, s1)
    W1r = jax.random.uniform(ks[4], (D_IN, D_HID), jnp.float32, -s1, s1)
    W2l = jax.random.uniform(ks[5], (D_HID, D_OUT), jnp.float32, -s2, s2)
    b2 = jax.random.uniform(ks[6], (D_OUT,), jnp.float32, -s2, s2)
    W2r = jax.random.uniform(ks[7], (D_HID, D_OUT), jnp.float32, -s2, s2)
    return {"x": x, "edge_index": edge_index, "W1l": W1l, "b1": b1, "W1r": W1r,
            "W2l": W2l, "b2": b2, "W2r": W2r}


def reference(x, edge_index, W1l, b1, W1r, W2l, b2, W2r):
    h = jax.nn.relu(sage_conv(x, edge_index, W1l, b1, W1r))
    out = sage_conv(h, edge_index, W2l, b2, W2r)
    return out

if __name__ == "__main__":
    import jax
    _d = setup_inputs()
    print(jax.jit(kernel)(*tuple(_d.values())))

</pallas_src>

<mosaic_0001>
#map = affine_map<(d0, d1) -> (0, 0, 0)>
#map1 = affine_map<(d0, d1) -> (0, 0)>
#map2 = affine_map<(d0, d1) -> (0, 0, 0, 0)>
module attributes {stable_mosaic.version = 14 : i64} {
  func.func @body(%arg0: i32, %arg1: i32, %arg2: memref<2x10240x16xf32, #tpu.memory_space<hbm>>, %arg3: memref<2x10240x16xf32, #tpu.memory_space<hbm>>, %arg4: memref<10240x16xf32, #tpu.memory_space<hbm>>, %arg5: memref<2x16x20x512xi32, #tpu.memory_space<hbm>>, %arg6: memref<2x16x20x512xi32, #tpu.memory_space<hbm>>, %arg7: memref<10240x16xf32, #tpu.memory_space<hbm>>, %arg8: memref<2x10240x16xf32, #tpu.memory_space<hbm>>, %arg9: memref<2x10240x16xf32, #tpu.memory_space<hbm>>, %arg10: memref<20x512xi32, #tpu.memory_space<vmem>>, %arg11: memref<20x512xi32, #tpu.memory_space<vmem>>, %arg12: memref<10240x16xf32, #tpu.memory_space<vmem_shared>>, %arg13: memref<512x16xf32, #tpu.memory_space<vmem>>, %arg14: memref<512x16xf32, #tpu.memory_space<vmem>>, %arg15: memref<512x16xf32, #tpu.memory_space<vmem>>, %arg16: memref<512x16xf32, #tpu.memory_space<vmem>>, %arg17: memref<512x16xf32, #tpu.memory_space<vmem>>, %arg18: memref<512x16xf32, #tpu.memory_space<vmem>>, %arg19: memref<512x16xf32, #tpu.memory_space<vmem>>, %arg20: memref<512x16xf32, #tpu.memory_space<vmem>>, %arg21: memref<!tpu.dma_semaphore, #tpu.memory_space<semaphore_mem>>, %arg22: memref<!tpu.dma_semaphore, #tpu.memory_space<semaphore_mem>>, %arg23: memref<!tpu.dma_semaphore, #tpu.memory_space<semaphore_mem>>, %arg24: memref<!tpu.dma_semaphore, #tpu.memory_space<semaphore_mem>>, %arg25: memref<!tpu.dma_semaphore, #tpu.memory_space<semaphore_mem>>, %arg26: memref<!tpu.dma_semaphore, #tpu.memory_space<semaphore_mem>>, %arg27: memref<!tpu.dma_semaphore, #tpu.memory_space<semaphore_mem>>, %arg28: memref<!tpu.dma_semaphore, #tpu.memory_space<semaphore_mem>>, %arg29: memref<!tpu.dma_semaphore, #tpu.memory_space<semaphore_mem>>, %arg30: memref<!tpu.dma_semaphore, #tpu.memory_space<semaphore_mem>>, %arg31: memref<!tpu.dma_semaphore, #tpu.memory_space<semaphore_mem>>, %arg32: memref<!tpu.dma_semaphore, #tpu.memory_space<semaphore_mem>>, %arg33: memref<!tpu.dma_semaphore, #tpu.memory_space<semaphore_mem>>, %arg34: memref<!tpu.dma_semaphore, #tpu.memory_space<semaphore_mem>>, %arg35: memref<!tpu.dma_semaphore, #tpu.memory_space<semaphore_mem>>, %arg36: memref<!tpu.dma_semaphore, #tpu.memory_space<semaphore_mem>>) attributes {dimension_semantics = [#tpu.dimension_semantics<core_parallel>, #tpu.dimension_semantics<subcore_parallel>], iteration_bounds = array<i64: 2, 16>, scalar_prefetch = 0 : i64, scratch_operands = 27 : i64, tpu.core_type = #tpu.core_type<sc_vector_subcore>, window_params = [{transform_indices = #map}, {transform_indices = #map}, {transform_indices = #map1}, {transform_indices = #map2}, {transform_indices = #map2}, {transform_indices = #map1}, {transform_indices = #map}, {transform_indices = #map}]} {
    %mul3A = arith.constant 640 : i32
    %mul3A_0 = arith.muli %arg1, %mul3A : i32
    "tpu.region"() ({
      %run_scoped3A_743 = tpu.sem_alloc : memref<!tpu.dma_semaphore, #tpu.memory_space<semaphore_mem>>
      %dma_start3A_744 = arith.constant 0 : i32
      %dma_start3A_745 = tpu.memref_slice %arg12[%mul3A_0, %dma_start3A_744] : memref<10240x16xf32, #tpu.memory_space<vmem_shared>> -> memref<640x16xf32, #tpu.memory_space<vmem_shared>>
      %dma_start3A_746 = arith.constant 0 : i32
      %dma_start3A_747 = tpu.memref_slice %arg7[%mul3A_0, %dma_start3A_746] : memref<10240x16xf32, #tpu.memory_space<hbm>> -> memref<640x16xf32, #tpu.memory_space<hbm>>
      tpu.enqueue_dma source(%dma_start3A_747 : memref<640x16xf32, #tpu.memory_space<hbm>>) target(%dma_start3A_745 : memref<640x16xf32, #tpu.memory_space<vmem_shared>>) target_semaphore(%run_scoped3A_743 : memref<!tpu.dma_semaphore, #tpu.memory_space<semaphore_mem>>)
      %dma_wait3A_748 = arith.constant 0 : i32
      %dma_wait3A_749 = tpu.memref_slice %arg12[%mul3A_0, %dma_wait3A_748] : memref<10240x16xf32, #tpu.memory_space<vmem_shared>> -> memref<640x16xf32, #tpu.memory_space<vmem_shared>>
      %dma_wait3A_750 = arith.constant 0 : i32
      %dma_wait3A_751 = tpu.memref_slice %arg7[%mul3A_0, %dma_wait3A_750] : memref<10240x16xf32, #tpu.memory_space<hbm>> -> memref<640x16xf32, #tpu.memory_space<hbm>>
      tpu.wait_dma2 semaphore(%run_scoped3A_743 : memref<!tpu.dma_semaphore, #tpu.memory_space<semaphore_mem>>) src(%dma_wait3A_751 : memref<640x16xf32, #tpu.memory_space<hbm>>) dst(%dma_wait3A_749 : memref<640x16xf32, #tpu.memory_space<vmem_shared>>)
      tpu.yield
    }) : () -> ()
    "tpu.region"() ({
      %run_scoped3A_743 = tpu.sem_alloc : memref<!tpu.dma_semaphore, #tpu.memory_space<semaphore_mem>>
      %dma_start3A_744 = arith.constant 0 : i32
      %dma_start3A_745 = arith.constant 0 : i32
      %dma_start3A_746 = arith.constant 0 : i32
      %dma_start3A_747 = tpu.memref_slice %arg5[%arg0, %dma_start3A_744, %dma_start3A_745, %dma_start3A_746] : memref<2x16x20x512xi32, #tpu.memory_space<hbm>> -> memref<1x16x20x512xi32, #tpu.memory_space<hbm>>
      %dma_start3A_748 = tpu.memref_squeeze %dma_start3A_747 : memref<1x16x20x512xi32, #tpu.memory_space<hbm>> -> memref<16x20x512xi32, #tpu.memory_space<hbm>>
      %dma_start3A_749 = arith.constant 0 : i32
      %dma_start3A_750 = arith.constant 0 : i32
      %dma_start3A_751 = tpu.memref_slice %dma_start3A_748[%arg1, %dma_start3A_749, %dma_start3A_750] : memref<16x20x512xi32, #tpu.memory_space<hbm>> -> memref<1x20x512xi32, #tpu.memory_space<hbm>>
      %dma_start3A_752 = tpu.memref_squeeze %dma_start3A_751 : memref<1x20x512xi32, #tpu.memory_space<hbm>> -> memref<20x512xi32, #tpu.memory_space<hbm>>
      %dma_start3A_753 = arith.constant 0 : i32
      %dma_start3A_754 = arith.constant 0 : i32
      %dma_start3A_755 = arith.constant 0 : i32
      %dma_start3A_756 = tpu.memref_slice %arg5[%arg0, %dma_start3A_753, %dma_start3A_754, %dma_start3A_755] : memref<2x16x20x512xi32, #tpu.memory_space<hbm>> -> memref<1x16x20x512xi32, #tpu.memory_space<hbm>>
      %dma_start3A_757 = tpu.memref_squeeze %dma_start3A_756 : memref<1x16x20x512xi32, #tpu.memory_space<hbm>> -> memref<16x20x512xi32, #tpu.memory_space<hbm>>
      %dma_start3A_758 = arith.constant 0 : i32
      %dma_start3A_759 = arith.constant 0 : i32
      %dma_start3A_760 = tpu.memref_slice %dma_start3A_757[%arg1, %dma_start3A_758, %dma_start3A_759] : memref<16x20x512xi32, #tpu.memory_space<hbm>> -> memref<1x20x512xi32, #tpu.memory_space<hbm>>
      %dma_start3A_761 = tpu.memref_squeeze %dma_start3A_760 : memref<1x20x512xi32, #tpu.memory_space<hbm>> -> memref<20x512xi32, #tpu.memory_space<hbm>>
      tpu.enqueue_dma source(%dma_start3A_761 : memref<20x512xi32, #tpu.memory_space<hbm>>) target(%arg10 : memref<20x512xi32, #tpu.memory_space<vmem>>) target_semaphore(%run_scoped3A_743 : memref<!tpu.dma_semaphore, #tpu.memory_space<semaphore_mem>>)
      %dma_wait3A_762 = arith.constant 0 : i32
      %dma_wait3A_763 = arith.constant 0 : i32
      %dma_wait3A_764 = arith.constant 0 : i32
      %dma_wait3A_765 = tpu.memref_slice %arg5[%arg0, %dma_wait3A_762, %dma_wait3A_763, %dma_wait3A_764] : memref<2x16x20x512xi32, #tpu.memory_space<hbm>> -> memref<1x16x20x512xi32, #tpu.memory_space<hbm>>
      %dma_wait3A_766 = tpu.memref_squeeze %dma_wait3A_765 : memref<1x16x20x512xi32, #tpu.memory_space<hbm>> -> memref<16x20x512xi32, #tpu.memory_space<hbm>>
      %dma_wait3A_767 = arith.constant 0 : i32
      %dma_wait3A_768 = arith.constant 0 : i32
      %dma_wait3A_769 = tpu.memref_slice %dma_wait3A_766[%arg1, %dma_wait3A_767, %dma_wait3A_768] : memref<16x20x512xi32, #tpu.memory_space<hbm>> -> memref<1x20x512xi32, #tpu.memory_space<hbm>>
      %dma_wait3A_770 = tpu.memref_squeeze %dma_wait3A_769 : memref<1x20x512xi32, #tpu.memory_space<hbm>> -> memref<20x512xi32, #tpu.memory_space<hbm>>
      %dma_wait3A_771 = arith.constant 0 : i32
      %dma_wait3A_772 = arith.constant 0 : i32
      %dma_wait3A_773 = arith.constant 0 : i32
      %dma_wait3A_774 = tpu.memref_slice %arg5[%arg0, %dma_wait3A_771, %dma_wait3A_772, %dma_wait3A_773] : memref<2x16x20x512xi32, #tpu.memory_space<hbm>> -> memref<1x16x20x512xi32, #tpu.memory_space<hbm>>
      %dma_wait3A_775 = tpu.memref_squeeze %dma_wait3A_774 : memref<1x16x20x512xi32, #tpu.memory_space<hbm>> -> memref<16x20x512xi32, #tpu.memory_space<hbm>>
      %dma_wait3A_776 = arith.constant 0 : i32
      %dma_wait3A_777 = arith.constant 0 : i32
      %dma_wait3A_778 = tpu.memref_slice %dma_wait3A_775[%arg1, %dma_wait3A_776, %dma_wait3A_777] : memref<16x20x512xi32, #tpu.memory_space<hbm>> -> memref<1x20x512xi32, #tpu.memory_space<hbm>>
      %dma_wait3A_779 = tpu.memref_squeeze %dma_wait3A_778 : memref<1x20x512xi32, #tpu.memory_space<hbm>> -> memref<20x512xi32, #tpu.memory_space<hbm>>
      tpu.wait_dma2 semaphore(%run_scoped3A_743 : memref<!tpu.dma_semaphore, #tpu.memory_space<semaphore_mem>>) src(%dma_wait3A_779 : memref<20x512xi32, #tpu.memory_space<hbm>>) dst(%arg10 : memref<20x512xi32, #tpu.memory_space<vmem>>)
      tpu.yield
    }) : () -> ()
    "tpu.region"() ({
      %run_scoped3A_743 = tpu.sem_alloc : memref<!tpu.dma_semaphore, #tpu.memory_space<semaphore_mem>>
      %dma_start3A_744 = arith.constant 0 : i32
      %dma_start3A_745 = arith.constant 0 : i32
      %dma_start3A_746 = arith.constant 0 : i32
      %dma_start3A_747 = tpu.memref_slice %arg6[%arg0, %dma_start3A_744, %dma_start3A_745, %dma_start3A_746] : memref<2x16x20x512xi32, #tpu.memory_space<hbm>> -> memref<1x16x20x512xi32, #tpu.memory_space<hbm>>
      %dma_start3A_748 = tpu.memref_squeeze %dma_start3A_747 : memref<1x16x20x512xi32, #tpu.memory_space<hbm>> -> memref<16x20x512xi32, #tpu.memory_space<hbm>>
      %dma_start3A_749 = arith.constant 0 : i32
      %dma_start3A_750 = arith.constant 0 : i32
      %dma_start3A_751 = tpu.memref_slice %dma_start3A_748[%arg1, %dma_start3A_749, %dma_start3A_750] : memref<16x20x512xi32, #tpu.memory_space<hbm>> -> memref<1x20x512xi32, #tpu.memory_space<hbm>>
      %dma_start3A_752 = tpu.memref_squeeze %dma_start3A_751 : memref<1x20x512xi32, #tpu.memory_space<hbm>> -> memref<20x512xi32, #tpu.memory_space<hbm>>
      %dma_start3A_753 = arith.constant 0 : i32
      %dma_start3A_754 = arith.constant 0 : i32
      %dma_start3A_755 = arith.constant 0 : i32
      %dma_start3A_756 = tpu.memref_slice %arg6[%arg0, %dma_start3A_753, %dma_start3A_754, %dma_start3A_755] : memref<2x16x20x512xi32, #tpu.memory_space<hbm>> -> memref<1x16x20x512xi32, #tpu.memory_space<hbm>>
      %dma_start3A_757 = tpu.memref_squeeze %dma_start3A_756 : memref<1x16x20x512xi32, #tpu.memory_space<hbm>> -> memref<16x20x512xi32, #tpu.memory_space<hbm>>
      %dma_start3A_758 = arith.constant 0 : i32
      %dma_start3A_759 = arith.constant 0 : i32
      %dma_start3A_760 = tpu.memref_slice %dma_start3A_757[%arg1, %dma_start3A_758, %dma_start3A_759] : memref<16x20x512xi32, #tpu.memory_space<hbm>> -> memref<1x20x512xi32, #tpu.memory_space<hbm>>
      %dma_start3A_761 = tpu.memref_squeeze %dma_start3A_760 : memref<1x20x512xi32, #tpu.memory_space<hbm>> -> memref<20x512xi32, #tpu.memory_space<hbm>>
      tpu.enqueue_dma source(%dma_start3A_761 : memref<20x512xi32, #tpu.memory_space<hbm>>) target(%arg11 : memref<20x512xi32, #tpu.memory_space<vmem>>) target_semaphore(%run_scoped3A_743 : memref<!tpu.dma_semaphore, #tpu.memory_space<semaphore_mem>>)
      %dma_wait3A_762 = arith.constant 0 : i32
      %dma_wait3A_763 = arith.constant 0 : i32
      %dma_wait3A_764 = arith.constant 0 : i32
      %dma_wait3A_765 = tpu.memref_slice %arg6[%arg0, %dma_wait3A_762, %dma_wait3A_763, %dma_wait3A_764] : memref<2x16x20x512xi32, #tpu.memory_space<hbm>> -> memref<1x16x20x512xi32, #tpu.memory_space<hbm>>
      %dma_wait3A_766 = tpu.memref_squeeze %dma_wait3A_765 : memref<1x16x20x512xi32, #tpu.memory_space<hbm>> -> memref<16x20x512xi32, #tpu.memory_space<hbm>>
      %dma_wait3A_767 = arith.constant 0 : i32
      %dma_wait3A_768 = arith.constant 0 : i32
      %dma_wait3A_769 = tpu.memref_slice %dma_wait3A_766[%arg1, %dma_wait3A_767, %dma_wait3A_768] : memref<16x20x512xi32, #tpu.memory_space<hbm>> -> memref<1x20x512xi32, #tpu.memory_space<hbm>>
      %dma_wait3A_770 = tpu.memref_squeeze %dma_wait3A_769 : memref<1x20x512xi32, #tpu.memory_space<hbm>> -> memref<20x512xi32, #tpu.memory_space<hbm>>
      %dma_wait3A_771 = arith.constant 0 : i32
      %dma_wait3A_772 = arith.constant 0 : i32
      %dma_wait3A_773 = arith.constant 0 : i32
      %dma_wait3A_774 = tpu.memref_slice %arg6[%arg0, %dma_wait3A_771, %dma_wait3A_772, %dma_wait3A_773] : memref<2x16x20x512xi32, #tpu.memory_space<hbm>> -> memref<1x16x20x512xi32, #tpu.memory_space<hbm>>
      %dma_wait3A_775 = tpu.memref_squeeze %dma_wait3A_774 : memref<1x16x20x512xi32, #tpu.memory_space<hbm>> -> memref<16x20x512xi32, #tpu.memory_space<hbm>>
      %dma_wait3A_776 = arith.constant 0 : i32
      %dma_wait3A_777 = arith.constant 0 : i32
      %dma_wait3A_778 = tpu.memref_slice %dma_wait3A_775[%arg1, %dma_wait3A_776, %dma_wait3A_777] : memref<16x20x512xi32, #tpu.memory_space<hbm>> -> memref<1x20x512xi32, #tpu.memory_space<hbm>>
      %dma_wait3A_779 = tpu.memref_squeeze %dma_wait3A_778 : memref<1x20x512xi32, #tpu.memory_space<hbm>> -> memref<20x512xi32, #tpu.memory_space<hbm>>
      tpu.wait_dma2 semaphore(%run_scoped3A_743 : memref<!tpu.dma_semaphore, #tpu.memory_space<semaphore_mem>>) src(%dma_wait3A_779 : memref<20x512xi32, #tpu.memory_space<hbm>>) dst(%arg11 : memref<20x512xi32, #tpu.memory_space<vmem>>)
      tpu.yield
    }) : () -> ()
    %mul3A_1 = arith.constant 640 : i32
    %mul3A_2 = arith.muli %arg1, %mul3A_1 : i32
    %add3A = arith.constant 0 : i32
    %add3A_3 = arith.addi %mul3A_2, %add3A : i32
    %run_scoped3A = arith.constant 0 : i32
    "tpu.region"() ({
      %run_scoped3A_743 = tpu.sem_alloc : memref<!tpu.dma_semaphore, #tpu.memory_space<semaphore_mem>>
      %dma_start3A_744 = arith.constant 0 : i32
      %dma_start3A_745 = arith.constant 0 : i32
      %dma_start3A_746 = tpu.memref_slice %arg13[%dma_start3A_744, %dma_start3A_745] : memref<512x16xf32, #tpu.memory_space<vmem>> -> memref<320x16xf32, #tpu.memory_space<vmem>>
      %dma_start3A_747 = arith.constant 0 : i32
      %dma_start3A_748 = arith.constant 0 : i32
      %dma_start3A_749 = tpu.memref_slice %arg2[%run_scoped3A, %dma_start3A_747, %dma_start3A_748] : memref<2x10240x16xf32, #tpu.memory_space<hbm>> -> memref<1x10240x16xf32, #tpu.memory_space<hbm>>
      %dma_start3A_750 = tpu.memref_squeeze %dma_start3A_749 : memref<1x10240x16xf32, #tpu.memory_space<hbm>> -> memref<10240x16xf32, #tpu.memory_space<hbm>>
      %dma_start3A_751 = arith.constant 0 : i32
      %dma_start3A_752 = tpu.memref_slice %dma_start3A_750[%add3A_3, %dma_start3A_751] : memref<10240x16xf32, #tpu.memory_space<hbm>> -> memref<320x16xf32, #tpu.memory_space<hbm>>
      %dma_start3A_753 = arith.constant 0 : i32
      %dma_start3A_754 = arith.constant 0 : i32
      %dma_start3A_755 = tpu.memref_slice %arg13[%dma_start3A_753, %dma_start3A_754] : memref<512x16xf32, #tpu.memory_space<vmem>> -> memref<320x16xf32, #tpu.memory_space<vmem>>
      %dma_start3A_756 = arith.constant 0 : i32
      %dma_start3A_757 = arith.constant 0 : i32
      %dma_start3A_758 = tpu.memref_slice %arg2[%run_scoped3A, %dma_start3A_756, %dma_start3A_757] : memref<2x10240x16xf32, #tpu.memory_space<hbm>> -> memref<1x10240x16xf32, #tpu.memory_space<hbm>>
      %dma_start3A_759 = tpu.memref_squeeze %dma_start3A_758 : memref<1x10240x16xf32, #tpu.memory_space<hbm>> -> memref<10240x16xf32, #tpu.memory_space<hbm>>
      %dma_start3A_760 = arith.constant 0 : i32
      %dma_start3A_761 = tpu.memref_slice %dma_start3A_759[%add3A_3, %dma_start3A_760] : memref<10240x16xf32, #tpu.memory_space<hbm>> -> memref<320x16xf32, #tpu.memory_space<hbm>>
      tpu.enqueue_dma source(%dma_start3A_761 : memref<320x16xf32, #tpu.memory_space<hbm>>) target(%dma_start3A_755 : memref<320x16xf32, #tpu.memory_space<vmem>>) target_semaphore(%run_scoped3A_743 : memref<!tpu.dma_semaphore, #tpu.memory_space<semaphore_mem>>)
      %dma_wait3A_762 = arith.constant 0 : i32
      %dma_wait3A_763 = arith.constant 0 : i32
      %dma_wait3A_764 = tpu.memref_slice %arg13[%dma_wait3A_762, %dma_wait3A_763] : memref<512x16xf32, #tpu.memory_space<vmem>> -> memref<320x16xf32, #tpu.memory_space<vmem>>
      %dma_wait3A_765 = arith.constant 0 : i32
      %dma_wait3A_766 = arith.constant 0 : i32
      %dma_wait3A_767 = tpu.memref_slice %arg2[%run_scoped3A, %dma_wait3A_765, %dma_wait3A_766] : memref<2x10240x16xf32, #tpu.memory_space<hbm>> -> memref<1x10240x16xf32, #tpu.memory_space<hbm>>
      %dma_wait3A_768 = tpu.memref_squeeze %dma_wait3A_767 : memref<1x10240x16xf32, #tpu.memory_space<hbm>> -> memref<10240x16xf32, #tpu.memory_space<hbm>>
      %dma_wait3A_769 = arith.constant 0 : i32
      %dma_wait3A_770 = tpu.memref_slice %dma_wait3A_768[%add3A_3, %dma_wait3A_769] : memref<10240x16xf32, #tpu.memory_space<hbm>> -> memref<320x16xf32, #tpu.memory_space<hbm>>
      %dma_wait3A_771 = arith.constant 0 : i32
      %dma_wait3A_772 = arith.constant 0 : i32
      %dma_wait3A_773 = tpu.memref_slice %arg13[%dma_wait3A_771, %dma_wait3A_772] : memref<512x16xf32, #tpu.memory_space<vmem>> -> memref<320x16xf32, #tpu.memory_space<vmem>>
      %dma_wait3A_774 = arith.constant 0 : i32
      %dma_wait3A_775 = arith.constant 0 : i32
      %dma_wait3A_776 = tpu.memref_slice %arg2[%run_scoped3A, %dma_wait3A_774, %dma_wait3A_775] : memref<2x10240x16xf32, #tpu.memory_space<hbm>> -> memref<1x10240x16xf32, #tpu.memory_space<hbm>>
      %dma_wait3A_777 = tpu.memref_squeeze %dma_wait3A_776 : memref<1x10240x16xf32, #tpu.memory_space<hbm>> -> memref<10240x16xf32, #tpu.memory_space<hbm>>
      %dma_wait3A_778 = arith.constant 0 : i32
      %dma_wait3A_779 = tpu.memref_slice %dma_wait3A_777[%add3A_3, %dma_wait3A_778] : memref<10240x16xf32, #tpu.memory_space<hbm>> -> memref<320x16xf32, #tpu.memory_space<hbm>>
      tpu.wait_dma2 semaphore(%run_scoped3A_743 : memref<!tpu.dma_semaphore, #tpu.memory_space<semaphore_mem>>) src(%dma_wait3A_779 : memref<320x16xf32, #tpu.memory_space<hbm>>) dst(%dma_wait3A_773 : memref<320x16xf32, #tpu.memory_space<vmem>>)
      tpu.yield
    }) : () -> ()
    %run_scoped3A_4 = arith.constant 1 : i32
    "tpu.region"() ({
      %run_scoped3A_743 = tpu.sem_alloc : memref<!tpu.dma_semaphore, #tpu.memory_space<semaphore_mem>>
      %dma_start3A_744 = arith.constant 0 : i32
      %dma_start3A_745 = arith.constant 0 : i32
      %dma_start3A_746 = tpu.memref_slice %arg14[%dma_start3A_744, %dma_start3A_745] : memref<512x16xf32, #tpu.memory_space<vmem>> -> memref<320x16xf32, #tpu.memory_space<vmem>>
      %dma_start3A_747 = arith.constant 0 : i32
      %dma_start3A_748 = arith.constant 0 : i32
      %dma_start3A_749 = tpu.memref_slice %arg2[%run_scoped3A_4, %dma_start3A_747, %dma_start3A_748] : memref<2x10240x16xf32, #tpu.memory_space<hbm>> -> memref<1x10240x16xf32, #tpu.memory_space<hbm>>
      %dma_start3A_750 = tpu.memref_squeeze %dma_start3A_749 : memref<1x10240x16xf32, #tpu.memory_space<hbm>> -> memref<10240x16xf32, #tpu.memory_space<hbm>>
      %dma_start3A_751 = arith.constant 0 : i32
      %dma_start3A_752 = tpu.memref_slice %dma_start3A_750[%add3A_3, %dma_start3A_751] : memref<10240x16xf32, #tpu.memory_space<hbm>> -> memref<320x16xf32, #tpu.memory_space<hbm>>
      %dma_start3A_753 = arith.constant 0 : i32
      %dma_start3A_754 = arith.constant 0 : i32
      %dma_start3A_755 = tpu.memref_slice %arg14[%dma_start3A_753, %dma_start3A_754] : memref<512x16xf32, #tpu.memory_space<vmem>> -> memref<320x16xf32, #tpu.memory_space<vmem>>
      %dma_start3A_756 = arith.constant 0 : i32
      %dma_start3A_757 = arith.constant 0 : i32
      %dma_start3A_758 = tpu.memref_slice %arg2[%run_scoped3A_4, %dma_start3A_756, %dma_start3A_757] : memref<2x10240x16xf32, #tpu.memory_space<hbm>> -> memref<1x10240x16xf32, #tpu.memory_space<hbm>>
      %dma_start3A_759 = tpu.memref_squeeze %dma_start3A_758 : memref<1x10240x16xf32, #tpu.memory_space<hbm>> -> memref<10240x16xf32, #tpu.memory_space<hbm>>
      %dma_start3A_760 = arith.constant 0 : i32
      %dma_start3A_761 = tpu.memref_slice %dma_start3A_759[%add3A_3, %dma_start3A_760] : memref<10240x16xf32, #tpu.memory_space<hbm>> -> memref<320x16xf32, #tpu.memory_space<hbm>>
      tpu.enqueue_dma source(%dma_start3A_761 : memref<320x16xf32, #tpu.memory_space<hbm>>) target(%dma_start3A_755 : memref<320x16xf32, #tpu.memory_space<vmem>>) target_semaphore(%run_scoped3A_743 : memref<!tpu.dma_semaphore, #tpu.memory_space<semaphore_mem>>)
      %dma_wait3A_762 = arith.constant 0 : i32
      %dma_wait3A_763 = arith.constant 0 : i32
      %dma_wait3A_764 = tpu.memref_slice %arg14[%dma_wait3A_762, %dma_wait3A_763] : memref<512x16xf32, #tpu.memory_space<vmem>> -> memref<320x16xf32, #tpu.memory_space<vmem>>
      %dma_wait3A_765 = arith.constant 0 : i32
      %dma_wait3A_766 = arith.constant 0 : i32
      %dma_wait3A_767 = tpu.memref_slice %arg2[%run_scoped3A_4, %dma_wait3A_765, %dma_wait3A_766] : memref<2x10240x16xf32, #tpu.memory_space<hbm>> -> memref<1x10240x16xf32, #tpu.memory_space<hbm>>
      %dma_wait3A_768 = tpu.memref_squeeze %dma_wait3A_767 : memref<1x10240x16xf32, #tpu.memory_space<hbm>> -> memref<10240x16xf32, #tpu.memory_space<hbm>>
      %dma_wait3A_769 = arith.constant 0 : i32
      %dma_wait3A_770 = tpu.memref_slice %dma_wait3A_768[%add3A_3, %dma_wait3A_769] : memref<10240x16xf32, #tpu.memory_space<hbm>> -> memref<320x16xf32, #tpu.memory_space<hbm>>
      %dma_wait3A_771 = arith.constant 0 : i32
      %dma_wait3A_772 = arith.constant 0 : i32
      %dma_wait3A_773 = tpu.memref_slice %arg14[%dma_wait3A_771, %dma_wait3A_772] : memref<512x16xf32, #tpu.memory_space<vmem>> -> memref<320x16xf32, #tpu.memory_space<vmem>>
      %dma_wait3A_774 = arith.constant 0 : i32
      %dma_wait3A_775 = arith.constant 0 : i32
      %dma_wait3A_776 = tpu.memref_slice %arg2[%run_scoped3A_4, %dma_wait3A_774, %dma_wait3A_775] : memref<2x10240x16xf32, #tpu.memory_space<hbm>> -> memref<1x10240x16xf32, #tpu.memory_space<hbm>>
      %dma_wait3A_777 = tpu.memref_squeeze %dma_wait3A_776 : memref<1x10240x16xf32, #tpu.memory_space<hbm>> -> memref<10240x16xf32, #tpu.memory_space<hbm>>
      %dma_wait3A_778 = arith.constant 0 : i32
      %dma_wait3A_779 = tpu.memref_slice %dma_wait3A_777[%add3A_3, %dma_wait3A_778] : memref<10240x16xf32, #tpu.memory_space<hbm>> -> memref<320x16xf32, #tpu.memory_space<hbm>>
      tpu.wait_dma2 semaphore(%run_scoped3A_743 : memref<!tpu.dma_semaphore, #tpu.memory_space<semaphore_mem>>) src(%dma_wait3A_779 : memref<320x16xf32, #tpu.memory_space<hbm>>) dst(%dma_wait3A_773 : memref<320x16xf32, #tpu.memory_space<vmem>>)
      tpu.yield
    }) : () -> ()
    %run_scoped3A_5 = arith.constant 0 : i32
    "tpu.region"() ({
      %run_scoped3A_743 = tpu.sem_alloc : memref<!tpu.dma_semaphore, #tpu.memory_space<semaphore_mem>>
      %dma_start3A_744 = arith.constant 0 : i32
      %dma_start3A_745 = arith.constant 0 : i32
      %dma_start3A_746 = tpu.memref_slice %arg15[%dma_start3A_744, %dma_start3A_745] : memref<512x16xf32, #tpu.memory_space<vmem>> -> memref<320x16xf32, #tpu.memory_space<vmem>>
      %dma_start3A_747 = arith.constant 0 : i32
      %dma_start3A_748 = arith.constant 0 : i32
      %dma_start3A_749 = tpu.memref_slice %arg3[%run_scoped3A_5, %dma_start3A_747, %dma_start3A_748] : memref<2x10240x16xf32, #tpu.memory_space<hbm>> -> memref<1x10240x16xf32, #tpu.memory_space<hbm>>
      %dma_start3A_750 = tpu.memref_squeeze %dma_start3A_749 : memref<1x10240x16xf32, #tpu.memory_space<hbm>> -> memref<10240x16xf32, #tpu.memory_space<hbm>>
      %dma_start3A_751 = arith.constant 0 : i32
      %dma_start3A_752 = tpu.memref_slice %dma_start3A_750[%add3A_3, %dma_start3A_751] : memref<10240x16xf32, #tpu.memory_space<hbm>> -> memref<320x16xf32, #tpu.memory_space<hbm>>
      %dma_start3A_753 = arith.constant 0 : i32
      %dma_start3A_754 = arith.constant 0 : i32
      %dma_start3A_755 = tpu.memref_slice %arg15[%dma_start3A_753, %dma_start3A_754] : memref<512x16xf32, #tpu.memory_space<vmem>> -> memref<320x16xf32, #tpu.memory_space<vmem>>
      %dma_start3A_756 = arith.constant 0 : i32
      %dma_start3A_757 = arith.constant 0 : i32
      %dma_start3A_758 = tpu.memref_slice %arg3[%run_scoped3A_5, %dma_start3A_756, %dma_start3A_757] : memref<2x10240x16xf32, #tpu.memory_space<hbm>> -> memref<1x10240x16xf32, #tpu.memory_space<hbm>>
      %dma_start3A_759 = tpu.memref_squeeze %dma_start3A_758 : memref<1x10240x16xf32, #tpu.memory_space<hbm>> -> memref<10240x16xf32, #tpu.memory_space<hbm>>
      %dma_start3A_760 = arith.constant 0 : i32
      %dma_start3A_761 = tpu.memref_slice %dma_start3A_759[%add3A_3, %dma_start3A_760] : memref<10240x16xf32, #tpu.memory_space<hbm>> -> memref<320x16xf32, #tpu.memory_space<hbm>>
      tpu.enqueue_dma source(%dma_start3A_761 : memref<320x16xf32, #tpu.memory_space<hbm>>) target(%dma_start3A_755 : memref<320x16xf32, #tpu.memory_space<vmem>>) target_semaphore(%run_scoped3A_743 : memref<!tpu.dma_semaphore, #tpu.memory_space<semaphore_mem>>)
      %dma_wait3A_762 = arith.constant 0 : i32
      %dma_wait3A_763 = arith.constant 0 : i32
      %dma_wait3A_764 = tpu.memref_slice %arg15[%dma_wait3A_762, %dma_wait3A_763] : memref<512x16xf32, #tpu.memory_space<vmem>> -> memref<320x16xf32, #tpu.memory_space<vmem>>
      %dma_wait3A_765 = arith.constant 0 : i32
      %dma_wait3A_766 = arith.constant 0 : i32
      %dma_wait3A_767 = tpu.memref_slice %arg3[%run_scoped3A_5, %dma_wait3A_765, %dma_wait3A_766] : memref<2x10240x16xf32, #tpu.memory_space<hbm>> -> memref<1x10240x16xf32, #tpu.memory_space<hbm>>
      %dma_wait3A_768 = tpu.memref_squeeze %dma_wait3A_767 : memref<1x10240x16xf32, #tpu.memory_space<hbm>> -> memref<10240x16xf32, #tpu.memory_space<hbm>>
      %dma_wait3A_769 = arith.constant 0 : i32
      %dma_wait3A_770 = tpu.memref_slice %dma_wait3A_768[%add3A_3, %dma_wait3A_769] : memref<10240x16xf32, #tpu.memory_space<hbm>> -> memref<320x16xf32, #tpu.memory_space<hbm>>
      %dma_wait3A_771 = arith.constant 0 : i32
      %dma_wait3A_772 = arith.constant 0 : i32
      %dma_wait3A_773 = tpu.memref_slice %arg15[%dma_wait3A_771, %dma_wait3A_772] : memref<512x16xf32, #tpu.memory_space<vmem>> -> memref<320x16xf32, #tpu.memory_space<vmem>>
      %dma_wait3A_774 = arith.constant 0 : i32
      %dma_wait3A_775 = arith.constant 0 : i32
      %dma_wait3A_776 = tpu.memref_slice %arg3[%run_scoped3A_5, %dma_wait3A_774, %dma_wait3A_775] : memref<2x10240x16xf32, #tpu.memory_space<hbm>> -> memref<1x10240x16xf32, #tpu.memory_space<hbm>>
      %dma_wait3A_777 = tpu.memref_squeeze %dma_wait3A_776 : memref<1x10240x16xf32, #tpu.memory_space<hbm>> -> memref<10240x16xf32, #tpu.memory_space<hbm>>
      %dma_wait3A_778 = arith.constant 0 : i32
      %dma_wait3A_779 = tpu.memref_slice %dma_wait3A_777[%add3A_3, %dma_wait3A_778] : memref<10240x16xf32, #tpu.memory_space<hbm>> -> memref<320x16xf32, #tpu.memory_space<hbm>>
      tpu.wait_dma2 semaphore(%run_scoped3A_743 : memref<!tpu.dma_semaphore, #tpu.memory_space<semaphore_mem>>) src(%dma_wait3A_779 : memref<320x16xf32, #tpu.memory_space<hbm>>) dst(%dma_wait3A_773 : memref<320x16xf32, #tpu.memory_space<vmem>>)
      tpu.yield
    }) : () -> ()
    %run_scoped3A_6 = arith.constant 1 : i32
    "tpu.region"() ({
      %run_scoped3A_743 = tpu.sem_alloc : memref<!tpu.dma_semaphore, #tpu.memory_space<semaphore_mem>>
      %dma_start3A_744 = arith.constant 0 : i32
      %dma_start3A_745 = arith.constant 0 : i32
      %dma_start3A_746 = tpu.memref_slice %arg16[%dma_start3A_744, %dma_start3A_745] : memref<512x16xf32, #tpu.memory_space<vmem>> -> memref<320x16xf32, #tpu.memory_space<vmem>>
      %dma_start3A_747 = arith.constant 0 : i32
      %dma_start3A_748 = arith.constant 0 : i32
      %dma_start3A_749 = tpu.memref_slice %arg3[%run_scoped3A_6, %dma_start3A_747, %dma_start3A_748] : memref<2x10240x16xf32, #tpu.memory_space<hbm>> -> memref<1x10240x16xf32, #tpu.memory_space<hbm>>
      %dma_start3A_750 = tpu.memref_squeeze %dma_start3A_749 : memref<1x10240x16xf32, #tpu.memory_space<hbm>> -> memref<10240x16xf32, #tpu.memory_space<hbm>>
      %dma_start3A_751 = arith.constant 0 : i32
      %dma_start3A_752 = tpu.memref_slice %dma_start3A_750[%add3A_3, %dma_start3A_751] : memref<10240x16xf32, #tpu.memory_space<hbm>> -> memref<320x16xf32, #tpu.memory_space<hbm>>
      %dma_start3A_753 = arith.constant 0 : i32
      %dma_start3A_754 = arith.constant 0 : i32
      %dma_start3A_755 = tpu.memref_slice %arg16[%dma_start3A_753, %dma_start3A_754] : memref<512x16xf32, #tpu.memory_space<vmem>> -> memref<320x16xf32, #tpu.memory_space<vmem>>
      %dma_start3A_756 = arith.constant 0 : i32
      %dma_start3A_757 = arith.constant 0 : i32
      %dma_start3A_758 = tpu.memref_slice %arg3[%run_scoped3A_6, %dma_start3A_756, %dma_start3A_757] : memref<2x10240x16xf32, #tpu.memory_space<hbm>> -> memref<1x10240x16xf32, #tpu.memory_space<hbm>>
      %dma_start3A_759 = tpu.memref_squeeze %dma_start3A_758 : memref<1x10240x16xf32, #tpu.memory_space<hbm>> -> memref<10240x16xf32, #tpu.memory_space<hbm>>
      %dma_start3A_760 = arith.constant 0 : i32
      %dma_start3A_761 = tpu.memref_slice %dma_start3A_759[%add3A_3, %dma_start3A_760] : memref<10240x16xf32, #tpu.memory_space<hbm>> -> memref<320x16xf32, #tpu.memory_space<hbm>>
      tpu.enqueue_dma source(%dma_start3A_761 : memref<320x16xf32, #tpu.memory_space<hbm>>) target(%dma_start3A_755 : memref<320x16xf32, #tpu.memory_space<vmem>>) target_semaphore(%run_scoped3A_743 : memref<!tpu.dma_semaphore, #tpu.memory_space<semaphore_mem>>)
      %dma_wait3A_762 = arith.constant 0 : i32
      %dma_wait3A_763 = arith.constant 0 : i32
      %dma_wait3A_764 = tpu.memref_slice %arg16[%dma_wait3A_762, %dma_wait3A_763] : memref<512x16xf32, #tpu.memory_space<vmem>> -> memref<320x16xf32, #tpu.memory_space<vmem>>
      %dma_wait3A_765 = arith.constant 0 : i32
      %dma_wait3A_766 = arith.constant 0 : i32
      %dma_wait3A_767 = tpu.memref_slice %arg3[%run_scoped3A_6, %dma_wait3A_765, %dma_wait3A_766] : memref<2x10240x16xf32, #tpu.memory_space<hbm>> -> memref<1x10240x16xf32, #tpu.memory_space<hbm>>
      %dma_wait3A_768 = tpu.memref_squeeze %dma_wait3A_767 : memref<1x10240x16xf32, #tpu.memory_space<hbm>> -> memref<10240x16xf32, #tpu.memory_space<hbm>>
      %dma_wait3A_769 = arith.constant 0 : i32
      %dma_wait3A_770 = tpu.memref_slice %dma_wait3A_768[%add3A_3, %dma_wait3A_769] : memref<10240x16xf32, #tpu.memory_space<hbm>> -> memref<320x16xf32, #tpu.memory_space<hbm>>
      %dma_wait3A_771 = arith.constant 0 : i32
      %dma_wait3A_772 = arith.constant 0 : i32
      %dma_wait3A_773 = tpu.memref_slice %arg16[%dma_wait3A_771, %dma_wait3A_772] : memref<512x16xf32, #tpu.memory_space<vmem>> -> memref<320x16xf32, #tpu.memory_space<vmem>>
      %dma_wait3A_774 = arith.constant 0 : i32
      %dma_wait3A_775 = arith.constant 0 : i32
      %dma_wait3A_776 = tpu.memref_slice %arg3[%run_scoped3A_6, %dma_wait3A_774, %dma_wait3A_775] : memref<2x10240x16xf32, #tpu.memory_space<hbm>> -> memref<1x10240x16xf32, #tpu.memory_space<hbm>>
      %dma_wait3A_777 = tpu.memref_squeeze %dma_wait3A_776 : memref<1x10240x16xf32, #tpu.memory_space<hbm>> -> memref<10240x16xf32, #tpu.memory_space<hbm>>
      %dma_wait3A_778 = arith.constant 0 : i32
      %dma_wait3A_779 = tpu.memref_slice %dma_wait3A_777[%add3A_3, %dma_wait3A_778] : memref<10240x16xf32, #tpu.memory_space<hbm>> -> memref<320x16xf32, #tpu.memory_space<hbm>>
      tpu.wait_dma2 semaphore(%run_scoped3A_743 : memref<!tpu.dma_semaphore, #tpu.memory_space<semaphore_mem>>) src(%dma_wait3A_779 : memref<320x16xf32, #tpu.memory_space<hbm>>) dst(%dma_wait3A_773 : memref<320x16xf32, #tpu.memory_space<vmem>>)
      tpu.yield
    }) : () -> ()
    "tpu.region"() ({
      %run_scoped3A_743 = tpu.sem_alloc : memref<!tpu.dma_semaphore, #tpu.memory_space<semaphore_mem>>
      %dma_start3A_744 = arith.constant 0 : i32
      %dma_start3A_745 = arith.constant 0 : i32
      %dma_start3A_746 = tpu.memref_slice %arg17[%dma_start3A_744, %dma_start3A_745] : memref<512x16xf32, #tpu.memory_space<vmem>> -> memref<320x16xf32, #tpu.memory_space<vmem>>
      %dma_start3A_747 = arith.constant 0 : i32
      %dma_start3A_748 = tpu.memref_slice %arg4[%add3A_3, %dma_start3A_747] : memref<10240x16xf32, #tpu.memory_space<hbm>> -> memref<320x16xf32, #tpu.memory_space<hbm>>
      %dma_start3A_749 = arith.constant 0 : i32
      %dma_start3A_750 = arith.constant 0 : i32
      %dma_start3A_751 = tpu.memref_slice %arg17[%dma_start3A_749, %dma_start3A_750] : memref<512x16xf32, #tpu.memory_space<vmem>> -> memref<320x16xf32, #tpu.memory_space<vmem>>
      %dma_start3A_752 = arith.constant 0 : i32
      %dma_start3A_753 = tpu.memref_slice %arg4[%add3A_3, %dma_start3A_752] : memref<10240x16xf32, #tpu.memory_space<hbm>> -> memref<320x16xf32, #tpu.memory_space<hbm>>
      tpu.enqueue_dma source(%dma_start3A_753 : memref<320x16xf32, #tpu.memory_space<hbm>>) target(%dma_start3A_751 : memref<320x16xf32, #tpu.memory_space<vmem>>) target_semaphore(%run_scoped3A_743 : memref<!tpu.dma_semaphore, #tpu.memory_space<semaphore_mem>>)
      %dma_wait3A_754 = arith.constant 0 : i32
      %dma_wait3A_755 = arith.constant 0 : i32
      %dma_wait3A_756 = tpu.memref_slice %arg17[%dma_wait3A_754, %dma_wait3A_755] : memref<512x16xf32, #tpu.memory_space<vmem>> -> memref<320x16xf32, #tpu.memory_space<vmem>>
      %dma_wait3A_757 = arith.constant 0 : i32
      %dma_wait3A_758 = tpu.memref_slice %arg4[%add3A_3, %dma_wait3A_757] : memref<10240x16xf32, #tpu.memory_space<hbm>> -> memref<320x16xf32, #tpu.memory_space<hbm>>
      %dma_wait3A_759 = arith.constant 0 : i32
      %dma_wait3A_760 = arith.constant 0 : i32
      %dma_wait3A_761 = tpu.memref_slice %arg17[%dma_wait3A_759, %dma_wait3A_760] : memref<512x16xf32, #tpu.memory_space<vmem>> -> memref<320x16xf32, #tpu.memory_space<vmem>>
      %dma_wait3A_762 = arith.constant 0 : i32
      %dma_wait3A_763 = tpu.memref_slice %arg4[%add3A_3, %dma_wait3A_762] : memref<10240x16xf32, #tpu.memory_space<hbm>> -> memref<320x16xf32, #tpu.memory_space<hbm>>
      tpu.wait_dma2 semaphore(%run_scoped3A_743 : memref<!tpu.dma_semaphore, #tpu.memory_space<semaphore_mem>>) src(%dma_wait3A_763 : memref<320x16xf32, #tpu.memory_space<hbm>>) dst(%dma_wait3A_761 : memref<320x16xf32, #tpu.memory_space<vmem>>)
      tpu.yield
    }) : () -> ()
    %scan3A = arith.constant 0 : i32
    %scan3A_7 = arith.constant 320 : i32
    %scan3A_8 = arith.addi %scan3A, %scan3A_7 : i32
    %scan3A_9 = arith.constant 1 : i32
    scf.for %scan3A_743 = %scan3A to %scan3A_8 step %scan3A_9  : i32 {
      %mul3A_744 = arith.constant 1 : i32
      %mul3A_745 = arith.muli %scan3A_743, %mul3A_744 : i32
      %add3A_746 = arith.constant 0 : i32
      %add3A_747 = arith.addi %add3A_746, %mul3A_745 : i32
      %get3A = arith.index_cast %add3A_747 : i32 to index
      %get3A_748 = arith.constant 0 : index
      %get3A_749 = tpu.vector_load %arg13[%get3A, %get3A_748] {strides = array<i32>} : memref<512x16xf32, #tpu.memory_space<vmem>>, vector<1x16xf32>,
      %get3A_750 = vector.shape_cast %get3A_749 : vector<1x16xf32> to vector<1x16xf32>
      %get3A_751 = arith.index_cast %add3A_747 : i32 to index
      %get3A_752 = arith.constant 0 : index
      %get3A_753 = tpu.vector_load %arg14[%get3A_751, %get3A_752] {strides = array<i32>} : memref<512x16xf32, #tpu.memory_space<vmem>>, vector<1x16xf32>,
      %get3A_754 = vector.shape_cast %get3A_753 : vector<1x16xf32> to vector<1x16xf32>
      %add3A_755 = arith.addf %get3A_750, %get3A_754 : vector<1x16xf32>
      %get3A_756 = arith.index_cast %add3A_747 : i32 to index
      %get3A_757 = arith.constant 0 : index
      %get3A_758 = tpu.vector_load %arg15[%get3A_756, %get3A_757] {strides = array<i32>} : memref<512x16xf32, #tpu.memory_space<vmem>>, vector<1x16xf32>,
      %get3A_759 = vector.shape_cast %get3A_758 : vector<1x16xf32> to vector<1x16xf32>
      %get3A_760 = arith.index_cast %add3A_747 : i32 to index
      %get3A_761 = arith.constant 0 : index
      %get3A_762 = tpu.vector_load %arg16[%get3A_760, %get3A_761] {strides = array<i32>} : memref<512x16xf32, #tpu.memory_space<vmem>>, vector<1x16xf32>,
      %get3A_763 = vector.shape_cast %get3A_762 : vector<1x16xf32> to vector<1x16xf32>
      %add3A_764 = arith.addf %get3A_759, %get3A_763 : vector<1x16xf32>
      %max3A = arith.constant 1.000000e+00 : f32
      %max3A_765 = vector.broadcast %max3A : f32 to vector<1x16xf32>
      %max3A_766 = arith.maximumf %add3A_764, %max3A_765 : vector<1x16xf32>
      %div3A = arith.divf %add3A_755, %max3A_766 : vector<1x16xf32>
      %get3A_767 = arith.index_cast %add3A_747 : i32 to index
      %get3A_768 = arith.constant 0 : index
      %get3A_769 = tpu.vector_load %arg17[%get3A_767, %get3A_768] {strides = array<i32>} : memref<512x16xf32, #tpu.memory_space<vmem>>, vector<1x16xf32>,
      %get3A_770 = vector.shape_cast %get3A_769 : vector<1x16xf32> to vector<1x16xf32>
      %add3A_771 = arith.addf %div3A, %get3A_770 : vector<1x16xf32>
      %max3A_772 = arith.constant 0.000000e+00 : f32
      %max3A_773 = vector.broadcast %max3A_772 : f32 to vector<1x16xf32>
      %max3A_774 = arith.maximumf %add3A_771, %max3A_773 : vector<1x16xf32>
      %swap3A = arith.index_cast %add3A_747 : i32 to index
      %swap3A_775 = arith.constant 0 : index
      %swap3A_776 = tpu.vector_load %arg18[%swap3A, %swap3A_775] {strides = array<i32>} : memref<512x16xf32, #tpu.memory_space<vmem>>, vector<1x16xf32>,
      %swap3A_777 = vector.shape_cast %swap3A_776 : vector<1x16xf32> to vector<1x16xf32>
      %swap3A_778 = vector.shape_cast %max3A_774 : vector<1x16xf32> to vector<1x16xf32>
      tpu.vector_store %arg18[%swap3A, %swap3A_775], %swap3A_778 {strides = array<i32>} : memref<512x16xf32, #tpu.memory_space<vmem>>, vector<1x16xf32>,
    }
    %scan3A_10 = arith.constant 320 : i32
    "tpu.region"() ({
      %run_scoped3A_743 = tpu.sem_alloc : memref<!tpu.dma_semaphore, #tpu.memory_space<semaphore_mem>>
      %dma_start3A_744 = arith.constant 0 : i32
      %dma_start3A_745 = arith.constant 0 : i32
      %dma_start3A_746 = tpu.memref_slice %arg18[%dma_start3A_744, %dma_start3A_745] : memref<512x16xf32, #tpu.memory_space<vmem>> -> memref<320x16xf32, #tpu.memory_space<vmem>>
      %dma_start3A_747 = arith.constant 0 : i32
      %dma_start3A_748 = arith.constant 0 : i32
      %dma_start3A_749 = tpu.memref_slice %arg9[%arg0, %dma_start3A_747, %dma_start3A_748] : memref<2x10240x16xf32, #tpu.memory_space<hbm>> -> memref<1x10240x16xf32, #tpu.memory_space<hbm>>
      %dma_start3A_750 = tpu.memref_squeeze %dma_start3A_749 : memref<1x10240x16xf32, #tpu.memory_space<hbm>> -> memref<10240x16xf32, #tpu.memory_space<hbm>>
      %dma_start3A_751 = arith.constant 0 : i32
      %dma_start3A_752 = tpu.memref_slice %dma_start3A_750[%add3A_3, %dma_start3A_751] : memref<10240x16xf32, #tpu.memory_space<hbm>> -> memref<320x16xf32, #tpu.memory_space<hbm>>
      %dma_start3A_753 = arith.constant 0 : i32
      %dma_start3A_754 = arith.constant 0 : i32
      %dma_start3A_755 = tpu.memref_slice %arg9[%arg0, %dma_start3A_753, %dma_start3A_754] : memref<2x10240x16xf32, #tpu.memory_space<hbm>> -> memref<1x10240x16xf32, #tpu.memory_space<hbm>>
      %dma_start3A_756 = tpu.memref_squeeze %dma_start3A_755 : memref<1x10240x16xf32, #tpu.memory_space<hbm>> -> memref<10240x16xf32, #tpu.memory_space<hbm>>
      %dma_start3A_757 = arith.constant 0 : i32
      %dma_start3A_758 = tpu.memref_slice %dma_start3A_756[%add3A_3, %dma_start3A_757] : memref<10240x16xf32, #tpu.memory_space<hbm>> -> memref<320x16xf32, #tpu.memory_space<hbm>>
      %dma_start3A_759 = arith.constant 0 : i32
      %dma_start3A_760 = arith.constant 0 : i32
      %dma_start3A_761 = tpu.memref_slice %arg18[%dma_start3A_759, %dma_start3A_760] : memref<512x16xf32, #tpu.memory_space<vmem>> -> memref<320x16xf32, #tpu.memory_space<vmem>>
      tpu.enqueue_dma source(%dma_start3A_761 : memref<320x16xf32, #tpu.memory_space<vmem>>) target(%dma_start3A_758 : memref<320x16xf32, #tpu.memory_space<hbm>>) target_semaphore(%run_scoped3A_743 : memref<!tpu.dma_semaphore, #tpu.memory_space<semaphore_mem>>)
      %dma_wait3A_762 = arith.constant 0 : i32
      %dma_wait3A_763 = arith.constant 0 : i32
      %dma_wait3A_764 = tpu.memref_slice %arg18[%dma_wait3A_762, %dma_wait3A_763] : memref<512x16xf32, #tpu.memory_space<vmem>> -> memref<320x16xf32, #tpu.memory_space<vmem>>
      %dma_wait3A_765 = arith.constant 0 : i32
      %dma_wait3A_766 = arith.constant 0 : i32
      %dma_wait3A_767 = tpu.memref_slice %arg9[%arg0, %dma_wait3A_765, %dma_wait3A_766] : memref<2x10240x16xf32, #tpu.memory_space<hbm>> -> memref<1x10240x16xf32, #tpu.memory_space<hbm>>
      %dma_wait3A_768 = tpu.memref_squeeze %dma_wait3A_767 : memref<1x10240x16xf32, #tpu.memory_space<hbm>> -> memref<10240x16xf32, #tpu.memory_space<hbm>>
      %dma_wait3A_769 = arith.constant 0 : i32
      %dma_wait3A_770 = tpu.memref_slice %dma_wait3A_768[%add3A_3, %dma_wait3A_769] : memref<10240x16xf32, #tpu.memory_space<hbm>> -> memref<320x16xf32, #tpu.memory_space<hbm>>
      %dma_wait3A_771 = arith.constant 0 : i32
      %dma_wait3A_772 = arith.constant 0 : i32
      %dma_wait3A_773 = tpu.memref_slice %arg9[%arg0, %dma_wait3A_771, %dma_wait3A_772] : memref<2x10240x16xf32, #tpu.memory_space<hbm>> -> memref<1x10240x16xf32, #tpu.memory_space<hbm>>
      %dma_wait3A_774 = tpu.memref_squeeze %dma_wait3A_773 : memref<1x10240x16xf32, #tpu.memory_space<hbm>> -> memref<10240x16xf32, #tpu.memory_space<hbm>>
      %dma_wait3A_775 = arith.constant 0 : i32
      %dma_wait3A_776 = tpu.memref_slice %dma_wait3A_774[%add3A_3, %dma_wait3A_775] : memref<10240x16xf32, #tpu.memory_space<hbm>> -> memref<320x16xf32, #tpu.memory_space<hbm>>
      %dma_wait3A_777 = arith.constant 0 : i32
      %dma_wait3A_778 = arith.constant 0 : i32
      %dma_wait3A_779 = tpu.memref_slice %arg18[%dma_wait3A_777, %dma_wait3A_778] : memref<512x16xf32, #tpu.memory_space<vmem>> -> memref<320x16xf32, #tpu.memory_space<vmem>>
      tpu.wait_dma2 semaphore(%run_scoped3A_743 : memref<!tpu.dma_semaphore, #tpu.memory_space<semaphore_mem>>) src(%dma_wait3A_779 : memref<320x16xf32, #tpu.memory_space<vmem>>) dst(%dma_wait3A_776 : memref<320x16xf32, #tpu.memory_space<hbm>>)
      tpu.yield
    }) : () -> ()
    %mul3A_11 = arith.constant 640 : i32
    %mul3A_12 = arith.muli %arg1, %mul3A_11 : i32
    %add3A_13 = arith.constant 320 : i32
    %add3A_14 = arith.addi %mul3A_12, %add3A_13 : i32
    %run_scoped3A_15 = arith.constant 0 : i32
    "tpu.region"() ({
      %run_scoped3A_743 = tpu.sem_alloc : memref<!tpu.dma_semaphore, #tpu.memory_space<semaphore_mem>>
      %dma_start3A_744 = arith.constant 0 : i32
      %dma_start3A_745 = arith.constant 0 : i32
      %dma_start3A_746 = tpu.memref_slice %arg13[%dma_start3A_744, %dma_start3A_745] : memref<512x16xf32, #tpu.memory_space<vmem>> -> memref<320x16xf32, #tpu.memory_space<vmem>>
      %dma_start3A_747 = arith.constant 0 : i32
      %dma_start3A_748 = arith.constant 0 : i32
      %dma_start3A_749 = tpu.memref_slice %arg2[%run_scoped3A_15, %dma_start3A_747, %dma_start3A_748] : memref<2x10240x16xf32, #tpu.memory_space<hbm>> -> memref<1x10240x16xf32, #tpu.memory_space<hbm>>
      %dma_start3A_750 = tpu.memref_squeeze %dma_start3A_749 : memref<1x10240x16xf32, #tpu.memory_space<hbm>> -> memref<10240x16xf32, #tpu.memory_space<hbm>>
      %dma_start3A_751 = arith.constant 0 : i32
      %dma_start3A_752 = tpu.memref_slice %dma_start3A_750[%add3A_14, %dma_start3A_751] : memref<10240x16xf32, #tpu.memory_space<hbm>> -> memref<320x16xf32, #tpu.memory_space<hbm>>
      %dma_start3A_753 = arith.constant 0 : i32
      %dma_start3A_754 = arith.constant 0 : i32
      %dma_start3A_755 = tpu.memref_slice %arg13[%dma_start3A_753, %dma_start3A_754] : memref<512x16xf32, #tpu.memory_space<vmem>> -> memref<320x16xf32, #tpu.memory_space<vmem>>
      %dma_start3A_756 = arith.constant 0 : i32
      %dma_start3A_757 = arith.constant 0 : i32
      %dma_start3A_758 = tpu.memref_slice %arg2[%run_scoped3A_15, %dma_start3A_756, %dma_start3A_757] : memref<2x10240x16xf32, #tpu.memory_space<hbm>> -> memref<1x10240x16xf32, #tpu.memory_space<hbm>>
      %dma_start3A_759 = tpu.memref_squeeze %dma_start3A_758 : memref<1x10240x16xf32, #tpu.memory_space<hbm>> -> memref<10240x16xf32, #tpu.memory_space<hbm>>
      %dma_start3A_760 = arith.constant 0 : i32
      %dma_start3A_761 = tpu.memref_slice %dma_start3A_759[%add3A_14, %dma_start3A_760] : memref<10240x16xf32, #tpu.memory_space<hbm>> -> memref<320x16xf32, #tpu.memory_space<hbm>>
      tpu.enqueue_dma source(%dma_start3A_761 : memref<320x16xf32, #tpu.memory_space<hbm>>) target(%dma_start3A_755 : memref<320x16xf32, #tpu.memory_space<vmem>>) target_semaphore(%run_scoped3A_743 : memref<!tpu.dma_semaphore, #tpu.memory_space<semaphore_mem>>)
      %dma_wait3A_762 = arith.constant 0 : i32
      %dma_wait3A_763 = arith.constant 0 : i32
      %dma_wait3A_764 = tpu.memref_slice %arg13[%dma_wait3A_762, %dma_wait3A_763] : memref<512x16xf32, #tpu.memory_space<vmem>> -> memref<320x16xf32, #tpu.memory_space<vmem>>
      %dma_wait3A_765 = arith.constant 0 : i32
      %dma_wait3A_766 = arith.constant 0 : i32
      %dma_wait3A_767 = tpu.memref_slice %arg2[%run_scoped3A_15, %dma_wait3A_765, %dma_wait3A_766] : memref<2x10240x16xf32, #tpu.memory_space<hbm>> -> memref<1x10240x16xf32, #tpu.memory_space<hbm>>
      %dma_wait3A_768 = tpu.memref_squeeze %dma_wait3A_767 : memref<1x10240x16xf32, #tpu.memory_space<hbm>> -> memref<10240x16xf32, #tpu.memory_space<hbm>>
      %dma_wait3A_769 = arith.constant 0 : i32
      %dma_wait3A_770 = tpu.memref_slice %dma_wait3A_768[%add3A_14, %dma_wait3A_769] : memref<10240x16xf32, #tpu.memory_space<hbm>> -> memref<320x16xf32, #tpu.memory_space<hbm>>
      %dma_wait3A_771 = arith.constant 0 : i32
      %dma_wait3A_772 = arith.constant 0 : i32
      %dma_wait3A_773 = tpu.memref_slice %arg13[%dma_wait3A_771, %dma_wait3A_772] : memref<512x16xf32, #tpu.memory_space<vmem>> -> memref<320x16xf32, #tpu.memory_space<vmem>>
      %dma_wait3A_774 = arith.constant 0 : i32
      %dma_wait3A_775 = arith.constant 0 : i32
      %dma_wait3A_776 = tpu.memref_slice %arg2[%run_scoped3A_15, %dma_wait3A_774, %dma_wait3A_775] : memref<2x10240x16xf32, #tpu.memory_space<hbm>> -> memref<1x10240x16xf32, #tpu.memory_space<hbm>>
      %dma_wait3A_777 = tpu.memref_squeeze %dma_wait3A_776 : memref<1x10240x16xf32, #tpu.memory_space<hbm>> -> memref<10240x16xf32, #tpu.memory_space<hbm>>
      %dma_wait3A_778 = arith.constant 0 : i32
      %dma_wait3A_779 = tpu.memref_slice %dma_wait3A_777[%add3A_14, %dma_wait3A_778] : memref<10240x16xf32, #tpu.memory_space<hbm>> -> memref<320x16xf32, #tpu.memory_space<hbm>>
      tpu.wait_dma2 semaphore(%run_scoped3A_743 : memref<!tpu.dma_semaphore, #tpu.memory_space<semaphore_mem>>) src(%dma_wait3A_779 : memref<320x16xf32, #tpu.memory_space<hbm>>) dst(%dma_wait3A_773 : memref<320x16xf32, #tpu.memory_space<vmem>>)
      tpu.yield
    }) : () -> ()
    %run_scoped3A_16 = arith.constant 1 : i32
    "tpu.region"() ({
      %run_scoped3A_743 = tpu.sem_alloc : memref<!tpu.dma_semaphore, #tpu.memory_space<semaphore_mem>>
      %dma_start3A_744 = arith.constant 0 : i32
      %dma_start3A_745 = arith.constant 0 : i32
      %dma_start3A_746 = tpu.memref_slice %arg14[%dma_start3A_744, %dma_start3A_745] : memref<512x16xf32, #tpu.memory_space<vmem>> -> memref<320x16xf32, #tpu.memory_space<vmem>>
      %dma_start3A_747 = arith.constant 0 : i32
      %dma_start3A_748 = arith.constant 0 : i32
      %dma_start3A_749 = tpu.memref_slice %arg2[%run_scoped3A_16, %dma_start3A_747, %dma_start3A_748] : memref<2x10240x16xf32, #tpu.memory_space<hbm>> -> memref<1x10240x16xf32, #tpu.memory_space<hbm>>
      %dma_start3A_750 = tpu.memref_squeeze %dma_start3A_749 : memref<1x10240x16xf32, #tpu.memory_space<hbm>> -> memref<10240x16xf32, #tpu.memory_space<hbm>>
      %dma_start3A_751 = arith.constant 0 : i32
      %dma_start3A_752 = tpu.memref_slice %dma_start3A_750[%add3A_14, %dma_start3A_751] : memref<10240x16xf32, #tpu.memory_space<hbm>> -> memref<320x16xf32, #tpu.memory_space<hbm>>
      %dma_start3A_753 = arith.constant 0 : i32
      %dma_start3A_754 = arith.constant 0 : i32
      %dma_start3A_755 = tpu.memref_slice %arg14[%dma_start3A_753, %dma_start3A_754] : memref<512x16xf32, #tpu.memory_space<vmem>> -> memref<320x16xf32, #tpu.memory_space<vmem>>
      %dma_start3A_756 = arith.constant 0 : i32
      %dma_start3A_757 = arith.constant 0 : i32
      %dma_start3A_758 = tpu.memref_slice %arg2[%run_scoped3A_16, %dma_start3A_756, %dma_start3A_757] : memref<2x10240x16xf32, #tpu.memory_space<hbm>> -> memref<1x10240x16xf32, #tpu.memory_space<hbm>>
      %dma_start3A_759 = tpu.memref_squeeze %dma_start3A_758 : memref<1x10240x16xf32, #tpu.memory_space<hbm>> -> memref<10240x16xf32, #tpu.memory_space<hbm>>
      %dma_start3A_760 = arith.constant 0 : i32
      %dma_start3A_761 = tpu.memref_slice %dma_start3A_759[%add3A_14, %dma_start3A_760] : memref<10240x16xf32, #tpu.memory_space<hbm>> -> memref<320x16xf32, #tpu.memory_space<hbm>>
      tpu.enqueue_dma source(%dma_start3A_761 : memref<320x16xf32, #tpu.memory_space<hbm>>) target(%dma_start3A_755 : memref<320x16xf32, #tpu.memory_space<vmem>>) target_semaphore(%run_scoped3A_743 : memref<!tpu.dma_semaphore, #tpu.memory_space<semaphore_mem>>)
      %dma_wait3A_762 = arith.constant 0 : i32
      %dma_wait3A_763 = arith.constant 0 : i32
      %dma_wait3A_764 = tpu.memref_slice %arg14[%dma_wait3A_762, %dma_wait3A_763] : memref<512x16xf32, #tpu.memory_space<vmem>> -> memref<320x16xf32, #tpu.memory_space<vmem>>
      %dma_wait3A_765 = arith.constant 0 : i32
      %dma_wait3A_766 = arith.constant 0 : i32
      %dma_wait3A_767 = tpu.memref_slice %arg2[%run_scoped3A_16, %dma_wait3A_765, %dma_wait3A_766] : memref<2x10240x16xf32, #tpu.memory_space<hbm>> -> memref<1x10240x16xf32, #tpu.memory_space<hbm>>
      %dma_wait3A_768 = tpu.memref_squeeze %dma_wait3A_767 : memref<1x10240x16xf32, #tpu.memory_space<hbm>> -> memref<10240x16xf32, #tpu.memory_space<hbm>>
      %dma_wait3A_769 = arith.constant 0 : i32
      %dma_wait3A_770 = tpu.memref_slice %dma_wait3A_768[%add3A_14, %dma_wait3A_769] : memref<10240x16xf32, #tpu.memory_space<hbm>> -> memref<320x16xf32, #tpu.memory_space<hbm>>
      %dma_wait3A_771 = arith.constant 0 : i32
      %dma_wait3A_772 = arith.constant 0 : i32
      %dma_wait3A_773 = tpu.memref_slice %arg14[%dma_wait3A_771, %dma_wait3A_772] : memref<512x16xf32, #tpu.memory_space<vmem>> -> memref<320x16xf32, #tpu.memory_space<vmem>>
      %dma_wait3A_774 = arith.constant 0 : i32
      %dma_wait3A_775 = arith.constant 0 : i32
      %dma_wait3A_776 = tpu.memref_slice %arg2[%run_scoped3A_16, %dma_wait3A_774, %dma_wait3A_775] : memref<2x10240x16xf32, #tpu.memory_space<hbm>> -> memref<1x10240x16xf32, #tpu.memory_space<hbm>>
      %dma_wait3A_777 = tpu.memref_squeeze %dma_wait3A_776 : memref<1x10240x16xf32, #tpu.memory_space<hbm>> -> memref<10240x16xf32, #tpu.memory_space<hbm>>
      %dma_wait3A_778 = arith.constant 0 : i32
      %dma_wait3A_779 = tpu.memref_slice %dma_wait3A_777[%add3A_14, %dma_wait3A_778] : memref<10240x16xf32, #tpu.memory_space<hbm>> -> memref<320x16xf32, #tpu.memory_space<hbm>>
      tpu.wait_dma2 semaphore(%run_scoped3A_743 : memref<!tpu.dma_semaphore, #tpu.memory_space<semaphore_mem>>) src(%dma_wait3A_779 : memref<320x16xf32, #tpu.memory_space<hbm>>) dst(%dma_wait3A_773 : memref<320x16xf32, #tpu.memory_space<vmem>>)
      tpu.yield
    }) : () -> ()
    %run_scoped3A_17 = arith.constant 0 : i32
    "tpu.region"() ({
      %run_scoped3A_743 = tpu.sem_alloc : memref<!tpu.dma_semaphore, #tpu.memory_space<semaphore_mem>>
      %dma_start3A_744 = arith.constant 0 : i32
      %dma_start3A_745 = arith.constant 0 : i32
      %dma_start3A_746 = tpu.memref_slice %arg15[%dma_start3A_744, %dma_start3A_745] : memref<512x16xf32, #tpu.memory_space<vmem>> -> memref<320x16xf32, #tpu.memory_space<vmem>>
      %dma_start3A_747 = arith.constant 0 : i32
      %dma_start3A_748 = arith.constant 0 : i32
      %dma_start3A_749 = tpu.memref_slice %arg3[%run_scoped3A_17, %dma_start3A_747, %dma_start3A_748] : memref<2x10240x16xf32, #tpu.memory_space<hbm>> -> memref<1x10240x16xf32, #tpu.memory_space<hbm>>
      %dma_start3A_750 = tpu.memref_squeeze %dma_start3A_749 : memref<1x10240x16xf32, #tpu.memory_space<hbm>> -> memref<10240x16xf32, #tpu.memory_space<hbm>>
      %dma_start3A_751 = arith.constant 0 : i32
      %dma_start3A_752 = tpu.memref_slice %dma_start3A_750[%add3A_14, %dma_start3A_751] : memref<10240x16xf32, #tpu.memory_space<hbm>> -> memref<320x16xf32, #tpu.memory_space<hbm>>
      %dma_start3A_753 = arith.constant 0 : i32
      %dma_start3A_754 = arith.constant 0 : i32
      %dma_start3A_755 = tpu.memref_slice %arg15[%dma_start3A_753, %dma_start3A_754] : memref<512x16xf32, #tpu.memory_space<vmem>> -> memref<320x16xf32, #tpu.memory_space<vmem>>
      %dma_start3A_756 = arith.constant 0 : i32
      %dma_start3A_757 = arith.constant 0 : i32
      %dma_start3A_758 = tpu.memref_slice %arg3[%run_scoped3A_17, %dma_start3A_756, %dma_start3A_757] : memref<2x10240x16xf32, #tpu.memory_space<hbm>> -> memref<1x10240x16xf32, #tpu.memory_space<hbm>>
      %dma_start3A_759 = tpu.memref_squeeze %dma_start3A_758 : memref<1x10240x16xf32, #tpu.memory_space<hbm>> -> memref<10240x16xf32, #tpu.memory_space<hbm>>
      %dma_start3A_760 = arith.constant 0 : i32
      %dma_start3A_761 = tpu.memref_slice %dma_start3A_759[%add3A_14, %dma_start3A_760] : memref<10240x16xf32, #tpu.memory_space<hbm>> -> memref<320x16xf32, #tpu.memory_space<hbm>>
      tpu.enqueue_dma source(%dma_start3A_761 : memref<320x16xf32, #tpu.memory_space<hbm>>) target(%dma_start3A_755 : memref<320x16xf32, #tpu.memory_space<vmem>>) target_semaphore(%run_scoped3A_743 : memref<!tpu.dma_semaphore, #tpu.memory_space<semaphore_mem>>)
      %dma_wait3A_762 = arith.constant 0 : i32
      %dma_wait3A_763 = arith.constant 0 : i32
      %dma_wait3A_764 = tpu.memref_slice %arg15[%dma_wait3A_762, %dma_wait3A_763] : memref<512x16xf32, #tpu.memory_space<vmem>> -> memref<320x16xf32, #tpu.memory_space<vmem>>
      %dma_wait3A_765 = arith.constant 0 : i32
      %dma_wait3A_766 = arith.constant 0 : i32
      %dma_wait3A_767 = tpu.memref_slice %arg3[%run_scoped3A_17, %dma_wait3A_765, %dma_wait3A_766] : memref<2x10240x16xf32, #tpu.memory_space<hbm>> -> memref<1x10240x16xf32, #tpu.memory_space<hbm>>
      %dma_wait3A_768 = tpu.memref_squeeze %dma_wait3A_767 : memref<1x10240x16xf32, #tpu.memory_space<hbm>> -> memref<10240x16xf32, #tpu.memory_space<hbm>>
      %dma_wait3A_769 = arith.constant 0 : i32
      %dma_wait3A_770 = tpu.memref_slice %dma_wait3A_768[%add3A_14, %dma_wait3A_769] : memref<10240x16xf32, #tpu.memory_space<hbm>> -> memref<320x16xf32, #tpu.memory_space<hbm>>
      %dma_wait3A_771 = arith.constant 0 : i32
      %dma_wait3A_772 = arith.constant 0 : i32
      %dma_wait3A_773 = tpu.memref_slice %arg15[%dma_wait3A_771, %dma_wait3A_772] : memref<512x16xf32, #tpu.memory_space<vmem>> -> memref<320x16xf32, #tpu.memory_space<vmem>>
      %dma_wait3A_774 = arith.constant 0 : i32
      %dma_wait3A_775 = arith.constant 0 : i32
      %dma_wait3A_776 = tpu.memref_slice %arg3[%run_scoped3A_17, %dma_wait3A_774, %dma_wait3A_775] : memref<2x10240x16xf32, #tpu.memory_space<hbm>> -> memref<1x10240x16xf32, #tpu.memory_space<hbm>>
      %dma_wait3A_777 = tpu.memref_squeeze %dma_wait3A_776 : memref<1x10240x16xf32, #tpu.memory_space<hbm>> -> memref<10240x16xf32, #tpu.memory_space<hbm>>
      %dma_wait3A_778 = arith.constant 0 : i32
      %dma_wait3A_779 = tpu.memref_slice %dma_wait3A_777[%add3A_14, %dma_wait3A_778] : memref<10240x16xf32, #tpu.memory_space<hbm>> -> memref<320x16xf32, #tpu.memory_space<hbm>>
      tpu.wait_dma2 semaphore(%run_scoped3A_743 : memref<!tpu.dma_semaphore, #tpu.memory_space<semaphore_mem>>) src(%dma_wait3A_779 : memref<320x16xf32, #tpu.memory_space<hbm>>) dst(%dma_wait3A_773 : memref<320x16xf32, #tpu.memory_space<vmem>>)
      tpu.yield
    }) : () -> ()
    %run_scoped3A_18 = arith.constant 1 : i32
    "tpu.region"() ({
      %run_scoped3A_743 = tpu.sem_alloc : memref<!tpu.dma_semaphore, #tpu.memory_space<semaphore_mem>>
      %dma_start3A_744 = arith.constant 0 : i32
      %dma_start3A_745 = arith.constant 0 : i32
      %dma_start3A_746 = tpu.memref_slice %arg16[%dma_start3A_744, %dma_start3A_745] : memref<512x16xf32, #tpu.memory_space<vmem>> -> memref<320x16xf32, #tpu.memory_space<vmem>>
      %dma_start3A_747 = arith.constant 0 : i32
      %dma_start3A_748 = arith.constant 0 : i32
      %dma_start3A_749 = tpu.memref_slice %arg3[%run_scoped3A_18, %dma_start3A_747, %dma_start3A_748] : memref<2x10240x16xf32, #tpu.memory_space<hbm>> -> memref<1x10240x16xf32, #tpu.memory_space<hbm>>
      %dma_start3A_750 = tpu.memref_squeeze %dma_start3A_749 : memref<1x10240x16xf32, #tpu.memory_space<hbm>> -> memref<10240x16xf32, #tpu.memory_space<hbm>>
      %dma_start3A_751 = arith.constant 0 : i32
      %dma_start3A_752 = tpu.memref_slice %dma_start3A_750[%add3A_14, %dma_start3A_751] : memref<10240x16xf32, #tpu.memory_space<hbm>> -> memref<320x16xf32, #tpu.memory_space<hbm>>
      %dma_start3A_753 = arith.constant 0 : i32
      %dma_start3A_754 = arith.constant 0 : i32
      %dma_start3A_755 = tpu.memref_slice %arg16[%dma_start3A_753, %dma_start3A_754] : memref<512x16xf32, #tpu.memory_space<vmem>> -> memref<320x16xf32, #tpu.memory_space<vmem>>
      %dma_start3A_756 = arith.constant 0 : i32
      %dma_start3A_757 = arith.constant 0 : i32
      %dma_start3A_758 = tpu.memref_slice %arg3[%run_scoped3A_18, %dma_start3A_756, %dma_start3A_757] : memref<2x10240x16xf32, #tpu.memory_space<hbm>> -> memref<1x10240x16xf32, #tpu.memory_space<hbm>>
      %dma_start3A_759 = tpu.memref_squeeze %dma_start3A_758 : memref<1x10240x16xf32, #tpu.memory_space<hbm>> -> memref<10240x16xf32, #tpu.memory_space<hbm>>
      %dma_start3A_760 = arith.constant 0 : i32
      %dma_start3A_761 = tpu.memref_slice %dma_start3A_759[%add3A_14, %dma_start3A_760] : memref<10240x16xf32, #tpu.memory_space<hbm>> -> memref<320x16xf32, #tpu.memory_space<hbm>>
      tpu.enqueue_dma source(%dma_start3A_761 : memref<320x16xf32, #tpu.memory_space<hbm>>) target(%dma_start3A_755 : memref<320x16xf32, #tpu.memory_space<vmem>>) target_semaphore(%run_scoped3A_743 : memref<!tpu.dma_semaphore, #tpu.memory_space<semaphore_mem>>)
      %dma_wait3A_762 = arith.constant 0 : i32
      %dma_wait3A_763 = arith.constant 0 : i32
      %dma_wait3A_764 = tpu.memref_slice %arg16[%dma_wait3A_762, %dma_wait3A_763] : memref<512x16xf32, #tpu.memory_space<vmem>> -> memref<320x16xf32, #tpu.memory_space<vmem>>
      %dma_wait3A_765 = arith.constant 0 : i32
      %dma_wait3A_766 = arith.constant 0 : i32
      %dma_wait3A_767 = tpu.memref_slice %arg3[%run_scoped3A_18, %dma_wait3A_765, %dma_wait3A_766] : memref<2x10240x16xf32, #tpu.memory_space<hbm>> -> memref<1x10240x16xf32, #tpu.memory_space<hbm>>
      %dma_wait3A_768 = tpu.memref_squeeze %dma_wait3A_767 : memref<1x10240x16xf32, #tpu.memory_space<hbm>> -> memref<10240x16xf32, #tpu.memory_space<hbm>>
      %dma_wait3A_769 = arith.constant 0 : i32
      %dma_wait3A_770 = tpu.memref_slice %dma_wait3A_768[%add3A_14, %dma_wait3A_769] : memref<10240x16xf32, #tpu.memory_space<hbm>> -> memref<320x16xf32, #tpu.memory_space<hbm>>
      %dma_wait3A_771 = arith.constant 0 : i32
      %dma_wait3A_772 = arith.constant 0 : i32
      %dma_wait3A_773 = tpu.memref_slice %arg16[%dma_wait3A_771, %dma_wait3A_772] : memref<512x16xf32, #tpu.memory_space<vmem>> -> memref<320x16xf32, #tpu.memory_space<vmem>>
      %dma_wait3A_774 = arith.constant 0 : i32
      %dma_wait3A_775 = arith.constant 0 : i32
      %dma_wait3A_776 = tpu.memref_slice %arg3[%run_scoped3A_18, %dma_wait3A_774, %dma_wait3A_775] : memref<2x10240x16xf32, #tpu.memory_space<hbm>> -> memref<1x10240x16xf32, #tpu.memory_space<hbm>>
      %dma_wait3A_777 = tpu.memref_squeeze %dma_wait3A_776 : memref<1x10240x16xf32, #tpu.memory_space<hbm>> -> memref<10240x16xf32, #tpu.memory_space<hbm>>
      %dma_wait3A_778 = arith.constant 0 : i32
      %dma_wait3A_779 = tpu.memref_slice %dma_wait3A_777[%add3A_14, %dma_wait3A_778] : memref<10240x16xf32, #tpu.memory_space<hbm>> -> memref<320x16xf32, #tpu.memory_space<hbm>>
      tpu.wait_dma2 semaphore(%run_scoped3A_743 : memref<!tpu.dma_semaphore, #tpu.memory_space<semaphore_mem>>) src(%dma_wait3A_779 : memref<320x16xf32, #tpu.memory_space<hbm>>) dst(%dma_wait3A_773 : memref<320x16xf32, #tpu.memory_space<vmem>>)
      tpu.yield
    }) : () -> ()
    "tpu.region"() ({
      %run_scoped3A_743 = tpu.sem_alloc : memref<!tpu.dma_semaphore, #tpu.memory_space<semaphore_mem>>
      %dma_start3A_744 = arith.constant 0 : i32
      %dma_start3A_745 = arith.constant 0 : i32
      %dma_start3A_746 = tpu.memref_slice %arg17[%dma_start3A_744, %dma_start3A_745] : memref<512x16xf32, #tpu.memory_space<vmem>> -> memref<320x16xf32, #tpu.memory_space<vmem>>
      %dma_start3A_747 = arith.constant 0 : i32
      %dma_start3A_748 = tpu.memref_slice %arg4[%add3A_14, %dma_start3A_747] : memref<10240x16xf32, #tpu.memory_space<hbm>> -> memref<320x16xf32, #tpu.memory_space<hbm>>
      %dma_start3A_749 = arith.constant 0 : i32
      %dma_start3A_750 = arith.constant 0 : i32
      %dma_start3A_751 = tpu.memref_slice %arg17[%dma_start3A_749, %dma_start3A_750] : memref<512x16xf32, #tpu.memory_space<vmem>> -> memref<320x16xf32, #tpu.memory_space<vmem>>
      %dma_start3A_752 = arith.constant 0 : i32
      %dma_start3A_753 = tpu.memref_slice %arg4[%add3A_14, %dma_start3A_752] : memref<10240x16xf32, #tpu.memory_space<hbm>> -> memref<320x16xf32, #tpu.memory_space<hbm>>
      tpu.enqueue_dma source(%dma_start3A_753 : memref<320x16xf32, #tpu.memory_space<hbm>>) target(%dma_start3A_751 : memref<320x16xf32, #tpu.memory_space<vmem>>) target_semaphore(%run_scoped3A_743 : memref<!tpu.dma_semaphore, #tpu.memory_space<semaphore_mem>>)
      %dma_wait3A_754 = arith.constant 0 : i32
      %dma_wait3A_755 = arith.constant 0 : i32
      %dma_wait3A_756 = tpu.memref_slice %arg17[%dma_wait3A_754, %dma_wait3A_755] : memref<512x16xf32, #tpu.memory_space<vmem>> -> memref<320x16xf32, #tpu.memory_space<vmem>>
      %dma_wait3A_757 = arith.constant 0 : i32
      %dma_wait3A_758 = tpu.memref_slice %arg4[%add3A_14, %dma_wait3A_757] : memref<10240x16xf32, #tpu.memory_space<hbm>> -> memref<320x16xf32, #tpu.memory_space<hbm>>
      %dma_wait3A_759 = arith.constant 0 : i32
      %dma_wait3A_760 = arith.constant 0 : i32
      %dma_wait3A_761 = tpu.memref_slice %arg17[%dma_wait3A_759, %dma_wait3A_760] : memref<512x16xf32, #tpu.memory_space<vmem>> -> memref<320x16xf32, #tpu.memory_space<vmem>>
      %dma_wait3A_762 = arith.constant 0 : i32
      %dma_wait3A_763 = tpu.memref_slice %arg4[%add3A_14, %dma_wait3A_762] : memref<10240x16xf32, #tpu.memory_space<hbm>> -> memref<320x16xf32, #tpu.memory_space<hbm>>
      tpu.wait_dma2 semaphore(%run_scoped3A_743 : memref<!tpu.dma_semaphore, #tpu.memory_space<semaphore_mem>>) src(%dma_wait3A_763 : memref<320x16xf32, #tpu.memory_space<hbm>>) dst(%dma_wait3A_761 : memref<320x16xf32, #tpu.memory_space<vmem>>)
      tpu.yield
    }) : () -> ()
    %scan3A_19 = arith.constant 0 : i32
    %scan3A_20 = arith.constant 320 : i32
    %scan3A_21 = arith.addi %scan3A_19, %scan3A_20 : i32
    %scan3A_22 = arith.constant 1 : i32
    scf.for %scan3A_743 = %scan3A_19 to %scan3A_21 step %scan3A_22  : i32 {
      %mul3A_744 = arith.constant 1 : i32
      %mul3A_745 = arith.muli %scan3A_743, %mul3A_744 : i32
      %add3A_746 = arith.constant 0 : i32
      %add3A_747 = arith.addi %add3A_746, %mul3A_745 : i32
      %get3A = arith.index_cast %add3A_747 : i32 to index
      %get3A_748 = arith.constant 0 : index
      %get3A_749 = tpu.vector_load %arg13[%get3A, %get3A_748] {strides = array<i32>} : memref<512x16xf32, #tpu.memory_space<vmem>>, vector<1x16xf32>,
      %get3A_750 = vector.shape_cast %get3A_749 : vector<1x16xf32> to vector<1x16xf32>
      %get3A_751 = arith.index_cast %add3A_747 : i32 to index
      %get3A_752 = arith.constant 0 : index
      %get3A_753 = tpu.vector_load %arg14[%get3A_751, %get3A_752] {strides = array<i32>} : memref<512x16xf32, #tpu.memory_space<vmem>>, vector<1x16xf32>,
      %get3A_754 = vector.shape_cast %get3A_753 : vector<1x16xf32> to vector<1x16xf32>
      %add3A_755 = arith.addf %get3A_750, %get3A_754 : vector<1x16xf32>
      %get3A_756 = arith.index_cast %add3A_747 : i32 to index
      %get3A_757 = arith.constant 0 : index
      %get3A_758 = tpu.vector_load %arg15[%get3A_756, %get3A_757] {strides = array<i32>} : memref<512x16xf32, #tpu.memory_space<vmem>>, vector<1x16xf32>,
      %get3A_759 = vector.shape_cast %get3A_758 : vector<1x16xf32> to vector<1x16xf32>
      %get3A_760 = arith.index_cast %add3A_747 : i32 to index
      %get3A_761 = arith.constant 0 : index
      %get3A_762 = tpu.vector_load %arg16[%get3A_760, %get3A_761] {strides = array<i32>} : memref<512x16xf32, #tpu.memory_space<vmem>>, vector<1x16xf32>,
      %get3A_763 = vector.shape_cast %get3A_762 : vector<1x16xf32> to vector<1x16xf32>
      %add3A_764 = arith.addf %get3A_759, %get3A_763 : vector<1x16xf32>
      %max3A = arith.constant 1.000000e+00 : f32
      %max3A_765 = vector.broadcast %max3A : f32 to vector<1x16xf32>
      %max3A_766 = arith.maximumf %add3A_764, %max3A_765 : vector<1x16xf32>
      %div3A = arith.divf %add3A_755, %max3A_766 : vector<1x16xf32>
      %get3A_767 = arith.index_cast %add3A_747 : i32 to index
      %get3A_768 = arith.constant 0 : index
      %get3A_769 = tpu.vector_load %arg17[%get3A_767, %get3A_768] {strides = array<i32>} : memref<512x16xf32, #tpu.memory_space<vmem>>, vector<1x16xf32>,
      %get3A_770 = vector.shape_cast %get3A_769 : vector<1x16xf32> to vector<1x16xf32>
      %add3A_771 = arith.addf %div3A, %get3A_770 : vector<1x16xf32>
      %max3A_772 = arith.constant 0.000000e+00 : f32
      %max3A_773 = vector.broadcast %max3A_772 : f32 to vector<1x16xf32>
      %max3A_774 = arith.maximumf %add3A_771, %max3A_773 : vector<1x16xf32>
      %swap3A = arith.index_cast %add3A_747 : i32 to index
      %swap3A_775 = arith.constant 0 : index
      %swap3A_776 = tpu.vector_load %arg18[%swap3A, %swap3A_775] {strides = array<i32>} : memref<512x16xf32, #tpu.memory_space<vmem>>, vector<1x16xf32>,
      %swap3A_777 = vector.shape_cast %swap3A_776 : vector<1x16xf32> to vector<1x16xf32>
      %swap3A_778 = vector.shape_cast %max3A_774 : vector<1x16xf32> to vector<1x16xf32>
      tpu.vector_store %arg18[%swap3A, %swap3A_775], %swap3A_778 {strides = array<i32>} : memref<512x16xf32, #tpu.memory_space<vmem>>, vector<1x16xf32>,
    }
    %scan3A_23 = arith.constant 320 : i32
    "tpu.region"() ({
      %run_scoped3A_743 = tpu.sem_alloc : memref<!tpu.dma_semaphore, #tpu.memory_space<semaphore_mem>>
      %dma_start3A_744 = arith.constant 0 : i32
      %dma_start3A_745 = arith.constant 0 : i32
      %dma_start3A_746 = tpu.memref_slice %arg18[%dma_start3A_744, %dma_start3A_745] : memref<512x16xf32, #tpu.memory_space<vmem>> -> memref<320x16xf32, #tpu.memory_space<vmem>>
      %dma_start3A_747 = arith.constant 0 : i32
      %dma_start3A_748 = arith.constant 0 : i32
      %dma_start3A_749 = tpu.memref_slice %arg9[%arg0, %dma_start3A_747, %dma_start3A_748] : memref<2x10240x16xf32, #tpu.memory_space<hbm>> -> memref<1x10240x16xf32, #tpu.memory_space<hbm>>
      %dma_start3A_750 = tpu.memref_squeeze %dma_start3A_749 : memref<1x10240x16xf32, #tpu.memory_space<hbm>> -> memref<10240x16xf32, #tpu.memory_space<hbm>>
      %dma_start3A_751 = arith.constant 0 : i32
      %dma_start3A_752 = tpu.memref_slice %dma_start3A_750[%add3A_14, %dma_start3A_751] : memref<10240x16xf32, #tpu.memory_space<hbm>> -> memref<320x16xf32, #tpu.memory_space<hbm>>
      %dma_start3A_753 = arith.constant 0 : i32
      %dma_start3A_754 = arith.constant 0 : i32
      %dma_start3A_755 = tpu.memref_slice %arg9[%arg0, %dma_start3A_753, %dma_start3A_754] : memref<2x10240x16xf32, #tpu.memory_space<hbm>> -> memref<1x10240x16xf32, #tpu.memory_space<hbm>>
      %dma_start3A_756 = tpu.memref_squeeze %dma_start3A_755 : memref<1x10240x16xf32, #tpu.memory_space<hbm>> -> memref<10240x16xf32, #tpu.memory_space<hbm>>
      %dma_start3A_757 = arith.constant 0 : i32
      %dma_start3A_758 = tpu.memref_slice %dma_start3A_756[%add3A_14, %dma_start3A_757] : memref<10240x16xf32, #tpu.memory_space<hbm>> -> memref<320x16xf32, #tpu.memory_space<hbm>>
      %dma_start3A_759 = arith.constant 0 : i32
      %dma_start3A_760 = arith.constant 0 : i32
      %dma_start3A_761 = tpu.memref_slice %arg18[%dma_start3A_759, %dma_start3A_760] : memref<512x16xf32, #tpu.memory_space<vmem>> -> memref<320x16xf32, #tpu.memory_space<vmem>>
      tpu.enqueue_dma source(%dma_start3A_761 : memref<320x16xf32, #tpu.memory_space<vmem>>) target(%dma_start3A_758 : memref<320x16xf32, #tpu.memory_space<hbm>>) target_semaphore(%run_scoped3A_743 : memref<!tpu.dma_semaphore, #tpu.memory_space<semaphore_mem>>)
      %dma_wait3A_762 = arith.constant 0 : i32
      %dma_wait3A_763 = arith.constant 0 : i32
      %dma_wait3A_764 = tpu.memref_slice %arg18[%dma_wait3A_762, %dma_wait3A_763] : memref<512x16xf32, #tpu.memory_space<vmem>> -> memref<320x16xf32, #tpu.memory_space<vmem>>
      %dma_wait3A_765 = arith.constant 0 : i32
      %dma_wait3A_766 = arith.constant 0 : i32
      %dma_wait3A_767 = tpu.memref_slice %arg9[%arg0, %dma_wait3A_765, %dma_wait3A_766] : memref<2x10240x16xf32, #tpu.memory_space<hbm>> -> memref<1x10240x16xf32, #tpu.memory_space<hbm>>
      %dma_wait3A_768 = tpu.memref_squeeze %dma_wait3A_767 : memref<1x10240x16xf32, #tpu.memory_space<hbm>> -> memref<10240x16xf32, #tpu.memory_space<hbm>>
      %dma_wait3A_769 = arith.constant 0 : i32
      %dma_wait3A_770 = tpu.memref_slice %dma_wait3A_768[%add3A_14, %dma_wait3A_769] : memref<10240x16xf32, #tpu.memory_space<hbm>> -> memref<320x16xf32, #tpu.memory_space<hbm>>
      %dma_wait3A_771 = arith.constant 0 : i32
      %dma_wait3A_772 = arith.constant 0 : i32
      %dma_wait3A_773 = tpu.memref_slice %arg9[%arg0, %dma_wait3A_771, %dma_wait3A_772] : memref<2x10240x16xf32, #tpu.memory_space<hbm>> -> memref<1x10240x16xf32, #tpu.memory_space<hbm>>
      %dma_wait3A_774 = tpu.memref_squeeze %dma_wait3A_773 : memref<1x10240x16xf32, #tpu.memory_space<hbm>> -> memref<10240x16xf32, #tpu.memory_space<hbm>>
      %dma_wait3A_775 = arith.constant 0 : i32
      %dma_wait3A_776 = tpu.memref_slice %dma_wait3A_774[%add3A_14, %dma_wait3A_775] : memref<10240x16xf32, #tpu.memory_space<hbm>> -> memref<320x16xf32, #tpu.memory_space<hbm>>
      %dma_wait3A_777 = arith.constant 0 : i32
      %dma_wait3A_778 = arith.constant 0 : i32
      %dma_wait3A_779 = tpu.memref_slice %arg18[%dma_wait3A_777, %dma_wait3A_778] : memref<512x16xf32, #tpu.memory_space<vmem>> -> memref<320x16xf32, #tpu.memory_space<vmem>>
      tpu.wait_dma2 semaphore(%run_scoped3A_743 : memref<!tpu.dma_semaphore, #tpu.memory_space<semaphore_mem>>) src(%dma_wait3A_779 : memref<320x16xf32, #tpu.memory_space<vmem>>) dst(%dma_wait3A_776 : memref<320x16xf32, #tpu.memory_space<hbm>>)
      tpu.yield
    }) : () -> ()
    %barrier3A = arith.constant 0 : index
    tpu.barrier barrier_id(%barrier3A)
    %dma_start3A = arith.constant 0 : i32
    %dma_start3A_24 = arith.constant 0 : i32
    %dma_start3A_25 = tpu.memref_slice %arg10[%dma_start3A, %dma_start3A_24] : memref<20x512xi32, #tpu.memory_space<vmem>> -> memref<1x512xi32, #tpu.memory_space<vmem>>
    %dma_start3A_26 = tpu.memref_squeeze %dma_start3A_25 : memref<1x512xi32, #tpu.memory_space<vmem>> -> memref<512xi32, #tpu.memory_space<vmem>>
    %dma_start3A_27 = arith.constant 0 : i32
    %dma_start3A_28 = arith.constant 0 : i32
    %dma_start3A_29 = tpu.memref_slice %arg9[%arg0, %dma_start3A_27, %dma_start3A_28] : memref<2x10240x16xf32, #tpu.memory_space<hbm>> -> memref<1x10240x16xf32, #tpu.memory_space<hbm>>
    %dma_start3A_30 = tpu.memref_squeeze %dma_start3A_29 : memref<1x10240x16xf32, #tpu.memory_space<hbm>> -> memref<10240x16xf32, #tpu.memory_space<hbm>>
    %dma_start3A_31 = arith.constant 0 : i32
    %dma_start3A_32 = arith.constant 0 : i32
    %dma_start3A_33 = tpu.memref_slice %dma_start3A_30[%dma_start3A_31, %dma_start3A_32] : memref<10240x16xf32, #tpu.memory_space<hbm>> -> memref<10240x16xf32, #tpu.memory_space<hbm>>
    tpu.enqueue_indirect_dma source(%dma_start3A_33 : memref<10240x16xf32, #tpu.memory_space<hbm>>) target(%arg13 : memref<512x16xf32, #tpu.memory_space<vmem>>) offsets(%dma_start3A_26 : memref<512xi32, #tpu.memory_space<vmem>>) semaphore(%arg21 : memref<!tpu.dma_semaphore, #tpu.memory_space<semaphore_mem>>)
    %dma_start3A_34 = arith.constant 1 : i32
    %dma_start3A_35 = arith.constant 0 : i32
    %dma_start3A_36 = tpu.memref_slice %arg10[%dma_start3A_34, %dma_start3A_35] : memref<20x512xi32, #tpu.memory_space<vmem>> -> memref<1x512xi32, #tpu.memory_space<vmem>>
    %dma_start3A_37 = tpu.memref_squeeze %dma_start3A_36 : memref<1x512xi32, #tpu.memory_space<vmem>> -> memref<512xi32, #tpu.memory_space<vmem>>
    %dma_start3A_38 = arith.constant 0 : i32
    %dma_start3A_39 = arith.constant 0 : i32
    %dma_start3A_40 = tpu.memref_slice %arg9[%arg0, %dma_start3A_38, %dma_start3A_39] : memref<2x10240x16xf32, #tpu.memory_space<hbm>> -> memref<1x10240x16xf32, #tpu.memory_space<hbm>>
    %dma_start3A_41 = tpu.memref_squeeze %dma_start3A_40 : memref<1x10240x16xf32, #tpu.memory_space<hbm>> -> memref<10240x16xf32, #tpu.memory_space<hbm>>
    %dma_start3A_42 = arith.constant 0 : i32
    %dma_start3A_43 = arith.constant 0 : i32
    %dma_start3A_44 = tpu.memref_slice %dma_start3A_41[%dma_start3A_42, %dma_start3A_43] : memref<10240x16xf32, #tpu.memory_space<hbm>> -> memref<10240x16xf32, #tpu.memory_space<hbm>>
    tpu.enqueue_indirect_dma source(%dma_start3A_44 : memref<10240x16xf32, #tpu.memory_space<hbm>>) target(%arg14 : memref<512x16xf32, #tpu.memory_space<vmem>>) offsets(%dma_start3A_37 : memref<512xi32, #tpu.memory_space<vmem>>) semaphore(%arg22 : memref<!tpu.dma_semaphore, #tpu.memory_space<semaphore_mem>>)
    %dma_start3A_45 = arith.constant 2 : i32
    %dma_start3A_46 = arith.constant 0 : i32
    %dma_start3A_47 = tpu.memref_slice %arg10[%dma_start3A_45, %dma_start3A_46] : memref<20x512xi32, #tpu.memory_space<vmem>> -> memref<1x512xi32, #tpu.memory_space<vmem>>
    %dma_start3A_48 = tpu.memref_squeeze %dma_start3A_47 : memref<1x512xi32, #tpu.memory_space<vmem>> -> memref<512xi32, #tpu.memory_space<vmem>>
    %dma_start3A_49 = arith.constant 0 : i32
    %dma_start3A_50 = arith.constant 0 : i32
    %dma_start3A_51 = tpu.memref_slice %arg9[%arg0, %dma_start3A_49, %dma_start3A_50] : memref<2x10240x16xf32, #tpu.memory_space<hbm>> -> memref<1x10240x16xf32, #tpu.memory_space<hbm>>
    %dma_start3A_52 = tpu.memref_squeeze %dma_start3A_51 : memref<1x10240x16xf32, #tpu.memory_space<hbm>> -> memref<10240x16xf32, #tpu.memory_space<hbm>>
    %dma_start3A_53 = arith.constant 0 : i32
    %dma_start3A_54 = arith.constant 0 : i32
    %dma_start3A_55 = tpu.memref_slice %dma_start3A_52[%dma_start3A_53, %dma_start3A_54] : memref<10240x16xf32, #tpu.memory_space<hbm>> -> memref<10240x16xf32, #tpu.memory_space<hbm>>
    tpu.enqueue_indirect_dma source(%dma_start3A_55 : memref<10240x16xf32, #tpu.memory_space<hbm>>) target(%arg15 : memref<512x16xf32, #tpu.memory_space<vmem>>) offsets(%dma_start3A_48 : memref<512xi32, #tpu.memory_space<vmem>>) semaphore(%arg23 : memref<!tpu.dma_semaphore, #tpu.memory_space<semaphore_mem>>)
    %dma_start3A_56 = arith.constant 3 : i32
    %dma_start3A_57 = arith.constant 0 : i32
    %dma_start3A_58 = tpu.memref_slice %arg10[%dma_start3A_56, %dma_start3A_57] : memref<20x512xi32, #tpu.memory_space<vmem>> -> memref<1x512xi32, #tpu.memory_space<vmem>>
    %dma_start3A_59 = tpu.memref_squeeze %dma_start3A_58 : memref<1x512xi32, #tpu.memory_space<vmem>> -> memref<512xi32, #tpu.memory_space<vmem>>
    %dma_start3A_60 = arith.constant 0 : i32
    %dma_start3A_61 = arith.constant 0 : i32
    %dma_start3A_62 = tpu.memref_slice %arg9[%arg0, %dma_start3A_60, %dma_start3A_61] : memref<2x10240x16xf32, #tpu.memory_space<hbm>> -> memref<1x10240x16xf32, #tpu.memory_space<hbm>>
    %dma_start3A_63 = tpu.memref_squeeze %dma_start3A_62 : memref<1x10240x16xf32, #tpu.memory_space<hbm>> -> memref<10240x16xf32, #tpu.memory_space<hbm>>
    %dma_start3A_64 = arith.constant 0 : i32
    %dma_start3A_65 = arith.constant 0 : i32
    %dma_start3A_66 = tpu.memref_slice %dma_start3A_63[%dma_start3A_64, %dma_start3A_65] : memref<10240x16xf32, #tpu.memory_space<hbm>> -> memref<10240x16xf32, #tpu.memory_space<hbm>>
    tpu.enqueue_indirect_dma source(%dma_start3A_66 : memref<10240x16xf32, #tpu.memory_space<hbm>>) target(%arg16 : memref<512x16xf32, #tpu.memory_space<vmem>>) offsets(%dma_start3A_59 : memref<512xi32, #tpu.memory_space<vmem>>) semaphore(%arg24 : memref<!tpu.dma_semaphore, #tpu.memory_space<semaphore_mem>>)
    %dma_start3A_67 = arith.constant 4 : i32
    %dma_start3A_68 = arith.constant 0 : i32
    %dma_start3A_69 = tpu.memref_slice %arg10[%dma_start3A_67, %dma_start3A_68] : memref<20x512xi32, #tpu.memory_space<vmem>> -> memref<1x512xi32, #tpu.memory_space<vmem>>
    %dma_start3A_70 = tpu.memref_squeeze %dma_start3A_69 : memref<1x512xi32, #tpu.memory_space<vmem>> -> memref<512xi32, #tpu.memory_space<vmem>>
    %dma_start3A_71 = arith.constant 0 : i32
    %dma_start3A_72 = arith.constant 0 : i32
    %dma_start3A_73 = tpu.memref_slice %arg9[%arg0, %dma_start3A_71, %dma_start3A_72] : memref<2x10240x16xf32, #tpu.memory_space<hbm>> -> memref<1x10240x16xf32, #tpu.memory_space<hbm>>
    %dma_start3A_74 = tpu.memref_squeeze %dma_start3A_73 : memref<1x10240x16xf32, #tpu.memory_space<hbm>> -> memref<10240x16xf32, #tpu.memory_space<hbm>>
    %dma_start3A_75 = arith.constant 0 : i32
    %dma_start3A_76 = arith.constant 0 : i32
    %dma_start3A_77 = tpu.memref_slice %dma_start3A_74[%dma_start3A_75, %dma_start3A_76] : memref<10240x16xf32, #tpu.memory_space<hbm>> -> memref<10240x16xf32, #tpu.memory_space<hbm>>
    tpu.enqueue_indirect_dma source(%dma_start3A_77 : memref<10240x16xf32, #tpu.memory_space<hbm>>) target(%arg17 : memref<512x16xf32, #tpu.memory_space<vmem>>) offsets(%dma_start3A_70 : memref<512xi32, #tpu.memory_space<vmem>>) semaphore(%arg25 : memref<!tpu.dma_semaphore, #tpu.memory_space<semaphore_mem>>)
    %dma_wait3A = arith.constant 0 : i32
    %dma_wait3A_78 = arith.constant 0 : i32
    %dma_wait3A_79 = tpu.memref_slice %arg10[%dma_wait3A, %dma_wait3A_78] : memref<20x512xi32, #tpu.memory_space<vmem>> -> memref<1x512xi32, #tpu.memory_space<vmem>>
    %dma_wait3A_80 = tpu.memref_squeeze %dma_wait3A_79 : memref<1x512xi32, #tpu.memory_space<vmem>> -> memref<512xi32, #tpu.memory_space<vmem>>
    %dma_wait3A_81 = arith.constant 0 : i32
    %dma_wait3A_82 = arith.constant 0 : i32
    %dma_wait3A_83 = tpu.memref_slice %arg9[%arg0, %dma_wait3A_81, %dma_wait3A_82] : memref<2x10240x16xf32, #tpu.memory_space<hbm>> -> memref<1x10240x16xf32, #tpu.memory_space<hbm>>
    %dma_wait3A_84 = tpu.memref_squeeze %dma_wait3A_83 : memref<1x10240x16xf32, #tpu.memory_space<hbm>> -> memref<10240x16xf32, #tpu.memory_space<hbm>>
    %dma_wait3A_85 = arith.constant 0 : i32
    %dma_wait3A_86 = arith.constant 0 : i32
    %dma_wait3A_87 = tpu.memref_slice %dma_wait3A_84[%dma_wait3A_85, %dma_wait3A_86] : memref<10240x16xf32, #tpu.memory_space<hbm>> -> memref<10240x16xf32, #tpu.memory_space<hbm>>
    tpu.wait_indirect_dma semaphore(%arg21 : memref<!tpu.dma_semaphore, #tpu.memory_space<semaphore_mem>>) src(%dma_wait3A_87 : memref<10240x16xf32, #tpu.memory_space<hbm>>) dst(%arg13 : memref<512x16xf32, #tpu.memory_space<vmem>>)
    %dma_start3A_88 = arith.constant 0 : i32
    %dma_start3A_89 = arith.constant 0 : i32
    %dma_start3A_90 = tpu.memref_slice %arg11[%dma_start3A_88, %dma_start3A_89] : memref<20x512xi32, #tpu.memory_space<vmem>> -> memref<1x512xi32, #tpu.memory_space<vmem>>
    %dma_start3A_91 = tpu.memref_squeeze %dma_start3A_90 : memref<1x512xi32, #tpu.memory_space<vmem>> -> memref<512xi32, #tpu.memory_space<vmem>>
    %dma_start3A_92 = arith.constant 0 : i32
    %dma_start3A_93 = arith.constant 0 : i32
    %dma_start3A_94 = tpu.memref_slice %arg12[%dma_start3A_92, %dma_start3A_93] : memref<10240x16xf32, #tpu.memory_space<vmem_shared>> -> memref<10240x16xf32, #tpu.memory_space<vmem_shared>>
    tpu.enqueue_indirect_dma source(%arg13 : memref<512x16xf32, #tpu.memory_space<vmem>>) target(%dma_start3A_94 : memref<10240x16xf32, #tpu.memory_space<vmem_shared>>) offsets(%dma_start3A_91 : memref<512xi32, #tpu.memory_space<vmem>>) semaphore(%arg29 : memref<!tpu.dma_semaphore, #tpu.memory_space<semaphore_mem>>) {add = true}
    %dma_start3A_95 = arith.constant 5 : i32
    %dma_start3A_96 = arith.constant 0 : i32
    %dma_start3A_97 = tpu.memref_slice %arg10[%dma_start3A_95, %dma_start3A_96] : memref<20x512xi32, #tpu.memory_space<vmem>> -> memref<1x512xi32, #tpu.memory_space<vmem>>
    %dma_start3A_98 = tpu.memref_squeeze %dma_start3A_97 : memref<1x512xi32, #tpu.memory_space<vmem>> -> memref<512xi32, #tpu.memory_space<vmem>>
    %dma_start3A_99 = arith.constant 0 : i32
    %dma_start3A_100 = arith.constant 0 : i32
    %dma_start3A_101 = tpu.memref_slice %arg9[%arg0, %dma_start3A_99, %dma_start3A_100] : memref<2x10240x16xf32, #tpu.memory_space<hbm>> -> memref<1x10240x16xf32, #tpu.memory_space<hbm>>
    %dma_start3A_102 = tpu.memref_squeeze %dma_start3A_101 : memref<1x10240x16xf32, #tpu.memory_space<hbm>> -> memref<10240x16xf32, #tpu.memory_space<hbm>>
    %dma_start3A_103 = arith.constant 0 : i32
    %dma_start3A_104 = arith.constant 0 : i32
    %dma_start3A_105 = tpu.memref_slice %dma_start3A_102[%dma_start3A_103, %dma_start3A_104] : memref<10240x16xf32, #tpu.memory_space<hbm>> -> memref<10240x16xf32, #tpu.memory_space<hbm>>
    tpu.enqueue_indirect_dma source(%dma_start3A_105 : memref<10240x16xf32, #tpu.memory_space<hbm>>) target(%arg18 : memref<512x16xf32, #tpu.memory_space<vmem>>) offsets(%dma_start3A_98 : memref<512xi32, #tpu.memory_space<vmem>>) semaphore(%arg26 : memref<!tpu.dma_semaphore, #tpu.memory_space<semaphore_mem>>)
    %dma_wait3A_106 = arith.constant 1 : i32
    %dma_wait3A_107 = arith.constant 0 : i32
    %dma_wait3A_108 = tpu.memref_slice %arg10[%dma_wait3A_106, %dma_wait3A_107] : memref<20x512xi32, #tpu.memory_space<vmem>> -> memref<1x512xi32, #tpu.memory_space<vmem>>
    %dma_wait3A_109 = tpu.memref_squeeze %dma_wait3A_108 : memref<1x512xi32, #tpu.memory_space<vmem>> -> memref<512xi32, #tpu.memory_space<vmem>>
    %dma_wait3A_110 = arith.constant 0 : i32
    %dma_wait3A_111 = arith.constant 0 : i32
    %dma_wait3A_112 = tpu.memref_slice %arg9[%arg0, %dma_wait3A_110, %dma_wait3A_111] : memref<2x10240x16xf32, #tpu.memory_space<hbm>> -> memref<1x10240x16xf32, #tpu.memory_space<hbm>>
    %dma_wait3A_113 = tpu.memref_squeeze %dma_wait3A_112 : memref<1x10240x16xf32, #tpu.memory_space<hbm>> -> memref<10240x16xf32, #tpu.memory_space<hbm>>
    %dma_wait3A_114 = arith.constant 0 : i32
    %dma_wait3A_115 = arith.constant 0 : i32
    %dma_wait3A_116 = tpu.memref_slice %dma_wait3A_113[%dma_wait3A_114, %dma_wait3A_115] : memref<10240x16xf32, #tpu.memory_space<hbm>> -> memref<10240x16xf32, #tpu.memory_space<hbm>>
    tpu.wait_indirect_dma semaphore(%arg22 : memref<!tpu.dma_semaphore, #tpu.memory_space<semaphore_mem>>) src(%dma_wait3A_116 : memref<10240x16xf32, #tpu.memory_space<hbm>>) dst(%arg14 : memref<512x16xf32, #tpu.memory_space<vmem>>)
    %dma_start3A_117 = arith.constant 1 : i32
    %dma_start3A_118 = arith.constant 0 : i32
    %dma_start3A_119 = tpu.memref_slice %arg11[%dma_start3A_117, %dma_start3A_118] : memref<20x512xi32, #tpu.memory_space<vmem>> -> memref<1x512xi32, #tpu.memory_space<vmem>>
    %dma_start3A_120 = tpu.memref_squeeze %dma_start3A_119 : memref<1x512xi32, #tpu.memory_space<vmem>> -> memref<512xi32, #tpu.memory_space<vmem>>
    %dma_start3A_121 = arith.constant 0 : i32
    %dma_start3A_122 = arith.constant 0 : i32
    %dma_start3A_123 = tpu.memref_slice %arg12[%dma_start3A_121, %dma_start3A_122] : memref<10240x16xf32, #tpu.memory_space<vmem_shared>> -> memref<10240x16xf32, #tpu.memory_space<vmem_shared>>
    tpu.enqueue_indirect_dma source(%arg14 : memref<512x16xf32, #tpu.memory_space<vmem>>) target(%dma_start3A_123 : memref<10240x16xf32, #tpu.memory_space<vmem_shared>>) offsets(%dma_start3A_120 : memref<512xi32, #tpu.memory_space<vmem>>) semaphore(%arg30 : memref<!tpu.dma_semaphore, #tpu.memory_space<semaphore_mem>>) {add = true}
    %dma_start3A_124 = arith.constant 6 : i32
    %dma_start3A_125 = arith.constant 0 : i32
    %dma_start3A_126 = tpu.memref_slice %arg10[%dma_start3A_124, %dma_start3A_125] : memref<20x512xi32, #tpu.memory_space<vmem>> -> memref<1x512xi32, #tpu.memory_space<vmem>>
    %dma_start3A_127 = tpu.memref_squeeze %dma_start3A_126 : memref<1x512xi32, #tpu.memory_space<vmem>> -> memref<512xi32, #tpu.memory_space<vmem>>
    %dma_start3A_128 = arith.constant 0 : i32
    %dma_start3A_129 = arith.constant 0 : i32
    %dma_start3A_130 = tpu.memref_slice %arg9[%arg0, %dma_start3A_128, %dma_start3A_129] : memref<2x10240x16xf32, #tpu.memory_space<hbm>> -> memref<1x10240x16xf32, #tpu.memory_space<hbm>>
    %dma_start3A_131 = tpu.memref_squeeze %dma_start3A_130 : memref<1x10240x16xf32, #tpu.memory_space<hbm>> -> memref<10240x16xf32, #tpu.memory_space<hbm>>
    %dma_start3A_132 = arith.constant 0 : i32
    %dma_start3A_133 = arith.constant 0 : i32
    %dma_start3A_134 = tpu.memref_slice %dma_start3A_131[%dma_start3A_132, %dma_start3A_133] : memref<10240x16xf32, #tpu.memory_space<hbm>> -> memref<10240x16xf32, #tpu.memory_space<hbm>>
    tpu.enqueue_indirect_dma source(%dma_start3A_134 : memref<10240x16xf32, #tpu.memory_space<hbm>>) target(%arg19 : memref<512x16xf32, #tpu.memory_space<vmem>>) offsets(%dma_start3A_127 : memref<512xi32, #tpu.memory_space<vmem>>) semaphore(%arg27 : memref<!tpu.dma_semaphore, #tpu.memory_space<semaphore_mem>>)
    %dma_wait3A_135 = arith.constant 2 : i32
    %dma_wait3A_136 = arith.constant 0 : i32
    %dma_wait3A_137 = tpu.memref_slice %arg10[%dma_wait3A_135, %dma_wait3A_136] : memref<20x512xi32, #tpu.memory_space<vmem>> -> memref<1x512xi32, #tpu.memory_space<vmem>>
    %dma_wait3A_138 = tpu.memref_squeeze %dma_wait3A_137 : memref<1x512xi32, #tpu.memory_space<vmem>> -> memref<512xi32, #tpu.memory_space<vmem>>
    %dma_wait3A_139 = arith.constant 0 : i32
    %dma_wait3A_140 = arith.constant 0 : i32
    %dma_wait3A_141 = tpu.memref_slice %arg9[%arg0, %dma_wait3A_139, %dma_wait3A_140] : memref<2x10240x16xf32, #tpu.memory_space<hbm>> -> memref<1x10240x16xf32, #tpu.memory_space<hbm>>
    %dma_wait3A_142 = tpu.memref_squeeze %dma_wait3A_141 : memref<1x10240x16xf32, #tpu.memory_space<hbm>> -> memref<10240x16xf32, #tpu.memory_space<hbm>>
    %dma_wait3A_143 = arith.constant 0 : i32
    %dma_wait3A_144 = arith.constant 0 : i32
    %dma_wait3A_145 = tpu.memref_slice %dma_wait3A_142[%dma_wait3A_143, %dma_wait3A_144] : memref<10240x16xf32, #tpu.memory_space<hbm>> -> memref<10240x16xf32, #tpu.memory_space<hbm>>
    tpu.wait_indirect_dma semaphore(%arg23 : memref<!tpu.dma_semaphore, #tpu.memory_space<semaphore_mem>>) src(%dma_wait3A_145 : memref<10240x16xf32, #tpu.memory_space<hbm>>) dst(%arg15 : memref<512x16xf32, #tpu.memory_space<vmem>>)
    %dma_start3A_146 = arith.constant 2 : i32
    %dma_start3A_147 = arith.constant 0 : i32
    %dma_start3A_148 = tpu.memref_slice %arg11[%dma_start3A_146, %dma_start3A_147] : memref<20x512xi32, #tpu.memory_space<vmem>> -> memref<1x512xi32, #tpu.memory_space<vmem>>
    %dma_start3A_149 = tpu.memref_squeeze %dma_start3A_148 : memref<1x512xi32, #tpu.memory_space<vmem>> -> memref<512xi32, #tpu.memory_space<vmem>>
    %dma_start3A_150 = arith.constant 0 : i32
    %dma_start3A_151 = arith.constant 0 : i32
    %dma_start3A_152 = tpu.memref_slice %arg12[%dma_start3A_150, %dma_start3A_151] : memref<10240x16xf32, #tpu.memory_space<vmem_shared>> -> memref<10240x16xf32, #tpu.memory_space<vmem_shared>>
    tpu.enqueue_indirect_dma source(%arg15 : memref<512x16xf32, #tpu.memory_space<vmem>>) target(%dma_start3A_152 : memref<10240x16xf32, #tpu.memory_space<vmem_shared>>) offsets(%dma_start3A_149 : memref<512xi32, #tpu.memory_space<vmem>>) semaphore(%arg31 : memref<!tpu.dma_semaphore, #tpu.memory_space<semaphore_mem>>) {add = true}
    %dma_start3A_153 = arith.constant 7 : i32
    %dma_start3A_154 = arith.constant 0 : i32
    %dma_start3A_155 = tpu.memref_slice %arg10[%dma_start3A_153, %dma_start3A_154] : memref<20x512xi32, #tpu.memory_space<vmem>> -> memref<1x512xi32, #tpu.memory_space<vmem>>
    %dma_start3A_156 = tpu.memref_squeeze %dma_start3A_155 : memref<1x512xi32, #tpu.memory_space<vmem>> -> memref<512xi32, #tpu.memory_space<vmem>>
    %dma_start3A_157 = arith.constant 0 : i32
    %dma_start3A_158 = arith.constant 0 : i32
    %dma_start3A_159 = tpu.memref_slice %arg9[%arg0, %dma_start3A_157, %dma_start3A_158] : memref<2x10240x16xf32, #tpu.memory_space<hbm>> -> memref<1x10240x16xf32, #tpu.memory_space<hbm>>
    %dma_start3A_160 = tpu.memref_squeeze %dma_start3A_159 : memref<1x10240x16xf32, #tpu.memory_space<hbm>> -> memref<10240x16xf32, #tpu.memory_space<hbm>>
    %dma_start3A_161 = arith.constant 0 : i32
    %dma_start3A_162 = arith.constant 0 : i32
    %dma_start3A_163 = tpu.memref_slice %dma_start3A_160[%dma_start3A_161, %dma_start3A_162] : memref<10240x16xf32, #tpu.memory_space<hbm>> -> memref<10240x16xf32, #tpu.memory_space<hbm>>
    tpu.enqueue_indirect_dma source(%dma_start3A_163 : memref<10240x16xf32, #tpu.memory_space<hbm>>) target(%arg20 : memref<512x16xf32, #tpu.memory_space<vmem>>) offsets(%dma_start3A_156 : memref<512xi32, #tpu.memory_space<vmem>>) semaphore(%arg28 : memref<!tpu.dma_semaphore, #tpu.memory_space<semaphore_mem>>)
    %dma_wait3A_164 = arith.constant 3 : i32
    %dma_wait3A_165 = arith.constant 0 : i32
    %dma_wait3A_166 = tpu.memref_slice %arg10[%dma_wait3A_164, %dma_wait3A_165] : memref<20x512xi32, #tpu.memory_space<vmem>> -> memref<1x512xi32, #tpu.memory_space<vmem>>
    %dma_wait3A_167 = tpu.memref_squeeze %dma_wait3A_166 : memref<1x512xi32, #tpu.memory_space<vmem>> -> memref<512xi32, #tpu.memory_space<vmem>>
    %dma_wait3A_168 = arith.constant 0 : i32
    %dma_wait3A_169 = arith.constant 0 : i32
    %dma_wait3A_170 = tpu.memref_slice %arg9[%arg0, %dma_wait3A_168, %dma_wait3A_169] : memref<2x10240x16xf32, #tpu.memory_space<hbm>> -> memref<1x10240x16xf32, #tpu.memory_space<hbm>>
    %dma_wait3A_171 = tpu.memref_squeeze %dma_wait3A_170 : memref<1x10240x16xf32, #tpu.memory_space<hbm>> -> memref<10240x16xf32, #tpu.memory_space<hbm>>
    %dma_wait3A_172 = arith.constant 0 : i32
    %dma_wait3A_173 = arith.constant 0 : i32
    %dma_wait3A_174 = tpu.memref_slice %dma_wait3A_171[%dma_wait3A_172, %dma_wait3A_173] : memref<10240x16xf32, #tpu.memory_space<hbm>> -> memref<10240x16xf32, #tpu.memory_space<hbm>>
    tpu.wait_indirect_dma semaphore(%arg24 : memref<!tpu.dma_semaphore, #tpu.memory_space<semaphore_mem>>) src(%dma_wait3A_174 : memref<10240x16xf32, #tpu.memory_space<hbm>>) dst(%arg16 : memref<512x16xf32, #tpu.memory_space<vmem>>)
    %dma_start3A_175 = arith.constant 3 : i32
    %dma_start3A_176 = arith.constant 0 : i32
    %dma_start3A_177 = tpu.memref_slice %arg11[%dma_start3A_175, %dma_start3A_176] : memref<20x512xi32, #tpu.memory_space<vmem>> -> memref<1x512xi32, #tpu.memory_space<vmem>>
    %dma_start3A_178 = tpu.memref_squeeze %dma_start3A_177 : memref<1x512xi32, #tpu.memory_space<vmem>> -> memref<512xi32, #tpu.memory_space<vmem>>
    %dma_start3A_179 = arith.constant 0 : i32
    %dma_start3A_180 = arith.constant 0 : i32
    %dma_start3A_181 = tpu.memref_slice %arg12[%dma_start3A_179, %dma_start3A_180] : memref<10240x16xf32, #tpu.memory_space<vmem_shared>> -> memref<10240x16xf32, #tpu.memory_space<vmem_shared>>
    tpu.enqueue_indirect_dma source(%arg16 : memref<512x16xf32, #tpu.memory_space<vmem>>) target(%dma_start3A_181 : memref<10240x16xf32, #tpu.memory_space<vmem_shared>>) offsets(%dma_start3A_178 : memref<512xi32, #tpu.memory_space<vmem>>) semaphore(%arg32 : memref<!tpu.dma_semaphore, #tpu.memory_space<semaphore_mem>>) {add = true}
    %dma_wait3A_182 = arith.constant 0 : i32
    %dma_wait3A_183 = arith.constant 0 : i32
    %dma_wait3A_184 = tpu.memref_slice %arg11[%dma_wait3A_182, %dma_wait3A_183] : memref<20x512xi32, #tpu.memory_space<vmem>> -> memref<1x512xi32, #tpu.memory_space<vmem>>
    %dma_wait3A_185 = tpu.memref_squeeze %dma_wait3A_184 : memref<1x512xi32, #tpu.memory_space<vmem>> -> memref<512xi32, #tpu.memory_space<vmem>>
    %dma_wait3A_186 = arith.constant 0 : i32
    %dma_wait3A_187 = arith.constant 0 : i32
    %dma_wait3A_188 = tpu.memref_slice %arg12[%dma_wait3A_186, %dma_wait3A_187] : memref<10240x16xf32, #tpu.memory_space<vmem_shared>> -> memref<10240x16xf32, #tpu.memory_space<vmem_shared>>
    tpu.wait_indirect_dma semaphore(%arg29 : memref<!tpu.dma_semaphore, #tpu.memory_space<semaphore_mem>>) src(%arg13 : memref<512x16xf32, #tpu.memory_space<vmem>>) dst(%dma_wait3A_188 : memref<10240x16xf32, #tpu.memory_space<vmem_shared>>)
    %dma_start3A_189 = arith.constant 8 : i32
    %dma_start3A_190 = arith.constant 0 : i32
    %dma_start3A_191 = tpu.memref_slice %arg10[%dma_start3A_189, %dma_start3A_190] : memref<20x512xi32, #tpu.memory_space<vmem>> -> memref<1x512xi32, #tpu.memory_space<vmem>>
    %dma_start3A_192 = tpu.memref_squeeze %dma_start3A_191 : memref<1x512xi32, #tpu.memory_space<vmem>> -> memref<512xi32, #tpu.memory_space<vmem>>
    %dma_start3A_193 = arith.constant 0 : i32
    %dma_start3A_194 = arith.constant 0 : i32
    %dma_start3A_195 = tpu.memref_slice %arg9[%arg0, %dma_start3A_193, %dma_start3A_194] : memref<2x10240x16xf32, #tpu.memory_space<hbm>> -> memref<1x10240x16xf32, #tpu.memory_space<hbm>>
    %dma_start3A_196 = tpu.memref_squeeze %dma_start3A_195 : memref<1x10240x16xf32, #tpu.memory_space<hbm>> -> memref<10240x16xf32, #tpu.memory_space<hbm>>
    %dma_start3A_197 = arith.constant 0 : i32
    %dma_start3A_198 = arith.constant 0 : i32
    %dma_start3A_199 = tpu.memref_slice %dma_start3A_196[%dma_start3A_197, %dma_start3A_198] : memref<10240x16xf32, #tpu.memory_space<hbm>> -> memref<10240x16xf32, #tpu.memory_space<hbm>>
    tpu.enqueue_indirect_dma source(%dma_start3A_199 : memref<10240x16xf32, #tpu.memory_space<hbm>>) target(%arg13 : memref<512x16xf32, #tpu.memory_space<vmem>>) offsets(%dma_start3A_192 : memref<512xi32, #tpu.memory_space<vmem>>) semaphore(%arg21 : memref<!tpu.dma_semaphore, #tpu.memory_space<semaphore_mem>>)
    %dma_wait3A_200 = arith.constant 4 : i32
    %dma_wait3A_201 = arith.constant 0 : i32
    %dma_wait3A_202 = tpu.memref_slice %arg10[%dma_wait3A_200, %dma_wait3A_201] : memref<20x512xi32, #tpu.memory_space<vmem>> -> memref<1x512xi32, #tpu.memory_space<vmem>>
    %dma_wait3A_203 = tpu.memref_squeeze %dma_wait3A_202 : memref<1x512xi32, #tpu.memory_space<vmem>> -> memref<512xi32, #tpu.memory_space<vmem>>
    %dma_wait3A_204 = arith.constant 0 : i32
    %dma_wait3A_205 = arith.constant 0 : i32
    %dma_wait3A_206 = tpu.memref_slice %arg9[%arg0, %dma_wait3A_204, %dma_wait3A_205] : memref<2x10240x16xf32, #tpu.memory_space<hbm>> -> memref<1x10240x16xf32, #tpu.memory_space<hbm>>
    %dma_wait3A_207 = tpu.memref_squeeze %dma_wait3A_206 : memref<1x10240x16xf32, #tpu.memory_space<hbm>> -> memref<10240x16xf32, #tpu.memory_space<hbm>>
    %dma_wait3A_208 = arith.constant 0 : i32
    %dma_wait3A_209 = arith.constant 0 : i32
    %dma_wait3A_210 = tpu.memref_slice %dma_wait3A_207[%dma_wait3A_208, %dma_wait3A_209] : memref<10240x16xf32, #tpu.memory_space<hbm>> -> memref<10240x16xf32, #tpu.memory_space<hbm>>
    tpu.wait_indirect_dma semaphore(%arg25 : memref<!tpu.dma_semaphore, #tpu.memory_space<semaphore_mem>>) src(%dma_wait3A_210 : memref<10240x16xf32, #tpu.memory_space<hbm>>) dst(%arg17 : memref<512x16xf32, #tpu.memory_space<vmem>>)
    %dma_start3A_211 = arith.constant 4 : i32
    %dma_start3A_212 = arith.constant 0 : i32
    %dma_start3A_213 = tpu.memref_slice %arg11[%dma_start3A_211, %dma_start3A_212] : memref<20x512xi32, #tpu.memory_space<vmem>> -> memref<1x512xi32, #tpu.memory_space<vmem>>
    %dma_start3A_214 = tpu.memref_squeeze %dma_start3A_213 : memref<1x512xi32, #tpu.memory_space<vmem>> -> memref<512xi32, #tpu.memory_space<vmem>>
    %dma_start3A_215 = arith.constant 0 : i32
    %dma_start3A_216 = arith.constant 0 : i32
    %dma_start3A_217 = tpu.memref_slice %arg12[%dma_start3A_215, %dma_start3A_216] : memref<10240x16xf32, #tpu.memory_space<vmem_shared>> -> memref<10240x16xf32, #tpu.memory_space<vmem_shared>>
    tpu.enqueue_indirect_dma source(%arg17 : memref<512x16xf32, #tpu.memory_space<vmem>>) target(%dma_start3A_217 : memref<10240x16xf32, #tpu.memory_space<vmem_shared>>) offsets(%dma_start3A_214 : memref<512xi32, #tpu.memory_space<vmem>>) semaphore(%arg33 : memref<!tpu.dma_semaphore, #tpu.memory_space<semaphore_mem>>) {add = true}
    %dma_wait3A_218 = arith.constant 1 : i32
    %dma_wait3A_219 = arith.constant 0 : i32
    %dma_wait3A_220 = tpu.memref_slice %arg11[%dma_wait3A_218, %dma_wait3A_219] : memref<20x512xi32, #tpu.memory_space<vmem>> -> memref<1x512xi32, #tpu.memory_space<vmem>>
    %dma_wait3A_221 = tpu.memref_squeeze %dma_wait3A_220 : memref<1x512xi32, #tpu.memory_space<vmem>> -> memref<512xi32, #tpu.memory_space<vmem>>
    %dma_wait3A_222 = arith.constant 0 : i32
    %dma_wait3A_223 = arith.constant 0 : i32
    %dma_wait3A_224 = tpu.memref_slice %arg12[%dma_wait3A_222, %dma_wait3A_223] : memref<10240x16xf32, #tpu.memory_space<vmem_shared>> -> memref<10240x16xf32, #tpu.memory_space<vmem_shared>>
    tpu.wait_indirect_dma semaphore(%arg30 : memref<!tpu.dma_semaphore, #tpu.memory_space<semaphore_mem>>) src(%arg14 : memref<512x16xf32, #tpu.memory_space<vmem>>) dst(%dma_wait3A_224 : memref<10240x16xf32, #tpu.memory_space<vmem_shared>>)
    %dma_start3A_225 = arith.constant 9 : i32
    %dma_start3A_226 = arith.constant 0 : i32
    %dma_start3A_227 = tpu.memref_slice %arg10[%dma_start3A_225, %dma_start3A_226] : memref<20x512xi32, #tpu.memory_space<vmem>> -> memref<1x512xi32, #tpu.memory_space<vmem>>
    %dma_start3A_228 = tpu.memref_squeeze %dma_start3A_227 : memref<1x512xi32, #tpu.memory_space<vmem>> -> memref<512xi32, #tpu.memory_space<vmem>>
    %dma_start3A_229 = arith.constant 0 : i32
    %dma_start3A_230 = arith.constant 0 : i32
    %dma_start3A_231 = tpu.memref_slice %arg9[%arg0, %dma_start3A_229, %dma_start3A_230] : memref<2x10240x16xf32, #tpu.memory_space<hbm>> -> memref<1x10240x16xf32, #tpu.memory_space<hbm>>
    %dma_start3A_232 = tpu.memref_squeeze %dma_start3A_231 : memref<1x10240x16xf32, #tpu.memory_space<hbm>> -> memref<10240x16xf32, #tpu.memory_space<hbm>>
    %dma_start3A_233 = arith.constant 0 : i32
    %dma_start3A_234 = arith.constant 0 : i32
    %dma_start3A_235 = tpu.memref_slice %dma_start3A_232[%dma_start3A_233, %dma_start3A_234] : memref<10240x16xf32, #tpu.memory_space<hbm>> -> memref<10240x16xf32, #tpu.memory_space<hbm>>
    tpu.enqueue_indirect_dma source(%dma_start3A_235 : memref<10240x16xf32, #tpu.memory_space<hbm>>) target(%arg14 : memref<512x16xf32, #tpu.memory_space<vmem>>) offsets(%dma_start3A_228 : memref<512xi32, #tpu.memory_space<vmem>>) semaphore(%arg22 : memref<!tpu.dma_semaphore, #tpu.memory_space<semaphore_mem>>)
    %dma_wait3A_236 = arith.constant 5 : i32
    %dma_wait3A_237 = arith.constant 0 : i32
    %dma_wait3A_238 = tpu.memref_slice %arg10[%dma_wait3A_236, %dma_wait3A_237] : memref<20x512xi32, #tpu.memory_space<vmem>> -> memref<1x512xi32, #tpu.memory_space<vmem>>
    %dma_wait3A_239 = tpu.memref_squeeze %dma_wait3A_238 : memref<1x512xi32, #tpu.memory_space<vmem>> -> memref<512xi32, #tpu.memory_space<vmem>>
    %dma_wait3A_240 = arith.constant 0 : i32
    %dma_wait3A_241 = arith.constant 0 : i32
    %dma_wait3A_242 = tpu.memref_slice %arg9[%arg0, %dma_wait3A_240, %dma_wait3A_241] : memref<2x10240x16xf32, #tpu.memory_space<hbm>> -> memref<1x10240x16xf32, #tpu.memory_space<hbm>>
    %dma_wait3A_243 = tpu.memref_squeeze %dma_wait3A_242 : memref<1x10240x16xf32, #tpu.memory_space<hbm>> -> memref<10240x16xf32, #tpu.memory_space<hbm>>
    %dma_wait3A_244 = arith.constant 0 : i32
    %dma_wait3A_245 = arith.constant 0 : i32
    %dma_wait3A_246 = tpu.memref_slice %dma_wait3A_243[%dma_wait3A_244, %dma_wait3A_245] : memref<10240x16xf32, #tpu.memory_space<hbm>> -> memref<10240x16xf32, #tpu.memory_space<hbm>>
    tpu.wait_indirect_dma semaphore(%arg26 : memref<!tpu.dma_semaphore, #tpu.memory_space<semaphore_mem>>) src(%dma_wait3A_246 : memref<10240x16xf32, #tpu.memory_space<hbm>>) dst(%arg18 : memref<512x16xf32, #tpu.memory_space<vmem>>)
    %dma_start3A_247 = arith.constant 5 : i32
    %dma_start3A_248 = arith.constant 0 : i32
    %dma_start3A_249 = tpu.memref_slice %arg11[%dma_start3A_247, %dma_start3A_248] : memref<20x512xi32, #tpu.memory_space<vmem>> -> memref<1x512xi32, #tpu.memory_space<vmem>>
    %dma_start3A_250 = tpu.memref_squeeze %dma_start3A_249 : memref<1x512xi32, #tpu.memory_space<vmem>> -> memref<512xi32, #tpu.memory_space<vmem>>
    %dma_start3A_251 = arith.constant 0 : i32
    %dma_start3A_252 = arith.constant 0 : i32
    %dma_start3A_253 = tpu.memref_slice %arg12[%dma_start3A_251, %dma_start3A_252] : memref<10240x16xf32, #tpu.memory_space<vmem_shared>> -> memref<10240x16xf32, #tpu.memory_space<vmem_shared>>
    tpu.enqueue_indirect_dma source(%arg18 : memref<512x16xf32, #tpu.memory_space<vmem>>) target(%dma_start3A_253 : memref<10240x16xf32, #tpu.memory_space<vmem_shared>>) offsets(%dma_start3A_250 : memref<512xi32, #tpu.memory_space<vmem>>) semaphore(%arg34 : memref<!tpu.dma_semaphore, #tpu.memory_space<semaphore_mem>>) {add = true}
    %dma_wait3A_254 = arith.constant 2 : i32
    %dma_wait3A_255 = arith.constant 0 : i32
    %dma_wait3A_256 = tpu.memref_slice %arg11[%dma_wait3A_254, %dma_wait3A_255] : memref<20x512xi32, #tpu.memory_space<vmem>> -> memref<1x512xi32, #tpu.memory_space<vmem>>
    %dma_wait3A_257 = tpu.memref_squeeze %dma_wait3A_256 : memref<1x512xi32, #tpu.memory_space<vmem>> -> memref<512xi32, #tpu.memory_space<vmem>>
    %dma_wait3A_258 = arith.constant 0 : i32
    %dma_wait3A_259 = arith.constant 0 : i32
    %dma_wait3A_260 = tpu.memref_slice %arg12[%dma_wait3A_258, %dma_wait3A_259] : memref<10240x16xf32, #tpu.memory_space<vmem_shared>> -> memref<10240x16xf32, #tpu.memory_space<vmem_shared>>
    tpu.wait_indirect_dma semaphore(%arg31 : memref<!tpu.dma_semaphore, #tpu.memory_space<semaphore_mem>>) src(%arg15 : memref<512x16xf32, #tpu.memory_space<vmem>>) dst(%dma_wait3A_260 : memref<10240x16xf32, #tpu.memory_space<vmem_shared>>)
    %dma_start3A_261 = arith.constant 10 : i32
    %dma_start3A_262 = arith.constant 0 : i32
    %dma_start3A_263 = tpu.memref_slice %arg10[%dma_start3A_261, %dma_start3A_262] : memref<20x512xi32, #tpu.memory_space<vmem>> -> memref<1x512xi32, #tpu.memory_space<vmem>>
    %dma_start3A_264 = tpu.memref_squeeze %dma_start3A_263 : memref<1x512xi32, #tpu.memory_space<vmem>> -> memref<512xi32, #tpu.memory_space<vmem>>
    %dma_start3A_265 = arith.constant 0 : i32
    %dma_start3A_266 = arith.constant 0 : i32
    %dma_start3A_267 = tpu.memref_slice %arg9[%arg0, %dma_start3A_265, %dma_start3A_266] : memref<2x10240x16xf32, #tpu.memory_space<hbm>> -> memref<1x10240x16xf32, #tpu.memory_space<hbm>>
    %dma_start3A_268 = tpu.memref_squeeze %dma_start3A_267 : memref<1x10240x16xf32, #tpu.memory_space<hbm>> -> memref<10240x16xf32, #tpu.memory_space<hbm>>
    %dma_start3A_269 = arith.constant 0 : i32
    %dma_start3A_270 = arith.constant 0 : i32
    %dma_start3A_271 = tpu.memref_slice %dma_start3A_268[%dma_start3A_269, %dma_start3A_270] : memref<10240x16xf32, #tpu.memory_space<hbm>> -> memref<10240x16xf32, #tpu.memory_space<hbm>>
    tpu.enqueue_indirect_dma source(%dma_start3A_271 : memref<10240x16xf32, #tpu.memory_space<hbm>>) target(%arg15 : memref<512x16xf32, #tpu.memory_space<vmem>>) offsets(%dma_start3A_264 : memref<512xi32, #tpu.memory_space<vmem>>) semaphore(%arg23 : memref<!tpu.dma_semaphore, #tpu.memory_space<semaphore_mem>>)
    %dma_wait3A_272 = arith.constant 6 : i32
    %dma_wait3A_273 = arith.constant 0 : i32
    %dma_wait3A_274 = tpu.memref_slice %arg10[%dma_wait3A_272, %dma_wait3A_273] : memref<20x512xi32, #tpu.memory_space<vmem>> -> memref<1x512xi32, #tpu.memory_space<vmem>>
    %dma_wait3A_275 = tpu.memref_squeeze %dma_wait3A_274 : memref<1x512xi32, #tpu.memory_space<vmem>> -> memref<512xi32, #tpu.memory_space<vmem>>
    %dma_wait3A_276 = arith.constant 0 : i32
    %dma_wait3A_277 = arith.constant 0 : i32
    %dma_wait3A_278 = tpu.memref_slice %arg9[%arg0, %dma_wait3A_276, %dma_wait3A_277] : memref<2x10240x16xf32, #tpu.memory_space<hbm>> -> memref<1x10240x16xf32, #tpu.memory_space<hbm>>
    %dma_wait3A_279 = tpu.memref_squeeze %dma_wait3A_278 : memref<1x10240x16xf32, #tpu.memory_space<hbm>> -> memref<10240x16xf32, #tpu.memory_space<hbm>>
    %dma_wait3A_280 = arith.constant 0 : i32
    %dma_wait3A_281 = arith.constant 0 : i32
    %dma_wait3A_282 = tpu.memref_slice %dma_wait3A_279[%dma_wait3A_280, %dma_wait3A_281] : memref<10240x16xf32, #tpu.memory_space<hbm>> -> memref<10240x16xf32, #tpu.memory_space<hbm>>
    tpu.wait_indirect_dma semaphore(%arg27 : memref<!tpu.dma_semaphore, #tpu.memory_space<semaphore_mem>>) src(%dma_wait3A_282 : memref<10240x16xf32, #tpu.memory_space<hbm>>) dst(%arg19 : memref<512x16xf32, #tpu.memory_space<vmem>>)
    %dma_start3A_283 = arith.constant 6 : i32
    %dma_start3A_284 = arith.constant 0 : i32
    %dma_start3A_285 = tpu.memref_slice %arg11[%dma_start3A_283, %dma_start3A_284] : memref<20x512xi32, #tpu.memory_space<vmem>> -> memref<1x512xi32, #tpu.memory_space<vmem>>
    %dma_start3A_286 = tpu.memref_squeeze %dma_start3A_285 : memref<1x512xi32, #tpu.memory_space<vmem>> -> memref<512xi32, #tpu.memory_space<vmem>>
    %dma_start3A_287 = arith.constant 0 : i32
    %dma_start3A_288 = arith.constant 0 : i32
    %dma_start3A_289 = tpu.memref_slice %arg12[%dma_start3A_287, %dma_start3A_288] : memref<10240x16xf32, #tpu.memory_space<vmem_shared>> -> memref<10240x16xf32, #tpu.memory_space<vmem_shared>>
    tpu.enqueue_indirect_dma source(%arg19 : memref<512x16xf32, #tpu.memory_space<vmem>>) target(%dma_start3A_289 : memref<10240x16xf32, #tpu.memory_space<vmem_shared>>) offsets(%dma_start3A_286 : memref<512xi32, #tpu.memory_space<vmem>>) semaphore(%arg35 : memref<!tpu.dma_semaphore, #tpu.memory_space<semaphore_mem>>) {add = true}
    %dma_wait3A_290 = arith.constant 3 : i32
    %dma_wait3A_291 = arith.constant 0 : i32
    %dma_wait3A_292 = tpu.memref_slice %arg11[%dma_wait3A_290, %dma_wait3A_291] : memref<20x512xi32, #tpu.memory_space<vmem>> -> memref<1x512xi32, #tpu.memory_space<vmem>>
    %dma_wait3A_293 = tpu.memref_squeeze %dma_wait3A_292 : memref<1x512xi32, #tpu.memory_space<vmem>> -> memref<512xi32, #tpu.memory_space<vmem>>
    %dma_wait3A_294 = arith.constant 0 : i32
    %dma_wait3A_295 = arith.constant 0 : i32
    %dma_wait3A_296 = tpu.memref_slice %arg12[%dma_wait3A_294, %dma_wait3A_295] : memref<10240x16xf32, #tpu.memory_space<vmem_shared>> -> memref<10240x16xf32, #tpu.memory_space<vmem_shared>>
    tpu.wait_indirect_dma semaphore(%arg32 : memref<!tpu.dma_semaphore, #tpu.memory_space<semaphore_mem>>) src(%arg16 : memref<512x16xf32, #tpu.memory_space<vmem>>) dst(%dma_wait3A_296 : memref<10240x16xf32, #tpu.memory_space<vmem_shared>>)
    %dma_start3A_297 = arith.constant 11 : i32
    %dma_start3A_298 = arith.constant 0 : i32
    %dma_start3A_299 = tpu.memref_slice %arg10[%dma_start3A_297, %dma_start3A_298] : memref<20x512xi32, #tpu.memory_space<vmem>> -> memref<1x512xi32, #tpu.memory_space<vmem>>
    %dma_start3A_300 = tpu.memref_squeeze %dma_start3A_299 : memref<1x512xi32, #tpu.memory_space<vmem>> -> memref<512xi32, #tpu.memory_space<vmem>>
    %dma_start3A_301 = arith.constant 0 : i32
    %dma_start3A_302 = arith.constant 0 : i32
    %dma_start3A_303 = tpu.memref_slice %arg9[%arg0, %dma_start3A_301, %dma_start3A_302] : memref<2x10240x16xf32, #tpu.memory_space<hbm>> -> memref<1x10240x16xf32, #tpu.memory_space<hbm>>
    %dma_start3A_304 = tpu.memref_squeeze %dma_start3A_303 : memref<1x10240x16xf32, #tpu.memory_space<hbm>> -> memref<10240x16xf32, #tpu.memory_space<hbm>>
    %dma_start3A_305 = arith.constant 0 : i32
    %dma_start3A_306 = arith.constant 0 : i32
    %dma_start3A_307 = tpu.memref_slice %dma_start3A_304[%dma_start3A_305, %dma_start3A_306] : memref<10240x16xf32, #tpu.memory_space<hbm>> -> memref<10240x16xf32, #tpu.memory_space<hbm>>
    tpu.enqueue_indirect_dma source(%dma_start3A_307 : memref<10240x16xf32, #tpu.memory_space<hbm>>) target(%arg16 : memref<512x16xf32, #tpu.memory_space<vmem>>) offsets(%dma_start3A_300 : memref<512xi32, #tpu.memory_space<vmem>>) semaphore(%arg24 : memref<!tpu.dma_semaphore, #tpu.memory_space<semaphore_mem>>)
    %dma_wait3A_308 = arith.constant 7 : i32
    %dma_wait3A_309 = arith.constant 0 : i32
    %dma_wait3A_310 = tpu.memref_slice %arg10[%dma_wait3A_308, %dma_wait3A_309] : memref<20x512xi32, #tpu.memory_space<vmem>> -> memref<1x512xi32, #tpu.memory_space<vmem>>
    %dma_wait3A_311 = tpu.memref_squeeze %dma_wait3A_310 : memref<1x512xi32, #tpu.memory_space<vmem>> -> memref<512xi32, #tpu.memory_space<vmem>>
    %dma_wait3A_312 = arith.constant 0 : i32
    %dma_wait3A_313 = arith.constant 0 : i32
    %dma_wait3A_314 = tpu.memref_slice %arg9[%arg0, %dma_wait3A_312, %dma_wait3A_313] : memref<2x10240x16xf32, #tpu.memory_space<hbm>> -> memref<1x10240x16xf32, #tpu.memory_space<hbm>>
    %dma_wait3A_315 = tpu.memref_squeeze %dma_wait3A_314 : memref<1x10240x16xf32, #tpu.memory_space<hbm>> -> memref<10240x16xf32, #tpu.memory_space<hbm>>
    %dma_wait3A_316 = arith.constant 0 : i32
    %dma_wait3A_317 = arith.constant 0 : i32
    %dma_wait3A_318 = tpu.memref_slice %dma_wait3A_315[%dma_wait3A_316, %dma_wait3A_317] : memref<10240x16xf32, #tpu.memory_space<hbm>> -> memref<10240x16xf32, #tpu.memory_space<hbm>>
    tpu.wait_indirect_dma semaphore(%arg28 : memref<!tpu.dma_semaphore, #tpu.memory_space<semaphore_mem>>) src(%dma_wait3A_318 : memref<10240x16xf32, #tpu.memory_space<hbm>>) dst(%arg20 : memref<512x16xf32, #tpu.memory_space<vmem>>)
    %dma_start3A_319 = arith.constant 7 : i32
    %dma_start3A_320 = arith.constant 0 : i32
    %dma_start3A_321 = tpu.memref_slice %arg11[%dma_start3A_319, %dma_start3A_320] : memref<20x512xi32, #tpu.memory_space<vmem>> -> memref<1x512xi32, #tpu.memory_space<vmem>>
    %dma_start3A_322 = tpu.memref_squeeze %dma_start3A_321 : memref<1x512xi32, #tpu.memory_space<vmem>> -> memref<512xi32, #tpu.memory_space<vmem>>
    %dma_start3A_323 = arith.constant 0 : i32
    %dma_start3A_324 = arith.constant 0 : i32
    %dma_start3A_325 = tpu.memref_slice %arg12[%dma_start3A_323, %dma_start3A_324] : memref<10240x16xf32, #tpu.memory_space<vmem_shared>> -> memref<10240x16xf32, #tpu.memory_space<vmem_shared>>
    tpu.enqueue_indirect_dma source(%arg20 : memref<512x16xf32, #tpu.memory_space<vmem>>) target(%dma_start3A_325 : memref<10240x16xf32, #tpu.memory_space<vmem_shared>>) offsets(%dma_start3A_322 : memref<512xi32, #tpu.memory_space<vmem>>) semaphore(%arg36 : memref<!tpu.dma_semaphore, #tpu.memory_space<semaphore_mem>>) {add = true}
    %dma_wait3A_326 = arith.constant 4 : i32
    %dma_wait3A_327 = arith.constant 0 : i32
    %dma_wait3A_328 = tpu.memref_slice %arg11[%dma_wait3A_326, %dma_wait3A_327] : memref<20x512xi32, #tpu.memory_space<vmem>> -> memref<1x512xi32, #tpu.memory_space<vmem>>
    %dma_wait3A_329 = tpu.memref_squeeze %dma_wait3A_328 : memref<1x512xi32, #tpu.memory_space<vmem>> -> memref<512xi32, #tpu.memory_space<vmem>>
    %dma_wait3A_330 = arith.constant 0 : i32
    %dma_wait3A_331 = arith.constant 0 : i32
    %dma_wait3A_332 = tpu.memref_slice %arg12[%dma_wait3A_330, %dma_wait3A_331] : memref<10240x16xf32, #tpu.memory_space<vmem_shared>> -> memref<10240x16xf32, #tpu.memory_space<vmem_shared>>
    tpu.wait_indirect_dma semaphore(%arg33 : memref<!tpu.dma_semaphore, #tpu.memory_space<semaphore_mem>>) src(%arg17 : memref<512x16xf32, #tpu.memory_space<vmem>>) dst(%dma_wait3A_332 : memref<10240x16xf32, #tpu.memory_space<vmem_shared>>)
    %dma_start3A_333 = arith.constant 12 : i32
    %dma_start3A_334 = arith.constant 0 : i32
    %dma_start3A_335 = tpu.memref_slice %arg10[%dma_start3A_333, %dma_start3A_334] : memref<20x512xi32, #tpu.memory_space<vmem>> -> memref<1x512xi32, #tpu.memory_space<vmem>>
    %dma_start3A_336 = tpu.memref_squeeze %dma_start3A_335 : memref<1x512xi32, #tpu.memory_space<vmem>> -> memref<512xi32, #tpu.memory_space<vmem>>
    %dma_start3A_337 = arith.constant 0 : i32
    %dma_start3A_338 = arith.constant 0 : i32
    %dma_start3A_339 = tpu.memref_slice %arg9[%arg0, %dma_start3A_337, %dma_start3A_338] : memref<2x10240x16xf32, #tpu.memory_space<hbm>> -> memref<1x10240x16xf32, #tpu.memory_space<hbm>>
    %dma_start3A_340 = tpu.memref_squeeze %dma_start3A_339 : memref<1x10240x16xf32, #tpu.memory_space<hbm>> -> memref<10240x16xf32, #tpu.memory_space<hbm>>
    %dma_start3A_341 = arith.constant 0 : i32
    %dma_start3A_342 = arith.constant 0 : i32
    %dma_start3A_343 = tpu.memref_slice %dma_start3A_340[%dma_start3A_341, %dma_start3A_342] : memref<10240x16xf32, #tpu.memory_space<hbm>> -> memref<10240x16xf32, #tpu.memory_space<hbm>>
    tpu.enqueue_indirect_dma source(%dma_start3A_343 : memref<10240x16xf32, #tpu.memory_space<hbm>>) target(%arg17 : memref<512x16xf32, #tpu.memory_space<vmem>>) offsets(%dma_start3A_336 : memref<512xi32, #tpu.memory_space<vmem>>) semaphore(%arg25 : memref<!tpu.dma_semaphore, #tpu.memory_space<semaphore_mem>>)
    %dma_wait3A_344 = arith.constant 8 : i32
    %dma_wait3A_345 = arith.constant 0 : i32
    %dma_wait3A_346 = tpu.memref_slice %arg10[%dma_wait3A_344, %dma_wait3A_345] : memref<20x512xi32, #tpu.memory_space<vmem>> -> memref<1x512xi32, #tpu.memory_space<vmem>>
    %dma_wait3A_347 = tpu.memref_squeeze %dma_wait3A_346 : memref<1x512xi32, #tpu.memory_space<vmem>> -> memref<512xi32, #tpu.memory_space<vmem>>
    %dma_wait3A_348 = arith.constant 0 : i32
    %dma_wait3A_349 = arith.constant 0 : i32
    %dma_wait3A_350 = tpu.memref_slice %arg9[%arg0, %dma_wait3A_348, %dma_wait3A_349] : memref<2x10240x16xf32, #tpu.memory_space<hbm>> -> memref<1x10240x16xf32, #tpu.memory_space<hbm>>
    %dma_wait3A_351 = tpu.memref_squeeze %dma_wait3A_350 : memref<1x10240x16xf32, #tpu.memory_space<hbm>> -> memref<10240x16xf32, #tpu.memory_space<hbm>>
    %dma_wait3A_352 = arith.constant 0 : i32
    %dma_wait3A_353 = arith.constant 0 : i32
    %dma_wait3A_354 = tpu.memref_slice %dma_wait3A_351[%dma_wait3A_352, %dma_wait3A_353] : memref<10240x16xf32, #tpu.memory_space<hbm>> -> memref<10240x16xf32, #tpu.memory_space<hbm>>
    tpu.wait_indirect_dma semaphore(%arg21 : memref<!tpu.dma_semaphore, #tpu.memory_space<semaphore_mem>>) src(%dma_wait3A_354 : memref<10240x16xf32, #tpu.memory_space<hbm>>) dst(%arg13 : memref<512x16xf32, #tpu.memory_space<vmem>>)
    %dma_start3A_355 = arith.constant 8 : i32
    %dma_start3A_356 = arith.constant 0 : i32
    %dma_start3A_357 = tpu.memref_slice %arg11[%dma_start3A_355, %dma_start3A_356] : memref<20x512xi32, #tpu.memory_space<vmem>> -> memref<1x512xi32, #tpu.memory_space<vmem>>
    %dma_start3A_358 = tpu.memref_squeeze %dma_start3A_357 : memref<1x512xi32, #tpu.memory_space<vmem>> -> memref<512xi32, #tpu.memory_space<vmem>>
    %dma_start3A_359 = arith.constant 0 : i32
    %dma_start3A_360 = arith.constant 0 : i32
    %dma_start3A_361 = tpu.memref_slice %arg12[%dma_start3A_359, %dma_start3A_360] : memref<10240x16xf32, #tpu.memory_space<vmem_shared>> -> memref<10240x16xf32, #tpu.memory_space<vmem_shared>>
    tpu.enqueue_indirect_dma source(%arg13 : memref<512x16xf32, #tpu.memory_space<vmem>>) target(%dma_start3A_361 : memref<10240x16xf32, #tpu.memory_space<vmem_shared>>) offsets(%dma_start3A_358 : memref<512xi32, #tpu.memory_space<vmem>>) semaphore(%arg29 : memref<!tpu.dma_semaphore, #tpu.memory_space<semaphore_mem>>) {add = true}
    %dma_wait3A_362 = arith.constant 5 : i32
    %dma_wait3A_363 = arith.constant 0 : i32
    %dma_wait3A_364 = tpu.memref_slice %arg11[%dma_wait3A_362, %dma_wait3A_363] : memref<20x512xi32, #tpu.memory_space<vmem>> -> memref<1x512xi32, #tpu.memory_space<vmem>>
    %dma_wait3A_365 = tpu.memref_squeeze %dma_wait3A_364 : memref<1x512xi32, #tpu.memory_space<vmem>> -> memref<512xi32, #tpu.memory_space<vmem>>
    %dma_wait3A_366 = arith.constant 0 : i32
    %dma_wait3A_367 = arith.constant 0 : i32
    %dma_wait3A_368 = tpu.memref_slice %arg12[%dma_wait3A_366, %dma_wait3A_367] : memref<10240x16xf32, #tpu.memory_space<vmem_shared>> -> memref<10240x16xf32, #tpu.memory_space<vmem_shared>>
    tpu.wait_indirect_dma semaphore(%arg34 : memref<!tpu.dma_semaphore, #tpu.memory_space<semaphore_mem>>) src(%arg18 : memref<512x16xf32, #tpu.memory_space<vmem>>) dst(%dma_wait3A_368 : memref<10240x16xf32, #tpu.memory_space<vmem_shared>>)
    %dma_start3A_369 = arith.constant 13 : i32
    %dma_start3A_370 = arith.constant 0 : i32
    %dma_start3A_371 = tpu.memref_slice %arg10[%dma_start3A_369, %dma_start3A_370] : memref<20x512xi32, #tpu.memory_space<vmem>> -> memref<1x512xi32, #tpu.memory_space<vmem>>
    %dma_start3A_372 = tpu.memref_squeeze %dma_start3A_371 : memref<1x512xi32, #tpu.memory_space<vmem>> -> memref<512xi32, #tpu.memory_space<vmem>>
    %dma_start3A_373 = arith.constant 0 : i32
    %dma_start3A_374 = arith.constant 0 : i32
    %dma_start3A_375 = tpu.memref_slice %arg9[%arg0, %dma_start3A_373, %dma_start3A_374] : memref<2x10240x16xf32, #tpu.memory_space<hbm>> -> memref<1x10240x16xf32, #tpu.memory_space<hbm>>
    %dma_start3A_376 = tpu.memref_squeeze %dma_start3A_375 : memref<1x10240x16xf32, #tpu.memory_space<hbm>> -> memref<10240x16xf32, #tpu.memory_space<hbm>>
    %dma_start3A_377 = arith.constant 0 : i32
    %dma_start3A_378 = arith.constant 0 : i32
    %dma_start3A_379 = tpu.memref_slice %dma_start3A_376[%dma_start3A_377, %dma_start3A_378] : memref<10240x16xf32, #tpu.memory_space<hbm>> -> memref<10240x16xf32, #tpu.memory_space<hbm>>
    tpu.enqueue_indirect_dma source(%dma_start3A_379 : memref<10240x16xf32, #tpu.memory_space<hbm>>) target(%arg18 : memref<512x16xf32, #tpu.memory_space<vmem>>) offsets(%dma_start3A_372 : memref<512xi32, #tpu.memory_space<vmem>>) semaphore(%arg26 : memref<!tpu.dma_semaphore, #tpu.memory_space<semaphore_mem>>)
    %dma_wait3A_380 = arith.constant 9 : i32
    %dma_wait3A_381 = arith.constant 0 : i32
    %dma_wait3A_382 = tpu.memref_slice %arg10[%dma_wait3A_380, %dma_wait3A_381] : memref<20x512xi32, #tpu.memory_space<vmem>> -> memref<1x512xi32, #tpu.memory_space<vmem>>
    %dma_wait3A_383 = tpu.memref_squeeze %dma_wait3A_382 : memref<1x512xi32, #tpu.memory_space<vmem>> -> memref<512xi32, #tpu.memory_space<vmem>>
    %dma_wait3A_384 = arith.constant 0 : i32
    %dma_wait3A_385 = arith.constant 0 : i32
    %dma_wait3A_386 = tpu.memref_slice %arg9[%arg0, %dma_wait3A_384, %dma_wait3A_385] : memref<2x10240x16xf32, #tpu.memory_space<hbm>> -> memref<1x10240x16xf32, #tpu.memory_space<hbm>>
    %dma_wait3A_387 = tpu.memref_squeeze %dma_wait3A_386 : memref<1x10240x16xf32, #tpu.memory_space<hbm>> -> memref<10240x16xf32, #tpu.memory_space<hbm>>
    %dma_wait3A_388 = arith.constant 0 : i32
    %dma_wait3A_389 = arith.constant 0 : i32
    %dma_wait3A_390 = tpu.memref_slice %dma_wait3A_387[%dma_wait3A_388, %dma_wait3A_389] : memref<10240x16xf32, #tpu.memory_space<hbm>> -> memref<10240x16xf32, #tpu.memory_space<hbm>>
    tpu.wait_indirect_dma semaphore(%arg22 : memref<!tpu.dma_semaphore, #tpu.memory_space<semaphore_mem>>) src(%dma_wait3A_390 : memref<10240x16xf32, #tpu.memory_space<hbm>>) dst(%arg14 : memref<512x16xf32, #tpu.memory_space<vmem>>)
    %dma_start3A_391 = arith.constant 9 : i32
    %dma_start3A_392 = arith.constant 0 : i32
    %dma_start3A_393 = tpu.memref_slice %arg11[%dma_start3A_391, %dma_start3A_392] : memref<20x512xi32, #tpu.memory_space<vmem>> -> memref<1x512xi32, #tpu.memory_space<vmem>>
    %dma_start3A_394 = tpu.memref_squeeze %dma_start3A_393 : memref<1x512xi32, #tpu.memory_space<vmem>> -> memref<512xi32, #tpu.memory_space<vmem>>
    %dma_start3A_395 = arith.constant 0 : i32
    %dma_start3A_396 = arith.constant 0 : i32
    %dma_start3A_397 = tpu.memref_slice %arg12[%dma_start3A_395, %dma_start3A_396] : memref<10240x16xf32, #tpu.memory_space<vmem_shared>> -> memref<10240x16xf32, #tpu.memory_space<vmem_shared>>
    tpu.enqueue_indirect_dma source(%arg14 : memref<512x16xf32, #tpu.memory_space<vmem>>) target(%dma_start3A_397 : memref<10240x16xf32, #tpu.memory_space<vmem_shared>>) offsets(%dma_start3A_394 : memref<512xi32, #tpu.memory_space<vmem>>) semaphore(%arg30 : memref<!tpu.dma_semaphore, #tpu.memory_space<semaphore_mem>>) {add = true}
    %dma_wait3A_398 = arith.constant 6 : i32
    %dma_wait3A_399 = arith.constant 0 : i32
    %dma_wait3A_400 = tpu.memref_slice %arg11[%dma_wait3A_398, %dma_wait3A_399] : memref<20x512xi32, #tpu.memory_space<vmem>> -> memref<1x512xi32, #tpu.memory_space<vmem>>
    %dma_wait3A_401 = tpu.memref_squeeze %dma_wait3A_400 : memref<1x512xi32, #tpu.memory_space<vmem>> -> memref<512xi32, #tpu.memory_space<vmem>>
    %dma_wait3A_402 = arith.constant 0 : i32
    %dma_wait3A_403 = arith.constant 0 : i32
    %dma_wait3A_404 = tpu.memref_slice %arg12[%dma_wait3A_402, %dma_wait3A_403] : memref<10240x16xf32, #tpu.memory_space<vmem_shared>> -> memref<10240x16xf32, #tpu.memory_space<vmem_shared>>
    tpu.wait_indirect_dma semaphore(%arg35 : memref<!tpu.dma_semaphore, #tpu.memory_space<semaphore_mem>>) src(%arg19 : memref<512x16xf32, #tpu.memory_space<vmem>>) dst(%dma_wait3A_404 : memref<10240x16xf32, #tpu.memory_space<vmem_shared>>)
    %dma_start3A_405 = arith.constant 14 : i32
    %dma_start3A_406 = arith.constant 0 : i32
    %dma_start3A_407 = tpu.memref_slice %arg10[%dma_start3A_405, %dma_start3A_406] : memref<20x512xi32, #tpu.memory_space<vmem>> -> memref<1x512xi32, #tpu.memory_space<vmem>>
    %dma_start3A_408 = tpu.memref_squeeze %dma_start3A_407 : memref<1x512xi32, #tpu.memory_space<vmem>> -> memref<512xi32, #tpu.memory_space<vmem>>
    %dma_start3A_409 = arith.constant 0 : i32
    %dma_start3A_410 = arith.constant 0 : i32
    %dma_start3A_411 = tpu.memref_slice %arg9[%arg0, %dma_start3A_409, %dma_start3A_410] : memref<2x10240x16xf32, #tpu.memory_space<hbm>> -> memref<1x10240x16xf32, #tpu.memory_space<hbm>>
    %dma_start3A_412 = tpu.memref_squeeze %dma_start3A_411 : memref<1x10240x16xf32, #tpu.memory_space<hbm>> -> memref<10240x16xf32, #tpu.memory_space<hbm>>
    %dma_start3A_413 = arith.constant 0 : i32
    %dma_start3A_414 = arith.constant 0 : i32
    %dma_start3A_415 = tpu.memref_slice %dma_start3A_412[%dma_start3A_413, %dma_start3A_414] : memref<10240x16xf32, #tpu.memory_space<hbm>> -> memref<10240x16xf32, #tpu.memory_space<hbm>>
    tpu.enqueue_indirect_dma source(%dma_start3A_415 : memref<10240x16xf32, #tpu.memory_space<hbm>>) target(%arg19 : memref<512x16xf32, #tpu.memory_space<vmem>>) offsets(%dma_start3A_408 : memref<512xi32, #tpu.memory_space<vmem>>) semaphore(%arg27 : memref<!tpu.dma_semaphore, #tpu.memory_space<semaphore_mem>>)
    %dma_wait3A_416 = arith.constant 10 : i32
    %dma_wait3A_417 = arith.constant 0 : i32
    %dma_wait3A_418 = tpu.memref_slice %arg10[%dma_wait3A_416, %dma_wait3A_417] : memref<20x512xi32, #tpu.memory_space<vmem>> -> memref<1x512xi32, #tpu.memory_space<vmem>>
    %dma_wait3A_419 = tpu.memref_squeeze %dma_wait3A_418 : memref<1x512xi32, #tpu.memory_space<vmem>> -> memref<512xi32, #tpu.memory_space<vmem>>
    %dma_wait3A_420 = arith.constant 0 : i32
    %dma_wait3A_421 = arith.constant 0 : i32
    %dma_wait3A_422 = tpu.memref_slice %arg9[%arg0, %dma_wait3A_420, %dma_wait3A_421] : memref<2x10240x16xf32, #tpu.memory_space<hbm>> -> memref<1x10240x16xf32, #tpu.memory_space<hbm>>
    %dma_wait3A_423 = tpu.memref_squeeze %dma_wait3A_422 : memref<1x10240x16xf32, #tpu.memory_space<hbm>> -> memref<10240x16xf32, #tpu.memory_space<hbm>>
    %dma_wait3A_424 = arith.constant 0 : i32
    %dma_wait3A_425 = arith.constant 0 : i32
    %dma_wait3A_426 = tpu.memref_slice %dma_wait3A_423[%dma_wait3A_424, %dma_wait3A_425] : memref<10240x16xf32, #tpu.memory_space<hbm>> -> memref<10240x16xf32, #tpu.memory_space<hbm>>
    tpu.wait_indirect_dma semaphore(%arg23 : memref<!tpu.dma_semaphore, #tpu.memory_space<semaphore_mem>>) src(%dma_wait3A_426 : memref<10240x16xf32, #tpu.memory_space<hbm>>) dst(%arg15 : memref<512x16xf32, #tpu.memory_space<vmem>>)
    %dma_start3A_427 = arith.constant 10 : i32
    %dma_start3A_428 = arith.constant 0 : i32
    %dma_start3A_429 = tpu.memref_slice %arg11[%dma_start3A_427, %dma_start3A_428] : memref<20x512xi32, #tpu.memory_space<vmem>> -> memref<1x512xi32, #tpu.memory_space<vmem>>
    %dma_start3A_430 = tpu.memref_squeeze %dma_start3A_429 : memref<1x512xi32, #tpu.memory_space<vmem>> -> memref<512xi32, #tpu.memory_space<vmem>>
    %dma_start3A_431 = arith.constant 0 : i32
    %dma_start3A_432 = arith.constant 0 : i32
    %dma_start3A_433 = tpu.memref_slice %arg12[%dma_start3A_431, %dma_start3A_432] : memref<10240x16xf32, #tpu.memory_space<vmem_shared>> -> memref<10240x16xf32, #tpu.memory_space<vmem_shared>>
    tpu.enqueue_indirect_dma source(%arg15 : memref<512x16xf32, #tpu.memory_space<vmem>>) target(%dma_start3A_433 : memref<10240x16xf32, #tpu.memory_space<vmem_shared>>) offsets(%dma_start3A_430 : memref<512xi32, #tpu.memory_space<vmem>>) semaphore(%arg31 : memref<!tpu.dma_semaphore, #tpu.memory_space<semaphore_mem>>) {add = true}
    %dma_wait3A_434 = arith.constant 7 : i32
    %dma_wait3A_435 = arith.constant 0 : i32
    %dma_wait3A_436 = tpu.memref_slice %arg11[%dma_wait3A_434, %dma_wait3A_435] : memref<20x512xi32, #tpu.memory_space<vmem>> -> memref<1x512xi32, #tpu.memory_space<vmem>>
    %dma_wait3A_437 = tpu.memref_squeeze %dma_wait3A_436 : memref<1x512xi32, #tpu.memory_space<vmem>> -> memref<512xi32, #tpu.memory_space<vmem>>
    %dma_wait3A_438 = arith.constant 0 : i32
    %dma_wait3A_439 = arith.constant 0 : i32
    %dma_wait3A_440 = tpu.memref_slice %arg12[%dma_wait3A_438, %dma_wait3A_439] : memref<10240x16xf32, #tpu.memory_space<vmem_shared>> -> memref<10240x16xf32, #tpu.memory_space<vmem_shared>>
    tpu.wait_indirect_dma semaphore(%arg36 : memref<!tpu.dma_semaphore, #tpu.memory_space<semaphore_mem>>) src(%arg20 : memref<512x16xf32, #tpu.memory_space<vmem>>) dst(%dma_wait3A_440 : memref<10240x16xf32, #tpu.memory_space<vmem_shared>>)
    %dma_start3A_441 = arith.constant 15 : i32
    %dma_start3A_442 = arith.constant 0 : i32
    %dma_start3A_443 = tpu.memref_slice %arg10[%dma_start3A_441, %dma_start3A_442] : memref<20x512xi32, #tpu.memory_space<vmem>> -> memref<1x512xi32, #tpu.memory_space<vmem>>
    %dma_start3A_444 = tpu.memref_squeeze %dma_start3A_443 : memref<1x512xi32, #tpu.memory_space<vmem>> -> memref<512xi32, #tpu.memory_space<vmem>>
    %dma_start3A_445 = arith.constant 0 : i32
    %dma_start3A_446 = arith.constant 0 : i32
    %dma_start3A_447 = tpu.memref_slice %arg9[%arg0, %dma_start3A_445, %dma_start3A_446] : memref<2x10240x16xf32, #tpu.memory_space<hbm>> -> memref<1x10240x16xf32, #tpu.memory_space<hbm>>
    %dma_start3A_448 = tpu.memref_squeeze %dma_start3A_447 : memref<1x10240x16xf32, #tpu.memory_space<hbm>> -> memref<10240x16xf32, #tpu.memory_space<hbm>>
    %dma_start3A_449 = arith.constant 0 : i32
    %dma_start3A_450 = arith.constant 0 : i32
    %dma_start3A_451 = tpu.memref_slice %dma_start3A_448[%dma_start3A_449, %dma_start3A_450] : memref<10240x16xf32, #tpu.memory_space<hbm>> -> memref<10240x16xf32, #tpu.memory_space<hbm>>
    tpu.enqueue_indirect_dma source(%dma_start3A_451 : memref<10240x16xf32, #tpu.memory_space<hbm>>) target(%arg20 : memref<512x16xf32, #tpu.memory_space<vmem>>) offsets(%dma_start3A_444 : memref<512xi32, #tpu.memory_space<vmem>>) semaphore(%arg28 : memref<!tpu.dma_semaphore, #tpu.memory_space<semaphore_mem>>)
    %dma_wait3A_452 = arith.constant 11 : i32
    %dma_wait3A_453 = arith.constant 0 : i32
    %dma_wait3A_454 = tpu.memref_slice %arg10[%dma_wait3A_452, %dma_wait3A_453] : memref<20x512xi32, #tpu.memory_space<vmem>> -> memref<1x512xi32, #tpu.memory_space<vmem>>
    %dma_wait3A_455 = tpu.memref_squeeze %dma_wait3A_454 : memref<1x512xi32, #tpu.memory_space<vmem>> -> memref<512xi32, #tpu.memory_space<vmem>>
    %dma_wait3A_456 = arith.constant 0 : i32
    %dma_wait3A_457 = arith.constant 0 : i32
    %dma_wait3A_458 = tpu.memref_slice %arg9[%arg0, %dma_wait3A_456, %dma_wait3A_457] : memref<2x10240x16xf32, #tpu.memory_space<hbm>> -> memref<1x10240x16xf32, #tpu.memory_space<hbm>>
    %dma_wait3A_459 = tpu.memref_squeeze %dma_wait3A_458 : memref<1x10240x16xf32, #tpu.memory_space<hbm>> -> memref<10240x16xf32, #tpu.memory_space<hbm>>
    %dma_wait3A_460 = arith.constant 0 : i32
    %dma_wait3A_461 = arith.constant 0 : i32
    %dma_wait3A_462 = tpu.memref_slice %dma_wait3A_459[%dma_wait3A_460, %dma_wait3A_461] : memref<10240x16xf32, #tpu.memory_space<hbm>> -> memref<10240x16xf32, #tpu.memory_space<hbm>>
    tpu.wait_indirect_dma semaphore(%arg24 : memref<!tpu.dma_semaphore, #tpu.memory_space<semaphore_mem>>) src(%dma_wait3A_462 : memref<10240x16xf32, #tpu.memory_space<hbm>>) dst(%arg16 : memref<512x16xf32, #tpu.memory_space<vmem>>)
    %dma_start3A_463 = arith.constant 11 : i32
    %dma_start3A_464 = arith.constant 0 : i32
    %dma_start3A_465 = tpu.memref_slice %arg11[%dma_start3A_463, %dma_start3A_464] : memref<20x512xi32, #tpu.memory_space<vmem>> -> memref<1x512xi32, #tpu.memory_space<vmem>>
    %dma_start3A_466 = tpu.memref_squeeze %dma_start3A_465 : memref<1x512xi32, #tpu.memory_space<vmem>> -> memref<512xi32, #tpu.memory_space<vmem>>
    %dma_start3A_467 = arith.constant 0 : i32
    %dma_start3A_468 = arith.constant 0 : i32
    %dma_start3A_469 = tpu.memref_slice %arg12[%dma_start3A_467, %dma_start3A_468] : memref<10240x16xf32, #tpu.memory_space<vmem_shared>> -> memref<10240x16xf32, #tpu.memory_space<vmem_shared>>
    tpu.enqueue_indirect_dma source(%arg16 : memref<512x16xf32, #tpu.memory_space<vmem>>) target(%dma_start3A_469 : memref<10240x16xf32, #tpu.memory_space<vmem_shared>>) offsets(%dma_start3A_466 : memref<512xi32, #tpu.memory_space<vmem>>) semaphore(%arg32 : memref<!tpu.dma_semaphore, #tpu.memory_space<semaphore_mem>>) {add = true}
    %dma_wait3A_470 = arith.constant 8 : i32
    %dma_wait3A_471 = arith.constant 0 : i32
    %dma_wait3A_472 = tpu.memref_slice %arg11[%dma_wait3A_470, %dma_wait3A_471] : memref<20x512xi32, #tpu.memory_space<vmem>> -> memref<1x512xi32, #tpu.memory_space<vmem>>
    %dma_wait3A_473 = tpu.memref_squeeze %dma_wait3A_472 : memref<1x512xi32, #tpu.memory_space<vmem>> -> memref<512xi32, #tpu.memory_space<vmem>>
    %dma_wait3A_474 = arith.constant 0 : i32
    %dma_wait3A_475 = arith.constant 0 : i32
    %dma_wait3A_476 = tpu.memref_slice %arg12[%dma_wait3A_474, %dma_wait3A_475] : memref<10240x16xf32, #tpu.memory_space<vmem_shared>> -> memref<10240x16xf32, #tpu.memory_space<vmem_shared>>
    tpu.wait_indirect_dma semaphore(%arg29 : memref<!tpu.dma_semaphore, #tpu.memory_space<semaphore_mem>>) src(%arg13 : memref<512x16xf32, #tpu.memory_space<vmem>>) dst(%dma_wait3A_476 : memref<10240x16xf32, #tpu.memory_space<vmem_shared>>)
    %dma_start3A_477 = arith.constant 16 : i32
    %dma_start3A_478 = arith.constant 0 : i32
    %dma_start3A_479 = tpu.memref_slice %arg10[%dma_start3A_477, %dma_start3A_478] : memref<20x512xi32, #tpu.memory_space<vmem>> -> memref<1x512xi32, #tpu.memory_space<vmem>>
    %dma_start3A_480 = tpu.memref_squeeze %dma_start3A_479 : memref<1x512xi32, #tpu.memory_space<vmem>> -> memref<512xi32, #tpu.memory_space<vmem>>
    %dma_start3A_481 = arith.constant 0 : i32
    %dma_start3A_482 = arith.constant 0 : i32
    %dma_start3A_483 = tpu.memref_slice %arg9[%arg0, %dma_start3A_481, %dma_start3A_482] : memref<2x10240x16xf32, #tpu.memory_space<hbm>> -> memref<1x10240x16xf32, #tpu.memory_space<hbm>>
    %dma_start3A_484 = tpu.memref_squeeze %dma_start3A_483 : memref<1x10240x16xf32, #tpu.memory_space<hbm>> -> memref<10240x16xf32, #tpu.memory_space<hbm>>
    %dma_start3A_485 = arith.constant 0 : i32
    %dma_start3A_486 = arith.constant 0 : i32
    %dma_start3A_487 = tpu.memref_slice %dma_start3A_484[%dma_start3A_485, %dma_start3A_486] : memref<10240x16xf32, #tpu.memory_space<hbm>> -> memref<10240x16xf32, #tpu.memory_space<hbm>>
    tpu.enqueue_indirect_dma source(%dma_start3A_487 : memref<10240x16xf32, #tpu.memory_space<hbm>>) target(%arg13 : memref<512x16xf32, #tpu.memory_space<vmem>>) offsets(%dma_start3A_480 : memref<512xi32, #tpu.memory_space<vmem>>) semaphore(%arg21 : memref<!tpu.dma_semaphore, #tpu.memory_space<semaphore_mem>>)
    %dma_wait3A_488 = arith.constant 12 : i32
    %dma_wait3A_489 = arith.constant 0 : i32
    %dma_wait3A_490 = tpu.memref_slice %arg10[%dma_wait3A_488, %dma_wait3A_489] : memref<20x512xi32, #tpu.memory_space<vmem>> -> memref<1x512xi32, #tpu.memory_space<vmem>>
    %dma_wait3A_491 = tpu.memref_squeeze %dma_wait3A_490 : memref<1x512xi32, #tpu.memory_space<vmem>> -> memref<512xi32, #tpu.memory_space<vmem>>
    %dma_wait3A_492 = arith.constant 0 : i32
    %dma_wait3A_493 = arith.constant 0 : i32
    %dma_wait3A_494 = tpu.memref_slice %arg9[%arg0, %dma_wait3A_492, %dma_wait3A_493] : memref<2x10240x16xf32, #tpu.memory_space<hbm>> -> memref<1x10240x16xf32, #tpu.memory_space<hbm>>
    %dma_wait3A_495 = tpu.memref_squeeze %dma_wait3A_494 : memref<1x10240x16xf32, #tpu.memory_space<hbm>> -> memref<10240x16xf32, #tpu.memory_space<hbm>>
    %dma_wait3A_496 = arith.constant 0 : i32
    %dma_wait3A_497 = arith.constant 0 : i32
    %dma_wait3A_498 = tpu.memref_slice %dma_wait3A_495[%dma_wait3A_496, %dma_wait3A_497] : memref<10240x16xf32, #tpu.memory_space<hbm>> -> memref<10240x16xf32, #tpu.memory_space<hbm>>
    tpu.wait_indirect_dma semaphore(%arg25 : memref<!tpu.dma_semaphore, #tpu.memory_space<semaphore_mem>>) src(%dma_wait3A_498 : memref<10240x16xf32, #tpu.memory_space<hbm>>) dst(%arg17 : memref<512x16xf32, #tpu.memory_space<vmem>>)
    %dma_start3A_499 = arith.constant 12 : i32
    %dma_start3A_500 = arith.constant 0 : i32
    %dma_start3A_501 = tpu.memref_slice %arg11[%dma_start3A_499, %dma_start3A_500] : memref<20x512xi32, #tpu.memory_space<vmem>> -> memref<1x512xi32, #tpu.memory_space<vmem>>
    %dma_start3A_502 = tpu.memref_squeeze %dma_start3A_501 : memref<1x512xi32, #tpu.memory_space<vmem>> -> memref<512xi32, #tpu.memory_space<vmem>>
    %dma_start3A_503 = arith.constant 0 : i32
    %dma_start3A_504 = arith.constant 0 : i32
    %dma_start3A_505 = tpu.memref_slice %arg12[%dma_start3A_503, %dma_start3A_504] : memref<10240x16xf32, #tpu.memory_space<vmem_shared>> -> memref<10240x16xf32, #tpu.memory_space<vmem_shared>>
    tpu.enqueue_indirect_dma source(%arg17 : memref<512x16xf32, #tpu.memory_space<vmem>>) target(%dma_start3A_505 : memref<10240x16xf32, #tpu.memory_space<vmem_shared>>) offsets(%dma_start3A_502 : memref<512xi32, #tpu.memory_space<vmem>>) semaphore(%arg33 : memref<!tpu.dma_semaphore, #tpu.memory_space<semaphore_mem>>) {add = true}
    %dma_wait3A_506 = arith.constant 9 : i32
    %dma_wait3A_507 = arith.constant 0 : i32
    %dma_wait3A_508 = tpu.memref_slice %arg11[%dma_wait3A_506, %dma_wait3A_507] : memref<20x512xi32, #tpu.memory_space<vmem>> -> memref<1x512xi32, #tpu.memory_space<vmem>>
    %dma_wait3A_509 = tpu.memref_squeeze %dma_wait3A_508 : memref<1x512xi32, #tpu.memory_space<vmem>> -> memref<512xi32, #tpu.memory_space<vmem>>
    %dma_wait3A_510 = arith.constant 0 : i32
    %dma_wait3A_511 = arith.constant 0 : i32
    %dma_wait3A_512 = tpu.memref_slice %arg12[%dma_wait3A_510, %dma_wait3A_511] : memref<10240x16xf32, #tpu.memory_space<vmem_shared>> -> memref<10240x16xf32, #tpu.memory_space<vmem_shared>>
    tpu.wait_indirect_dma semaphore(%arg30 : memref<!tpu.dma_semaphore, #tpu.memory_space<semaphore_mem>>) src(%arg14 : memref<512x16xf32, #tpu.memory_space<vmem>>) dst(%dma_wait3A_512 : memref<10240x16xf32, #tpu.memory_space<vmem_shared>>)
    %dma_start3A_513 = arith.constant 17 : i32
    %dma_start3A_514 = arith.constant 0 : i32
    %dma_start3A_515 = tpu.memref_slice %arg10[%dma_start3A_513, %dma_start3A_514] : memref<20x512xi32, #tpu.memory_space<vmem>> -> memref<1x512xi32, #tpu.memory_space<vmem>>
    %dma_start3A_516 = tpu.memref_squeeze %dma_start3A_515 : memref<1x512xi32, #tpu.memory_space<vmem>> -> memref<512xi32, #tpu.memory_space<vmem>>
    %dma_start3A_517 = arith.constant 0 : i32
    %dma_start3A_518 = arith.constant 0 : i32
    %dma_start3A_519 = tpu.memref_slice %arg9[%arg0, %dma_start3A_517, %dma_start3A_518] : memref<2x10240x16xf32, #tpu.memory_space<hbm>> -> memref<1x10240x16xf32, #tpu.memory_space<hbm>>
    %dma_start3A_520 = tpu.memref_squeeze %dma_start3A_519 : memref<1x10240x16xf32, #tpu.memory_space<hbm>> -> memref<10240x16xf32, #tpu.memory_space<hbm>>
    %dma_start3A_521 = arith.constant 0 : i32
    %dma_start3A_522 = arith.constant 0 : i32
    %dma_start3A_523 = tpu.memref_slice %dma_start3A_520[%dma_start3A_521, %dma_start3A_522] : memref<10240x16xf32, #tpu.memory_space<hbm>> -> memref<10240x16xf32, #tpu.memory_space<hbm>>
    tpu.enqueue_indirect_dma source(%dma_start3A_523 : memref<10240x16xf32, #tpu.memory_space<hbm>>) target(%arg14 : memref<512x16xf32, #tpu.memory_space<vmem>>) offsets(%dma_start3A_516 : memref<512xi32, #tpu.memory_space<vmem>>) semaphore(%arg22 : memref<!tpu.dma_semaphore, #tpu.memory_space<semaphore_mem>>)
    %dma_wait3A_524 = arith.constant 13 : i32
    %dma_wait3A_525 = arith.constant 0 : i32
    %dma_wait3A_526 = tpu.memref_slice %arg10[%dma_wait3A_524, %dma_wait3A_525] : memref<20x512xi32, #tpu.memory_space<vmem>> -> memref<1x512xi32, #tpu.memory_space<vmem>>
    %dma_wait3A_527 = tpu.memref_squeeze %dma_wait3A_526 : memref<1x512xi32, #tpu.memory_space<vmem>> -> memref<512xi32, #tpu.memory_space<vmem>>
    %dma_wait3A_528 = arith.constant 0 : i32
    %dma_wait3A_529 = arith.constant 0 : i32
    %dma_wait3A_530 = tpu.memref_slice %arg9[%arg0, %dma_wait3A_528, %dma_wait3A_529] : memref<2x10240x16xf32, #tpu.memory_space<hbm>> -> memref<1x10240x16xf32, #tpu.memory_space<hbm>>
    %dma_wait3A_531 = tpu.memref_squeeze %dma_wait3A_530 : memref<1x10240x16xf32, #tpu.memory_space<hbm>> -> memref<10240x16xf32, #tpu.memory_space<hbm>>
    %dma_wait3A_532 = arith.constant 0 : i32
    %dma_wait3A_533 = arith.constant 0 : i32
    %dma_wait3A_534 = tpu.memref_slice %dma_wait3A_531[%dma_wait3A_532, %dma_wait3A_533] : memref<10240x16xf32, #tpu.memory_space<hbm>> -> memref<10240x16xf32, #tpu.memory_space<hbm>>
    tpu.wait_indirect_dma semaphore(%arg26 : memref<!tpu.dma_semaphore, #tpu.memory_space<semaphore_mem>>) src(%dma_wait3A_534 : memref<10240x16xf32, #tpu.memory_space<hbm>>) dst(%arg18 : memref<512x16xf32, #tpu.memory_space<vmem>>)
    %dma_start3A_535 = arith.constant 13 : i32
    %dma_start3A_536 = arith.constant 0 : i32
    %dma_start3A_537 = tpu.memref_slice %arg11[%dma_start3A_535, %dma_start3A_536] : memref<20x512xi32, #tpu.memory_space<vmem>> -> memref<1x512xi32, #tpu.memory_space<vmem>>
    %dma_start3A_538 = tpu.memref_squeeze %dma_start3A_537 : memref<1x512xi32, #tpu.memory_space<vmem>> -> memref<512xi32, #tpu.memory_space<vmem>>
    %dma_start3A_539 = arith.constant 0 : i32
    %dma_start3A_540 = arith.constant 0 : i32
    %dma_start3A_541 = tpu.memref_slice %arg12[%dma_start3A_539, %dma_start3A_540] : memref<10240x16xf32, #tpu.memory_space<vmem_shared>> -> memref<10240x16xf32, #tpu.memory_space<vmem_shared>>
    tpu.enqueue_indirect_dma source(%arg18 : memref<512x16xf32, #tpu.memory_space<vmem>>) target(%dma_start3A_541 : memref<10240x16xf32, #tpu.memory_space<vmem_shared>>) offsets(%dma_start3A_538 : memref<512xi32, #tpu.memory_space<vmem>>) semaphore(%arg34 : memref<!tpu.dma_semaphore, #tpu.memory_space<semaphore_mem>>) {add = true}
    %dma_wait3A_542 = arith.constant 10 : i32
    %dma_wait3A_543 = arith.constant 0 : i32
    %dma_wait3A_544 = tpu.memref_slice %arg11[%dma_wait3A_542, %dma_wait3A_543] : memref<20x512xi32, #tpu.memory_space<vmem>> -> memref<1x512xi32, #tpu.memory_space<vmem>>
    %dma_wait3A_545 = tpu.memref_squeeze %dma_wait3A_544 : memref<1x512xi32, #tpu.memory_space<vmem>> -> memref<512xi32, #tpu.memory_space<vmem>>
    %dma_wait3A_546 = arith.constant 0 : i32
    %dma_wait3A_547 = arith.constant 0 : i32
    %dma_wait3A_548 = tpu.memref_slice %arg12[%dma_wait3A_546, %dma_wait3A_547] : memref<10240x16xf32, #tpu.memory_space<vmem_shared>> -> memref<10240x16xf32, #tpu.memory_space<vmem_shared>>
    tpu.wait_indirect_dma semaphore(%arg31 : memref<!tpu.dma_semaphore, #tpu.memory_space<semaphore_mem>>) src(%arg15 : memref<512x16xf32, #tpu.memory_space<vmem>>) dst(%dma_wait3A_548 : memref<10240x16xf32, #tpu.memory_space<vmem_shared>>)
    %dma_start3A_549 = arith.constant 18 : i32
    %dma_start3A_550 = arith.constant 0 : i32
    %dma_start3A_551 = tpu.memref_slice %arg10[%dma_start3A_549, %dma_start3A_550] : memref<20x512xi32, #tpu.memory_space<vmem>> -> memref<1x512xi32, #tpu.memory_space<vmem>>
    %dma_start3A_552 = tpu.memref_squeeze %dma_start3A_551 : memref<1x512xi32, #tpu.memory_space<vmem>> -> memref<512xi32, #tpu.memory_space<vmem>>
    %dma_start3A_553 = arith.constant 0 : i32
    %dma_start3A_554 = arith.constant 0 : i32
    %dma_start3A_555 = tpu.memref_slice %arg9[%arg0, %dma_start3A_553, %dma_start3A_554] : memref<2x10240x16xf32, #tpu.memory_space<hbm>> -> memref<1x10240x16xf32, #tpu.memory_space<hbm>>
    %dma_start3A_556 = tpu.memref_squeeze %dma_start3A_555 : memref<1x10240x16xf32, #tpu.memory_space<hbm>> -> memref<10240x16xf32, #tpu.memory_space<hbm>>
    %dma_start3A_557 = arith.constant 0 : i32
    %dma_start3A_558 = arith.constant 0 : i32
    %dma_start3A_559 = tpu.memref_slice %dma_start3A_556[%dma_start3A_557, %dma_start3A_558] : memref<10240x16xf32, #tpu.memory_space<hbm>> -> memref<10240x16xf32, #tpu.memory_space<hbm>>
    tpu.enqueue_indirect_dma source(%dma_start3A_559 : memref<10240x16xf32, #tpu.memory_space<hbm>>) target(%arg15 : memref<512x16xf32, #tpu.memory_space<vmem>>) offsets(%dma_start3A_552 : memref<512xi32, #tpu.memory_space<vmem>>) semaphore(%arg23 : memref<!tpu.dma_semaphore, #tpu.memory_space<semaphore_mem>>)
    %dma_wait3A_560 = arith.constant 14 : i32
    %dma_wait3A_561 = arith.constant 0 : i32
    %dma_wait3A_562 = tpu.memref_slice %arg10[%dma_wait3A_560, %dma_wait3A_561] : memref<20x512xi32, #tpu.memory_space<vmem>> -> memref<1x512xi32, #tpu.memory_space<vmem>>
    %dma_wait3A_563 = tpu.memref_squeeze %dma_wait3A_562 : memref<1x512xi32, #tpu.memory_space<vmem>> -> memref<512xi32, #tpu.memory_space<vmem>>
    %dma_wait3A_564 = arith.constant 0 : i32
    %dma_wait3A_565 = arith.constant 0 : i32
    %dma_wait3A_566 = tpu.memref_slice %arg9[%arg0, %dma_wait3A_564, %dma_wait3A_565] : memref<2x10240x16xf32, #tpu.memory_space<hbm>> -> memref<1x10240x16xf32, #tpu.memory_space<hbm>>
    %dma_wait3A_567 = tpu.memref_squeeze %dma_wait3A_566 : memref<1x10240x16xf32, #tpu.memory_space<hbm>> -> memref<10240x16xf32, #tpu.memory_space<hbm>>
    %dma_wait3A_568 = arith.constant 0 : i32
    %dma_wait3A_569 = arith.constant 0 : i32
    %dma_wait3A_570 = tpu.memref_slice %dma_wait3A_567[%dma_wait3A_568, %dma_wait3A_569] : memref<10240x16xf32, #tpu.memory_space<hbm>> -> memref<10240x16xf32, #tpu.memory_space<hbm>>
    tpu.wait_indirect_dma semaphore(%arg27 : memref<!tpu.dma_semaphore, #tpu.memory_space<semaphore_mem>>) src(%dma_wait3A_570 : memref<10240x16xf32, #tpu.memory_space<hbm>>) dst(%arg19 : memref<512x16xf32, #tpu.memory_space<vmem>>)
    %dma_start3A_571 = arith.constant 14 : i32
    %dma_start3A_572 = arith.constant 0 : i32
    %dma_start3A_573 = tpu.memref_slice %arg11[%dma_start3A_571, %dma_start3A_572] : memref<20x512xi32, #tpu.memory_space<vmem>> -> memref<1x512xi32, #tpu.memory_space<vmem>>
    %dma_start3A_574 = tpu.memref_squeeze %dma_start3A_573 : memref<1x512xi32, #tpu.memory_space<vmem>> -> memref<512xi32, #tpu.memory_space<vmem>>
    %dma_start3A_575 = arith.constant 0 : i32
    %dma_start3A_576 = arith.constant 0 : i32
    %dma_start3A_577 = tpu.memref_slice %arg12[%dma_start3A_575, %dma_start3A_576] : memref<10240x16xf32, #tpu.memory_space<vmem_shared>> -> memref<10240x16xf32, #tpu.memory_space<vmem_shared>>
    tpu.enqueue_indirect_dma source(%arg19 : memref<512x16xf32, #tpu.memory_space<vmem>>) target(%dma_start3A_577 : memref<10240x16xf32, #tpu.memory_space<vmem_shared>>) offsets(%dma_start3A_574 : memref<512xi32, #tpu.memory_space<vmem>>) semaphore(%arg35 : memref<!tpu.dma_semaphore, #tpu.memory_space<semaphore_mem>>) {add = true}
    %dma_wait3A_578 = arith.constant 11 : i32
    %dma_wait3A_579 = arith.constant 0 : i32
    %dma_wait3A_580 = tpu.memref_slice %arg11[%dma_wait3A_578, %dma_wait3A_579] : memref<20x512xi32, #tpu.memory_space<vmem>> -> memref<1x512xi32, #tpu.memory_space<vmem>>
    %dma_wait3A_581 = tpu.memref_squeeze %dma_wait3A_580 : memref<1x512xi32, #tpu.memory_space<vmem>> -> memref<512xi32, #tpu.memory_space<vmem>>
    %dma_wait3A_582 = arith.constant 0 : i32
    %dma_wait3A_583 = arith.constant 0 : i32
    %dma_wait3A_584 = tpu.memref_slice %arg12[%dma_wait3A_582, %dma_wait3A_583] : memref<10240x16xf32, #tpu.memory_space<vmem_shared>> -> memref<10240x16xf32, #tpu.memory_space<vmem_shared>>
    tpu.wait_indirect_dma semaphore(%arg32 : memref<!tpu.dma_semaphore, #tpu.memory_space<semaphore_mem>>) src(%arg16 : memref<512x16xf32, #tpu.memory_space<vmem>>) dst(%dma_wait3A_584 : memref<10240x16xf32, #tpu.memory_space<vmem_shared>>)
    %dma_start3A_585 = arith.constant 19 : i32
    %dma_start3A_586 = arith.constant 0 : i32
    %dma_start3A_587 = tpu.memref_slice %arg10[%dma_start3A_585, %dma_start3A_586] : memref<20x512xi32, #tpu.memory_space<vmem>> -> memref<1x512xi32, #tpu.memory_space<vmem>>
    %dma_start3A_588 = tpu.memref_squeeze %dma_start3A_587 : memref<1x512xi32, #tpu.memory_space<vmem>> -> memref<512xi32, #tpu.memory_space<vmem>>
    %dma_start3A_589 = arith.constant 0 : i32
    %dma_start3A_590 = arith.constant 0 : i32
    %dma_start3A_591 = tpu.memref_slice %arg9[%arg0, %dma_start3A_589, %dma_start3A_590] : memref<2x10240x16xf32, #tpu.memory_space<hbm>> -> memref<1x10240x16xf32, #tpu.memory_space<hbm>>
    %dma_start3A_592 = tpu.memref_squeeze %dma_start3A_591 : memref<1x10240x16xf32, #tpu.memory_space<hbm>> -> memref<10240x16xf32, #tpu.memory_space<hbm>>
    %dma_start3A_593 = arith.constant 0 : i32
    %dma_start3A_594 = arith.constant 0 : i32
    %dma_start3A_595 = tpu.memref_slice %dma_start3A_592[%dma_start3A_593, %dma_start3A_594] : memref<10240x16xf32, #tpu.memory_space<hbm>> -> memref<10240x16xf32, #tpu.memory_space<hbm>>
    tpu.enqueue_indirect_dma source(%dma_start3A_595 : memref<10240x16xf32, #tpu.memory_space<hbm>>) target(%arg16 : memref<512x16xf32, #tpu.memory_space<vmem>>) offsets(%dma_start3A_588 : memref<512xi32, #tpu.memory_space<vmem>>) semaphore(%arg24 : memref<!tpu.dma_semaphore, #tpu.memory_space<semaphore_mem>>)
    %dma_wait3A_596 = arith.constant 15 : i32
    %dma_wait3A_597 = arith.constant 0 : i32
    %dma_wait3A_598 = tpu.memref_slice %arg10[%dma_wait3A_596, %dma_wait3A_597] : memref<20x512xi32, #tpu.memory_space<vmem>> -> memref<1x512xi32, #tpu.memory_space<vmem>>
    %dma_wait3A_599 = tpu.memref_squeeze %dma_wait3A_598 : memref<1x512xi32, #tpu.memory_space<vmem>> -> memref<512xi32, #tpu.memory_space<vmem>>
    %dma_wait3A_600 = arith.constant 0 : i32
    %dma_wait3A_601 = arith.constant 0 : i32
    %dma_wait3A_602 = tpu.memref_slice %arg9[%arg0, %dma_wait3A_600, %dma_wait3A_601] : memref<2x10240x16xf32, #tpu.memory_space<hbm>> -> memref<1x10240x16xf32, #tpu.memory_space<hbm>>
    %dma_wait3A_603 = tpu.memref_squeeze %dma_wait3A_602 : memref<1x10240x16xf32, #tpu.memory_space<hbm>> -> memref<10240x16xf32, #tpu.memory_space<hbm>>
    %dma_wait3A_604 = arith.constant 0 : i32
    %dma_wait3A_605 = arith.constant 0 : i32
    %dma_wait3A_606 = tpu.memref_slice %dma_wait3A_603[%dma_wait3A_604, %dma_wait3A_605] : memref<10240x16xf32, #tpu.memory_space<hbm>> -> memref<10240x16xf32, #tpu.memory_space<hbm>>
    tpu.wait_indirect_dma semaphore(%arg28 : memref<!tpu.dma_semaphore, #tpu.memory_space<semaphore_mem>>) src(%dma_wait3A_606 : memref<10240x16xf32, #tpu.memory_space<hbm>>) dst(%arg20 : memref<512x16xf32, #tpu.memory_space<vmem>>)
    %dma_start3A_607 = arith.constant 15 : i32
    %dma_start3A_608 = arith.constant 0 : i32
    %dma_start3A_609 = tpu.memref_slice %arg11[%dma_start3A_607, %dma_start3A_608] : memref<20x512xi32, #tpu.memory_space<vmem>> -> memref<1x512xi32, #tpu.memory_space<vmem>>
    %dma_start3A_610 = tpu.memref_squeeze %dma_start3A_609 : memref<1x512xi32, #tpu.memory_space<vmem>> -> memref<512xi32, #tpu.memory_space<vmem>>
    %dma_start3A_611 = arith.constant 0 : i32
    %dma_start3A_612 = arith.constant 0 : i32
    %dma_start3A_613 = tpu.memref_slice %arg12[%dma_start3A_611, %dma_start3A_612] : memref<10240x16xf32, #tpu.memory_space<vmem_shared>> -> memref<10240x16xf32, #tpu.memory_space<vmem_shared>>
    tpu.enqueue_indirect_dma source(%arg20 : memref<512x16xf32, #tpu.memory_space<vmem>>) target(%dma_start3A_613 : memref<10240x16xf32, #tpu.memory_space<vmem_shared>>) offsets(%dma_start3A_610 : memref<512xi32, #tpu.memory_space<vmem>>) semaphore(%arg36 : memref<!tpu.dma_semaphore, #tpu.memory_space<semaphore_mem>>) {add = true}
    %dma_wait3A_614 = arith.constant 16 : i32
    %dma_wait3A_615 = arith.constant 0 : i32
    %dma_wait3A_616 = tpu.memref_slice %arg10[%dma_wait3A_614, %dma_wait3A_615] : memref<20x512xi32, #tpu.memory_space<vmem>> -> memref<1x512xi32, #tpu.memory_space<vmem>>
    %dma_wait3A_617 = tpu.memref_squeeze %dma_wait3A_616 : memref<1x512xi32, #tpu.memory_space<vmem>> -> memref<512xi32, #tpu.memory_space<vmem>>
    %dma_wait3A_618 = arith.constant 0 : i32
    %dma_wait3A_619 = arith.constant 0 : i32
    %dma_wait3A_620 = tpu.memref_slice %arg9[%arg0, %dma_wait3A_618, %dma_wait3A_619] : memref<2x10240x16xf32, #tpu.memory_space<hbm>> -> memref<1x10240x16xf32, #tpu.memory_space<hbm>>
    %dma_wait3A_621 = tpu.memref_squeeze %dma_wait3A_620 : memref<1x10240x16xf32, #tpu.memory_space<hbm>> -> memref<10240x16xf32, #tpu.memory_space<hbm>>
    %dma_wait3A_622 = arith.constant 0 : i32
    %dma_wait3A_623 = arith.constant 0 : i32
    %dma_wait3A_624 = tpu.memref_slice %dma_wait3A_621[%dma_wait3A_622, %dma_wait3A_623] : memref<10240x16xf32, #tpu.memory_space<hbm>> -> memref<10240x16xf32, #tpu.memory_space<hbm>>
    tpu.wait_indirect_dma semaphore(%arg21 : memref<!tpu.dma_semaphore, #tpu.memory_space<semaphore_mem>>) src(%dma_wait3A_624 : memref<10240x16xf32, #tpu.memory_space<hbm>>) dst(%arg13 : memref<512x16xf32, #tpu.memory_space<vmem>>)
    %dma_start3A_625 = arith.constant 16 : i32
    %dma_start3A_626 = arith.constant 0 : i32
    %dma_start3A_627 = tpu.memref_slice %arg11[%dma_start3A_625, %dma_start3A_626] : memref<20x512xi32, #tpu.memory_space<vmem>> -> memref<1x512xi32, #tpu.memory_space<vmem>>
    %dma_start3A_628 = tpu.memref_squeeze %dma_start3A_627 : memref<1x512xi32, #tpu.memory_space<vmem>> -> memref<512xi32, #tpu.memory_space<vmem>>
    %dma_start3A_629 = arith.constant 0 : i32
    %dma_start3A_630 = arith.constant 0 : i32
    %dma_start3A_631 = tpu.memref_slice %arg12[%dma_start3A_629, %dma_start3A_630] : memref<10240x16xf32, #tpu.memory_space<vmem_shared>> -> memref<10240x16xf32, #tpu.memory_space<vmem_shared>>
    tpu.enqueue_indirect_dma source(%arg13 : memref<512x16xf32, #tpu.memory_space<vmem>>) target(%dma_start3A_631 : memref<10240x16xf32, #tpu.memory_space<vmem_shared>>) offsets(%dma_start3A_628 : memref<512xi32, #tpu.memory_space<vmem>>) semaphore(%arg29 : memref<!tpu.dma_semaphore, #tpu.memory_space<semaphore_mem>>) {add = true}
    %dma_wait3A_632 = arith.constant 17 : i32
    %dma_wait3A_633 = arith.constant 0 : i32
    %dma_wait3A_634 = tpu.memref_slice %arg10[%dma_wait3A_632, %dma_wait3A_633] : memref<20x512xi32, #tpu.memory_space<vmem>> -> memref<1x512xi32, #tpu.memory_space<vmem>>
    %dma_wait3A_635 = tpu.memref_squeeze %dma_wait3A_634 : memref<1x512xi32, #tpu.memory_space<vmem>> -> memref<512xi32, #tpu.memory_space<vmem>>
    %dma_wait3A_636 = arith.constant 0 : i32
    %dma_wait3A_637 = arith.constant 0 : i32
    %dma_wait3A_638 = tpu.memref_slice %arg9[%arg0, %dma_wait3A_636, %dma_wait3A_637] : memref<2x10240x16xf32, #tpu.memory_space<hbm>> -> memref<1x10240x16xf32, #tpu.memory_space<hbm>>
    %dma_wait3A_639 = tpu.memref_squeeze %dma_wait3A_638 : memref<1x10240x16xf32, #tpu.memory_space<hbm>> -> memref<10240x16xf32, #tpu.memory_space<hbm>>
    %dma_wait3A_640 = arith.constant 0 : i32
    %dma_wait3A_641 = arith.constant 0 : i32
    %dma_wait3A_642 = tpu.memref_slice %dma_wait3A_639[%dma_wait3A_640, %dma_wait3A_641] : memref<10240x16xf32, #tpu.memory_space<hbm>> -> memref<10240x16xf32, #tpu.memory_space<hbm>>
    tpu.wait_indirect_dma semaphore(%arg22 : memref<!tpu.dma_semaphore, #tpu.memory_space<semaphore_mem>>) src(%dma_wait3A_642 : memref<10240x16xf32, #tpu.memory_space<hbm>>) dst(%arg14 : memref<512x16xf32, #tpu.memory_space<vmem>>)
    %dma_start3A_643 = arith.constant 17 : i32
    %dma_start3A_644 = arith.constant 0 : i32
    %dma_start3A_645 = tpu.memref_slice %arg11[%dma_start3A_643, %dma_start3A_644] : memref<20x512xi32, #tpu.memory_space<vmem>> -> memref<1x512xi32, #tpu.memory_space<vmem>>
    %dma_start3A_646 = tpu.memref_squeeze %dma_start3A_645 : memref<1x512xi32, #tpu.memory_space<vmem>> -> memref<512xi32, #tpu.memory_space<vmem>>
    %dma_start3A_647 = arith.constant 0 : i32
    %dma_start3A_648 = arith.constant 0 : i32
    %dma_start3A_649 = tpu.memref_slice %arg12[%dma_start3A_647, %dma_start3A_648] : memref<10240x16xf32, #tpu.memory_space<vmem_shared>> -> memref<10240x16xf32, #tpu.memory_space<vmem_shared>>
    tpu.enqueue_indirect_dma source(%arg14 : memref<512x16xf32, #tpu.memory_space<vmem>>) target(%dma_start3A_649 : memref<10240x16xf32, #tpu.memory_space<vmem_shared>>) offsets(%dma_start3A_646 : memref<512xi32, #tpu.memory_space<vmem>>) semaphore(%arg30 : memref<!tpu.dma_semaphore, #tpu.memory_space<semaphore_mem>>) {add = true}
    %dma_wait3A_650 = arith.constant 18 : i32
    %dma_wait3A_651 = arith.constant 0 : i32
    %dma_wait3A_652 = tpu.memref_slice %arg10[%dma_wait3A_650, %dma_wait3A_651] : memref<20x512xi32, #tpu.memory_space<vmem>> -> memref<1x512xi32, #tpu.memory_space<vmem>>
    %dma_wait3A_653 = tpu.memref_squeeze %dma_wait3A_652 : memref<1x512xi32, #tpu.memory_space<vmem>> -> memref<512xi32, #tpu.memory_space<vmem>>
    %dma_wait3A_654 = arith.constant 0 : i32
    %dma_wait3A_655 = arith.constant 0 : i32
    %dma_wait3A_656 = tpu.memref_slice %arg9[%arg0, %dma_wait3A_654, %dma_wait3A_655] : memref<2x10240x16xf32, #tpu.memory_space<hbm>> -> memref<1x10240x16xf32, #tpu.memory_space<hbm>>
    %dma_wait3A_657 = tpu.memref_squeeze %dma_wait3A_656 : memref<1x10240x16xf32, #tpu.memory_space<hbm>> -> memref<10240x16xf32, #tpu.memory_space<hbm>>
    %dma_wait3A_658 = arith.constant 0 : i32
    %dma_wait3A_659 = arith.constant 0 : i32
    %dma_wait3A_660 = tpu.memref_slice %dma_wait3A_657[%dma_wait3A_658, %dma_wait3A_659] : memref<10240x16xf32, #tpu.memory_space<hbm>> -> memref<10240x16xf32, #tpu.memory_space<hbm>>
    tpu.wait_indirect_dma semaphore(%arg23 : memref<!tpu.dma_semaphore, #tpu.memory_space<semaphore_mem>>) src(%dma_wait3A_660 : memref<10240x16xf32, #tpu.memory_space<hbm>>) dst(%arg15 : memref<512x16xf32, #tpu.memory_space<vmem>>)
    %dma_start3A_661 = arith.constant 18 : i32
    %dma_start3A_662 = arith.constant 0 : i32
    %dma_start3A_663 = tpu.memref_slice %arg11[%dma_start3A_661, %dma_start3A_662] : memref<20x512xi32, #tpu.memory_space<vmem>> -> memref<1x512xi32, #tpu.memory_space<vmem>>
    %dma_start3A_664 = tpu.memref_squeeze %dma_start3A_663 : memref<1x512xi32, #tpu.memory_space<vmem>> -> memref<512xi32, #tpu.memory_space<vmem>>
    %dma_start3A_665 = arith.constant 0 : i32
    %dma_start3A_666 = arith.constant 0 : i32
    %dma_start3A_667 = tpu.memref_slice %arg12[%dma_start3A_665, %dma_start3A_666] : memref<10240x16xf32, #tpu.memory_space<vmem_shared>> -> memref<10240x16xf32, #tpu.memory_space<vmem_shared>>
    tpu.enqueue_indirect_dma source(%arg15 : memref<512x16xf32, #tpu.memory_space<vmem>>) target(%dma_start3A_667 : memref<10240x16xf32, #tpu.memory_space<vmem_shared>>) offsets(%dma_start3A_664 : memref<512xi32, #tpu.memory_space<vmem>>) semaphore(%arg31 : memref<!tpu.dma_semaphore, #tpu.memory_space<semaphore_mem>>) {add = true}
    %dma_wait3A_668 = arith.constant 19 : i32
    %dma_wait3A_669 = arith.constant 0 : i32
    %dma_wait3A_670 = tpu.memref_slice %arg10[%dma_wait3A_668, %dma_wait3A_669] : memref<20x512xi32, #tpu.memory_space<vmem>> -> memref<1x512xi32, #tpu.memory_space<vmem>>
    %dma_wait3A_671 = tpu.memref_squeeze %dma_wait3A_670 : memref<1x512xi32, #tpu.memory_space<vmem>> -> memref<512xi32, #tpu.memory_space<vmem>>
    %dma_wait3A_672 = arith.constant 0 : i32
    %dma_wait3A_673 = arith.constant 0 : i32
    %dma_wait3A_674 = tpu.memref_slice %arg9[%arg0, %dma_wait3A_672, %dma_wait3A_673] : memref<2x10240x16xf32, #tpu.memory_space<hbm>> -> memref<1x10240x16xf32, #tpu.memory_space<hbm>>
    %dma_wait3A_675 = tpu.memref_squeeze %dma_wait3A_674 : memref<1x10240x16xf32, #tpu.memory_space<hbm>> -> memref<10240x16xf32, #tpu.memory_space<hbm>>
    %dma_wait3A_676 = arith.constant 0 : i32
    %dma_wait3A_677 = arith.constant 0 : i32
    %dma_wait3A_678 = tpu.memref_slice %dma_wait3A_675[%dma_wait3A_676, %dma_wait3A_677] : memref<10240x16xf32, #tpu.memory_space<hbm>> -> memref<10240x16xf32, #tpu.memory_space<hbm>>
    tpu.wait_indirect_dma semaphore(%arg24 : memref<!tpu.dma_semaphore, #tpu.memory_space<semaphore_mem>>) src(%dma_wait3A_678 : memref<10240x16xf32, #tpu.memory_space<hbm>>) dst(%arg16 : memref<512x16xf32, #tpu.memory_space<vmem>>)
    %dma_start3A_679 = arith.constant 19 : i32
    %dma_start3A_680 = arith.constant 0 : i32
    %dma_start3A_681 = tpu.memref_slice %arg11[%dma_start3A_679, %dma_start3A_680] : memref<20x512xi32, #tpu.memory_space<vmem>> -> memref<1x512xi32, #tpu.memory_space<vmem>>
    %dma_start3A_682 = tpu.memref_squeeze %dma_start3A_681 : memref<1x512xi32, #tpu.memory_space<vmem>> -> memref<512xi32, #tpu.memory_space<vmem>>
    %dma_start3A_683 = arith.constant 0 : i32
    %dma_start3A_684 = arith.constant 0 : i32
    %dma_start3A_685 = tpu.memref_slice %arg12[%dma_start3A_683, %dma_start3A_684] : memref<10240x16xf32, #tpu.memory_space<vmem_shared>> -> memref<10240x16xf32, #tpu.memory_space<vmem_shared>>
    tpu.enqueue_indirect_dma source(%arg16 : memref<512x16xf32, #tpu.memory_space<vmem>>) target(%dma_start3A_685 : memref<10240x16xf32, #tpu.memory_space<vmem_shared>>) offsets(%dma_start3A_682 : memref<512xi32, #tpu.memory_space<vmem>>) semaphore(%arg32 : memref<!tpu.dma_semaphore, #tpu.memory_space<semaphore_mem>>) {add = true}
    %dma_wait3A_686 = arith.constant 12 : i32
    %dma_wait3A_687 = arith.constant 0 : i32
    %dma_wait3A_688 = tpu.memref_slice %arg11[%dma_wait3A_686, %dma_wait3A_687] : memref<20x512xi32, #tpu.memory_space<vmem>> -> memref<1x512xi32, #tpu.memory_space<vmem>>
    %dma_wait3A_689 = tpu.memref_squeeze %dma_wait3A_688 : memref<1x512xi32, #tpu.memory_space<vmem>> -> memref<512xi32, #tpu.memory_space<vmem>>
    %dma_wait3A_690 = arith.constant 0 : i32
    %dma_wait3A_691 = arith.constant 0 : i32
    %dma_wait3A_692 = tpu.memref_slice %arg12[%dma_wait3A_690, %dma_wait3A_691] : memref<10240x16xf32, #tpu.memory_space<vmem_shared>> -> memref<10240x16xf32, #tpu.memory_space<vmem_shared>>
    tpu.wait_indirect_dma semaphore(%arg33 : memref<!tpu.dma_semaphore, #tpu.memory_space<semaphore_mem>>) src(%arg17 : memref<512x16xf32, #tpu.memory_space<vmem>>) dst(%dma_wait3A_692 : memref<10240x16xf32, #tpu.memory_space<vmem_shared>>)
    %dma_wait3A_693 = arith.constant 13 : i32
    %dma_wait3A_694 = arith.constant 0 : i32
    %dma_wait3A_695 = tpu.memref_slice %arg11[%dma_wait3A_693, %dma_wait3A_694] : memref<20x512xi32, #tpu.memory_space<vmem>> -> memref<1x512xi32, #tpu.memory_space<vmem>>
    %dma_wait3A_696 = tpu.memref_squeeze %dma_wait3A_695 : memref<1x512xi32, #tpu.memory_space<vmem>> -> memref<512xi32, #tpu.memory_space<vmem>>
    %dma_wait3A_697 = arith.constant 0 : i32
    %dma_wait3A_698 = arith.constant 0 : i32
    %dma_wait3A_699 = tpu.memref_slice %arg12[%dma_wait3A_697, %dma_wait3A_698] : memref<10240x16xf32, #tpu.memory_space<vmem_shared>> -> memref<10240x16xf32, #tpu.memory_space<vmem_shared>>
    tpu.wait_indirect_dma semaphore(%arg34 : memref<!tpu.dma_semaphore, #tpu.memory_space<semaphore_mem>>) src(%arg18 : memref<512x16xf32, #tpu.memory_space<vmem>>) dst(%dma_wait3A_699 : memref<10240x16xf32, #tpu.memory_space<vmem_shared>>)
    %dma_wait3A_700 = arith.constant 14 : i32
    %dma_wait3A_701 = arith.constant 0 : i32
    %dma_wait3A_702 = tpu.memref_slice %arg11[%dma_wait3A_700, %dma_wait3A_701] : memref<20x512xi32, #tpu.memory_space<vmem>> -> memref<1x512xi32, #tpu.memory_space<vmem>>
    %dma_wait3A_703 = tpu.memref_squeeze %dma_wait3A_702 : memref<1x512xi32, #tpu.memory_space<vmem>> -> memref<512xi32, #tpu.memory_space<vmem>>
    %dma_wait3A_704 = arith.constant 0 : i32
    %dma_wait3A_705 = arith.constant 0 : i32
    %dma_wait3A_706 = tpu.memref_slice %arg12[%dma_wait3A_704, %dma_wait3A_705] : memref<10240x16xf32, #tpu.memory_space<vmem_shared>> -> memref<10240x16xf32, #tpu.memory_space<vmem_shared>>
    tpu.wait_indirect_dma semaphore(%arg35 : memref<!tpu.dma_semaphore, #tpu.memory_space<semaphore_mem>>) src(%arg19 : memref<512x16xf32, #tpu.memory_space<vmem>>) dst(%dma_wait3A_706 : memref<10240x16xf32, #tpu.memory_space<vmem_shared>>)
    %dma_wait3A_707 = arith.constant 15 : i32
    %dma_wait3A_708 = arith.constant 0 : i32
    %dma_wait3A_709 = tpu.memref_slice %arg11[%dma_wait3A_707, %dma_wait3A_708] : memref<20x512xi32, #tpu.memory_space<vmem>> -> memref<1x512xi32, #tpu.memory_space<vmem>>
    %dma_wait3A_710 = tpu.memref_squeeze %dma_wait3A_709 : memref<1x512xi32, #tpu.memory_space<vmem>> -> memref<512xi32, #tpu.memory_space<vmem>>
    %dma_wait3A_711 = arith.constant 0 : i32
    %dma_wait3A_712 = arith.constant 0 : i32
    %dma_wait3A_713 = tpu.memref_slice %arg12[%dma_wait3A_711, %dma_wait3A_712] : memref<10240x16xf32, #tpu.memory_space<vmem_shared>> -> memref<10240x16xf32, #tpu.memory_space<vmem_shared>>
    tpu.wait_indirect_dma semaphore(%arg36 : memref<!tpu.dma_semaphore, #tpu.memory_space<semaphore_mem>>) src(%arg20 : memref<512x16xf32, #tpu.memory_space<vmem>>) dst(%dma_wait3A_713 : memref<10240x16xf32, #tpu.memory_space<vmem_shared>>)
    %dma_wait3A_714 = arith.constant 16 : i32
    %dma_wait3A_715 = arith.constant 0 : i32
    %dma_wait3A_716 = tpu.memref_slice %arg11[%dma_wait3A_714, %dma_wait3A_715] : memref<20x512xi32, #tpu.memory_space<vmem>> -> memref<1x512xi32, #tpu.memory_space<vmem>>
    %dma_wait3A_717 = tpu.memref_squeeze %dma_wait3A_716 : memref<1x512xi32, #tpu.memory_space<vmem>> -> memref<512xi32, #tpu.memory_space<vmem>>
    %dma_wait3A_718 = arith.constant 0 : i32
    %dma_wait3A_719 = arith.constant 0 : i32
    %dma_wait3A_720 = tpu.memref_slice %arg12[%dma_wait3A_718, %dma_wait3A_719] : memref<10240x16xf32, #tpu.memory_space<vmem_shared>> -> memref<10240x16xf32, #tpu.memory_space<vmem_shared>>
    tpu.wait_indirect_dma semaphore(%arg29 : memref<!tpu.dma_semaphore, #tpu.memory_space<semaphore_mem>>) src(%arg13 : memref<512x16xf32, #tpu.memory_space<vmem>>) dst(%dma_wait3A_720 : memref<10240x16xf32, #tpu.memory_space<vmem_shared>>)
    %dma_wait3A_721 = arith.constant 17 : i32
    %dma_wait3A_722 = arith.constant 0 : i32
    %dma_wait3A_723 = tpu.memref_slice %arg11[%dma_wait3A_721, %dma_wait3A_722] : memref<20x512xi32, #tpu.memory_space<vmem>> -> memref<1x512xi32, #tpu.memory_space<vmem>>
    %dma_wait3A_724 = tpu.memref_squeeze %dma_wait3A_723 : memref<1x512xi32, #tpu.memory_space<vmem>> -> memref<512xi32, #tpu.memory_space<vmem>>
    %dma_wait3A_725 = arith.constant 0 : i32
    %dma_wait3A_726 = arith.constant 0 : i32
    %dma_wait3A_727 = tpu.memref_slice %arg12[%dma_wait3A_725, %dma_wait3A_726] : memref<10240x16xf32, #tpu.memory_space<vmem_shared>> -> memref<10240x16xf32, #tpu.memory_space<vmem_shared>>
    tpu.wait_indirect_dma semaphore(%arg30 : memref<!tpu.dma_semaphore, #tpu.memory_space<semaphore_mem>>) src(%arg14 : memref<512x16xf32, #tpu.memory_space<vmem>>) dst(%dma_wait3A_727 : memref<10240x16xf32, #tpu.memory_space<vmem_shared>>)
    %dma_wait3A_728 = arith.constant 18 : i32
    %dma_wait3A_729 = arith.constant 0 : i32
    %dma_wait3A_730 = tpu.memref_slice %arg11[%dma_wait3A_728, %dma_wait3A_729] : memref<20x512xi32, #tpu.memory_space<vmem>> -> memref<1x512xi32, #tpu.memory_space<vmem>>
    %dma_wait3A_731 = tpu.memref_squeeze %dma_wait3A_730 : memref<1x512xi32, #tpu.memory_space<vmem>> -> memref<512xi32, #tpu.memory_space<vmem>>
    %dma_wait3A_732 = arith.constant 0 : i32
    %dma_wait3A_733 = arith.constant 0 : i32
    %dma_wait3A_734 = tpu.memref_slice %arg12[%dma_wait3A_732, %dma_wait3A_733] : memref<10240x16xf32, #tpu.memory_space<vmem_shared>> -> memref<10240x16xf32, #tpu.memory_space<vmem_shared>>
    tpu.wait_indirect_dma semaphore(%arg31 : memref<!tpu.dma_semaphore, #tpu.memory_space<semaphore_mem>>) src(%arg15 : memref<512x16xf32, #tpu.memory_space<vmem>>) dst(%dma_wait3A_734 : memref<10240x16xf32, #tpu.memory_space<vmem_shared>>)
    %dma_wait3A_735 = arith.constant 19 : i32
    %dma_wait3A_736 = arith.constant 0 : i32
    %dma_wait3A_737 = tpu.memref_slice %arg11[%dma_wait3A_735, %dma_wait3A_736] : memref<20x512xi32, #tpu.memory_space<vmem>> -> memref<1x512xi32, #tpu.memory_space<vmem>>
    %dma_wait3A_738 = tpu.memref_squeeze %dma_wait3A_737 : memref<1x512xi32, #tpu.memory_space<vmem>> -> memref<512xi32, #tpu.memory_space<vmem>>
    %dma_wait3A_739 = arith.constant 0 : i32
    %dma_wait3A_740 = arith.constant 0 : i32
    %dma_wait3A_741 = tpu.memref_slice %arg12[%dma_wait3A_739, %dma_wait3A_740] : memref<10240x16xf32, #tpu.memory_space<vmem_shared>> -> memref<10240x16xf32, #tpu.memory_space<vmem_shared>>
    tpu.wait_indirect_dma semaphore(%arg32 : memref<!tpu.dma_semaphore, #tpu.memory_space<semaphore_mem>>) src(%arg16 : memref<512x16xf32, #tpu.memory_space<vmem>>) dst(%dma_wait3A_741 : memref<10240x16xf32, #tpu.memory_space<vmem_shared>>)
    %barrier3A_742 = arith.constant 0 : index
    tpu.barrier barrier_id(%barrier3A_742)
    "tpu.region"() ({
      %run_scoped3A_743 = tpu.sem_alloc : memref<!tpu.dma_semaphore, #tpu.memory_space<semaphore_mem>>
      %dma_start3A_744 = arith.constant 0 : i32
      %dma_start3A_745 = arith.constant 0 : i32
      %dma_start3A_746 = tpu.memref_slice %arg8[%arg0, %dma_start3A_744, %dma_start3A_745] : memref<2x10240x16xf32, #tpu.memory_space<hbm>> -> memref<1x10240x16xf32, #tpu.memory_space<hbm>>
      %dma_start3A_747 = tpu.memref_squeeze %dma_start3A_746 : memref<1x10240x16xf32, #tpu.memory_space<hbm>> -> memref<10240x16xf32, #tpu.memory_space<hbm>>
      %dma_start3A_748 = arith.constant 0 : i32
      %dma_start3A_749 = tpu.memref_slice %dma_start3A_747[%mul3A_0, %dma_start3A_748] : memref<10240x16xf32, #tpu.memory_space<hbm>> -> memref<640x16xf32, #tpu.memory_space<hbm>>
      %dma_start3A_750 = arith.constant 0 : i32
      %dma_start3A_751 = tpu.memref_slice %arg12[%mul3A_0, %dma_start3A_750] : memref<10240x16xf32, #tpu.memory_space<vmem_shared>> -> memref<640x16xf32, #tpu.memory_space<vmem_shared>>
      tpu.enqueue_dma source(%dma_start3A_751 : memref<640x16xf32, #tpu.memory_space<vmem_shared>>) target(%dma_start3A_749 : memref<640x16xf32, #tpu.memory_space<hbm>>) target_semaphore(%run_scoped3A_743 : memref<!tpu.dma_semaphore, #tpu.memory_space<semaphore_mem>>)
      %dma_wait3A_752 = arith.constant 0 : i32
      %dma_wait3A_753 = arith.constant 0 : i32
      %dma_wait3A_754 = tpu.memref_slice %arg8[%arg0, %dma_wait3A_752, %dma_wait3A_753] : memref<2x10240x16xf32, #tpu.memory_space<hbm>> -> memref<1x10240x16xf32, #tpu.memory_space<hbm>>
      %dma_wait3A_755 = tpu.memref_squeeze %dma_wait3A_754 : memref<1x10240x16xf32, #tpu.memory_space<hbm>> -> memref<10240x16xf32, #tpu.memory_space<hbm>>
      %dma_wait3A_756 = arith.constant 0 : i32
      %dma_wait3A_757 = tpu.memref_slice %dma_wait3A_755[%mul3A_0, %dma_wait3A_756] : memref<10240x16xf32, #tpu.memory_space<hbm>> -> memref<640x16xf32, #tpu.memory_space<hbm>>
      %dma_wait3A_758 = arith.constant 0 : i32
      %dma_wait3A_759 = tpu.memref_slice %arg12[%mul3A_0, %dma_wait3A_758] : memref<10240x16xf32, #tpu.memory_space<vmem_shared>> -> memref<640x16xf32, #tpu.memory_space<vmem_shared>>
      tpu.wait_dma2 semaphore(%run_scoped3A_743 : memref<!tpu.dma_semaphore, #tpu.memory_space<semaphore_mem>>) src(%dma_wait3A_759 : memref<640x16xf32, #tpu.memory_space<vmem_shared>>) dst(%dma_wait3A_757 : memref<640x16xf32, #tpu.memory_space<hbm>>)
      tpu.yield
    }) : () -> ()
    return
  }
}

#map = affine_map<(d0, d1) -> (0, 0)>
#map1 = affine_map<(d0, d1) -> (0, 0, 0, 0)>
#map2 = affine_map<(d0, d1) -> (0, 0, 0)>
module attributes {stable_mosaic.version = 14 : i64} {
  func.func @body(%arg0: i32, %arg1: i32, %arg2: memref<10240x16xf32, #tpu.memory_space<hbm>>, %arg3: memref<2x16x20x512xi32, #tpu.memory_space<hbm>>, %arg4: memref<2x16x20x512xi32, #tpu.memory_space<hbm>>, %arg5: memref<10240x16xf32, #tpu.memory_space<hbm>>, %arg6: memref<512x16xf32, #tpu.memory_space<hbm>>, %arg7: memref<2x10240x16xf32, #tpu.memory_space<hbm>>, %arg8: memref<2x10240x16xf32, #tpu.memory_space<hbm>>, %arg9: memref<20x512xi32, #tpu.memory_space<vmem>>, %arg10: memref<20x512xi32, #tpu.memory_space<vmem>>, %arg11: memref<512x16xf32, #tpu.memory_space<vmem>>, %arg12: memref<10240x16xf32, #tpu.memory_space<vmem_shared>>, %arg13: memref<10240x16xf32, #tpu.memory_space<vmem_shared>>, %arg14: memref<512x16xf32, #tpu.memory_space<vmem>>, %arg15: memref<512x16xf32, #tpu.memory_space<vmem>>, %arg16: memref<512x16xf32, #tpu.memory_space<vmem>>, %arg17: memref<512x16xf32, #tpu.memory_space<vmem>>, %arg18: memref<512x16xf32, #tpu.memory_space<vmem>>, %arg19: memref<512x16xf32, #tpu.memory_space<vmem>>, %arg20: memref<512x16xf32, #tpu.memory_space<vmem>>, %arg21: memref<512x16xf32, #tpu.memory_space<vmem>>, %arg22: memref<!tpu.dma_semaphore, #tpu.memory_space<semaphore_mem>>, %arg23: memref<!tpu.dma_semaphore, #tpu.memory_space<semaphore_mem>>, %arg24: memref<!tpu.dma_semaphore, #tpu.memory_space<semaphore_mem>>, %arg25: memref<!tpu.dma_semaphore, #tpu.memory_space<semaphore_mem>>, %arg26: memref<!tpu.dma_semaphore, #tpu.memory_space<semaphore_mem>>, %arg27: memref<!tpu.dma_semaphore, #tpu.memory_space<semaphore_mem>>, %arg28: memref<!tpu.dma_semaphore, #tpu.memory_space<semaphore_mem>>, %arg29: memref<!tpu.dma_semaphore, #tpu.memory_space<semaphore_mem>>, %arg30: memref<!tpu.dma_semaphore, #tpu.memory_space<semaphore_mem>>, %arg31: memref<!tpu.dma_semaphore, #tpu.memory_space<semaphore_mem>>, %arg32: memref<!tpu.dma_semaphore, #tpu.memory_space<semaphore_mem>>, %arg33: memref<!tpu.dma_semaphore, #tpu.memory_space<semaphore_mem>>, %arg34: memref<!tpu.dma_semaphore, #tpu.memory_space<semaphore_mem>>, %arg35: memref<!tpu.dma_semaphore, #tpu.memory_space<semaphore_mem>>, %arg36: memref<!tpu.dma_semaphore, #tpu.memory_space<semaphore_mem>>, %arg37: memref<!tpu.dma_semaphore, #tpu.memory_space<semaphore_mem>>, %arg38: memref<!tpu.dma_semaphore, #tpu.memory_space<semaphore_mem>>) attributes {dimension_semantics = [#tpu.dimension_semantics<core_parallel>, #tpu.dimension_semantics<subcore_parallel>], iteration_bounds = array<i64: 2, 16>, scalar_prefetch = 0 : i64, scratch_operands = 30 : i64, tpu.core_type = #tpu.core_type<sc_vector_subcore>, window_params = [{transform_indices = #map}, {transform_indices = #map1}, {transform_indices = #map1}, {transform_indices = #map}, {transform_indices = #map}, {transform_indices = #map2}, {transform_indices = #map2}]} {
    %mul3A = arith.constant 640 : i32
    %mul3A_0 = arith.muli %arg1, %mul3A : i32
    "tpu.region"() ({
      %run_scoped3A = tpu.sem_alloc : memref<!tpu.dma_semaphore, #tpu.memory_space<semaphore_mem>>
      %dma_start3A_840 = arith.constant 0 : i32
      %dma_start3A_841 = tpu.memref_slice %arg12[%mul3A_0, %dma_start3A_840] : memref<10240x16xf32, #tpu.memory_space<vmem_shared>> -> memref<640x16xf32, #tpu.memory_space<vmem_shared>>
      %dma_start3A_842 = arith.constant 0 : i32
      %dma_start3A_843 = tpu.memref_slice %arg5[%mul3A_0, %dma_start3A_842] : memref<10240x16xf32, #tpu.memory_space<hbm>> -> memref<640x16xf32, #tpu.memory_space<hbm>>
      tpu.enqueue_dma source(%dma_start3A_843 : memref<640x16xf32, #tpu.memory_space<hbm>>) target(%dma_start3A_841 : memref<640x16xf32, #tpu.memory_space<vmem_shared>>) target_semaphore(%run_scoped3A : memref<!tpu.dma_semaphore, #tpu.memory_space<semaphore_mem>>)
      %dma_wait3A_844 = arith.constant 0 : i32
      %dma_wait3A_845 = tpu.memref_slice %arg12[%mul3A_0, %dma_wait3A_844] : memref<10240x16xf32, #tpu.memory_space<vmem_shared>> -> memref<640x16xf32, #tpu.memory_space<vmem_shared>>
      %dma_wait3A_846 = arith.constant 0 : i32
      %dma_wait3A_847 = tpu.memref_slice %arg5[%mul3A_0, %dma_wait3A_846] : memref<10240x16xf32, #tpu.memory_space<hbm>> -> memref<640x16xf32, #tpu.memory_space<hbm>>
      tpu.wait_dma2 semaphore(%run_scoped3A : memref<!tpu.dma_semaphore, #tpu.memory_space<semaphore_mem>>) src(%dma_wait3A_847 : memref<640x16xf32, #tpu.memory_space<hbm>>) dst(%dma_wait3A_845 : memref<640x16xf32, #tpu.memory_space<vmem_shared>>)
      tpu.yield
    }) : () -> ()
    "tpu.region"() ({
      %run_scoped3A = tpu.sem_alloc : memref<!tpu.dma_semaphore, #tpu.memory_space<semaphore_mem>>
      %dma_start3A_840 = arith.constant 0 : i32
      %dma_start3A_841 = tpu.memref_slice %arg13[%mul3A_0, %dma_start3A_840] : memref<10240x16xf32, #tpu.memory_space<vmem_shared>> -> memref<640x16xf32, #tpu.memory_space<vmem_shared>>
      %dma_start3A_842 = arith.constant 0 : i32
      %dma_start3A_843 = tpu.memref_slice %arg5[%mul3A_0, %dma_start3A_842] : memref<10240x16xf32, #tpu.memory_space<hbm>> -> memref<640x16xf32, #tpu.memory_space<hbm>>
      tpu.enqueue_dma source(%dma_start3A_843 : memref<640x16xf32, #tpu.memory_space<hbm>>) target(%dma_start3A_841 : memref<640x16xf32, #tpu.memory_space<vmem_shared>>) target_semaphore(%run_scoped3A : memref<!tpu.dma_semaphore, #tpu.memory_space<semaphore_mem>>)
      %dma_wait3A_844 = arith.constant 0 : i32
      %dma_wait3A_845 = tpu.memref_slice %arg13[%mul3A_0, %dma_wait3A_844] : memref<10240x16xf32, #tpu.memory_space<vmem_shared>> -> memref<640x16xf32, #tpu.memory_space<vmem_shared>>
      %dma_wait3A_846 = arith.constant 0 : i32
      %dma_wait3A_847 = tpu.memref_slice %arg5[%mul3A_0, %dma_wait3A_846] : memref<10240x16xf32, #tpu.memory_space<hbm>> -> memref<640x16xf32, #tpu.memory_space<hbm>>
      tpu.wait_dma2 semaphore(%run_scoped3A : memref<!tpu.dma_semaphore, #tpu.memory_space<semaphore_mem>>) src(%dma_wait3A_847 : memref<640x16xf32, #tpu.memory_space<hbm>>) dst(%dma_wait3A_845 : memref<640x16xf32, #tpu.memory_space<vmem_shared>>)
      tpu.yield
    }) : () -> ()
    "tpu.region"() ({
      %run_scoped3A = tpu.sem_alloc : memref<!tpu.dma_semaphore, #tpu.memory_space<semaphore_mem>>
      tpu.enqueue_dma source(%arg6 : memref<512x16xf32, #tpu.memory_space<hbm>>) target(%arg11 : memref<512x16xf32, #tpu.memory_space<vmem>>) target_semaphore(%run_scoped3A : memref<!tpu.dma_semaphore, #tpu.memory_space<semaphore_mem>>)
      tpu.wait_dma2 semaphore(%run_scoped3A : memref<!tpu.dma_semaphore, #tpu.memory_space<semaphore_mem>>) src(%arg6 : memref<512x16xf32, #tpu.memory_space<hbm>>) dst(%arg11 : memref<512x16xf32, #tpu.memory_space<vmem>>)
      tpu.yield
    }) : () -> ()
    "tpu.region"() ({
      %run_scoped3A = tpu.sem_alloc : memref<!tpu.dma_semaphore, #tpu.memory_space<semaphore_mem>>
      %dma_start3A_840 = arith.constant 0 : i32
      %dma_start3A_841 = arith.constant 0 : i32
      %dma_start3A_842 = arith.constant 0 : i32
      %dma_start3A_843 = tpu.memref_slice %arg3[%arg0, %dma_start3A_840, %dma_start3A_841, %dma_start3A_842] : memref<2x16x20x512xi32, #tpu.memory_space<hbm>> -> memref<1x16x20x512xi32, #tpu.memory_space<hbm>>
      %dma_start3A_844 = tpu.memref_squeeze %dma_start3A_843 : memref<1x16x20x512xi32, #tpu.memory_space<hbm>> -> memref<16x20x512xi32, #tpu.memory_space<hbm>>
      %dma_start3A_845 = arith.constant 0 : i32
      %dma_start3A_846 = arith.constant 0 : i32
      %dma_start3A_847 = tpu.memref_slice %dma_start3A_844[%arg1, %dma_start3A_845, %dma_start3A_846] : memref<16x20x512xi32, #tpu.memory_space<hbm>> -> memref<1x20x512xi32, #tpu.memory_space<hbm>>
      %dma_start3A_848 = tpu.memref_squeeze %dma_start3A_847 : memref<1x20x512xi32, #tpu.memory_space<hbm>> -> memref<20x512xi32, #tpu.memory_space<hbm>>
      %dma_start3A_849 = arith.constant 0 : i32
      %dma_start3A_850 = arith.constant 0 : i32
      %dma_start3A_851 = arith.constant 0 : i32
      %dma_start3A_852 = tpu.memref_slice %arg3[%arg0, %dma_start3A_849, %dma_start3A_850, %dma_start3A_851] : memref<2x16x20x512xi32, #tpu.memory_space<hbm>> -> memref<1x16x20x512xi32, #tpu.memory_space<hbm>>
      %dma_start3A_853 = tpu.memref_squeeze %dma_start3A_852 : memref<1x16x20x512xi32, #tpu.memory_space<hbm>> -> memref<16x20x512xi32, #tpu.memory_space<hbm>>
      %dma_start3A_854 = arith.constant 0 : i32
      %dma_start3A_855 = arith.constant 0 : i32
      %dma_start3A_856 = tpu.memref_slice %dma_start3A_853[%arg1, %dma_start3A_854, %dma_start3A_855] : memref<16x20x512xi32, #tpu.memory_space<hbm>> -> memref<1x20x512xi32, #tpu.memory_space<hbm>>
      %dma_start3A_857 = tpu.memref_squeeze %dma_start3A_856 : memref<1x20x512xi32, #tpu.memory_space<hbm>> -> memref<20x512xi32, #tpu.memory_space<hbm>>
      tpu.enqueue_dma source(%dma_start3A_857 : memref<20x512xi32, #tpu.memory_space<hbm>>) target(%arg9 : memref<20x512xi32, #tpu.memory_space<vmem>>) target_semaphore(%run_scoped3A : memref<!tpu.dma_semaphore, #tpu.memory_space<semaphore_mem>>)
      %dma_wait3A_858 = arith.constant 0 : i32
      %dma_wait3A_859 = arith.constant 0 : i32
      %dma_wait3A_860 = arith.constant 0 : i32
      %dma_wait3A_861 = tpu.memref_slice %arg3[%arg0, %dma_wait3A_858, %dma_wait3A_859, %dma_wait3A_860] : memref<2x16x20x512xi32, #tpu.memory_space<hbm>> -> memref<1x16x20x512xi32, #tpu.memory_space<hbm>>
      %dma_wait3A_862 = tpu.memref_squeeze %dma_wait3A_861 : memref<1x16x20x512xi32, #tpu.memory_space<hbm>> -> memref<16x20x512xi32, #tpu.memory_space<hbm>>
      %dma_wait3A_863 = arith.constant 0 : i32
      %dma_wait3A_864 = arith.constant 0 : i32
      %dma_wait3A_865 = tpu.memref_slice %dma_wait3A_862[%arg1, %dma_wait3A_863, %dma_wait3A_864] : memref<16x20x512xi32, #tpu.memory_space<hbm>> -> memref<1x20x512xi32, #tpu.memory_space<hbm>>
      %dma_wait3A_866 = tpu.memref_squeeze %dma_wait3A_865 : memref<1x20x512xi32, #tpu.memory_space<hbm>> -> memref<20x512xi32, #tpu.memory_space<hbm>>
      %dma_wait3A_867 = arith.constant 0 : i32
      %dma_wait3A_868 = arith.constant 0 : i32
      %dma_wait3A_869 = arith.constant 0 : i32
      %dma_wait3A_870 = tpu.memref_slice %arg3[%arg0, %dma_wait3A_867, %dma_wait3A_868, %dma_wait3A_869] : memref<2x16x20x512xi32, #tpu.memory_space<hbm>> -> memref<1x16x20x512xi32, #tpu.memory_space<hbm>>
      %dma_wait3A_871 = tpu.memref_squeeze %dma_wait3A_870 : memref<1x16x20x512xi32, #tpu.memory_space<hbm>> -> memref<16x20x512xi32, #tpu.memory_space<hbm>>
      %dma_wait3A_872 = arith.constant 0 : i32
      %dma_wait3A_873 = arith.constant 0 : i32
      %dma_wait3A_874 = tpu.memref_slice %dma_wait3A_871[%arg1, %dma_wait3A_872, %dma_wait3A_873] : memref<16x20x512xi32, #tpu.memory_space<hbm>> -> memref<1x20x512xi32, #tpu.memory_space<hbm>>
      %dma_wait3A_875 = tpu.memref_squeeze %dma_wait3A_874 : memref<1x20x512xi32, #tpu.memory_space<hbm>> -> memref<20x512xi32, #tpu.memory_space<hbm>>
      tpu.wait_dma2 semaphore(%run_scoped3A : memref<!tpu.dma_semaphore, #tpu.memory_space<semaphore_mem>>) src(%dma_wait3A_875 : memref<20x512xi32, #tpu.memory_space<hbm>>) dst(%arg9 : memref<20x512xi32, #tpu.memory_space<vmem>>)
      tpu.yield
    }) : () -> ()
    "tpu.region"() ({
      %run_scoped3A = tpu.sem_alloc : memref<!tpu.dma_semaphore, #tpu.memory_space<semaphore_mem>>
      %dma_start3A_840 = arith.constant 0 : i32
      %dma_start3A_841 = arith.constant 0 : i32
      %dma_start3A_842 = arith.constant 0 : i32
      %dma_start3A_843 = tpu.memref_slice %arg4[%arg0, %dma_start3A_840, %dma_start3A_841, %dma_start3A_842] : memref<2x16x20x512xi32, #tpu.memory_space<hbm>> -> memref<1x16x20x512xi32, #tpu.memory_space<hbm>>
      %dma_start3A_844 = tpu.memref_squeeze %dma_start3A_843 : memref<1x16x20x512xi32, #tpu.memory_space<hbm>> -> memref<16x20x512xi32, #tpu.memory_space<hbm>>
      %dma_start3A_845 = arith.constant 0 : i32
      %dma_start3A_846 = arith.constant 0 : i32
      %dma_start3A_847 = tpu.memref_slice %dma_start3A_844[%arg1, %dma_start3A_845, %dma_start3A_846] : memref<16x20x512xi32, #tpu.memory_space<hbm>> -> memref<1x20x512xi32, #tpu.memory_space<hbm>>
      %dma_start3A_848 = tpu.memref_squeeze %dma_start3A_847 : memref<1x20x512xi32, #tpu.memory_space<hbm>> -> memref<20x512xi32, #tpu.memory_space<hbm>>
      %dma_start3A_849 = arith.constant 0 : i32
      %dma_start3A_850 = arith.constant 0 : i32
      %dma_start3A_851 = arith.constant 0 : i32
      %dma_start3A_852 = tpu.memref_slice %arg4[%arg0, %dma_start3A_849, %dma_start3A_850, %dma_start3A_851] : memref<2x16x20x512xi32, #tpu.memory_space<hbm>> -> memref<1x16x20x512xi32, #tpu.memory_space<hbm>>
      %dma_start3A_853 = tpu.memref_squeeze %dma_start3A_852 : memref<1x16x20x512xi32, #tpu.memory_space<hbm>> -> memref<16x20x512xi32, #tpu.memory_space<hbm>>
      %dma_start3A_854 = arith.constant 0 : i32
      %dma_start3A_855 = arith.constant 0 : i32
      %dma_start3A_856 = tpu.memref_slice %dma_start3A_853[%arg1, %dma_start3A_854, %dma_start3A_855] : memref<16x20x512xi32, #tpu.memory_space<hbm>> -> memref<1x20x512xi32, #tpu.memory_space<hbm>>
      %dma_start3A_857 = tpu.memref_squeeze %dma_start3A_856 : memref<1x20x512xi32, #tpu.memory_space<hbm>> -> memref<20x512xi32, #tpu.memory_space<hbm>>
      tpu.enqueue_dma source(%dma_start3A_857 : memref<20x512xi32, #tpu.memory_space<hbm>>) target(%arg10 : memref<20x512xi32, #tpu.memory_space<vmem>>) target_semaphore(%run_scoped3A : memref<!tpu.dma_semaphore, #tpu.memory_space<semaphore_mem>>)
      %dma_wait3A_858 = arith.constant 0 : i32
      %dma_wait3A_859 = arith.constant 0 : i32
      %dma_wait3A_860 = arith.constant 0 : i32
      %dma_wait3A_861 = tpu.memref_slice %arg4[%arg0, %dma_wait3A_858, %dma_wait3A_859, %dma_wait3A_860] : memref<2x16x20x512xi32, #tpu.memory_space<hbm>> -> memref<1x16x20x512xi32, #tpu.memory_space<hbm>>
      %dma_wait3A_862 = tpu.memref_squeeze %dma_wait3A_861 : memref<1x16x20x512xi32, #tpu.memory_space<hbm>> -> memref<16x20x512xi32, #tpu.memory_space<hbm>>
      %dma_wait3A_863 = arith.constant 0 : i32
      %dma_wait3A_864 = arith.constant 0 : i32
      %dma_wait3A_865 = tpu.memref_slice %dma_wait3A_862[%arg1, %dma_wait3A_863, %dma_wait3A_864] : memref<16x20x512xi32, #tpu.memory_space<hbm>> -> memref<1x20x512xi32, #tpu.memory_space<hbm>>
      %dma_wait3A_866 = tpu.memref_squeeze %dma_wait3A_865 : memref<1x20x512xi32, #tpu.memory_space<hbm>> -> memref<20x512xi32, #tpu.memory_space<hbm>>
      %dma_wait3A_867 = arith.constant 0 : i32
      %dma_wait3A_868 = arith.constant 0 : i32
      %dma_wait3A_869 = arith.constant 0 : i32
      %dma_wait3A_870 = tpu.memref_slice %arg4[%arg0, %dma_wait3A_867, %dma_wait3A_868, %dma_wait3A_869] : memref<2x16x20x512xi32, #tpu.memory_space<hbm>> -> memref<1x16x20x512xi32, #tpu.memory_space<hbm>>
      %dma_wait3A_871 = tpu.memref_squeeze %dma_wait3A_870 : memref<1x16x20x512xi32, #tpu.memory_space<hbm>> -> memref<16x20x512xi32, #tpu.memory_space<hbm>>
      %dma_wait3A_872 = arith.constant 0 : i32
      %dma_wait3A_873 = arith.constant 0 : i32
      %dma_wait3A_874 = tpu.memref_slice %dma_wait3A_871[%arg1, %dma_wait3A_872, %dma_wait3A_873] : memref<16x20x512xi32, #tpu.memory_space<hbm>> -> memref<1x20x512xi32, #tpu.memory_space<hbm>>
      %dma_wait3A_875 = tpu.memref_squeeze %dma_wait3A_874 : memref<1x20x512xi32, #tpu.memory_space<hbm>> -> memref<20x512xi32, #tpu.memory_space<hbm>>
      tpu.wait_dma2 semaphore(%run_scoped3A : memref<!tpu.dma_semaphore, #tpu.memory_space<semaphore_mem>>) src(%dma_wait3A_875 : memref<20x512xi32, #tpu.memory_space<hbm>>) dst(%arg10 : memref<20x512xi32, #tpu.memory_space<vmem>>)
      tpu.yield
    }) : () -> ()
    %barrier3A = arith.constant 0 : index
    tpu.barrier barrier_id(%barrier3A)
    %dma_start3A = arith.constant 0 : i32
    %dma_start3A_1 = arith.constant 0 : i32
    %dma_start3A_2 = tpu.memref_slice %arg9[%dma_start3A, %dma_start3A_1] : memref<20x512xi32, #tpu.memory_space<vmem>> -> memref<1x512xi32, #tpu.memory_space<vmem>>
    %dma_start3A_3 = tpu.memref_squeeze %dma_start3A_2 : memref<1x512xi32, #tpu.memory_space<vmem>> -> memref<512xi32, #tpu.memory_space<vmem>>
    %dma_start3A_4 = arith.constant 0 : i32
    %dma_start3A_5 = arith.constant 0 : i32
    %dma_start3A_6 = tpu.memref_slice %arg2[%dma_start3A_4, %dma_start3A_5] : memref<10240x16xf32, #tpu.memory_space<hbm>> -> memref<10240x16xf32, #tpu.memory_space<hbm>>
    tpu.enqueue_indirect_dma source(%dma_start3A_6 : memref<10240x16xf32, #tpu.memory_space<hbm>>) target(%arg14 : memref<512x16xf32, #tpu.memory_space<vmem>>) offsets(%dma_start3A_3 : memref<512xi32, #tpu.memory_space<vmem>>) semaphore(%arg22 : memref<!tpu.dma_semaphore, #tpu.memory_space<semaphore_mem>>)
    %dma_start3A_7 = arith.constant 1 : i32
    %dma_start3A_8 = arith.constant 0 : i32
    %dma_start3A_9 = tpu.memref_slice %arg9[%dma_start3A_7, %dma_start3A_8] : memref<20x512xi32, #tpu.memory_space<vmem>> -> memref<1x512xi32, #tpu.memory_space<vmem>>
    %dma_start3A_10 = tpu.memref_squeeze %dma_start3A_9 : memref<1x512xi32, #tpu.memory_space<vmem>> -> memref<512xi32, #tpu.memory_space<vmem>>
    %dma_start3A_11 = arith.constant 0 : i32
    %dma_start3A_12 = arith.constant 0 : i32
    %dma_start3A_13 = tpu.memref_slice %arg2[%dma_start3A_11, %dma_start3A_12] : memref<10240x16xf32, #tpu.memory_space<hbm>> -> memref<10240x16xf32, #tpu.memory_space<hbm>>
    tpu.enqueue_indirect_dma source(%dma_start3A_13 : memref<10240x16xf32, #tpu.memory_space<hbm>>) target(%arg15 : memref<512x16xf32, #tpu.memory_space<vmem>>) offsets(%dma_start3A_10 : memref<512xi32, #tpu.memory_space<vmem>>) semaphore(%arg23 : memref<!tpu.dma_semaphore, #tpu.memory_space<semaphore_mem>>)
    %dma_start3A_14 = arith.constant 2 : i32
    %dma_start3A_15 = arith.constant 0 : i32
    %dma_start3A_16 = tpu.memref_slice %arg9[%dma_start3A_14, %dma_start3A_15] : memref<20x512xi32, #tpu.memory_space<vmem>> -> memref<1x512xi32, #tpu.memory_space<vmem>>
    %dma_start3A_17 = tpu.memref_squeeze %dma_start3A_16 : memref<1x512xi32, #tpu.memory_space<vmem>> -> memref<512xi32, #tpu.memory_space<vmem>>
    %dma_start3A_18 = arith.constant 0 : i32
    %dma_start3A_19 = arith.constant 0 : i32
    %dma_start3A_20 = tpu.memref_slice %arg2[%dma_start3A_18, %dma_start3A_19] : memref<10240x16xf32, #tpu.memory_space<hbm>> -> memref<10240x16xf32, #tpu.memory_space<hbm>>
    tpu.enqueue_indirect_dma source(%dma_start3A_20 : memref<10240x16xf32, #tpu.memory_space<hbm>>) target(%arg16 : memref<512x16xf32, #tpu.memory_space<vmem>>) offsets(%dma_start3A_17 : memref<512xi32, #tpu.memory_space<vmem>>) semaphore(%arg24 : memref<!tpu.dma_semaphore, #tpu.memory_space<semaphore_mem>>)
    %dma_start3A_21 = arith.constant 3 : i32
    %dma_start3A_22 = arith.constant 0 : i32
    %dma_start3A_23 = tpu.memref_slice %arg9[%dma_start3A_21, %dma_start3A_22] : memref<20x512xi32, #tpu.memory_space<vmem>> -> memref<1x512xi32, #tpu.memory_space<vmem>>
    %dma_start3A_24 = tpu.memref_squeeze %dma_start3A_23 : memref<1x512xi32, #tpu.memory_space<vmem>> -> memref<512xi32, #tpu.memory_space<vmem>>
    %dma_start3A_25 = arith.constant 0 : i32
    %dma_start3A_26 = arith.constant 0 : i32
    %dma_start3A_27 = tpu.memref_slice %arg2[%dma_start3A_25, %dma_start3A_26] : memref<10240x16xf32, #tpu.memory_space<hbm>> -> memref<10240x16xf32, #tpu.memory_space<hbm>>
    tpu.enqueue_indirect_dma source(%dma_start3A_27 : memref<10240x16xf32, #tpu.memory_space<hbm>>) target(%arg17 : memref<512x16xf32, #tpu.memory_space<vmem>>) offsets(%dma_start3A_24 : memref<512xi32, #tpu.memory_space<vmem>>) semaphore(%arg25 : memref<!tpu.dma_semaphore, #tpu.memory_space<semaphore_mem>>)
    %dma_start3A_28 = arith.constant 4 : i32
    %dma_start3A_29 = arith.constant 0 : i32
    %dma_start3A_30 = tpu.memref_slice %arg9[%dma_start3A_28, %dma_start3A_29] : memref<20x512xi32, #tpu.memory_space<vmem>> -> memref<1x512xi32, #tpu.memory_space<vmem>>
    %dma_start3A_31 = tpu.memref_squeeze %dma_start3A_30 : memref<1x512xi32, #tpu.memory_space<vmem>> -> memref<512xi32, #tpu.memory_space<vmem>>
    %dma_start3A_32 = arith.constant 0 : i32
    %dma_start3A_33 = arith.constant 0 : i32
    %dma_start3A_34 = tpu.memref_slice %arg2[%dma_start3A_32, %dma_start3A_33] : memref<10240x16xf32, #tpu.memory_space<hbm>> -> memref<10240x16xf32, #tpu.memory_space<hbm>>
    tpu.enqueue_indirect_dma source(%dma_start3A_34 : memref<10240x16xf32, #tpu.memory_space<hbm>>) target(%arg18 : memref<512x16xf32, #tpu.memory_space<vmem>>) offsets(%dma_start3A_31 : memref<512xi32, #tpu.memory_space<vmem>>) semaphore(%arg26 : memref<!tpu.dma_semaphore, #tpu.memory_space<semaphore_mem>>)
    %dma_wait3A = arith.constant 0 : i32
    %dma_wait3A_35 = arith.constant 0 : i32
    %dma_wait3A_36 = tpu.memref_slice %arg9[%dma_wait3A, %dma_wait3A_35] : memref<20x512xi32, #tpu.memory_space<vmem>> -> memref<1x512xi32, #tpu.memory_space<vmem>>
    %dma_wait3A_37 = tpu.memref_squeeze %dma_wait3A_36 : memref<1x512xi32, #tpu.memory_space<vmem>> -> memref<512xi32, #tpu.memory_space<vmem>>
    %dma_wait3A_38 = arith.constant 0 : i32
    %dma_wait3A_39 = arith.constant 0 : i32
    %dma_wait3A_40 = tpu.memref_slice %arg2[%dma_wait3A_38, %dma_wait3A_39] : memref<10240x16xf32, #tpu.memory_space<hbm>> -> memref<10240x16xf32, #tpu.memory_space<hbm>>
    tpu.wait_indirect_dma semaphore(%arg22 : memref<!tpu.dma_semaphore, #tpu.memory_space<semaphore_mem>>) src(%dma_wait3A_40 : memref<10240x16xf32, #tpu.memory_space<hbm>>) dst(%arg14 : memref<512x16xf32, #tpu.memory_space<vmem>>)
    %dma_start3A_41 = arith.constant 0 : i32
    %dma_start3A_42 = arith.constant 0 : i32
    %dma_start3A_43 = tpu.memref_slice %arg10[%dma_start3A_41, %dma_start3A_42] : memref<20x512xi32, #tpu.memory_space<vmem>> -> memref<1x512xi32, #tpu.memory_space<vmem>>
    %dma_start3A_44 = tpu.memref_squeeze %dma_start3A_43 : memref<1x512xi32, #tpu.memory_space<vmem>> -> memref<512xi32, #tpu.memory_space<vmem>>
    %dma_start3A_45 = arith.constant 0 : i32
    %dma_start3A_46 = arith.constant 0 : i32
    %dma_start3A_47 = tpu.memref_slice %arg12[%dma_start3A_45, %dma_start3A_46] : memref<10240x16xf32, #tpu.memory_space<vmem_shared>> -> memref<10240x16xf32, #tpu.memory_space<vmem_shared>>
    tpu.enqueue_indirect_dma source(%arg14 : memref<512x16xf32, #tpu.memory_space<vmem>>) target(%dma_start3A_47 : memref<10240x16xf32, #tpu.memory_space<vmem_shared>>) offsets(%dma_start3A_44 : memref<512xi32, #tpu.memory_space<vmem>>) semaphore(%arg30 : memref<!tpu.dma_semaphore, #tpu.memory_space<semaphore_mem>>) {add = true}
    %dma_start3A_48 = arith.constant 0 : i32
    %dma_start3A_49 = arith.constant 0 : i32
    %dma_start3A_50 = tpu.memref_slice %arg10[%dma_start3A_48, %dma_start3A_49] : memref<20x512xi32, #tpu.memory_space<vmem>> -> memref<1x512xi32, #tpu.memory_space<vmem>>
    %dma_start3A_51 = tpu.memref_squeeze %dma_start3A_50 : memref<1x512xi32, #tpu.memory_space<vmem>> -> memref<512xi32, #tpu.memory_space<vmem>>
    %dma_start3A_52 = arith.constant 0 : i32
    %dma_start3A_53 = arith.constant 0 : i32
    %dma_start3A_54 = tpu.memref_slice %arg13[%dma_start3A_52, %dma_start3A_53] : memref<10240x16xf32, #tpu.memory_space<vmem_shared>> -> memref<10240x16xf32, #tpu.memory_space<vmem_shared>>
    tpu.enqueue_indirect_dma source(%arg11 : memref<512x16xf32, #tpu.memory_space<vmem>>) target(%dma_start3A_54 : memref<10240x16xf32, #tpu.memory_space<vmem_shared>>) offsets(%dma_start3A_51 : memref<512xi32, #tpu.memory_space<vmem>>) semaphore(%arg38 : memref<!tpu.dma_semaphore, #tpu.memory_space<semaphore_mem>>) {add = true}
    %dma_start3A_55 = arith.constant 5 : i32
    %dma_start3A_56 = arith.constant 0 : i32
    %dma_start3A_57 = tpu.memref_slice %arg9[%dma_start3A_55, %dma_start3A_56] : memref<20x512xi32, #tpu.memory_space<vmem>> -> memref<1x512xi32, #tpu.memory_space<vmem>>
    %dma_start3A_58 = tpu.memref_squeeze %dma_start3A_57 : memref<1x512xi32, #tpu.memory_space<vmem>> -> memref<512xi32, #tpu.memory_space<vmem>>
    %dma_start3A_59 = arith.constant 0 : i32
    %dma_start3A_60 = arith.constant 0 : i32
    %dma_start3A_61 = tpu.memref_slice %arg2[%dma_start3A_59, %dma_start3A_60] : memref<10240x16xf32, #tpu.memory_space<hbm>> -> memref<10240x16xf32, #tpu.memory_space<hbm>>
    tpu.enqueue_indirect_dma source(%dma_start3A_61 : memref<10240x16xf32, #tpu.memory_space<hbm>>) target(%arg19 : memref<512x16xf32, #tpu.memory_space<vmem>>) offsets(%dma_start3A_58 : memref<512xi32, #tpu.memory_space<vmem>>) semaphore(%arg27 : memref<!tpu.dma_semaphore, #tpu.memory_space<semaphore_mem>>)
    %dma_wait3A_62 = arith.constant 1 : i32
    %dma_wait3A_63 = arith.constant 0 : i32
    %dma_wait3A_64 = tpu.memref_slice %arg9[%dma_wait3A_62, %dma_wait3A_63] : memref<20x512xi32, #tpu.memory_space<vmem>> -> memref<1x512xi32, #tpu.memory_space<vmem>>
    %dma_wait3A_65 = tpu.memref_squeeze %dma_wait3A_64 : memref<1x512xi32, #tpu.memory_space<vmem>> -> memref<512xi32, #tpu.memory_space<vmem>>
    %dma_wait3A_66 = arith.constant 0 : i32
    %dma_wait3A_67 = arith.constant 0 : i32
    %dma_wait3A_68 = tpu.memref_slice %arg2[%dma_wait3A_66, %dma_wait3A_67] : memref<10240x16xf32, #tpu.memory_space<hbm>> -> memref<10240x16xf32, #tpu.memory_space<hbm>>
    tpu.wait_indirect_dma semaphore(%arg23 : memref<!tpu.dma_semaphore, #tpu.memory_space<semaphore_mem>>) src(%dma_wait3A_68 : memref<10240x16xf32, #tpu.memory_space<hbm>>) dst(%arg15 : memref<512x16xf32, #tpu.memory_space<vmem>>)
    %dma_start3A_69 = arith.constant 1 : i32
    %dma_start3A_70 = arith.constant 0 : i32
    %dma_start3A_71 = tpu.memref_slice %arg10[%dma_start3A_69, %dma_start3A_70] : memref<20x512xi32, #tpu.memory_space<vmem>> -> memref<1x512xi32, #tpu.memory_space<vmem>>
    %dma_start3A_72 = tpu.memref_squeeze %dma_start3A_71 : memref<1x512xi32, #tpu.memory_space<vmem>> -> memref<512xi32, #tpu.memory_space<vmem>>
    %dma_start3A_73 = arith.constant 0 : i32
    %dma_start3A_74 = arith.constant 0 : i32
    %dma_start3A_75 = tpu.memref_slice %arg12[%dma_start3A_73, %dma_start3A_74] : memref<10240x16xf32, #tpu.memory_space<vmem_shared>> -> memref<10240x16xf32, #tpu.memory_space<vmem_shared>>
    tpu.enqueue_indirect_dma source(%arg15 : memref<512x16xf32, #tpu.memory_space<vmem>>) target(%dma_start3A_75 : memref<10240x16xf32, #tpu.memory_space<vmem_shared>>) offsets(%dma_start3A_72 : memref<512xi32, #tpu.memory_space<vmem>>) semaphore(%arg31 : memref<!tpu.dma_semaphore, #tpu.memory_space<semaphore_mem>>) {add = true}
    %dma_start3A_76 = arith.constant 1 : i32
    %dma_start3A_77 = arith.constant 0 : i32
    %dma_start3A_78 = tpu.memref_slice %arg10[%dma_start3A_76, %dma_start3A_77] : memref<20x512xi32, #tpu.memory_space<vmem>> -> memref<1x512xi32, #tpu.memory_space<vmem>>
    %dma_start3A_79 = tpu.memref_squeeze %dma_start3A_78 : memref<1x512xi32, #tpu.memory_space<vmem>> -> memref<512xi32, #tpu.memory_space<vmem>>
    %dma_start3A_80 = arith.constant 0 : i32
    %dma_start3A_81 = arith.constant 0 : i32
    %dma_start3A_82 = tpu.memref_slice %arg13[%dma_start3A_80, %dma_start3A_81] : memref<10240x16xf32, #tpu.memory_space<vmem_shared>> -> memref<10240x16xf32, #tpu.memory_space<vmem_shared>>
    tpu.enqueue_indirect_dma source(%arg11 : memref<512x16xf32, #tpu.memory_space<vmem>>) target(%dma_start3A_82 : memref<10240x16xf32, #tpu.memory_space<vmem_shared>>) offsets(%dma_start3A_79 : memref<512xi32, #tpu.memory_space<vmem>>) semaphore(%arg38 : memref<!tpu.dma_semaphore, #tpu.memory_space<semaphore_mem>>) {add = true}
    %dma_start3A_83 = arith.constant 6 : i32
    %dma_start3A_84 = arith.constant 0 : i32
    %dma_start3A_85 = tpu.memref_slice %arg9[%dma_start3A_83, %dma_start3A_84] : memref<20x512xi32, #tpu.memory_space<vmem>> -> memref<1x512xi32, #tpu.memory_space<vmem>>
    %dma_start3A_86 = tpu.memref_squeeze %dma_start3A_85 : memref<1x512xi32, #tpu.memory_space<vmem>> -> memref<512xi32, #tpu.memory_space<vmem>>
    %dma_start3A_87 = arith.constant 0 : i32
    %dma_start3A_88 = arith.constant 0 : i32
    %dma_start3A_89 = tpu.memref_slice %arg2[%dma_start3A_87, %dma_start3A_88] : memref<10240x16xf32, #tpu.memory_space<hbm>> -> memref<10240x16xf32, #tpu.memory_space<hbm>>
    tpu.enqueue_indirect_dma source(%dma_start3A_89 : memref<10240x16xf32, #tpu.memory_space<hbm>>) target(%arg20 : memref<512x16xf32, #tpu.memory_space<vmem>>) offsets(%dma_start3A_86 : memref<512xi32, #tpu.memory_space<vmem>>) semaphore(%arg28 : memref<!tpu.dma_semaphore, #tpu.memory_space<semaphore_mem>>)
    %dma_wait3A_90 = arith.constant 2 : i32
    %dma_wait3A_91 = arith.constant 0 : i32
    %dma_wait3A_92 = tpu.memref_slice %arg9[%dma_wait3A_90, %dma_wait3A_91] : memref<20x512xi32, #tpu.memory_space<vmem>> -> memref<1x512xi32, #tpu.memory_space<vmem>>
    %dma_wait3A_93 = tpu.memref_squeeze %dma_wait3A_92 : memref<1x512xi32, #tpu.memory_space<vmem>> -> memref<512xi32, #tpu.memory_space<vmem>>
    %dma_wait3A_94 = arith.constant 0 : i32
    %dma_wait3A_95 = arith.constant 0 : i32
    %dma_wait3A_96 = tpu.memref_slice %arg2[%dma_wait3A_94, %dma_wait3A_95] : memref<10240x16xf32, #tpu.memory_space<hbm>> -> memref<10240x16xf32, #tpu.memory_space<hbm>>
    tpu.wait_indirect_dma semaphore(%arg24 : memref<!tpu.dma_semaphore, #tpu.memory_space<semaphore_mem>>) src(%dma_wait3A_96 : memref<10240x16xf32, #tpu.memory_space<hbm>>) dst(%arg16 : memref<512x16xf32, #tpu.memory_space<vmem>>)
    %dma_start3A_97 = arith.constant 2 : i32
    %dma_start3A_98 = arith.constant 0 : i32
    %dma_start3A_99 = tpu.memref_slice %arg10[%dma_start3A_97, %dma_start3A_98] : memref<20x512xi32, #tpu.memory_space<vmem>> -> memref<1x512xi32, #tpu.memory_space<vmem>>
    %dma_start3A_100 = tpu.memref_squeeze %dma_start3A_99 : memref<1x512xi32, #tpu.memory_space<vmem>> -> memref<512xi32, #tpu.memory_space<vmem>>
    %dma_start3A_101 = arith.constant 0 : i32
    %dma_start3A_102 = arith.constant 0 : i32
    %dma_start3A_103 = tpu.memref_slice %arg12[%dma_start3A_101, %dma_start3A_102] : memref<10240x16xf32, #tpu.memory_space<vmem_shared>> -> memref<10240x16xf32, #tpu.memory_space<vmem_shared>>
    tpu.enqueue_indirect_dma source(%arg16 : memref<512x16xf32, #tpu.memory_space<vmem>>) target(%dma_start3A_103 : memref<10240x16xf32, #tpu.memory_space<vmem_shared>>) offsets(%dma_start3A_100 : memref<512xi32, #tpu.memory_space<vmem>>) semaphore(%arg32 : memref<!tpu.dma_semaphore, #tpu.memory_space<semaphore_mem>>) {add = true}
    %dma_start3A_104 = arith.constant 2 : i32
    %dma_start3A_105 = arith.constant 0 : i32
    %dma_start3A_106 = tpu.memref_slice %arg10[%dma_start3A_104, %dma_start3A_105] : memref<20x512xi32, #tpu.memory_space<vmem>> -> memref<1x512xi32, #tpu.memory_space<vmem>>
    %dma_start3A_107 = tpu.memref_squeeze %dma_start3A_106 : memref<1x512xi32, #tpu.memory_space<vmem>> -> memref<512xi32, #tpu.memory_space<vmem>>
    %dma_start3A_108 = arith.constant 0 : i32
    %dma_start3A_109 = arith.constant 0 : i32
    %dma_start3A_110 = tpu.memref_slice %arg13[%dma_start3A_108, %dma_start3A_109] : memref<10240x16xf32, #tpu.memory_space<vmem_shared>> -> memref<10240x16xf32, #tpu.memory_space<vmem_shared>>
    tpu.enqueue_indirect_dma source(%arg11 : memref<512x16xf32, #tpu.memory_space<vmem>>) target(%dma_start3A_110 : memref<10240x16xf32, #tpu.memory_space<vmem_shared>>) offsets(%dma_start3A_107 : memref<512xi32, #tpu.memory_space<vmem>>) semaphore(%arg38 : memref<!tpu.dma_semaphore, #tpu.memory_space<semaphore_mem>>) {add = true}
    %dma_start3A_111 = arith.constant 7 : i32
    %dma_start3A_112 = arith.constant 0 : i32
    %dma_start3A_113 = tpu.memref_slice %arg9[%dma_start3A_111, %dma_start3A_112] : memref<20x512xi32, #tpu.memory_space<vmem>> -> memref<1x512xi32, #tpu.memory_space<vmem>>
    %dma_start3A_114 = tpu.memref_squeeze %dma_start3A_113 : memref<1x512xi32, #tpu.memory_space<vmem>> -> memref<512xi32, #tpu.memory_space<vmem>>
    %dma_start3A_115 = arith.constant 0 : i32
    %dma_start3A_116 = arith.constant 0 : i32
    %dma_start3A_117 = tpu.memref_slice %arg2[%dma_start3A_115, %dma_start3A_116] : memref<10240x16xf32, #tpu.memory_space<hbm>> -> memref<10240x16xf32, #tpu.memory_space<hbm>>
    tpu.enqueue_indirect_dma source(%dma_start3A_117 : memref<10240x16xf32, #tpu.memory_space<hbm>>) target(%arg21 : memref<512x16xf32, #tpu.memory_space<vmem>>) offsets(%dma_start3A_114 : memref<512xi32, #tpu.memory_space<vmem>>) semaphore(%arg29 : memref<!tpu.dma_semaphore, #tpu.memory_space<semaphore_mem>>)
    %dma_wait3A_118 = arith.constant 3 : i32
    %dma_wait3A_119 = arith.constant 0 : i32
    %dma_wait3A_120 = tpu.memref_slice %arg9[%dma_wait3A_118, %dma_wait3A_119] : memref<20x512xi32, #tpu.memory_space<vmem>> -> memref<1x512xi32, #tpu.memory_space<vmem>>
    %dma_wait3A_121 = tpu.memref_squeeze %dma_wait3A_120 : memref<1x512xi32, #tpu.memory_space<vmem>> -> memref<512xi32, #tpu.memory_space<vmem>>
    %dma_wait3A_122 = arith.constant 0 : i32
    %dma_wait3A_123 = arith.constant 0 : i32
    %dma_wait3A_124 = tpu.memref_slice %arg2[%dma_wait3A_122, %dma_wait3A_123] : memref<10240x16xf32, #tpu.memory_space<hbm>> -> memref<10240x16xf32, #tpu.memory_space<hbm>>
    tpu.wait_indirect_dma semaphore(%arg25 : memref<!tpu.dma_semaphore, #tpu.memory_space<semaphore_mem>>) src(%dma_wait3A_124 : memref<10240x16xf32, #tpu.memory_space<hbm>>) dst(%arg17 : memref<512x16xf32, #tpu.memory_space<vmem>>)
    %dma_start3A_125 = arith.constant 3 : i32
    %dma_start3A_126 = arith.constant 0 : i32
    %dma_start3A_127 = tpu.memref_slice %arg10[%dma_start3A_125, %dma_start3A_126] : memref<20x512xi32, #tpu.memory_space<vmem>> -> memref<1x512xi32, #tpu.memory_space<vmem>>
    %dma_start3A_128 = tpu.memref_squeeze %dma_start3A_127 : memref<1x512xi32, #tpu.memory_space<vmem>> -> memref<512xi32, #tpu.memory_space<vmem>>
    %dma_start3A_129 = arith.constant 0 : i32
    %dma_start3A_130 = arith.constant 0 : i32
    %dma_start3A_131 = tpu.memref_slice %arg12[%dma_start3A_129, %dma_start3A_130] : memref<10240x16xf32, #tpu.memory_space<vmem_shared>> -> memref<10240x16xf32, #tpu.memory_space<vmem_shared>>
    tpu.enqueue_indirect_dma source(%arg17 : memref<512x16xf32, #tpu.memory_space<vmem>>) target(%dma_start3A_131 : memref<10240x16xf32, #tpu.memory_space<vmem_shared>>) offsets(%dma_start3A_128 : memref<512xi32, #tpu.memory_space<vmem>>) semaphore(%arg33 : memref<!tpu.dma_semaphore, #tpu.memory_space<semaphore_mem>>) {add = true}
    %dma_start3A_132 = arith.constant 3 : i32
    %dma_start3A_133 = arith.constant 0 : i32
    %dma_start3A_134 = tpu.memref_slice %arg10[%dma_start3A_132, %dma_start3A_133] : memref<20x512xi32, #tpu.memory_space<vmem>> -> memref<1x512xi32, #tpu.memory_space<vmem>>
    %dma_start3A_135 = tpu.memref_squeeze %dma_start3A_134 : memref<1x512xi32, #tpu.memory_space<vmem>> -> memref<512xi32, #tpu.memory_space<vmem>>
    %dma_start3A_136 = arith.constant 0 : i32
    %dma_start3A_137 = arith.constant 0 : i32
    %dma_start3A_138 = tpu.memref_slice %arg13[%dma_start3A_136, %dma_start3A_137] : memref<10240x16xf32, #tpu.memory_space<vmem_shared>> -> memref<10240x16xf32, #tpu.memory_space<vmem_shared>>
    tpu.enqueue_indirect_dma source(%arg11 : memref<512x16xf32, #tpu.memory_space<vmem>>) target(%dma_start3A_138 : memref<10240x16xf32, #tpu.memory_space<vmem_shared>>) offsets(%dma_start3A_135 : memref<512xi32, #tpu.memory_space<vmem>>) semaphore(%arg38 : memref<!tpu.dma_semaphore, #tpu.memory_space<semaphore_mem>>) {add = true}
    %dma_wait3A_139 = arith.constant 0 : i32
    %dma_wait3A_140 = arith.constant 0 : i32
    %dma_wait3A_141 = tpu.memref_slice %arg10[%dma_wait3A_139, %dma_wait3A_140] : memref<20x512xi32, #tpu.memory_space<vmem>> -> memref<1x512xi32, #tpu.memory_space<vmem>>
    %dma_wait3A_142 = tpu.memref_squeeze %dma_wait3A_141 : memref<1x512xi32, #tpu.memory_space<vmem>> -> memref<512xi32, #tpu.memory_space<vmem>>
    %dma_wait3A_143 = arith.constant 0 : i32
    %dma_wait3A_144 = arith.constant 0 : i32
    %dma_wait3A_145 = tpu.memref_slice %arg12[%dma_wait3A_143, %dma_wait3A_144] : memref<10240x16xf32, #tpu.memory_space<vmem_shared>> -> memref<10240x16xf32, #tpu.memory_space<vmem_shared>>
    tpu.wait_indirect_dma semaphore(%arg30 : memref<!tpu.dma_semaphore, #tpu.memory_space<semaphore_mem>>) src(%arg14 : memref<512x16xf32, #tpu.memory_space<vmem>>) dst(%dma_wait3A_145 : memref<10240x16xf32, #tpu.memory_space<vmem_shared>>)
    %dma_start3A_146 = arith.constant 8 : i32
    %dma_start3A_147 = arith.constant 0 : i32
    %dma_start3A_148 = tpu.memref_slice %arg9[%dma_start3A_146, %dma_start3A_147] : memref<20x512xi32, #tpu.memory_space<vmem>> -> memref<1x512xi32, #tpu.memory_space<vmem>>
    %dma_start3A_149 = tpu.memref_squeeze %dma_start3A_148 : memref<1x512xi32, #tpu.memory_space<vmem>> -> memref<512xi32, #tpu.memory_space<vmem>>
    %dma_start3A_150 = arith.constant 0 : i32
    %dma_start3A_151 = arith.constant 0 : i32
    %dma_start3A_152 = tpu.memref_slice %arg2[%dma_start3A_150, %dma_start3A_151] : memref<10240x16xf32, #tpu.memory_space<hbm>> -> memref<10240x16xf32, #tpu.memory_space<hbm>>
    tpu.enqueue_indirect_dma source(%dma_start3A_152 : memref<10240x16xf32, #tpu.memory_space<hbm>>) target(%arg14 : memref<512x16xf32, #tpu.memory_space<vmem>>) offsets(%dma_start3A_149 : memref<512xi32, #tpu.memory_space<vmem>>) semaphore(%arg22 : memref<!tpu.dma_semaphore, #tpu.memory_space<semaphore_mem>>)
    %dma_wait3A_153 = arith.constant 4 : i32
    %dma_wait3A_154 = arith.constant 0 : i32
    %dma_wait3A_155 = tpu.memref_slice %arg9[%dma_wait3A_153, %dma_wait3A_154] : memref<20x512xi32, #tpu.memory_space<vmem>> -> memref<1x512xi32, #tpu.memory_space<vmem>>
    %dma_wait3A_156 = tpu.memref_squeeze %dma_wait3A_155 : memref<1x512xi32, #tpu.memory_space<vmem>> -> memref<512xi32, #tpu.memory_space<vmem>>
    %dma_wait3A_157 = arith.constant 0 : i32
    %dma_wait3A_158 = arith.constant 0 : i32
    %dma_wait3A_159 = tpu.memref_slice %arg2[%dma_wait3A_157, %dma_wait3A_158] : memref<10240x16xf32, #tpu.memory_space<hbm>> -> memref<10240x16xf32, #tpu.memory_space<hbm>>
    tpu.wait_indirect_dma semaphore(%arg26 : memref<!tpu.dma_semaphore, #tpu.memory_space<semaphore_mem>>) src(%dma_wait3A_159 : memref<10240x16xf32, #tpu.memory_space<hbm>>) dst(%arg18 : memref<512x16xf32, #tpu.memory_space<vmem>>)
    %dma_start3A_160 = arith.constant 4 : i32
    %dma_start3A_161 = arith.constant 0 : i32
    %dma_start3A_162 = tpu.memref_slice %arg10[%dma_start3A_160, %dma_start3A_161] : memref<20x512xi32, #tpu.memory_space<vmem>> -> memref<1x512xi32, #tpu.memory_space<vmem>>
    %dma_start3A_163 = tpu.memref_squeeze %dma_start3A_162 : memref<1x512xi32, #tpu.memory_space<vmem>> -> memref<512xi32, #tpu.memory_space<vmem>>
    %dma_start3A_164 = arith.constant 0 : i32
    %dma_start3A_165 = arith.constant 0 : i32
    %dma_start3A_166 = tpu.memref_slice %arg12[%dma_start3A_164, %dma_start3A_165] : memref<10240x16xf32, #tpu.memory_space<vmem_shared>> -> memref<10240x16xf32, #tpu.memory_space<vmem_shared>>
    tpu.enqueue_indirect_dma source(%arg18 : memref<512x16xf32, #tpu.memory_space<vmem>>) target(%dma_start3A_166 : memref<10240x16xf32, #tpu.memory_space<vmem_shared>>) offsets(%dma_start3A_163 : memref<512xi32, #tpu.memory_space<vmem>>) semaphore(%arg34 : memref<!tpu.dma_semaphore, #tpu.memory_space<semaphore_mem>>) {add = true}
    %dma_start3A_167 = arith.constant 4 : i32
    %dma_start3A_168 = arith.constant 0 : i32
    %dma_start3A_169 = tpu.memref_slice %arg10[%dma_start3A_167, %dma_start3A_168] : memref<20x512xi32, #tpu.memory_space<vmem>> -> memref<1x512xi32, #tpu.memory_space<vmem>>
    %dma_start3A_170 = tpu.memref_squeeze %dma_start3A_169 : memref<1x512xi32, #tpu.memory_space<vmem>> -> memref<512xi32, #tpu.memory_space<vmem>>
    %dma_start3A_171 = arith.constant 0 : i32
    %dma_start3A_172 = arith.constant 0 : i32
    %dma_start3A_173 = tpu.memref_slice %arg13[%dma_start3A_171, %dma_start3A_172] : memref<10240x16xf32, #tpu.memory_space<vmem_shared>> -> memref<10240x16xf32, #tpu.memory_space<vmem_shared>>
    tpu.enqueue_indirect_dma source(%arg11 : memref<512x16xf32, #tpu.memory_space<vmem>>) target(%dma_start3A_173 : memref<10240x16xf32, #tpu.memory_space<vmem_shared>>) offsets(%dma_start3A_170 : memref<512xi32, #tpu.memory_space<vmem>>) semaphore(%arg38 : memref<!tpu.dma_semaphore, #tpu.memory_space<semaphore_mem>>) {add = true}
    %dma_wait3A_174 = arith.constant 1 : i32
    %dma_wait3A_175 = arith.constant 0 : i32
    %dma_wait3A_176 = tpu.memref_slice %arg10[%dma_wait3A_174, %dma_wait3A_175] : memref<20x512xi32, #tpu.memory_space<vmem>> -> memref<1x512xi32, #tpu.memory_space<vmem>>
    %dma_wait3A_177 = tpu.memref_squeeze %dma_wait3A_176 : memref<1x512xi32, #tpu.memory_space<vmem>> -> memref<512xi32, #tpu.memory_space<vmem>>
    %dma_wait3A_178 = arith.constant 0 : i32
    %dma_wait3A_179 = arith.constant 0 : i32
    %dma_wait3A_180 = tpu.memref_slice %arg12[%dma_wait3A_178, %dma_wait3A_179] : memref<10240x16xf32, #tpu.memory_space<vmem_shared>> -> memref<10240x16xf32, #tpu.memory_space<vmem_shared>>
    tpu.wait_indirect_dma semaphore(%arg31 : memref<!tpu.dma_semaphore, #tpu.memory_space<semaphore_mem>>) src(%arg15 : memref<512x16xf32, #tpu.memory_space<vmem>>) dst(%dma_wait3A_180 : memref<10240x16xf32, #tpu.memory_space<vmem_shared>>)
    %dma_start3A_181 = arith.constant 9 : i32
    %dma_start3A_182 = arith.constant 0 : i32
    %dma_start3A_183 = tpu.memref_slice %arg9[%dma_start3A_181, %dma_start3A_182] : memref<20x512xi32, #tpu.memory_space<vmem>> -> memref<1x512xi32, #tpu.memory_space<vmem>>
    %dma_start3A_184 = tpu.memref_squeeze %dma_start3A_183 : memref<1x512xi32, #tpu.memory_space<vmem>> -> memref<512xi32, #tpu.memory_space<vmem>>
    %dma_start3A_185 = arith.constant 0 : i32
    %dma_start3A_186 = arith.constant 0 : i32
    %dma_start3A_187 = tpu.memref_slice %arg2[%dma_start3A_185, %dma_start3A_186] : memref<10240x16xf32, #tpu.memory_space<hbm>> -> memref<10240x16xf32, #tpu.memory_space<hbm>>
    tpu.enqueue_indirect_dma source(%dma_start3A_187 : memref<10240x16xf32, #tpu.memory_space<hbm>>) target(%arg15 : memref<512x16xf32, #tpu.memory_space<vmem>>) offsets(%dma_start3A_184 : memref<512xi32, #tpu.memory_space<vmem>>) semaphore(%arg23 : memref<!tpu.dma_semaphore, #tpu.memory_space<semaphore_mem>>)
    %dma_wait3A_188 = arith.constant 5 : i32
    %dma_wait3A_189 = arith.constant 0 : i32
    %dma_wait3A_190 = tpu.memref_slice %arg9[%dma_wait3A_188, %dma_wait3A_189] : memref<20x512xi32, #tpu.memory_space<vmem>> -> memref<1x512xi32, #tpu.memory_space<vmem>>
    %dma_wait3A_191 = tpu.memref_squeeze %dma_wait3A_190 : memref<1x512xi32, #tpu.memory_space<vmem>> -> memref<512xi32, #tpu.memory_space<vmem>>
    %dma_wait3A_192 = arith.constant 0 : i32
    %dma_wait3A_193 = arith.constant 0 : i32
    %dma_wait3A_194 = tpu.memref_slice %arg2[%dma_wait3A_192, %dma_wait3A_193] : memref<10240x16xf32, #tpu.memory_space<hbm>> -> memref<10240x16xf32, #tpu.memory_space<hbm>>
    tpu.wait_indirect_dma semaphore(%arg27 : memref<!tpu.dma_semaphore, #tpu.memory_space<semaphore_mem>>) src(%dma_wait3A_194 : memref<10240x16xf32, #tpu.memory_space<hbm>>) dst(%arg19 : memref<512x16xf32, #tpu.memory_space<vmem>>)
    %dma_start3A_195 = arith.constant 5 : i32
    %dma_start3A_196 = arith.constant 0 : i32
    %dma_start3A_197 = tpu.memref_slice %arg10[%dma_start3A_195, %dma_start3A_196] : memref<20x512xi32, #tpu.memory_space<vmem>> -> memref<1x512xi32, #tpu.memory_space<vmem>>
    %dma_start3A_198 = tpu.memref_squeeze %dma_start3A_197 : memref<1x512xi32, #tpu.memory_space<vmem>> -> memref<512xi32, #tpu.memory_space<vmem>>
    %dma_start3A_199 = arith.constant 0 : i32
    %dma_start3A_200 = arith.constant 0 : i32
    %dma_start3A_201 = tpu.memref_slice %arg12[%dma_start3A_199, %dma_start3A_200] : memref<10240x16xf32, #tpu.memory_space<vmem_shared>> -> memref<10240x16xf32, #tpu.memory_space<vmem_shared>>
    tpu.enqueue_indirect_dma source(%arg19 : memref<512x16xf32, #tpu.memory_space<vmem>>) target(%dma_start3A_201 : memref<10240x16xf32, #tpu.memory_space<vmem_shared>>) offsets(%dma_start3A_198 : memref<512xi32, #tpu.memory_space<vmem>>) semaphore(%arg35 : memref<!tpu.dma_semaphore, #tpu.memory_space<semaphore_mem>>) {add = true}
    %dma_start3A_202 = arith.constant 5 : i32
    %dma_start3A_203 = arith.constant 0 : i32
    %dma_start3A_204 = tpu.memref_slice %arg10[%dma_start3A_202, %dma_start3A_203] : memref<20x512xi32, #tpu.memory_space<vmem>> -> memref<1x512xi32, #tpu.memory_space<vmem>>
    %dma_start3A_205 = tpu.memref_squeeze %dma_start3A_204 : memref<1x512xi32, #tpu.memory_space<vmem>> -> memref<512xi32, #tpu.memory_space<vmem>>
    %dma_start3A_206 = arith.constant 0 : i32
    %dma_start3A_207 = arith.constant 0 : i32
    %dma_start3A_208 = tpu.memref_slice %arg13[%dma_start3A_206, %dma_start3A_207] : memref<10240x16xf32, #tpu.memory_space<vmem_shared>> -> memref<10240x16xf32, #tpu.memory_space<vmem_shared>>
    tpu.enqueue_indirect_dma source(%arg11 : memref<512x16xf32, #tpu.memory_space<vmem>>) target(%dma_start3A_208 : memref<10240x16xf32, #tpu.memory_space<vmem_shared>>) offsets(%dma_start3A_205 : memref<512xi32, #tpu.memory_space<vmem>>) semaphore(%arg38 : memref<!tpu.dma_semaphore, #tpu.memory_space<semaphore_mem>>) {add = true}
    %dma_wait3A_209 = arith.constant 2 : i32
    %dma_wait3A_210 = arith.constant 0 : i32
    %dma_wait3A_211 = tpu.memref_slice %arg10[%dma_wait3A_209, %dma_wait3A_210] : memref<20x512xi32, #tpu.memory_space<vmem>> -> memref<1x512xi32, #tpu.memory_space<vmem>>
    %dma_wait3A_212 = tpu.memref_squeeze %dma_wait3A_211 : memref<1x512xi32, #tpu.memory_space<vmem>> -> memref<512xi32, #tpu.memory_space<vmem>>
    %dma_wait3A_213 = arith.constant 0 : i32
    %dma_wait3A_214 = arith.constant 0 : i32
    %dma_wait3A_215 = tpu.memref_slice %arg12[%dma_wait3A_213, %dma_wait3A_214] : memref<10240x16xf32, #tpu.memory_space<vmem_shared>> -> memref<10240x16xf32, #tpu.memory_space<vmem_shared>>
    tpu.wait_indirect_dma semaphore(%arg32 : memref<!tpu.dma_semaphore, #tpu.memory_space<semaphore_mem>>) src(%arg16 : memref<512x16xf32, #tpu.memory_space<vmem>>) dst(%dma_wait3A_215 : memref<10240x16xf32, #tpu.memory_space<vmem_shared>>)
    %dma_start3A_216 = arith.constant 10 : i32
    %dma_start3A_217 = arith.constant 0 : i32
    %dma_start3A_218 = tpu.memref_slice %arg9[%dma_start3A_216, %dma_start3A_217] : memref<20x512xi32, #tpu.memory_space<vmem>> -> memref<1x512xi32, #tpu.memory_space<vmem>>
    %dma_start3A_219 = tpu.memref_squeeze %dma_start3A_218 : memref<1x512xi32, #tpu.memory_space<vmem>> -> memref<512xi32, #tpu.memory_space<vmem>>
    %dma_start3A_220 = arith.constant 0 : i32
    %dma_start3A_221 = arith.constant 0 : i32
    %dma_start3A_222 = tpu.memref_slice %arg2[%dma_start3A_220, %dma_start3A_221] : memref<10240x16xf32, #tpu.memory_space<hbm>> -> memref<10240x16xf32, #tpu.memory_space<hbm>>
    tpu.enqueue_indirect_dma source(%dma_start3A_222 : memref<10240x16xf32, #tpu.memory_space<hbm>>) target(%arg16 : memref<512x16xf32, #tpu.memory_space<vmem>>) offsets(%dma_start3A_219 : memref<512xi32, #tpu.memory_space<vmem>>) semaphore(%arg24 : memref<!tpu.dma_semaphore, #tpu.memory_space<semaphore_mem>>)
    %dma_wait3A_223 = arith.constant 6 : i32
    %dma_wait3A_224 = arith.constant 0 : i32
    %dma_wait3A_225 = tpu.memref_slice %arg9[%dma_wait3A_223, %dma_wait3A_224] : memref<20x512xi32, #tpu.memory_space<vmem>> -> memref<1x512xi32, #tpu.memory_space<vmem>>
    %dma_wait3A_226 = tpu.memref_squeeze %dma_wait3A_225 : memref<1x512xi32, #tpu.memory_space<vmem>> -> memref<512xi32, #tpu.memory_space<vmem>>
    %dma_wait3A_227 = arith.constant 0 : i32
    %dma_wait3A_228 = arith.constant 0 : i32
    %dma_wait3A_229 = tpu.memref_slice %arg2[%dma_wait3A_227, %dma_wait3A_228] : memref<10240x16xf32, #tpu.memory_space<hbm>> -> memref<10240x16xf32, #tpu.memory_space<hbm>>
    tpu.wait_indirect_dma semaphore(%arg28 : memref<!tpu.dma_semaphore, #tpu.memory_space<semaphore_mem>>) src(%dma_wait3A_229 : memref<10240x16xf32, #tpu.memory_space<hbm>>) dst(%arg20 : memref<512x16xf32, #tpu.memory_space<vmem>>)
    %dma_start3A_230 = arith.constant 6 : i32
    %dma_start3A_231 = arith.constant 0 : i32
    %dma_start3A_232 = tpu.memref_slice %arg10[%dma_start3A_230, %dma_start3A_231] : memref<20x512xi32, #tpu.memory_space<vmem>> -> memref<1x512xi32, #tpu.memory_space<vmem>>
    %dma_start3A_233 = tpu.memref_squeeze %dma_start3A_232 : memref<1x512xi32, #tpu.memory_space<vmem>> -> memref<512xi32, #tpu.memory_space<vmem>>
    %dma_start3A_234 = arith.constant 0 : i32
    %dma_start3A_235 = arith.constant 0 : i32
    %dma_start3A_236 = tpu.memref_slice %arg12[%dma_start3A_234, %dma_start3A_235] : memref<10240x16xf32, #tpu.memory_space<vmem_shared>> -> memref<10240x16xf32, #tpu.memory_space<vmem_shared>>
    tpu.enqueue_indirect_dma source(%arg20 : memref<512x16xf32, #tpu.memory_space<vmem>>) target(%dma_start3A_236 : memref<10240x16xf32, #tpu.memory_space<vmem_shared>>) offsets(%dma_start3A_233 : memref<512xi32, #tpu.memory_space<vmem>>) semaphore(%arg36 : memref<!tpu.dma_semaphore, #tpu.memory_space<semaphore_mem>>) {add = true}
    %dma_start3A_237 = arith.constant 6 : i32
    %dma_start3A_238 = arith.constant 0 : i32
    %dma_start3A_239 = tpu.memref_slice %arg10[%dma_start3A_237, %dma_start3A_238] : memref<20x512xi32, #tpu.memory_space<vmem>> -> memref<1x512xi32, #tpu.memory_space<vmem>>
    %dma_start3A_240 = tpu.memref_squeeze %dma_start3A_239 : memref<1x512xi32, #tpu.memory_space<vmem>> -> memref<512xi32, #tpu.memory_space<vmem>>
    %dma_start3A_241 = arith.constant 0 : i32
    %dma_start3A_242 = arith.constant 0 : i32
    %dma_start3A_243 = tpu.memref_slice %arg13[%dma_start3A_241, %dma_start3A_242] : memref<10240x16xf32, #tpu.memory_space<vmem_shared>> -> memref<10240x16xf32, #tpu.memory_space<vmem_shared>>
    tpu.enqueue_indirect_dma source(%arg11 : memref<512x16xf32, #tpu.memory_space<vmem>>) target(%dma_start3A_243 : memref<10240x16xf32, #tpu.memory_space<vmem_shared>>) offsets(%dma_start3A_240 : memref<512xi32, #tpu.memory_space<vmem>>) semaphore(%arg38 : memref<!tpu.dma_semaphore, #tpu.memory_space<semaphore_mem>>) {add = true}
    %dma_wait3A_244 = arith.constant 3 : i32
    %dma_wait3A_245 = arith.constant 0 : i32
    %dma_wait3A_246 = tpu.memref_slice %arg10[%dma_wait3A_244, %dma_wait3A_245] : memref<20x512xi32, #tpu.memory_space<vmem>> -> memref<1x512xi32, #tpu.memory_space<vmem>>
    %dma_wait3A_247 = tpu.memref_squeeze %dma_wait3A_246 : memref<1x512xi32, #tpu.memory_space<vmem>> -> memref<512xi32, #tpu.memory_space<vmem>>
    %dma_wait3A_248 = arith.constant 0 : i32
    %dma_wait3A_249 = arith.constant 0 : i32
    %dma_wait3A_250 = tpu.memref_slice %arg12[%dma_wait3A_248, %dma_wait3A_249] : memref<10240x16xf32, #tpu.memory_space<vmem_shared>> -> memref<10240x16xf32, #tpu.memory_space<vmem_shared>>
    tpu.wait_indirect_dma semaphore(%arg33 : memref<!tpu.dma_semaphore, #tpu.memory_space<semaphore_mem>>) src(%arg17 : memref<512x16xf32, #tpu.memory_space<vmem>>) dst(%dma_wait3A_250 : memref<10240x16xf32, #tpu.memory_space<vmem_shared>>)
    %dma_start3A_251 = arith.constant 11 : i32
    %dma_start3A_252 = arith.constant 0 : i32
    %dma_start3A_253 = tpu.memref_slice %arg9[%dma_start3A_251, %dma_start3A_252] : memref<20x512xi32, #tpu.memory_space<vmem>> -> memref<1x512xi32, #tpu.memory_space<vmem>>
    %dma_start3A_254 = tpu.memref_squeeze %dma_start3A_253 : memref<1x512xi32, #tpu.memory_space<vmem>> -> memref<512xi32, #tpu.memory_space<vmem>>
    %dma_start3A_255 = arith.constant 0 : i32
    %dma_start3A_256 = arith.constant 0 : i32
    %dma_start3A_257 = tpu.memref_slice %arg2[%dma_start3A_255, %dma_start3A_256] : memref<10240x16xf32, #tpu.memory_space<hbm>> -> memref<10240x16xf32, #tpu.memory_space<hbm>>
    tpu.enqueue_indirect_dma source(%dma_start3A_257 : memref<10240x16xf32, #tpu.memory_space<hbm>>) target(%arg17 : memref<512x16xf32, #tpu.memory_space<vmem>>) offsets(%dma_start3A_254 : memref<512xi32, #tpu.memory_space<vmem>>) semaphore(%arg25 : memref<!tpu.dma_semaphore, #tpu.memory_space<semaphore_mem>>)
    %dma_wait3A_258 = arith.constant 7 : i32
    %dma_wait3A_259 = arith.constant 0 : i32
    %dma_wait3A_260 = tpu.memref_slice %arg9[%dma_wait3A_258, %dma_wait3A_259] : memref<20x512xi32, #tpu.memory_space<vmem>> -> memref<1x512xi32, #tpu.memory_space<vmem>>
    %dma_wait3A_261 = tpu.memref_squeeze %dma_wait3A_260 : memref<1x512xi32, #tpu.memory_space<vmem>> -> memref<512xi32, #tpu.memory_space<vmem>>
    %dma_wait3A_262 = arith.constant 0 : i32
    %dma_wait3A_263 = arith.constant 0 : i32
    %dma_wait3A_264 = tpu.memref_slice %arg2[%dma_wait3A_262, %dma_wait3A_263] : memref<10240x16xf32, #tpu.memory_space<hbm>> -> memref<10240x16xf32, #tpu.memory_space<hbm>>
    tpu.wait_indirect_dma semaphore(%arg29 : memref<!tpu.dma_semaphore, #tpu.memory_space<semaphore_mem>>) src(%dma_wait3A_264 : memref<10240x16xf32, #tpu.memory_space<hbm>>) dst(%arg21 : memref<512x16xf32, #tpu.memory_space<vmem>>)
    %dma_start3A_265 = arith.constant 7 : i32
    %dma_start3A_266 = arith.constant 0 : i32
    %dma_start3A_267 = tpu.memref_slice %arg10[%dma_start3A_265, %dma_start3A_266] : memref<20x512xi32, #tpu.memory_space<vmem>> -> memref<1x512xi32, #tpu.memory_space<vmem>>
    %dma_start3A_268 = tpu.memref_squeeze %dma_start3A_267 : memref<1x512xi32, #tpu.memory_space<vmem>> -> memref<512xi32, #tpu.memory_space<vmem>>
    %dma_start3A_269 = arith.constant 0 : i32
    %dma_start3A_270 = arith.constant 0 : i32
    %dma_start3A_271 = tpu.memref_slice %arg12[%dma_start3A_269, %dma_start3A_270] : memref<10240x16xf32, #tpu.memory_space<vmem_shared>> -> memref<10240x16xf32, #tpu.memory_space<vmem_shared>>
    tpu.enqueue_indirect_dma source(%arg21 : memref<512x16xf32, #tpu.memory_space<vmem>>) target(%dma_start3A_271 : memref<10240x16xf32, #tpu.memory_space<vmem_shared>>) offsets(%dma_start3A_268 : memref<512xi32, #tpu.memory_space<vmem>>) semaphore(%arg37 : memref<!tpu.dma_semaphore, #tpu.memory_space<semaphore_mem>>) {add = true}
    %dma_start3A_272 = arith.constant 7 : i32
    %dma_start3A_273 = arith.constant 0 : i32
    %dma_start3A_274 = tpu.memref_slice %arg10[%dma_start3A_272, %dma_start3A_273] : memref<20x512xi32, #tpu.memory_space<vmem>> -> memref<1x512xi32, #tpu.memory_space<vmem>>
    %dma_start3A_275 = tpu.memref_squeeze %dma_start3A_274 : memref<1x512xi32, #tpu.memory_space<vmem>> -> memref<512xi32, #tpu.memory_space<vmem>>
    %dma_start3A_276 = arith.constant 0 : i32
    %dma_start3A_277 = arith.constant 0 : i32
    %dma_start3A_278 = tpu.memref_slice %arg13[%dma_start3A_276, %dma_start3A_277] : memref<10240x16xf32, #tpu.memory_space<vmem_shared>> -> memref<10240x16xf32, #tpu.memory_space<vmem_shared>>
    tpu.enqueue_indirect_dma source(%arg11 : memref<512x16xf32, #tpu.memory_space<vmem>>) target(%dma_start3A_278 : memref<10240x16xf32, #tpu.memory_space<vmem_shared>>) offsets(%dma_start3A_275 : memref<512xi32, #tpu.memory_space<vmem>>) semaphore(%arg38 : memref<!tpu.dma_semaphore, #tpu.memory_space<semaphore_mem>>) {add = true}
    %dma_wait3A_279 = arith.constant 4 : i32
    %dma_wait3A_280 = arith.constant 0 : i32
    %dma_wait3A_281 = tpu.memref_slice %arg10[%dma_wait3A_279, %dma_wait3A_280] : memref<20x512xi32, #tpu.memory_space<vmem>> -> memref<1x512xi32, #tpu.memory_space<vmem>>
    %dma_wait3A_282 = tpu.memref_squeeze %dma_wait3A_281 : memref<1x512xi32, #tpu.memory_space<vmem>> -> memref<512xi32, #tpu.memory_space<vmem>>
    %dma_wait3A_283 = arith.constant 0 : i32
    %dma_wait3A_284 = arith.constant 0 : i32
    %dma_wait3A_285 = tpu.memref_slice %arg12[%dma_wait3A_283, %dma_wait3A_284] : memref<10240x16xf32, #tpu.memory_space<vmem_shared>> -> memref<10240x16xf32, #tpu.memory_space<vmem_shared>>
    tpu.wait_indirect_dma semaphore(%arg34 : memref<!tpu.dma_semaphore, #tpu.memory_space<semaphore_mem>>) src(%arg18 : memref<512x16xf32, #tpu.memory_space<vmem>>) dst(%dma_wait3A_285 : memref<10240x16xf32, #tpu.memory_space<vmem_shared>>)
    %dma_start3A_286 = arith.constant 12 : i32
    %dma_start3A_287 = arith.constant 0 : i32
    %dma_start3A_288 = tpu.memref_slice %arg9[%dma_start3A_286, %dma_start3A_287] : memref<20x512xi32, #tpu.memory_space<vmem>> -> memref<1x512xi32, #tpu.memory_space<vmem>>
    %dma_start3A_289 = tpu.memref_squeeze %dma_start3A_288 : memref<1x512xi32, #tpu.memory_space<vmem>> -> memref<512xi32, #tpu.memory_space<vmem>>
    %dma_start3A_290 = arith.constant 0 : i32
    %dma_start3A_291 = arith.constant 0 : i32
    %dma_start3A_292 = tpu.memref_slice %arg2[%dma_start3A_290, %dma_start3A_291] : memref<10240x16xf32, #tpu.memory_space<hbm>> -> memref<10240x16xf32, #tpu.memory_space<hbm>>
    tpu.enqueue_indirect_dma source(%dma_start3A_292 : memref<10240x16xf32, #tpu.memory_space<hbm>>) target(%arg18 : memref<512x16xf32, #tpu.memory_space<vmem>>) offsets(%dma_start3A_289 : memref<512xi32, #tpu.memory_space<vmem>>) semaphore(%arg26 : memref<!tpu.dma_semaphore, #tpu.memory_space<semaphore_mem>>)
    %dma_wait3A_293 = arith.constant 8 : i32
    %dma_wait3A_294 = arith.constant 0 : i32
    %dma_wait3A_295 = tpu.memref_slice %arg9[%dma_wait3A_293, %dma_wait3A_294] : memref<20x512xi32, #tpu.memory_space<vmem>> -> memref<1x512xi32, #tpu.memory_space<vmem>>
    %dma_wait3A_296 = tpu.memref_squeeze %dma_wait3A_295 : memref<1x512xi32, #tpu.memory_space<vmem>> -> memref<512xi32, #tpu.memory_space<vmem>>
    %dma_wait3A_297 = arith.constant 0 : i32
    %dma_wait3A_298 = arith.constant 0 : i32
    %dma_wait3A_299 = tpu.memref_slice %arg2[%dma_wait3A_297, %dma_wait3A_298] : memref<10240x16xf32, #tpu.memory_space<hbm>> -> memref<10240x16xf32, #tpu.memory_space<hbm>>
    tpu.wait_indirect_dma semaphore(%arg22 : memref<!tpu.dma_semaphore, #tpu.memory_space<semaphore_mem>>) src(%dma_wait3A_299 : memref<10240x16xf32, #tpu.memory_space<hbm>>) dst(%arg14 : memref<512x16xf32, #tpu.memory_space<vmem>>)
    %dma_start3A_300 = arith.constant 8 : i32
    %dma_start3A_301 = arith.constant 0 : i32
    %dma_start3A_302 = tpu.memref_slice %arg10[%dma_start3A_300, %dma_start3A_301] : memref<20x512xi32, #tpu.memory_space<vmem>> -> memref<1x512xi32, #tpu.memory_space<vmem>>
    %dma_start3A_303 = tpu.memref_squeeze %dma_start3A_302 : memref<1x512xi32, #tpu.memory_space<vmem>> -> memref<512xi32, #tpu.memory_space<vmem>>
    %dma_start3A_304 = arith.constant 0 : i32
    %dma_start3A_305 = arith.constant 0 : i32
    %dma_start3A_306 = tpu.memref_slice %arg12[%dma_start3A_304, %dma_start3A_305] : memref<10240x16xf32, #tpu.memory_space<vmem_shared>> -> memref<10240x16xf32, #tpu.memory_space<vmem_shared>>
    tpu.enqueue_indirect_dma source(%arg14 : memref<512x16xf32, #tpu.memory_space<vmem>>) target(%dma_start3A_306 : memref<10240x16xf32, #tpu.memory_space<vmem_shared>>) offsets(%dma_start3A_303 : memref<512xi32, #tpu.memory_space<vmem>>) semaphore(%arg30 : memref<!tpu.dma_semaphore, #tpu.memory_space<semaphore_mem>>) {add = true}
    %dma_start3A_307 = arith.constant 8 : i32
    %dma_start3A_308 = arith.constant 0 : i32
    %dma_start3A_309 = tpu.memref_slice %arg10[%dma_start3A_307, %dma_start3A_308] : memref<20x512xi32, #tpu.memory_space<vmem>> -> memref<1x512xi32, #tpu.memory_space<vmem>>
    %dma_start3A_310 = tpu.memref_squeeze %dma_start3A_309 : memref<1x512xi32, #tpu.memory_space<vmem>> -> memref<512xi32, #tpu.memory_space<vmem>>
    %dma_start3A_311 = arith.constant 0 : i32
    %dma_start3A_312 = arith.constant 0 : i32
    %dma_start3A_313 = tpu.memref_slice %arg13[%dma_start3A_311, %dma_start3A_312] : memref<10240x16xf32, #tpu.memory_space<vmem_shared>> -> memref<10240x16xf32, #tpu.memory_space<vmem_shared>>
    tpu.enqueue_indirect_dma source(%arg11 : memref<512x16xf32, #tpu.memory_space<vmem>>) target(%dma_start3A_313 : memref<10240x16xf32, #tpu.memory_space<vmem_shared>>) offsets(%dma_start3A_310 : memref<512xi32, #tpu.memory_space<vmem>>) semaphore(%arg38 : memref<!tpu.dma_semaphore, #tpu.memory_space<semaphore_mem>>) {add = true}
    %dma_wait3A_314 = arith.constant 5 : i32
    %dma_wait3A_315 = arith.constant 0 : i32
    %dma_wait3A_316 = tpu.memref_slice %arg10[%dma_wait3A_314, %dma_wait3A_315] : memref<20x512xi32, #tpu.memory_space<vmem>> -> memref<1x512xi32, #tpu.memory_space<vmem>>
    %dma_wait3A_317 = tpu.memref_squeeze %dma_wait3A_316 : memref<1x512xi32, #tpu.memory_space<vmem>> -> memref<512xi32, #tpu.memory_space<vmem>>
    %dma_wait3A_318 = arith.constant 0 : i32
    %dma_wait3A_319 = arith.constant 0 : i32
    %dma_wait3A_320 = tpu.memref_slice %arg12[%dma_wait3A_318, %dma_wait3A_319] : memref<10240x16xf32, #tpu.memory_space<vmem_shared>> -> memref<10240x16xf32, #tpu.memory_space<vmem_shared>>
    tpu.wait_indirect_dma semaphore(%arg35 : memref<!tpu.dma_semaphore, #tpu.memory_space<semaphore_mem>>) src(%arg19 : memref<512x16xf32, #tpu.memory_space<vmem>>) dst(%dma_wait3A_320 : memref<10240x16xf32, #tpu.memory_space<vmem_shared>>)
    %dma_start3A_321 = arith.constant 13 : i32
    %dma_start3A_322 = arith.constant 0 : i32
    %dma_start3A_323 = tpu.memref_slice %arg9[%dma_start3A_321, %dma_start3A_322] : memref<20x512xi32, #tpu.memory_space<vmem>> -> memref<1x512xi32, #tpu.memory_space<vmem>>
    %dma_start3A_324 = tpu.memref_squeeze %dma_start3A_323 : memref<1x512xi32, #tpu.memory_space<vmem>> -> memref<512xi32, #tpu.memory_space<vmem>>
    %dma_start3A_325 = arith.constant 0 : i32
    %dma_start3A_326 = arith.constant 0 : i32
    %dma_start3A_327 = tpu.memref_slice %arg2[%dma_start3A_325, %dma_start3A_326] : memref<10240x16xf32, #tpu.memory_space<hbm>> -> memref<10240x16xf32, #tpu.memory_space<hbm>>
    tpu.enqueue_indirect_dma source(%dma_start3A_327 : memref<10240x16xf32, #tpu.memory_space<hbm>>) target(%arg19 : memref<512x16xf32, #tpu.memory_space<vmem>>) offsets(%dma_start3A_324 : memref<512xi32, #tpu.memory_space<vmem>>) semaphore(%arg27 : memref<!tpu.dma_semaphore, #tpu.memory_space<semaphore_mem>>)
    %dma_wait3A_328 = arith.constant 9 : i32
    %dma_wait3A_329 = arith.constant 0 : i32
    %dma_wait3A_330 = tpu.memref_slice %arg9[%dma_wait3A_328, %dma_wait3A_329] : memref<20x512xi32, #tpu.memory_space<vmem>> -> memref<1x512xi32, #tpu.memory_space<vmem>>
    %dma_wait3A_331 = tpu.memref_squeeze %dma_wait3A_330 : memref<1x512xi32, #tpu.memory_space<vmem>> -> memref<512xi32, #tpu.memory_space<vmem>>
    %dma_wait3A_332 = arith.constant 0 : i32
    %dma_wait3A_333 = arith.constant 0 : i32
    %dma_wait3A_334 = tpu.memref_slice %arg2[%dma_wait3A_332, %dma_wait3A_333] : memref<10240x16xf32, #tpu.memory_space<hbm>> -> memref<10240x16xf32, #tpu.memory_space<hbm>>
    tpu.wait_indirect_dma semaphore(%arg23 : memref<!tpu.dma_semaphore, #tpu.memory_space<semaphore_mem>>) src(%dma_wait3A_334 : memref<10240x16xf32, #tpu.memory_space<hbm>>) dst(%arg15 : memref<512x16xf32, #tpu.memory_space<vmem>>)
    %dma_start3A_335 = arith.constant 9 : i32
    %dma_start3A_336 = arith.constant 0 : i32
    %dma_start3A_337 = tpu.memref_slice %arg10[%dma_start3A_335, %dma_start3A_336] : memref<20x512xi32, #tpu.memory_space<vmem>> -> memref<1x512xi32, #tpu.memory_space<vmem>>
    %dma_start3A_338 = tpu.memref_squeeze %dma_start3A_337 : memref<1x512xi32, #tpu.memory_space<vmem>> -> memref<512xi32, #tpu.memory_space<vmem>>
    %dma_start3A_339 = arith.constant 0 : i32
    %dma_start3A_340 = arith.constant 0 : i32
    %dma_start3A_341 = tpu.memref_slice %arg12[%dma_start3A_339, %dma_start3A_340] : memref<10240x16xf32, #tpu.memory_space<vmem_shared>> -> memref<10240x16xf32, #tpu.memory_space<vmem_shared>>
    tpu.enqueue_indirect_dma source(%arg15 : memref<512x16xf32, #tpu.memory_space<vmem>>) target(%dma_start3A_341 : memref<10240x16xf32, #tpu.memory_space<vmem_shared>>) offsets(%dma_start3A_338 : memref<512xi32, #tpu.memory_space<vmem>>) semaphore(%arg31 : memref<!tpu.dma_semaphore, #tpu.memory_space<semaphore_mem>>) {add = true}
    %dma_start3A_342 = arith.constant 9 : i32
    %dma_start3A_343 = arith.constant 0 : i32
    %dma_start3A_344 = tpu.memref_slice %arg10[%dma_start3A_342, %dma_start3A_343] : memref<20x512xi32, #tpu.memory_space<vmem>> -> memref<1x512xi32, #tpu.memory_space<vmem>>
    %dma_start3A_345 = tpu.memref_squeeze %dma_start3A_344 : memref<1x512xi32, #tpu.memory_space<vmem>> -> memref<512xi32, #tpu.memory_space<vmem>>
    %dma_start3A_346 = arith.constant 0 : i32
    %dma_start3A_347 = arith.constant 0 : i32
    %dma_start3A_348 = tpu.memref_slice %arg13[%dma_start3A_346, %dma_start3A_347] : memref<10240x16xf32, #tpu.memory_space<vmem_shared>> -> memref<10240x16xf32, #tpu.memory_space<vmem_shared>>
    tpu.enqueue_indirect_dma source(%arg11 : memref<512x16xf32, #tpu.memory_space<vmem>>) target(%dma_start3A_348 : memref<10240x16xf32, #tpu.memory_space<vmem_shared>>) offsets(%dma_start3A_345 : memref<512xi32, #tpu.memory_space<vmem>>) semaphore(%arg38 : memref<!tpu.dma_semaphore, #tpu.memory_space<semaphore_mem>>) {add = true}
    %dma_wait3A_349 = arith.constant 6 : i32
    %dma_wait3A_350 = arith.constant 0 : i32
    %dma_wait3A_351 = tpu.memref_slice %arg10[%dma_wait3A_349, %dma_wait3A_350] : memref<20x512xi32, #tpu.memory_space<vmem>> -> memref<1x512xi32, #tpu.memory_space<vmem>>
    %dma_wait3A_352 = tpu.memref_squeeze %dma_wait3A_351 : memref<1x512xi32, #tpu.memory_space<vmem>> -> memref<512xi32, #tpu.memory_space<vmem>>
    %dma_wait3A_353 = arith.constant 0 : i32
    %dma_wait3A_354 = arith.constant 0 : i32
    %dma_wait3A_355 = tpu.memref_slice %arg12[%dma_wait3A_353, %dma_wait3A_354] : memref<10240x16xf32, #tpu.memory_space<vmem_shared>> -> memref<10240x16xf32, #tpu.memory_space<vmem_shared>>
    tpu.wait_indirect_dma semaphore(%arg36 : memref<!tpu.dma_semaphore, #tpu.memory_space<semaphore_mem>>) src(%arg20 : memref<512x16xf32, #tpu.memory_space<vmem>>) dst(%dma_wait3A_355 : memref<10240x16xf32, #tpu.memory_space<vmem_shared>>)
    %dma_start3A_356 = arith.constant 14 : i32
    %dma_start3A_357 = arith.constant 0 : i32
    %dma_start3A_358 = tpu.memref_slice %arg9[%dma_start3A_356, %dma_start3A_357] : memref<20x512xi32, #tpu.memory_space<vmem>> -> memref<1x512xi32, #tpu.memory_space<vmem>>
    %dma_start3A_359 = tpu.memref_squeeze %dma_start3A_358 : memref<1x512xi32, #tpu.memory_space<vmem>> -> memref<512xi32, #tpu.memory_space<vmem>>
    %dma_start3A_360 = arith.constant 0 : i32
    %dma_start3A_361 = arith.constant 0 : i32
    %dma_start3A_362 = tpu.memref_slice %arg2[%dma_start3A_360, %dma_start3A_361] : memref<10240x16xf32, #tpu.memory_space<hbm>> -> memref<10240x16xf32, #tpu.memory_space<hbm>>
    tpu.enqueue_indirect_dma source(%dma_start3A_362 : memref<10240x16xf32, #tpu.memory_space<hbm>>) target(%arg20 : memref<512x16xf32, #tpu.memory_space<vmem>>) offsets(%dma_start3A_359 : memref<512xi32, #tpu.memory_space<vmem>>) semaphore(%arg28 : memref<!tpu.dma_semaphore, #tpu.memory_space<semaphore_mem>>)
    %dma_wait3A_363 = arith.constant 10 : i32
    %dma_wait3A_364 = arith.constant 0 : i32
    %dma_wait3A_365 = tpu.memref_slice %arg9[%dma_wait3A_363, %dma_wait3A_364] : memref<20x512xi32, #tpu.memory_space<vmem>> -> memref<1x512xi32, #tpu.memory_space<vmem>>
    %dma_wait3A_366 = tpu.memref_squeeze %dma_wait3A_365 : memref<1x512xi32, #tpu.memory_space<vmem>> -> memref<512xi32, #tpu.memory_space<vmem>>
    %dma_wait3A_367 = arith.constant 0 : i32
    %dma_wait3A_368 = arith.constant 0 : i32
    %dma_wait3A_369 = tpu.memref_slice %arg2[%dma_wait3A_367, %dma_wait3A_368] : memref<10240x16xf32, #tpu.memory_space<hbm>> -> memref<10240x16xf32, #tpu.memory_space<hbm>>
    tpu.wait_indirect_dma semaphore(%arg24 : memref<!tpu.dma_semaphore, #tpu.memory_space<semaphore_mem>>) src(%dma_wait3A_369 : memref<10240x16xf32, #tpu.memory_space<hbm>>) dst(%arg16 : memref<512x16xf32, #tpu.memory_space<vmem>>)
    %dma_start3A_370 = arith.constant 10 : i32
    %dma_start3A_371 = arith.constant 0 : i32
    %dma_start3A_372 = tpu.memref_slice %arg10[%dma_start3A_370, %dma_start3A_371] : memref<20x512xi32, #tpu.memory_space<vmem>> -> memref<1x512xi32, #tpu.memory_space<vmem>>
    %dma_start3A_373 = tpu.memref_squeeze %dma_start3A_372 : memref<1x512xi32, #tpu.memory_space<vmem>> -> memref<512xi32, #tpu.memory_space<vmem>>
    %dma_start3A_374 = arith.constant 0 : i32
    %dma_start3A_375 = arith.constant 0 : i32
    %dma_start3A_376 = tpu.memref_slice %arg12[%dma_start3A_374, %dma_start3A_375] : memref<10240x16xf32, #tpu.memory_space<vmem_shared>> -> memref<10240x16xf32, #tpu.memory_space<vmem_shared>>
    tpu.enqueue_indirect_dma source(%arg16 : memref<512x16xf32, #tpu.memory_space<vmem>>) target(%dma_start3A_376 : memref<10240x16xf32, #tpu.memory_space<vmem_shared>>) offsets(%dma_start3A_373 : memref<512xi32, #tpu.memory_space<vmem>>) semaphore(%arg32 : memref<!tpu.dma_semaphore, #tpu.memory_space<semaphore_mem>>) {add = true}
    %dma_start3A_377 = arith.constant 10 : i32
    %dma_start3A_378 = arith.constant 0 : i32
    %dma_start3A_379 = tpu.memref_slice %arg10[%dma_start3A_377, %dma_start3A_378] : memref<20x512xi32, #tpu.memory_space<vmem>> -> memref<1x512xi32, #tpu.memory_space<vmem>>
    %dma_start3A_380 = tpu.memref_squeeze %dma_start3A_379 : memref<1x512xi32, #tpu.memory_space<vmem>> -> memref<512xi32, #tpu.memory_space<vmem>>
    %dma_start3A_381 = arith.constant 0 : i32
    %dma_start3A_382 = arith.constant 0 : i32
    %dma_start3A_383 = tpu.memref_slice %arg13[%dma_start3A_381, %dma_start3A_382] : memref<10240x16xf32, #tpu.memory_space<vmem_shared>> -> memref<10240x16xf32, #tpu.memory_space<vmem_shared>>
    tpu.enqueue_indirect_dma source(%arg11 : memref<512x16xf32, #tpu.memory_space<vmem>>) target(%dma_start3A_383 : memref<10240x16xf32, #tpu.memory_space<vmem_shared>>) offsets(%dma_start3A_380 : memref<512xi32, #tpu.memory_space<vmem>>) semaphore(%arg38 : memref<!tpu.dma_semaphore, #tpu.memory_space<semaphore_mem>>) {add = true}
    %dma_wait3A_384 = arith.constant 7 : i32
    %dma_wait3A_385 = arith.constant 0 : i32
    %dma_wait3A_386 = tpu.memref_slice %arg10[%dma_wait3A_384, %dma_wait3A_385] : memref<20x512xi32, #tpu.memory_space<vmem>> -> memref<1x512xi32, #tpu.memory_space<vmem>>
    %dma_wait3A_387 = tpu.memref_squeeze %dma_wait3A_386 : memref<1x512xi32, #tpu.memory_space<vmem>> -> memref<512xi32, #tpu.memory_space<vmem>>
    %dma_wait3A_388 = arith.constant 0 : i32
    %dma_wait3A_389 = arith.constant 0 : i32
    %dma_wait3A_390 = tpu.memref_slice %arg12[%dma_wait3A_388, %dma_wait3A_389] : memref<10240x16xf32, #tpu.memory_space<vmem_shared>> -> memref<10240x16xf32, #tpu.memory_space<vmem_shared>>
    tpu.wait_indirect_dma semaphore(%arg37 : memref<!tpu.dma_semaphore, #tpu.memory_space<semaphore_mem>>) src(%arg21 : memref<512x16xf32, #tpu.memory_space<vmem>>) dst(%dma_wait3A_390 : memref<10240x16xf32, #tpu.memory_space<vmem_shared>>)
    %dma_start3A_391 = arith.constant 15 : i32
    %dma_start3A_392 = arith.constant 0 : i32
    %dma_start3A_393 = tpu.memref_slice %arg9[%dma_start3A_391, %dma_start3A_392] : memref<20x512xi32, #tpu.memory_space<vmem>> -> memref<1x512xi32, #tpu.memory_space<vmem>>
    %dma_start3A_394 = tpu.memref_squeeze %dma_start3A_393 : memref<1x512xi32, #tpu.memory_space<vmem>> -> memref<512xi32, #tpu.memory_space<vmem>>
    %dma_start3A_395 = arith.constant 0 : i32
    %dma_start3A_396 = arith.constant 0 : i32
    %dma_start3A_397 = tpu.memref_slice %arg2[%dma_start3A_395, %dma_start3A_396] : memref<10240x16xf32, #tpu.memory_space<hbm>> -> memref<10240x16xf32, #tpu.memory_space<hbm>>
    tpu.enqueue_indirect_dma source(%dma_start3A_397 : memref<10240x16xf32, #tpu.memory_space<hbm>>) target(%arg21 : memref<512x16xf32, #tpu.memory_space<vmem>>) offsets(%dma_start3A_394 : memref<512xi32, #tpu.memory_space<vmem>>) semaphore(%arg29 : memref<!tpu.dma_semaphore, #tpu.memory_space<semaphore_mem>>)
    %dma_wait3A_398 = arith.constant 11 : i32
    %dma_wait3A_399 = arith.constant 0 : i32
    %dma_wait3A_400 = tpu.memref_slice %arg9[%dma_wait3A_398, %dma_wait3A_399] : memref<20x512xi32, #tpu.memory_space<vmem>> -> memref<1x512xi32, #tpu.memory_space<vmem>>
    %dma_wait3A_401 = tpu.memref_squeeze %dma_wait3A_400 : memref<1x512xi32, #tpu.memory_space<vmem>> -> memref<512xi32, #tpu.memory_space<vmem>>
    %dma_wait3A_402 = arith.constant 0 : i32
    %dma_wait3A_403 = arith.constant 0 : i32
    %dma_wait3A_404 = tpu.memref_slice %arg2[%dma_wait3A_402, %dma_wait3A_403] : memref<10240x16xf32, #tpu.memory_space<hbm>> -> memref<10240x16xf32, #tpu.memory_space<hbm>>
    tpu.wait_indirect_dma semaphore(%arg25 : memref<!tpu.dma_semaphore, #tpu.memory_space<semaphore_mem>>) src(%dma_wait3A_404 : memref<10240x16xf32, #tpu.memory_space<hbm>>) dst(%arg17 : memref<512x16xf32, #tpu.memory_space<vmem>>)
    %dma_start3A_405 = arith.constant 11 : i32
    %dma_start3A_406 = arith.constant 0 : i32
    %dma_start3A_407 = tpu.memref_slice %arg10[%dma_start3A_405, %dma_start3A_406] : memref<20x512xi32, #tpu.memory_space<vmem>> -> memref<1x512xi32, #tpu.memory_space<vmem>>
    %dma_start3A_408 = tpu.memref_squeeze %dma_start3A_407 : memref<1x512xi32, #tpu.memory_space<vmem>> -> memref<512xi32, #tpu.memory_space<vmem>>
    %dma_start3A_409 = arith.constant 0 : i32
    %dma_start3A_410 = arith.constant 0 : i32
    %dma_start3A_411 = tpu.memref_slice %arg12[%dma_start3A_409, %dma_start3A_410] : memref<10240x16xf32, #tpu.memory_space<vmem_shared>> -> memref<10240x16xf32, #tpu.memory_space<vmem_shared>>
    tpu.enqueue_indirect_dma source(%arg17 : memref<512x16xf32, #tpu.memory_space<vmem>>) target(%dma_start3A_411 : memref<10240x16xf32, #tpu.memory_space<vmem_shared>>) offsets(%dma_start3A_408 : memref<512xi32, #tpu.memory_space<vmem>>) semaphore(%arg33 : memref<!tpu.dma_semaphore, #tpu.memory_space<semaphore_mem>>) {add = true}
    %dma_start3A_412 = arith.constant 11 : i32
    %dma_start3A_413 = arith.constant 0 : i32
    %dma_start3A_414 = tpu.memref_slice %arg10[%dma_start3A_412, %dma_start3A_413] : memref<20x512xi32, #tpu.memory_space<vmem>> -> memref<1x512xi32, #tpu.memory_space<vmem>>
    %dma_start3A_415 = tpu.memref_squeeze %dma_start3A_414 : memref<1x512xi32, #tpu.memory_space<vmem>> -> memref<512xi32, #tpu.memory_space<vmem>>
    %dma_start3A_416 = arith.constant 0 : i32
    %dma_start3A_417 = arith.constant 0 : i32
    %dma_start3A_418 = tpu.memref_slice %arg13[%dma_start3A_416, %dma_start3A_417] : memref<10240x16xf32, #tpu.memory_space<vmem_shared>> -> memref<10240x16xf32, #tpu.memory_space<vmem_shared>>
    tpu.enqueue_indirect_dma source(%arg11 : memref<512x16xf32, #tpu.memory_space<vmem>>) target(%dma_start3A_418 : memref<10240x16xf32, #tpu.memory_space<vmem_shared>>) offsets(%dma_start3A_415 : memref<512xi32, #tpu.memory_space<vmem>>) semaphore(%arg38 : memref<!tpu.dma_semaphore, #tpu.memory_space<semaphore_mem>>) {add = true}
    %dma_wait3A_419 = arith.constant 8 : i32
    %dma_wait3A_420 = arith.constant 0 : i32
    %dma_wait3A_421 = tpu.memref_slice %arg10[%dma_wait3A_419, %dma_wait3A_420] : memref<20x512xi32, #tpu.memory_space<vmem>> -> memref<1x512xi32, #tpu.memory_space<vmem>>
    %dma_wait3A_422 = tpu.memref_squeeze %dma_wait3A_421 : memref<1x512xi32, #tpu.memory_space<vmem>> -> memref<512xi32, #tpu.memory_space<vmem>>
    %dma_wait3A_423 = arith.constant 0 : i32
    %dma_wait3A_424 = arith.constant 0 : i32
    %dma_wait3A_425 = tpu.memref_slice %arg12[%dma_wait3A_423, %dma_wait3A_424] : memref<10240x16xf32, #tpu.memory_space<vmem_shared>> -> memref<10240x16xf32, #tpu.memory_space<vmem_shared>>
    tpu.wait_indirect_dma semaphore(%arg30 : memref<!tpu.dma_semaphore, #tpu.memory_space<semaphore_mem>>) src(%arg14 : memref<512x16xf32, #tpu.memory_space<vmem>>) dst(%dma_wait3A_425 : memref<10240x16xf32, #tpu.memory_space<vmem_shared>>)
    %dma_start3A_426 = arith.constant 16 : i32
    %dma_start3A_427 = arith.constant 0 : i32
    %dma_start3A_428 = tpu.memref_slice %arg9[%dma_start3A_426, %dma_start3A_427] : memref<20x512xi32, #tpu.memory_space<vmem>> -> memref<1x512xi32, #tpu.memory_space<vmem>>
    %dma_start3A_429 = tpu.memref_squeeze %dma_start3A_428 : memref<1x512xi32, #tpu.memory_space<vmem>> -> memref<512xi32, #tpu.memory_space<vmem>>
    %dma_start3A_430 = arith.constant 0 : i32
    %dma_start3A_431 = arith.constant 0 : i32
    %dma_start3A_432 = tpu.memref_slice %arg2[%dma_start3A_430, %dma_start3A_431] : memref<10240x16xf32, #tpu.memory_space<hbm>> -> memref<10240x16xf32, #tpu.memory_space<hbm>>
    tpu.enqueue_indirect_dma source(%dma_start3A_432 : memref<10240x16xf32, #tpu.memory_space<hbm>>) target(%arg14 : memref<512x16xf32, #tpu.memory_space<vmem>>) offsets(%dma_start3A_429 : memref<512xi32, #tpu.memory_space<vmem>>) semaphore(%arg22 : memref<!tpu.dma_semaphore, #tpu.memory_space<semaphore_mem>>)
    %dma_wait3A_433 = arith.constant 12 : i32
    %dma_wait3A_434 = arith.constant 0 : i32
    %dma_wait3A_435 = tpu.memref_slice %arg9[%dma_wait3A_433, %dma_wait3A_434] : memref<20x512xi32, #tpu.memory_space<vmem>> -> memref<1x512xi32, #tpu.memory_space<vmem>>
    %dma_wait3A_436 = tpu.memref_squeeze %dma_wait3A_435 : memref<1x512xi32, #tpu.memory_space<vmem>> -> memref<512xi32, #tpu.memory_space<vmem>>
    %dma_wait3A_437 = arith.constant 0 : i32
    %dma_wait3A_438 = arith.constant 0 : i32
    %dma_wait3A_439 = tpu.memref_slice %arg2[%dma_wait3A_437, %dma_wait3A_438] : memref<10240x16xf32, #tpu.memory_space<hbm>> -> memref<10240x16xf32, #tpu.memory_space<hbm>>
    tpu.wait_indirect_dma semaphore(%arg26 : memref<!tpu.dma_semaphore, #tpu.memory_space<semaphore_mem>>) src(%dma_wait3A_439 : memref<10240x16xf32, #tpu.memory_space<hbm>>) dst(%arg18 : memref<512x16xf32, #tpu.memory_space<vmem>>)
    %dma_start3A_440 = arith.constant 12 : i32
    %dma_start3A_441 = arith.constant 0 : i32
    %dma_start3A_442 = tpu.memref_slice %arg10[%dma_start3A_440, %dma_start3A_441] : memref<20x512xi32, #tpu.memory_space<vmem>> -> memref<1x512xi32, #tpu.memory_space<vmem>>
    %dma_start3A_443 = tpu.memref_squeeze %dma_start3A_442 : memref<1x512xi32, #tpu.memory_space<vmem>> -> memref<512xi32, #tpu.memory_space<vmem>>
    %dma_start3A_444 = arith.constant 0 : i32
    %dma_start3A_445 = arith.constant 0 : i32
    %dma_start3A_446 = tpu.memref_slice %arg12[%dma_start3A_444, %dma_start3A_445] : memref<10240x16xf32, #tpu.memory_space<vmem_shared>> -> memref<10240x16xf32, #tpu.memory_space<vmem_shared>>
    tpu.enqueue_indirect_dma source(%arg18 : memref<512x16xf32, #tpu.memory_space<vmem>>) target(%dma_start3A_446 : memref<10240x16xf32, #tpu.memory_space<vmem_shared>>) offsets(%dma_start3A_443 : memref<512xi32, #tpu.memory_space<vmem>>) semaphore(%arg34 : memref<!tpu.dma_semaphore, #tpu.memory_space<semaphore_mem>>) {add = true}
    %dma_start3A_447 = arith.constant 12 : i32
    %dma_start3A_448 = arith.constant 0 : i32
    %dma_start3A_449 = tpu.memref_slice %arg10[%dma_start3A_447, %dma_start3A_448] : memref<20x512xi32, #tpu.memory_space<vmem>> -> memref<1x512xi32, #tpu.memory_space<vmem>>
    %dma_start3A_450 = tpu.memref_squeeze %dma_start3A_449 : memref<1x512xi32, #tpu.memory_space<vmem>> -> memref<512xi32, #tpu.memory_space<vmem>>
    %dma_start3A_451 = arith.constant 0 : i32
    %dma_start3A_452 = arith.constant 0 : i32
    %dma_start3A_453 = tpu.memref_slice %arg13[%dma_start3A_451, %dma_start3A_452] : memref<10240x16xf32, #tpu.memory_space<vmem_shared>> -> memref<10240x16xf32, #tpu.memory_space<vmem_shared>>
    tpu.enqueue_indirect_dma source(%arg11 : memref<512x16xf32, #tpu.memory_space<vmem>>) target(%dma_start3A_453 : memref<10240x16xf32, #tpu.memory_space<vmem_shared>>) offsets(%dma_start3A_450 : memref<512xi32, #tpu.memory_space<vmem>>) semaphore(%arg38 : memref<!tpu.dma_semaphore, #tpu.memory_space<semaphore_mem>>) {add = true}
    %dma_wait3A_454 = arith.constant 9 : i32
    %dma_wait3A_455 = arith.constant 0 : i32
    %dma_wait3A_456 = tpu.memref_slice %arg10[%dma_wait3A_454, %dma_wait3A_455] : memref<20x512xi32, #tpu.memory_space<vmem>> -> memref<1x512xi32, #tpu.memory_space<vmem>>
    %dma_wait3A_457 = tpu.memref_squeeze %dma_wait3A_456 : memref<1x512xi32, #tpu.memory_space<vmem>> -> memref<512xi32, #tpu.memory_space<vmem>>
    %dma_wait3A_458 = arith.constant 0 : i32
    %dma_wait3A_459 = arith.constant 0 : i32
    %dma_wait3A_460 = tpu.memref_slice %arg12[%dma_wait3A_458, %dma_wait3A_459] : memref<10240x16xf32, #tpu.memory_space<vmem_shared>> -> memref<10240x16xf32, #tpu.memory_space<vmem_shared>>
    tpu.wait_indirect_dma semaphore(%arg31 : memref<!tpu.dma_semaphore, #tpu.memory_space<semaphore_mem>>) src(%arg15 : memref<512x16xf32, #tpu.memory_space<vmem>>) dst(%dma_wait3A_460 : memref<10240x16xf32, #tpu.memory_space<vmem_shared>>)
    %dma_start3A_461 = arith.constant 17 : i32
    %dma_start3A_462 = arith.constant 0 : i32
    %dma_start3A_463 = tpu.memref_slice %arg9[%dma_start3A_461, %dma_start3A_462] : memref<20x512xi32, #tpu.memory_space<vmem>> -> memref<1x512xi32, #tpu.memory_space<vmem>>
    %dma_start3A_464 = tpu.memref_squeeze %dma_start3A_463 : memref<1x512xi32, #tpu.memory_space<vmem>> -> memref<512xi32, #tpu.memory_space<vmem>>
    %dma_start3A_465 = arith.constant 0 : i32
    %dma_start3A_466 = arith.constant 0 : i32
    %dma_start3A_467 = tpu.memref_slice %arg2[%dma_start3A_465, %dma_start3A_466] : memref<10240x16xf32, #tpu.memory_space<hbm>> -> memref<10240x16xf32, #tpu.memory_space<hbm>>
    tpu.enqueue_indirect_dma source(%dma_start3A_467 : memref<10240x16xf32, #tpu.memory_space<hbm>>) target(%arg15 : memref<512x16xf32, #tpu.memory_space<vmem>>) offsets(%dma_start3A_464 : memref<512xi32, #tpu.memory_space<vmem>>) semaphore(%arg23 : memref<!tpu.dma_semaphore, #tpu.memory_space<semaphore_mem>>)
    %dma_wait3A_468 = arith.constant 13 : i32
    %dma_wait3A_469 = arith.constant 0 : i32
    %dma_wait3A_470 = tpu.memref_slice %arg9[%dma_wait3A_468, %dma_wait3A_469] : memref<20x512xi32, #tpu.memory_space<vmem>> -> memref<1x512xi32, #tpu.memory_space<vmem>>
    %dma_wait3A_471 = tpu.memref_squeeze %dma_wait3A_470 : memref<1x512xi32, #tpu.memory_space<vmem>> -> memref<512xi32, #tpu.memory_space<vmem>>
    %dma_wait3A_472 = arith.constant 0 : i32
    %dma_wait3A_473 = arith.constant 0 : i32
    %dma_wait3A_474 = tpu.memref_slice %arg2[%dma_wait3A_472, %dma_wait3A_473] : memref<10240x16xf32, #tpu.memory_space<hbm>> -> memref<10240x16xf32, #tpu.memory_space<hbm>>
    tpu.wait_indirect_dma semaphore(%arg27 : memref<!tpu.dma_semaphore, #tpu.memory_space<semaphore_mem>>) src(%dma_wait3A_474 : memref<10240x16xf32, #tpu.memory_space<hbm>>) dst(%arg19 : memref<512x16xf32, #tpu.memory_space<vmem>>)
    %dma_start3A_475 = arith.constant 13 : i32
    %dma_start3A_476 = arith.constant 0 : i32
    %dma_start3A_477 = tpu.memref_slice %arg10[%dma_start3A_475, %dma_start3A_476] : memref<20x512xi32, #tpu.memory_space<vmem>> -> memref<1x512xi32, #tpu.memory_space<vmem>>
    %dma_start3A_478 = tpu.memref_squeeze %dma_start3A_477 : memref<1x512xi32, #tpu.memory_space<vmem>> -> memref<512xi32, #tpu.memory_space<vmem>>
    %dma_start3A_479 = arith.constant 0 : i32
    %dma_start3A_480 = arith.constant 0 : i32
    %dma_start3A_481 = tpu.memref_slice %arg12[%dma_start3A_479, %dma_start3A_480] : memref<10240x16xf32, #tpu.memory_space<vmem_shared>> -> memref<10240x16xf32, #tpu.memory_space<vmem_shared>>
    tpu.enqueue_indirect_dma source(%arg19 : memref<512x16xf32, #tpu.memory_space<vmem>>) target(%dma_start3A_481 : memref<10240x16xf32, #tpu.memory_space<vmem_shared>>) offsets(%dma_start3A_478 : memref<512xi32, #tpu.memory_space<vmem>>) semaphore(%arg35 : memref<!tpu.dma_semaphore, #tpu.memory_space<semaphore_mem>>) {add = true}
    %dma_start3A_482 = arith.constant 13 : i32
    %dma_start3A_483 = arith.constant 0 : i32
    %dma_start3A_484 = tpu.memref_slice %arg10[%dma_start3A_482, %dma_start3A_483] : memref<20x512xi32, #tpu.memory_space<vmem>> -> memref<1x512xi32, #tpu.memory_space<vmem>>
    %dma_start3A_485 = tpu.memref_squeeze %dma_start3A_484 : memref<1x512xi32, #tpu.memory_space<vmem>> -> memref<512xi32, #tpu.memory_space<vmem>>
    %dma_start3A_486 = arith.constant 0 : i32
    %dma_start3A_487 = arith.constant 0 : i32
    %dma_start3A_488 = tpu.memref_slice %arg13[%dma_start3A_486, %dma_start3A_487] : memref<10240x16xf32, #tpu.memory_space<vmem_shared>> -> memref<10240x16xf32, #tpu.memory_space<vmem_shared>>
    tpu.enqueue_indirect_dma source(%arg11 : memref<512x16xf32, #tpu.memory_space<vmem>>) target(%dma_start3A_488 : memref<10240x16xf32, #tpu.memory_space<vmem_shared>>) offsets(%dma_start3A_485 : memref<512xi32, #tpu.memory_space<vmem>>) semaphore(%arg38 : memref<!tpu.dma_semaphore, #tpu.memory_space<semaphore_mem>>) {add = true}
    %dma_wait3A_489 = arith.constant 10 : i32
    %dma_wait3A_490 = arith.constant 0 : i32
    %dma_wait3A_491 = tpu.memref_slice %arg10[%dma_wait3A_489, %dma_wait3A_490] : memref<20x512xi32, #tpu.memory_space<vmem>> -> memref<1x512xi32, #tpu.memory_space<vmem>>
    %dma_wait3A_492 = tpu.memref_squeeze %dma_wait3A_491 : memref<1x512xi32, #tpu.memory_space<vmem>> -> memref<512xi32, #tpu.memory_space<vmem>>
    %dma_wait3A_493 = arith.constant 0 : i32
    %dma_wait3A_494 = arith.constant 0 : i32
    %dma_wait3A_495 = tpu.memref_slice %arg12[%dma_wait3A_493, %dma_wait3A_494] : memref<10240x16xf32, #tpu.memory_space<vmem_shared>> -> memref<10240x16xf32, #tpu.memory_space<vmem_shared>>
    tpu.wait_indirect_dma semaphore(%arg32 : memref<!tpu.dma_semaphore, #tpu.memory_space<semaphore_mem>>) src(%arg16 : memref<512x16xf32, #tpu.memory_space<vmem>>) dst(%dma_wait3A_495 : memref<10240x16xf32, #tpu.memory_space<vmem_shared>>)
    %dma_start3A_496 = arith.constant 18 : i32
    %dma_start3A_497 = arith.constant 0 : i32
    %dma_start3A_498 = tpu.memref_slice %arg9[%dma_start3A_496, %dma_start3A_497] : memref<20x512xi32, #tpu.memory_space<vmem>> -> memref<1x512xi32, #tpu.memory_space<vmem>>
    %dma_start3A_499 = tpu.memref_squeeze %dma_start3A_498 : memref<1x512xi32, #tpu.memory_space<vmem>> -> memref<512xi32, #tpu.memory_space<vmem>>
    %dma_start3A_500 = arith.constant 0 : i32
    %dma_start3A_501 = arith.constant 0 : i32
    %dma_start3A_502 = tpu.memref_slice %arg2[%dma_start3A_500, %dma_start3A_501] : memref<10240x16xf32, #tpu.memory_space<hbm>> -> memref<10240x16xf32, #tpu.memory_space<hbm>>
    tpu.enqueue_indirect_dma source(%dma_start3A_502 : memref<10240x16xf32, #tpu.memory_space<hbm>>) target(%arg16 : memref<512x16xf32, #tpu.memory_space<vmem>>) offsets(%dma_start3A_499 : memref<512xi32, #tpu.memory_space<vmem>>) semaphore(%arg24 : memref<!tpu.dma_semaphore, #tpu.memory_space<semaphore_mem>>)
    %dma_wait3A_503 = arith.constant 14 : i32
    %dma_wait3A_504 = arith.constant 0 : i32
    %dma_wait3A_505 = tpu.memref_slice %arg9[%dma_wait3A_503, %dma_wait3A_504] : memref<20x512xi32, #tpu.memory_space<vmem>> -> memref<1x512xi32, #tpu.memory_space<vmem>>
    %dma_wait3A_506 = tpu.memref_squeeze %dma_wait3A_505 : memref<1x512xi32, #tpu.memory_space<vmem>> -> memref<512xi32, #tpu.memory_space<vmem>>
    %dma_wait3A_507 = arith.constant 0 : i32
    %dma_wait3A_508 = arith.constant 0 : i32
    %dma_wait3A_509 = tpu.memref_slice %arg2[%dma_wait3A_507, %dma_wait3A_508] : memref<10240x16xf32, #tpu.memory_space<hbm>> -> memref<10240x16xf32, #tpu.memory_space<hbm>>
    tpu.wait_indirect_dma semaphore(%arg28 : memref<!tpu.dma_semaphore, #tpu.memory_space<semaphore_mem>>) src(%dma_wait3A_509 : memref<10240x16xf32, #tpu.memory_space<hbm>>) dst(%arg20 : memref<512x16xf32, #tpu.memory_space<vmem>>)
    %dma_start3A_510 = arith.constant 14 : i32
    %dma_start3A_511 = arith.constant 0 : i32
    %dma_start3A_512 = tpu.memref_slice %arg10[%dma_start3A_510, %dma_start3A_511] : memref<20x512xi32, #tpu.memory_space<vmem>> -> memref<1x512xi32, #tpu.memory_space<vmem>>
    %dma_start3A_513 = tpu.memref_squeeze %dma_start3A_512 : memref<1x512xi32, #tpu.memory_space<vmem>> -> memref<512xi32, #tpu.memory_space<vmem>>
    %dma_start3A_514 = arith.constant 0 : i32
    %dma_start3A_515 = arith.constant 0 : i32
    %dma_start3A_516 = tpu.memref_slice %arg12[%dma_start3A_514, %dma_start3A_515] : memref<10240x16xf32, #tpu.memory_space<vmem_shared>> -> memref<10240x16xf32, #tpu.memory_space<vmem_shared>>
    tpu.enqueue_indirect_dma source(%arg20 : memref<512x16xf32, #tpu.memory_space<vmem>>) target(%dma_start3A_516 : memref<10240x16xf32, #tpu.memory_space<vmem_shared>>) offsets(%dma_start3A_513 : memref<512xi32, #tpu.memory_space<vmem>>) semaphore(%arg36 : memref<!tpu.dma_semaphore, #tpu.memory_space<semaphore_mem>>) {add = true}
    %dma_start3A_517 = arith.constant 14 : i32
    %dma_start3A_518 = arith.constant 0 : i32
    %dma_start3A_519 = tpu.memref_slice %arg10[%dma_start3A_517, %dma_start3A_518] : memref<20x512xi32, #tpu.memory_space<vmem>> -> memref<1x512xi32, #tpu.memory_space<vmem>>
    %dma_start3A_520 = tpu.memref_squeeze %dma_start3A_519 : memref<1x512xi32, #tpu.memory_space<vmem>> -> memref<512xi32, #tpu.memory_space<vmem>>
    %dma_start3A_521 = arith.constant 0 : i32
    %dma_start3A_522 = arith.constant 0 : i32
    %dma_start3A_523 = tpu.memref_slice %arg13[%dma_start3A_521, %dma_start3A_522] : memref<10240x16xf32, #tpu.memory_space<vmem_shared>> -> memref<10240x16xf32, #tpu.memory_space<vmem_shared>>
    tpu.enqueue_indirect_dma source(%arg11 : memref<512x16xf32, #tpu.memory_space<vmem>>) target(%dma_start3A_523 : memref<10240x16xf32, #tpu.memory_space<vmem_shared>>) offsets(%dma_start3A_520 : memref<512xi32, #tpu.memory_space<vmem>>) semaphore(%arg38 : memref<!tpu.dma_semaphore, #tpu.memory_space<semaphore_mem>>) {add = true}
    %dma_wait3A_524 = arith.constant 11 : i32
    %dma_wait3A_525 = arith.constant 0 : i32
    %dma_wait3A_526 = tpu.memref_slice %arg10[%dma_wait3A_524, %dma_wait3A_525] : memref<20x512xi32, #tpu.memory_space<vmem>> -> memref<1x512xi32, #tpu.memory_space<vmem>>
    %dma_wait3A_527 = tpu.memref_squeeze %dma_wait3A_526 : memref<1x512xi32, #tpu.memory_space<vmem>> -> memref<512xi32, #tpu.memory_space<vmem>>
    %dma_wait3A_528 = arith.constant 0 : i32
    %dma_wait3A_529 = arith.constant 0 : i32
    %dma_wait3A_530 = tpu.memref_slice %arg12[%dma_wait3A_528, %dma_wait3A_529] : memref<10240x16xf32, #tpu.memory_space<vmem_shared>> -> memref<10240x16xf32, #tpu.memory_space<vmem_shared>>
    tpu.wait_indirect_dma semaphore(%arg33 : memref<!tpu.dma_semaphore, #tpu.memory_space<semaphore_mem>>) src(%arg17 : memref<512x16xf32, #tpu.memory_space<vmem>>) dst(%dma_wait3A_530 : memref<10240x16xf32, #tpu.memory_space<vmem_shared>>)
    %dma_start3A_531 = arith.constant 19 : i32
    %dma_start3A_532 = arith.constant 0 : i32
    %dma_start3A_533 = tpu.memref_slice %arg9[%dma_start3A_531, %dma_start3A_532] : memref<20x512xi32, #tpu.memory_space<vmem>> -> memref<1x512xi32, #tpu.memory_space<vmem>>
    %dma_start3A_534 = tpu.memref_squeeze %dma_start3A_533 : memref<1x512xi32, #tpu.memory_space<vmem>> -> memref<512xi32, #tpu.memory_space<vmem>>
    %dma_start3A_535 = arith.constant 0 : i32
    %dma_start3A_536 = arith.constant 0 : i32
    %dma_start3A_537 = tpu.memref_slice %arg2[%dma_start3A_535, %dma_start3A_536] : memref<10240x16xf32, #tpu.memory_space<hbm>> -> memref<10240x16xf32, #tpu.memory_space<hbm>>
    tpu.enqueue_indirect_dma source(%dma_start3A_537 : memref<10240x16xf32, #tpu.memory_space<hbm>>) target(%arg17 : memref<512x16xf32, #tpu.memory_space<vmem>>) offsets(%dma_start3A_534 : memref<512xi32, #tpu.memory_space<vmem>>) semaphore(%arg25 : memref<!tpu.dma_semaphore, #tpu.memory_space<semaphore_mem>>)
    %dma_wait3A_538 = arith.constant 15 : i32
    %dma_wait3A_539 = arith.constant 0 : i32
    %dma_wait3A_540 = tpu.memref_slice %arg9[%dma_wait3A_538, %dma_wait3A_539] : memref<20x512xi32, #tpu.memory_space<vmem>> -> memref<1x512xi32, #tpu.memory_space<vmem>>
    %dma_wait3A_541 = tpu.memref_squeeze %dma_wait3A_540 : memref<1x512xi32, #tpu.memory_space<vmem>> -> memref<512xi32, #tpu.memory_space<vmem>>
    %dma_wait3A_542 = arith.constant 0 : i32
    %dma_wait3A_543 = arith.constant 0 : i32
    %dma_wait3A_544 = tpu.memref_slice %arg2[%dma_wait3A_542, %dma_wait3A_543] : memref<10240x16xf32, #tpu.memory_space<hbm>> -> memref<10240x16xf32, #tpu.memory_space<hbm>>
    tpu.wait_indirect_dma semaphore(%arg29 : memref<!tpu.dma_semaphore, #tpu.memory_space<semaphore_mem>>) src(%dma_wait3A_544 : memref<10240x16xf32, #tpu.memory_space<hbm>>) dst(%arg21 : memref<512x16xf32, #tpu.memory_space<vmem>>)
    %dma_start3A_545 = arith.constant 15 : i32
    %dma_start3A_546 = arith.constant 0 : i32
    %dma_start3A_547 = tpu.memref_slice %arg10[%dma_start3A_545, %dma_start3A_546] : memref<20x512xi32, #tpu.memory_space<vmem>> -> memref<1x512xi32, #tpu.memory_space<vmem>>
    %dma_start3A_548 = tpu.memref_squeeze %dma_start3A_547 : memref<1x512xi32, #tpu.memory_space<vmem>> -> memref<512xi32, #tpu.memory_space<vmem>>
    %dma_start3A_549 = arith.constant 0 : i32
    %dma_start3A_550 = arith.constant 0 : i32
    %dma_start3A_551 = tpu.memref_slice %arg12[%dma_start3A_549, %dma_start3A_550] : memref<10240x16xf32, #tpu.memory_space<vmem_shared>> -> memref<10240x16xf32, #tpu.memory_space<vmem_shared>>
    tpu.enqueue_indirect_dma source(%arg21 : memref<512x16xf32, #tpu.memory_space<vmem>>) target(%dma_start3A_551 : memref<10240x16xf32, #tpu.memory_space<vmem_shared>>) offsets(%dma_start3A_548 : memref<512xi32, #tpu.memory_space<vmem>>) semaphore(%arg37 : memref<!tpu.dma_semaphore, #tpu.memory_space<semaphore_mem>>) {add = true}
    %dma_start3A_552 = arith.constant 15 : i32
    %dma_start3A_553 = arith.constant 0 : i32
    %dma_start3A_554 = tpu.memref_slice %arg10[%dma_start3A_552, %dma_start3A_553] : memref<20x512xi32, #tpu.memory_space<vmem>> -> memref<1x512xi32, #tpu.memory_space<vmem>>
    %dma_start3A_555 = tpu.memref_squeeze %dma_start3A_554 : memref<1x512xi32, #tpu.memory_space<vmem>> -> memref<512xi32, #tpu.memory_space<vmem>>
    %dma_start3A_556 = arith.constant 0 : i32
    %dma_start3A_557 = arith.constant 0 : i32
    %dma_start3A_558 = tpu.memref_slice %arg13[%dma_start3A_556, %dma_start3A_557] : memref<10240x16xf32, #tpu.memory_space<vmem_shared>> -> memref<10240x16xf32, #tpu.memory_space<vmem_shared>>
    tpu.enqueue_indirect_dma source(%arg11 : memref<512x16xf32, #tpu.memory_space<vmem>>) target(%dma_start3A_558 : memref<10240x16xf32, #tpu.memory_space<vmem_shared>>) offsets(%dma_start3A_555 : memref<512xi32, #tpu.memory_space<vmem>>) semaphore(%arg38 : memref<!tpu.dma_semaphore, #tpu.memory_space<semaphore_mem>>) {add = true}
    %dma_wait3A_559 = arith.constant 16 : i32
    %dma_wait3A_560 = arith.constant 0 : i32
    %dma_wait3A_561 = tpu.memref_slice %arg9[%dma_wait3A_559, %dma_wait3A_560] : memref<20x512xi32, #tpu.memory_space<vmem>> -> memref<1x512xi32, #tpu.memory_space<vmem>>
    %dma_wait3A_562 = tpu.memref_squeeze %dma_wait3A_561 : memref<1x512xi32, #tpu.memory_space<vmem>> -> memref<512xi32, #tpu.memory_space<vmem>>
    %dma_wait3A_563 = arith.constant 0 : i32
    %dma_wait3A_564 = arith.constant 0 : i32
    %dma_wait3A_565 = tpu.memref_slice %arg2[%dma_wait3A_563, %dma_wait3A_564] : memref<10240x16xf32, #tpu.memory_space<hbm>> -> memref<10240x16xf32, #tpu.memory_space<hbm>>
    tpu.wait_indirect_dma semaphore(%arg22 : memref<!tpu.dma_semaphore, #tpu.memory_space<semaphore_mem>>) src(%dma_wait3A_565 : memref<10240x16xf32, #tpu.memory_space<hbm>>) dst(%arg14 : memref<512x16xf32, #tpu.memory_space<vmem>>)
    %dma_start3A_566 = arith.constant 16 : i32
    %dma_start3A_567 = arith.constant 0 : i32
    %dma_start3A_568 = tpu.memref_slice %arg10[%dma_start3A_566, %dma_start3A_567] : memref<20x512xi32, #tpu.memory_space<vmem>> -> memref<1x512xi32, #tpu.memory_space<vmem>>
    %dma_start3A_569 = tpu.memref_squeeze %dma_start3A_568 : memref<1x512xi32, #tpu.memory_space<vmem>> -> memref<512xi32, #tpu.memory_space<vmem>>
    %dma_start3A_570 = arith.constant 0 : i32
    %dma_start3A_571 = arith.constant 0 : i32
    %dma_start3A_572 = tpu.memref_slice %arg12[%dma_start3A_570, %dma_start3A_571] : memref<10240x16xf32, #tpu.memory_space<vmem_shared>> -> memref<10240x16xf32, #tpu.memory_space<vmem_shared>>
    tpu.enqueue_indirect_dma source(%arg14 : memref<512x16xf32, #tpu.memory_space<vmem>>) target(%dma_start3A_572 : memref<10240x16xf32, #tpu.memory_space<vmem_shared>>) offsets(%dma_start3A_569 : memref<512xi32, #tpu.memory_space<vmem>>) semaphore(%arg30 : memref<!tpu.dma_semaphore, #tpu.memory_space<semaphore_mem>>) {add = true}
    %dma_start3A_573 = arith.constant 16 : i32
    %dma_start3A_574 = arith.constant 0 : i32
    %dma_start3A_575 = tpu.memref_slice %arg10[%dma_start3A_573, %dma_start3A_574] : memref<20x512xi32, #tpu.memory_space<vmem>> -> memref<1x512xi32, #tpu.memory_space<vmem>>
    %dma_start3A_576 = tpu.memref_squeeze %dma_start3A_575 : memref<1x512xi32, #tpu.memory_space<vmem>> -> memref<512xi32, #tpu.memory_space<vmem>>
    %dma_start3A_577 = arith.constant 0 : i32
    %dma_start3A_578 = arith.constant 0 : i32
    %dma_start3A_579 = tpu.memref_slice %arg13[%dma_start3A_577, %dma_start3A_578] : memref<10240x16xf32, #tpu.memory_space<vmem_shared>> -> memref<10240x16xf32, #tpu.memory_space<vmem_shared>>
    tpu.enqueue_indirect_dma source(%arg11 : memref<512x16xf32, #tpu.memory_space<vmem>>) target(%dma_start3A_579 : memref<10240x16xf32, #tpu.memory_space<vmem_shared>>) offsets(%dma_start3A_576 : memref<512xi32, #tpu.memory_space<vmem>>) semaphore(%arg38 : memref<!tpu.dma_semaphore, #tpu.memory_space<semaphore_mem>>) {add = true}
    %dma_wait3A_580 = arith.constant 17 : i32
    %dma_wait3A_581 = arith.constant 0 : i32
    %dma_wait3A_582 = tpu.memref_slice %arg9[%dma_wait3A_580, %dma_wait3A_581] : memref<20x512xi32, #tpu.memory_space<vmem>> -> memref<1x512xi32, #tpu.memory_space<vmem>>
    %dma_wait3A_583 = tpu.memref_squeeze %dma_wait3A_582 : memref<1x512xi32, #tpu.memory_space<vmem>> -> memref<512xi32, #tpu.memory_space<vmem>>
    %dma_wait3A_584 = arith.constant 0 : i32
    %dma_wait3A_585 = arith.constant 0 : i32
    %dma_wait3A_586 = tpu.memref_slice %arg2[%dma_wait3A_584, %dma_wait3A_585] : memref<10240x16xf32, #tpu.memory_space<hbm>> -> memref<10240x16xf32, #tpu.memory_space<hbm>>
    tpu.wait_indirect_dma semaphore(%arg23 : memref<!tpu.dma_semaphore, #tpu.memory_space<semaphore_mem>>) src(%dma_wait3A_586 : memref<10240x16xf32, #tpu.memory_space<hbm>>) dst(%arg15 : memref<512x16xf32, #tpu.memory_space<vmem>>)
    %dma_start3A_587 = arith.constant 17 : i32
    %dma_start3A_588 = arith.constant 0 : i32
    %dma_start3A_589 = tpu.memref_slice %arg10[%dma_start3A_587, %dma_start3A_588] : memref<20x512xi32, #tpu.memory_space<vmem>> -> memref<1x512xi32, #tpu.memory_space<vmem>>
    %dma_start3A_590 = tpu.memref_squeeze %dma_start3A_589 : memref<1x512xi32, #tpu.memory_space<vmem>> -> memref<512xi32, #tpu.memory_space<vmem>>
    %dma_start3A_591 = arith.constant 0 : i32
    %dma_start3A_592 = arith.constant 0 : i32
    %dma_start3A_593 = tpu.memref_slice %arg12[%dma_start3A_591, %dma_start3A_592] : memref<10240x16xf32, #tpu.memory_space<vmem_shared>> -> memref<10240x16xf32, #tpu.memory_space<vmem_shared>>
    tpu.enqueue_indirect_dma source(%arg15 : memref<512x16xf32, #tpu.memory_space<vmem>>) target(%dma_start3A_593 : memref<10240x16xf32, #tpu.memory_space<vmem_shared>>) offsets(%dma_start3A_590 : memref<512xi32, #tpu.memory_space<vmem>>) semaphore(%arg31 : memref<!tpu.dma_semaphore, #tpu.memory_space<semaphore_mem>>) {add = true}
    %dma_start3A_594 = arith.constant 17 : i32
    %dma_start3A_595 = arith.constant 0 : i32
    %dma_start3A_596 = tpu.memref_slice %arg10[%dma_start3A_594, %dma_start3A_595] : memref<20x512xi32, #tpu.memory_space<vmem>> -> memref<1x512xi32, #tpu.memory_space<vmem>>
    %dma_start3A_597 = tpu.memref_squeeze %dma_start3A_596 : memref<1x512xi32, #tpu.memory_space<vmem>> -> memref<512xi32, #tpu.memory_space<vmem>>
    %dma_start3A_598 = arith.constant 0 : i32
    %dma_start3A_599 = arith.constant 0 : i32
    %dma_start3A_600 = tpu.memref_slice %arg13[%dma_start3A_598, %dma_start3A_599] : memref<10240x16xf32, #tpu.memory_space<vmem_shared>> -> memref<10240x16xf32, #tpu.memory_space<vmem_shared>>
    tpu.enqueue_indirect_dma source(%arg11 : memref<512x16xf32, #tpu.memory_space<vmem>>) target(%dma_start3A_600 : memref<10240x16xf32, #tpu.memory_space<vmem_shared>>) offsets(%dma_start3A_597 : memref<512xi32, #tpu.memory_space<vmem>>) semaphore(%arg38 : memref<!tpu.dma_semaphore, #tpu.memory_space<semaphore_mem>>) {add = true}
    %dma_wait3A_601 = arith.constant 18 : i32
    %dma_wait3A_602 = arith.constant 0 : i32
    %dma_wait3A_603 = tpu.memref_slice %arg9[%dma_wait3A_601, %dma_wait3A_602] : memref<20x512xi32, #tpu.memory_space<vmem>> -> memref<1x512xi32, #tpu.memory_space<vmem>>
    %dma_wait3A_604 = tpu.memref_squeeze %dma_wait3A_603 : memref<1x512xi32, #tpu.memory_space<vmem>> -> memref<512xi32, #tpu.memory_space<vmem>>
    %dma_wait3A_605 = arith.constant 0 : i32
    %dma_wait3A_606 = arith.constant 0 : i32
    %dma_wait3A_607 = tpu.memref_slice %arg2[%dma_wait3A_605, %dma_wait3A_606] : memref<10240x16xf32, #tpu.memory_space<hbm>> -> memref<10240x16xf32, #tpu.memory_space<hbm>>
    tpu.wait_indirect_dma semaphore(%arg24 : memref<!tpu.dma_semaphore, #tpu.memory_space<semaphore_mem>>) src(%dma_wait3A_607 : memref<10240x16xf32, #tpu.memory_space<hbm>>) dst(%arg16 : memref<512x16xf32, #tpu.memory_space<vmem>>)
    %dma_start3A_608 = arith.constant 18 : i32
    %dma_start3A_609 = arith.constant 0 : i32
    %dma_start3A_610 = tpu.memref_slice %arg10[%dma_start3A_608, %dma_start3A_609] : memref<20x512xi32, #tpu.memory_space<vmem>> -> memref<1x512xi32, #tpu.memory_space<vmem>>
    %dma_start3A_611 = tpu.memref_squeeze %dma_start3A_610 : memref<1x512xi32, #tpu.memory_space<vmem>> -> memref<512xi32, #tpu.memory_space<vmem>>
    %dma_start3A_612 = arith.constant 0 : i32
    %dma_start3A_613 = arith.constant 0 : i32
    %dma_start3A_614 = tpu.memref_slice %arg12[%dma_start3A_612, %dma_start3A_613] : memref<10240x16xf32, #tpu.memory_space<vmem_shared>> -> memref<10240x16xf32, #tpu.memory_space<vmem_shared>>
    tpu.enqueue_indirect_dma source(%arg16 : memref<512x16xf32, #tpu.memory_space<vmem>>) target(%dma_start3A_614 : memref<10240x16xf32, #tpu.memory_space<vmem_shared>>) offsets(%dma_start3A_611 : memref<512xi32, #tpu.memory_space<vmem>>) semaphore(%arg32 : memref<!tpu.dma_semaphore, #tpu.memory_space<semaphore_mem>>) {add = true}
    %dma_start3A_615 = arith.constant 18 : i32
    %dma_start3A_616 = arith.constant 0 : i32
    %dma_start3A_617 = tpu.memref_slice %arg10[%dma_start3A_615, %dma_start3A_616] : memref<20x512xi32, #tpu.memory_space<vmem>> -> memref<1x512xi32, #tpu.memory_space<vmem>>
    %dma_start3A_618 = tpu.memref_squeeze %dma_start3A_617 : memref<1x512xi32, #tpu.memory_space<vmem>> -> memref<512xi32, #tpu.memory_space<vmem>>
    %dma_start3A_619 = arith.constant 0 : i32
    %dma_start3A_620 = arith.constant 0 : i32
    %dma_start3A_621 = tpu.memref_slice %arg13[%dma_start3A_619, %dma_start3A_620] : memref<10240x16xf32, #tpu.memory_space<vmem_shared>> -> memref<10240x16xf32, #tpu.memory_space<vmem_shared>>
    tpu.enqueue_indirect_dma source(%arg11 : memref<512x16xf32, #tpu.memory_space<vmem>>) target(%dma_start3A_621 : memref<10240x16xf32, #tpu.memory_space<vmem_shared>>) offsets(%dma_start3A_618 : memref<512xi32, #tpu.memory_space<vmem>>) semaphore(%arg38 : memref<!tpu.dma_semaphore, #tpu.memory_space<semaphore_mem>>) {add = true}
    %dma_wait3A_622 = arith.constant 19 : i32
    %dma_wait3A_623 = arith.constant 0 : i32
    %dma_wait3A_624 = tpu.memref_slice %arg9[%dma_wait3A_622, %dma_wait3A_623] : memref<20x512xi32, #tpu.memory_space<vmem>> -> memref<1x512xi32, #tpu.memory_space<vmem>>
    %dma_wait3A_625 = tpu.memref_squeeze %dma_wait3A_624 : memref<1x512xi32, #tpu.memory_space<vmem>> -> memref<512xi32, #tpu.memory_space<vmem>>
    %dma_wait3A_626 = arith.constant 0 : i32
    %dma_wait3A_627 = arith.constant 0 : i32
    %dma_wait3A_628 = tpu.memref_slice %arg2[%dma_wait3A_626, %dma_wait3A_627] : memref<10240x16xf32, #tpu.memory_space<hbm>> -> memref<10240x16xf32, #tpu.memory_space<hbm>>
    tpu.wait_indirect_dma semaphore(%arg25 : memref<!tpu.dma_semaphore, #tpu.memory_space<semaphore_mem>>) src(%dma_wait3A_628 : memref<10240x16xf32, #tpu.memory_space<hbm>>) dst(%arg17 : memref<512x16xf32, #tpu.memory_space<vmem>>)
    %dma_start3A_629 = arith.constant 19 : i32
    %dma_start3A_630 = arith.constant 0 : i32
    %dma_start3A_631 = tpu.memref_slice %arg10[%dma_start3A_629, %dma_start3A_630] : memref<20x512xi32, #tpu.memory_space<vmem>> -> memref<1x512xi32, #tpu.memory_space<vmem>>
    %dma_start3A_632 = tpu.memref_squeeze %dma_start3A_631 : memref<1x512xi32, #tpu.memory_space<vmem>> -> memref<512xi32, #tpu.memory_space<vmem>>
    %dma_start3A_633 = arith.constant 0 : i32
    %dma_start3A_634 = arith.constant 0 : i32
    %dma_start3A_635 = tpu.memref_slice %arg12[%dma_start3A_633, %dma_start3A_634] : memref<10240x16xf32, #tpu.memory_space<vmem_shared>> -> memref<10240x16xf32, #tpu.memory_space<vmem_shared>>
    tpu.enqueue_indirect_dma source(%arg17 : memref<512x16xf32, #tpu.memory_space<vmem>>) target(%dma_start3A_635 : memref<10240x16xf32, #tpu.memory_space<vmem_shared>>) offsets(%dma_start3A_632 : memref<512xi32, #tpu.memory_space<vmem>>) semaphore(%arg33 : memref<!tpu.dma_semaphore, #tpu.memory_space<semaphore_mem>>) {add = true}
    %dma_start3A_636 = arith.constant 19 : i32
    %dma_start3A_637 = arith.constant 0 : i32
    %dma_start3A_638 = tpu.memref_slice %arg10[%dma_start3A_636, %dma_start3A_637] : memref<20x512xi32, #tpu.memory_space<vmem>> -> memref<1x512xi32, #tpu.memory_space<vmem>>
    %dma_start3A_639 = tpu.memref_squeeze %dma_start3A_638 : memref<1x512xi32, #tpu.memory_space<vmem>> -> memref<512xi32, #tpu.memory_space<vmem>>
    %dma_start3A_640 = arith.constant 0 : i32
    %dma_start3A_641 = arith.constant 0 : i32
    %dma_start3A_642 = tpu.memref_slice %arg13[%dma_start3A_640, %dma_start3A_641] : memref<10240x16xf32, #tpu.memory_space<vmem_shared>> -> memref<10240x16xf32, #tpu.memory_space<vmem_shared>>
    tpu.enqueue_indirect_dma source(%arg11 : memref<512x16xf32, #tpu.memory_space<vmem>>) target(%dma_start3A_642 : memref<10240x16xf32, #tpu.memory_space<vmem_shared>>) offsets(%dma_start3A_639 : memref<512xi32, #tpu.memory_space<vmem>>) semaphore(%arg38 : memref<!tpu.dma_semaphore, #tpu.memory_space<semaphore_mem>>) {add = true}
    %dma_wait3A_643 = arith.constant 12 : i32
    %dma_wait3A_644 = arith.constant 0 : i32
    %dma_wait3A_645 = tpu.memref_slice %arg10[%dma_wait3A_643, %dma_wait3A_644] : memref<20x512xi32, #tpu.memory_space<vmem>> -> memref<1x512xi32, #tpu.memory_space<vmem>>
    %dma_wait3A_646 = tpu.memref_squeeze %dma_wait3A_645 : memref<1x512xi32, #tpu.memory_space<vmem>> -> memref<512xi32, #tpu.memory_space<vmem>>
    %dma_wait3A_647 = arith.constant 0 : i32
    %dma_wait3A_648 = arith.constant 0 : i32
    %dma_wait3A_649 = tpu.memref_slice %arg12[%dma_wait3A_647, %dma_wait3A_648] : memref<10240x16xf32, #tpu.memory_space<vmem_shared>> -> memref<10240x16xf32, #tpu.memory_space<vmem_shared>>
    tpu.wait_indirect_dma semaphore(%arg34 : memref<!tpu.dma_semaphore, #tpu.memory_space<semaphore_mem>>) src(%arg18 : memref<512x16xf32, #tpu.memory_space<vmem>>) dst(%dma_wait3A_649 : memref<10240x16xf32, #tpu.memory_space<vmem_shared>>)
    %dma_wait3A_650 = arith.constant 13 : i32
    %dma_wait3A_651 = arith.constant 0 : i32
    %dma_wait3A_652 = tpu.memref_slice %arg10[%dma_wait3A_650, %dma_wait3A_651] : memref<20x512xi32, #tpu.memory_space<vmem>> -> memref<1x512xi32, #tpu.memory_space<vmem>>
    %dma_wait3A_653 = tpu.memref_squeeze %dma_wait3A_652 : memref<1x512xi32, #tpu.memory_space<vmem>> -> memref<512xi32, #tpu.memory_space<vmem>>
    %dma_wait3A_654 = arith.constant 0 : i32
    %dma_wait3A_655 = arith.constant 0 : i32
    %dma_wait3A_656 = tpu.memref_slice %arg12[%dma_wait3A_654, %dma_wait3A_655] : memref<10240x16xf32, #tpu.memory_space<vmem_shared>> -> memref<10240x16xf32, #tpu.memory_space<vmem_shared>>
    tpu.wait_indirect_dma semaphore(%arg35 : memref<!tpu.dma_semaphore, #tpu.memory_space<semaphore_mem>>) src(%arg19 : memref<512x16xf32, #tpu.memory_space<vmem>>) dst(%dma_wait3A_656 : memref<10240x16xf32, #tpu.memory_space<vmem_shared>>)
    %dma_wait3A_657 = arith.constant 14 : i32
    %dma_wait3A_658 = arith.constant 0 : i32
    %dma_wait3A_659 = tpu.memref_slice %arg10[%dma_wait3A_657, %dma_wait3A_658] : memref<20x512xi32, #tpu.memory_space<vmem>> -> memref<1x512xi32, #tpu.memory_space<vmem>>
    %dma_wait3A_660 = tpu.memref_squeeze %dma_wait3A_659 : memref<1x512xi32, #tpu.memory_space<vmem>> -> memref<512xi32, #tpu.memory_space<vmem>>
    %dma_wait3A_661 = arith.constant 0 : i32
    %dma_wait3A_662 = arith.constant 0 : i32
    %dma_wait3A_663 = tpu.memref_slice %arg12[%dma_wait3A_661, %dma_wait3A_662] : memref<10240x16xf32, #tpu.memory_space<vmem_shared>> -> memref<10240x16xf32, #tpu.memory_space<vmem_shared>>
    tpu.wait_indirect_dma semaphore(%arg36 : memref<!tpu.dma_semaphore, #tpu.memory_space<semaphore_mem>>) src(%arg20 : memref<512x16xf32, #tpu.memory_space<vmem>>) dst(%dma_wait3A_663 : memref<10240x16xf32, #tpu.memory_space<vmem_shared>>)
    %dma_wait3A_664 = arith.constant 15 : i32
    %dma_wait3A_665 = arith.constant 0 : i32
    %dma_wait3A_666 = tpu.memref_slice %arg10[%dma_wait3A_664, %dma_wait3A_665] : memref<20x512xi32, #tpu.memory_space<vmem>> -> memref<1x512xi32, #tpu.memory_space<vmem>>
    %dma_wait3A_667 = tpu.memref_squeeze %dma_wait3A_666 : memref<1x512xi32, #tpu.memory_space<vmem>> -> memref<512xi32, #tpu.memory_space<vmem>>
    %dma_wait3A_668 = arith.constant 0 : i32
    %dma_wait3A_669 = arith.constant 0 : i32
    %dma_wait3A_670 = tpu.memref_slice %arg12[%dma_wait3A_668, %dma_wait3A_669] : memref<10240x16xf32, #tpu.memory_space<vmem_shared>> -> memref<10240x16xf32, #tpu.memory_space<vmem_shared>>
    tpu.wait_indirect_dma semaphore(%arg37 : memref<!tpu.dma_semaphore, #tpu.memory_space<semaphore_mem>>) src(%arg21 : memref<512x16xf32, #tpu.memory_space<vmem>>) dst(%dma_wait3A_670 : memref<10240x16xf32, #tpu.memory_space<vmem_shared>>)
    %dma_wait3A_671 = arith.constant 16 : i32
    %dma_wait3A_672 = arith.constant 0 : i32
    %dma_wait3A_673 = tpu.memref_slice %arg10[%dma_wait3A_671, %dma_wait3A_672] : memref<20x512xi32, #tpu.memory_space<vmem>> -> memref<1x512xi32, #tpu.memory_space<vmem>>
    %dma_wait3A_674 = tpu.memref_squeeze %dma_wait3A_673 : memref<1x512xi32, #tpu.memory_space<vmem>> -> memref<512xi32, #tpu.memory_space<vmem>>
    %dma_wait3A_675 = arith.constant 0 : i32
    %dma_wait3A_676 = arith.constant 0 : i32
    %dma_wait3A_677 = tpu.memref_slice %arg12[%dma_wait3A_675, %dma_wait3A_676] : memref<10240x16xf32, #tpu.memory_space<vmem_shared>> -> memref<10240x16xf32, #tpu.memory_space<vmem_shared>>
    tpu.wait_indirect_dma semaphore(%arg30 : memref<!tpu.dma_semaphore, #tpu.memory_space<semaphore_mem>>) src(%arg14 : memref<512x16xf32, #tpu.memory_space<vmem>>) dst(%dma_wait3A_677 : memref<10240x16xf32, #tpu.memory_space<vmem_shared>>)
    %dma_wait3A_678 = arith.constant 17 : i32
    %dma_wait3A_679 = arith.constant 0 : i32
    %dma_wait3A_680 = tpu.memref_slice %arg10[%dma_wait3A_678, %dma_wait3A_679] : memref<20x512xi32, #tpu.memory_space<vmem>> -> memref<1x512xi32, #tpu.memory_space<vmem>>
    %dma_wait3A_681 = tpu.memref_squeeze %dma_wait3A_680 : memref<1x512xi32, #tpu.memory_space<vmem>> -> memref<512xi32, #tpu.memory_space<vmem>>
    %dma_wait3A_682 = arith.constant 0 : i32
    %dma_wait3A_683 = arith.constant 0 : i32
    %dma_wait3A_684 = tpu.memref_slice %arg12[%dma_wait3A_682, %dma_wait3A_683] : memref<10240x16xf32, #tpu.memory_space<vmem_shared>> -> memref<10240x16xf32, #tpu.memory_space<vmem_shared>>
    tpu.wait_indirect_dma semaphore(%arg31 : memref<!tpu.dma_semaphore, #tpu.memory_space<semaphore_mem>>) src(%arg15 : memref<512x16xf32, #tpu.memory_space<vmem>>) dst(%dma_wait3A_684 : memref<10240x16xf32, #tpu.memory_space<vmem_shared>>)
    %dma_wait3A_685 = arith.constant 18 : i32
    %dma_wait3A_686 = arith.constant 0 : i32
    %dma_wait3A_687 = tpu.memref_slice %arg10[%dma_wait3A_685, %dma_wait3A_686] : memref<20x512xi32, #tpu.memory_space<vmem>> -> memref<1x512xi32, #tpu.memory_space<vmem>>
    %dma_wait3A_688 = tpu.memref_squeeze %dma_wait3A_687 : memref<1x512xi32, #tpu.memory_space<vmem>> -> memref<512xi32, #tpu.memory_space<vmem>>
    %dma_wait3A_689 = arith.constant 0 : i32
    %dma_wait3A_690 = arith.constant 0 : i32
    %dma_wait3A_691 = tpu.memref_slice %arg12[%dma_wait3A_689, %dma_wait3A_690] : memref<10240x16xf32, #tpu.memory_space<vmem_shared>> -> memref<10240x16xf32, #tpu.memory_space<vmem_shared>>
    tpu.wait_indirect_dma semaphore(%arg32 : memref<!tpu.dma_semaphore, #tpu.memory_space<semaphore_mem>>) src(%arg16 : memref<512x16xf32, #tpu.memory_space<vmem>>) dst(%dma_wait3A_691 : memref<10240x16xf32, #tpu.memory_space<vmem_shared>>)
    %dma_wait3A_692 = arith.constant 19 : i32
    %dma_wait3A_693 = arith.constant 0 : i32
    %dma_wait3A_694 = tpu.memref_slice %arg10[%dma_wait3A_692, %dma_wait3A_693] : memref<20x512xi32, #tpu.memory_space<vmem>> -> memref<1x512xi32, #tpu.memory_space<vmem>>
    %dma_wait3A_695 = tpu.memref_squeeze %dma_wait3A_694 : memref<1x512xi32, #tpu.memory_space<vmem>> -> memref<512xi32, #tpu.memory_space<vmem>>
    %dma_wait3A_696 = arith.constant 0 : i32
    %dma_wait3A_697 = arith.constant 0 : i32
    %dma_wait3A_698 = tpu.memref_slice %arg12[%dma_wait3A_696, %dma_wait3A_697] : memref<10240x16xf32, #tpu.memory_space<vmem_shared>> -> memref<10240x16xf32, #tpu.memory_space<vmem_shared>>
    tpu.wait_indirect_dma semaphore(%arg33 : memref<!tpu.dma_semaphore, #tpu.memory_space<semaphore_mem>>) src(%arg17 : memref<512x16xf32, #tpu.memory_space<vmem>>) dst(%dma_wait3A_698 : memref<10240x16xf32, #tpu.memory_space<vmem_shared>>)
    %dma_wait3A_699 = arith.constant 0 : i32
    %dma_wait3A_700 = arith.constant 0 : i32
    %dma_wait3A_701 = tpu.memref_slice %arg10[%dma_wait3A_699, %dma_wait3A_700] : memref<20x512xi32, #tpu.memory_space<vmem>> -> memref<1x512xi32, #tpu.memory_space<vmem>>
    %dma_wait3A_702 = tpu.memref_squeeze %dma_wait3A_701 : memref<1x512xi32, #tpu.memory_space<vmem>> -> memref<512xi32, #tpu.memory_space<vmem>>
    %dma_wait3A_703 = arith.constant 0 : i32
    %dma_wait3A_704 = arith.constant 0 : i32
    %dma_wait3A_705 = tpu.memref_slice %arg13[%dma_wait3A_703, %dma_wait3A_704] : memref<10240x16xf32, #tpu.memory_space<vmem_shared>> -> memref<10240x16xf32, #tpu.memory_space<vmem_shared>>
    tpu.wait_indirect_dma semaphore(%arg38 : memref<!tpu.dma_semaphore, #tpu.memory_space<semaphore_mem>>) src(%arg11 : memref<512x16xf32, #tpu.memory_space<vmem>>) dst(%dma_wait3A_705 : memref<10240x16xf32, #tpu.memory_space<vmem_shared>>)
    %dma_wait3A_706 = arith.constant 1 : i32
    %dma_wait3A_707 = arith.constant 0 : i32
    %dma_wait3A_708 = tpu.memref_slice %arg10[%dma_wait3A_706, %dma_wait3A_707] : memref<20x512xi32, #tpu.memory_space<vmem>> -> memref<1x512xi32, #tpu.memory_space<vmem>>
    %dma_wait3A_709 = tpu.memref_squeeze %dma_wait3A_708 : memref<1x512xi32, #tpu.memory_space<vmem>> -> memref<512xi32, #tpu.memory_space<vmem>>
    %dma_wait3A_710 = arith.constant 0 : i32
    %dma_wait3A_711 = arith.constant 0 : i32
    %dma_wait3A_712 = tpu.memref_slice %arg13[%dma_wait3A_710, %dma_wait3A_711] : memref<10240x16xf32, #tpu.memory_space<vmem_shared>> -> memref<10240x16xf32, #tpu.memory_space<vmem_shared>>
    tpu.wait_indirect_dma semaphore(%arg38 : memref<!tpu.dma_semaphore, #tpu.memory_space<semaphore_mem>>) src(%arg11 : memref<512x16xf32, #tpu.memory_space<vmem>>) dst(%dma_wait3A_712 : memref<10240x16xf32, #tpu.memory_space<vmem_shared>>)
    %dma_wait3A_713 = arith.constant 2 : i32
    %dma_wait3A_714 = arith.constant 0 : i32
    %dma_wait3A_715 = tpu.memref_slice %arg10[%dma_wait3A_713, %dma_wait3A_714] : memref<20x512xi32, #tpu.memory_space<vmem>> -> memref<1x512xi32, #tpu.memory_space<vmem>>
    %dma_wait3A_716 = tpu.memref_squeeze %dma_wait3A_715 : memref<1x512xi32, #tpu.memory_space<vmem>> -> memref<512xi32, #tpu.memory_space<vmem>>
    %dma_wait3A_717 = arith.constant 0 : i32
    %dma_wait3A_718 = arith.constant 0 : i32
    %dma_wait3A_719 = tpu.memref_slice %arg13[%dma_wait3A_717, %dma_wait3A_718] : memref<10240x16xf32, #tpu.memory_space<vmem_shared>> -> memref<10240x16xf32, #tpu.memory_space<vmem_shared>>
    tpu.wait_indirect_dma semaphore(%arg38 : memref<!tpu.dma_semaphore, #tpu.memory_space<semaphore_mem>>) src(%arg11 : memref<512x16xf32, #tpu.memory_space<vmem>>) dst(%dma_wait3A_719 : memref<10240x16xf32, #tpu.memory_space<vmem_shared>>)
    %dma_wait3A_720 = arith.constant 3 : i32
    %dma_wait3A_721 = arith.constant 0 : i32
    %dma_wait3A_722 = tpu.memref_slice %arg10[%dma_wait3A_720, %dma_wait3A_721] : memref<20x512xi32, #tpu.memory_space<vmem>> -> memref<1x512xi32, #tpu.memory_space<vmem>>
    %dma_wait3A_723 = tpu.memref_squeeze %dma_wait3A_722 : memref<1x512xi32, #tpu.memory_space<vmem>> -> memref<512xi32, #tpu.memory_space<vmem>>
    %dma_wait3A_724 = arith.constant 0 : i32
    %dma_wait3A_725 = arith.constant 0 : i32
    %dma_wait3A_726 = tpu.memref_slice %arg13[%dma_wait3A_724, %dma_wait3A_725] : memref<10240x16xf32, #tpu.memory_space<vmem_shared>> -> memref<10240x16xf32, #tpu.memory_space<vmem_shared>>
    tpu.wait_indirect_dma semaphore(%arg38 : memref<!tpu.dma_semaphore, #tpu.memory_space<semaphore_mem>>) src(%arg11 : memref<512x16xf32, #tpu.memory_space<vmem>>) dst(%dma_wait3A_726 : memref<10240x16xf32, #tpu.memory_space<vmem_shared>>)
    %dma_wait3A_727 = arith.constant 4 : i32
    %dma_wait3A_728 = arith.constant 0 : i32
    %dma_wait3A_729 = tpu.memref_slice %arg10[%dma_wait3A_727, %dma_wait3A_728] : memref<20x512xi32, #tpu.memory_space<vmem>> -> memref<1x512xi32, #tpu.memory_space<vmem>>
    %dma_wait3A_730 = tpu.memref_squeeze %dma_wait3A_729 : memref<1x512xi32, #tpu.memory_space<vmem>> -> memref<512xi32, #tpu.memory_space<vmem>>
    %dma_wait3A_731 = arith.constant 0 : i32
    %dma_wait3A_732 = arith.constant 0 : i32
    %dma_wait3A_733 = tpu.memref_slice %arg13[%dma_wait3A_731, %dma_wait3A_732] : memref<10240x16xf32, #tpu.memory_space<vmem_shared>> -> memref<10240x16xf32, #tpu.memory_space<vmem_shared>>
    tpu.wait_indirect_dma semaphore(%arg38 : memref<!tpu.dma_semaphore, #tpu.memory_space<semaphore_mem>>) src(%arg11 : memref<512x16xf32, #tpu.memory_space<vmem>>) dst(%dma_wait3A_733 : memref<10240x16xf32, #tpu.memory_space<vmem_shared>>)
    %dma_wait3A_734 = arith.constant 5 : i32
    %dma_wait3A_735 = arith.constant 0 : i32
    %dma_wait3A_736 = tpu.memref_slice %arg10[%dma_wait3A_734, %dma_wait3A_735] : memref<20x512xi32, #tpu.memory_space<vmem>> -> memref<1x512xi32, #tpu.memory_space<vmem>>
    %dma_wait3A_737 = tpu.memref_squeeze %dma_wait3A_736 : memref<1x512xi32, #tpu.memory_space<vmem>> -> memref<512xi32, #tpu.memory_space<vmem>>
    %dma_wait3A_738 = arith.constant 0 : i32
    %dma_wait3A_739 = arith.constant 0 : i32
    %dma_wait3A_740 = tpu.memref_slice %arg13[%dma_wait3A_738, %dma_wait3A_739] : memref<10240x16xf32, #tpu.memory_space<vmem_shared>> -> memref<10240x16xf32, #tpu.memory_space<vmem_shared>>
    tpu.wait_indirect_dma semaphore(%arg38 : memref<!tpu.dma_semaphore, #tpu.memory_space<semaphore_mem>>) src(%arg11 : memref<512x16xf32, #tpu.memory_space<vmem>>) dst(%dma_wait3A_740 : memref<10240x16xf32, #tpu.memory_space<vmem_shared>>)
    %dma_wait3A_741 = arith.constant 6 : i32
    %dma_wait3A_742 = arith.constant 0 : i32
    %dma_wait3A_743 = tpu.memref_slice %arg10[%dma_wait3A_741, %dma_wait3A_742] : memref<20x512xi32, #tpu.memory_space<vmem>> -> memref<1x512xi32, #tpu.memory_space<vmem>>
    %dma_wait3A_744 = tpu.memref_squeeze %dma_wait3A_743 : memref<1x512xi32, #tpu.memory_space<vmem>> -> memref<512xi32, #tpu.memory_space<vmem>>
    %dma_wait3A_745 = arith.constant 0 : i32
    %dma_wait3A_746 = arith.constant 0 : i32
    %dma_wait3A_747 = tpu.memref_slice %arg13[%dma_wait3A_745, %dma_wait3A_746] : memref<10240x16xf32, #tpu.memory_space<vmem_shared>> -> memref<10240x16xf32, #tpu.memory_space<vmem_shared>>
    tpu.wait_indirect_dma semaphore(%arg38 : memref<!tpu.dma_semaphore, #tpu.memory_space<semaphore_mem>>) src(%arg11 : memref<512x16xf32, #tpu.memory_space<vmem>>) dst(%dma_wait3A_747 : memref<10240x16xf32, #tpu.memory_space<vmem_shared>>)
    %dma_wait3A_748 = arith.constant 7 : i32
    %dma_wait3A_749 = arith.constant 0 : i32
    %dma_wait3A_750 = tpu.memref_slice %arg10[%dma_wait3A_748, %dma_wait3A_749] : memref<20x512xi32, #tpu.memory_space<vmem>> -> memref<1x512xi32, #tpu.memory_space<vmem>>
    %dma_wait3A_751 = tpu.memref_squeeze %dma_wait3A_750 : memref<1x512xi32, #tpu.memory_space<vmem>> -> memref<512xi32, #tpu.memory_space<vmem>>
    %dma_wait3A_752 = arith.constant 0 : i32
    %dma_wait3A_753 = arith.constant 0 : i32
    %dma_wait3A_754 = tpu.memref_slice %arg13[%dma_wait3A_752, %dma_wait3A_753] : memref<10240x16xf32, #tpu.memory_space<vmem_shared>> -> memref<10240x16xf32, #tpu.memory_space<vmem_shared>>
    tpu.wait_indirect_dma semaphore(%arg38 : memref<!tpu.dma_semaphore, #tpu.memory_space<semaphore_mem>>) src(%arg11 : memref<512x16xf32, #tpu.memory_space<vmem>>) dst(%dma_wait3A_754 : memref<10240x16xf32, #tpu.memory_space<vmem_shared>>)
    %dma_wait3A_755 = arith.constant 8 : i32
    %dma_wait3A_756 = arith.constant 0 : i32
    %dma_wait3A_757 = tpu.memref_slice %arg10[%dma_wait3A_755, %dma_wait3A_756] : memref<20x512xi32, #tpu.memory_space<vmem>> -> memref<1x512xi32, #tpu.memory_space<vmem>>
    %dma_wait3A_758 = tpu.memref_squeeze %dma_wait3A_757 : memref<1x512xi32, #tpu.memory_space<vmem>> -> memref<512xi32, #tpu.memory_space<vmem>>
    %dma_wait3A_759 = arith.constant 0 : i32
    %dma_wait3A_760 = arith.constant 0 : i32
    %dma_wait3A_761 = tpu.memref_slice %arg13[%dma_wait3A_759, %dma_wait3A_760] : memref<10240x16xf32, #tpu.memory_space<vmem_shared>> -> memref<10240x16xf32, #tpu.memory_space<vmem_shared>>
    tpu.wait_indirect_dma semaphore(%arg38 : memref<!tpu.dma_semaphore, #tpu.memory_space<semaphore_mem>>) src(%arg11 : memref<512x16xf32, #tpu.memory_space<vmem>>) dst(%dma_wait3A_761 : memref<10240x16xf32, #tpu.memory_space<vmem_shared>>)
    %dma_wait3A_762 = arith.constant 9 : i32
    %dma_wait3A_763 = arith.constant 0 : i32
    %dma_wait3A_764 = tpu.memref_slice %arg10[%dma_wait3A_762, %dma_wait3A_763] : memref<20x512xi32, #tpu.memory_space<vmem>> -> memref<1x512xi32, #tpu.memory_space<vmem>>
    %dma_wait3A_765 = tpu.memref_squeeze %dma_wait3A_764 : memref<1x512xi32, #tpu.memory_space<vmem>> -> memref<512xi32, #tpu.memory_space<vmem>>
    %dma_wait3A_766 = arith.constant 0 : i32
    %dma_wait3A_767 = arith.constant 0 : i32
    %dma_wait3A_768 = tpu.memref_slice %arg13[%dma_wait3A_766, %dma_wait3A_767] : memref<10240x16xf32, #tpu.memory_space<vmem_shared>> -> memref<10240x16xf32, #tpu.memory_space<vmem_shared>>
    tpu.wait_indirect_dma semaphore(%arg38 : memref<!tpu.dma_semaphore, #tpu.memory_space<semaphore_mem>>) src(%arg11 : memref<512x16xf32, #tpu.memory_space<vmem>>) dst(%dma_wait3A_768 : memref<10240x16xf32, #tpu.memory_space<vmem_shared>>)
    %dma_wait3A_769 = arith.constant 10 : i32
    %dma_wait3A_770 = arith.constant 0 : i32
    %dma_wait3A_771 = tpu.memref_slice %arg10[%dma_wait3A_769, %dma_wait3A_770] : memref<20x512xi32, #tpu.memory_space<vmem>> -> memref<1x512xi32, #tpu.memory_space<vmem>>
    %dma_wait3A_772 = tpu.memref_squeeze %dma_wait3A_771 : memref<1x512xi32, #tpu.memory_space<vmem>> -> memref<512xi32, #tpu.memory_space<vmem>>
    %dma_wait3A_773 = arith.constant 0 : i32
    %dma_wait3A_774 = arith.constant 0 : i32
    %dma_wait3A_775 = tpu.memref_slice %arg13[%dma_wait3A_773, %dma_wait3A_774] : memref<10240x16xf32, #tpu.memory_space<vmem_shared>> -> memref<10240x16xf32, #tpu.memory_space<vmem_shared>>
    tpu.wait_indirect_dma semaphore(%arg38 : memref<!tpu.dma_semaphore, #tpu.memory_space<semaphore_mem>>) src(%arg11 : memref<512x16xf32, #tpu.memory_space<vmem>>) dst(%dma_wait3A_775 : memref<10240x16xf32, #tpu.memory_space<vmem_shared>>)
    %dma_wait3A_776 = arith.constant 11 : i32
    %dma_wait3A_777 = arith.constant 0 : i32
    %dma_wait3A_778 = tpu.memref_slice %arg10[%dma_wait3A_776, %dma_wait3A_777] : memref<20x512xi32, #tpu.memory_space<vmem>> -> memref<1x512xi32, #tpu.memory_space<vmem>>
    %dma_wait3A_779 = tpu.memref_squeeze %dma_wait3A_778 : memref<1x512xi32, #tpu.memory_space<vmem>> -> memref<512xi32, #tpu.memory_space<vmem>>
    %dma_wait3A_780 = arith.constant 0 : i32
    %dma_wait3A_781 = arith.constant 0 : i32
    %dma_wait3A_782 = tpu.memref_slice %arg13[%dma_wait3A_780, %dma_wait3A_781] : memref<10240x16xf32, #tpu.memory_space<vmem_shared>> -> memref<10240x16xf32, #tpu.memory_space<vmem_shared>>
    tpu.wait_indirect_dma semaphore(%arg38 : memref<!tpu.dma_semaphore, #tpu.memory_space<semaphore_mem>>) src(%arg11 : memref<512x16xf32, #tpu.memory_space<vmem>>) dst(%dma_wait3A_782 : memref<10240x16xf32, #tpu.memory_space<vmem_shared>>)
    %dma_wait3A_783 = arith.constant 12 : i32
    %dma_wait3A_784 = arith.constant 0 : i32
    %dma_wait3A_785 = tpu.memref_slice %arg10[%dma_wait3A_783, %dma_wait3A_784] : memref<20x512xi32, #tpu.memory_space<vmem>> -> memref<1x512xi32, #tpu.memory_space<vmem>>
    %dma_wait3A_786 = tpu.memref_squeeze %dma_wait3A_785 : memref<1x512xi32, #tpu.memory_space<vmem>> -> memref<512xi32, #tpu.memory_space<vmem>>
    %dma_wait3A_787 = arith.constant 0 : i32
    %dma_wait3A_788 = arith.constant 0 : i32
    %dma_wait3A_789 = tpu.memref_slice %arg13[%dma_wait3A_787, %dma_wait3A_788] : memref<10240x16xf32, #tpu.memory_space<vmem_shared>> -> memref<10240x16xf32, #tpu.memory_space<vmem_shared>>
    tpu.wait_indirect_dma semaphore(%arg38 : memref<!tpu.dma_semaphore, #tpu.memory_space<semaphore_mem>>) src(%arg11 : memref<512x16xf32, #tpu.memory_space<vmem>>) dst(%dma_wait3A_789 : memref<10240x16xf32, #tpu.memory_space<vmem_shared>>)
    %dma_wait3A_790 = arith.constant 13 : i32
    %dma_wait3A_791 = arith.constant 0 : i32
    %dma_wait3A_792 = tpu.memref_slice %arg10[%dma_wait3A_790, %dma_wait3A_791] : memref<20x512xi32, #tpu.memory_space<vmem>> -> memref<1x512xi32, #tpu.memory_space<vmem>>
    %dma_wait3A_793 = tpu.memref_squeeze %dma_wait3A_792 : memref<1x512xi32, #tpu.memory_space<vmem>> -> memref<512xi32, #tpu.memory_space<vmem>>
    %dma_wait3A_794 = arith.constant 0 : i32
    %dma_wait3A_795 = arith.constant 0 : i32
    %dma_wait3A_796 = tpu.memref_slice %arg13[%dma_wait3A_794, %dma_wait3A_795] : memref<10240x16xf32, #tpu.memory_space<vmem_shared>> -> memref<10240x16xf32, #tpu.memory_space<vmem_shared>>
    tpu.wait_indirect_dma semaphore(%arg38 : memref<!tpu.dma_semaphore, #tpu.memory_space<semaphore_mem>>) src(%arg11 : memref<512x16xf32, #tpu.memory_space<vmem>>) dst(%dma_wait3A_796 : memref<10240x16xf32, #tpu.memory_space<vmem_shared>>)
    %dma_wait3A_797 = arith.constant 14 : i32
    %dma_wait3A_798 = arith.constant 0 : i32
    %dma_wait3A_799 = tpu.memref_slice %arg10[%dma_wait3A_797, %dma_wait3A_798] : memref<20x512xi32, #tpu.memory_space<vmem>> -> memref<1x512xi32, #tpu.memory_space<vmem>>
    %dma_wait3A_800 = tpu.memref_squeeze %dma_wait3A_799 : memref<1x512xi32, #tpu.memory_space<vmem>> -> memref<512xi32, #tpu.memory_space<vmem>>
    %dma_wait3A_801 = arith.constant 0 : i32
    %dma_wait3A_802 = arith.constant 0 : i32
    %dma_wait3A_803 = tpu.memref_slice %arg13[%dma_wait3A_801, %dma_wait3A_802] : memref<10240x16xf32, #tpu.memory_space<vmem_shared>> -> memref<10240x16xf32, #tpu.memory_space<vmem_shared>>
    tpu.wait_indirect_dma semaphore(%arg38 : memref<!tpu.dma_semaphore, #tpu.memory_space<semaphore_mem>>) src(%arg11 : memref<512x16xf32, #tpu.memory_space<vmem>>) dst(%dma_wait3A_803 : memref<10240x16xf32, #tpu.memory_space<vmem_shared>>)
    %dma_wait3A_804 = arith.constant 15 : i32
    %dma_wait3A_805 = arith.constant 0 : i32
    %dma_wait3A_806 = tpu.memref_slice %arg10[%dma_wait3A_804, %dma_wait3A_805] : memref<20x512xi32, #tpu.memory_space<vmem>> -> memref<1x512xi32, #tpu.memory_space<vmem>>
    %dma_wait3A_807 = tpu.memref_squeeze %dma_wait3A_806 : memref<1x512xi32, #tpu.memory_space<vmem>> -> memref<512xi32, #tpu.memory_space<vmem>>
    %dma_wait3A_808 = arith.constant 0 : i32
    %dma_wait3A_809 = arith.constant 0 : i32
    %dma_wait3A_810 = tpu.memref_slice %arg13[%dma_wait3A_808, %dma_wait3A_809] : memref<10240x16xf32, #tpu.memory_space<vmem_shared>> -> memref<10240x16xf32, #tpu.memory_space<vmem_shared>>
    tpu.wait_indirect_dma semaphore(%arg38 : memref<!tpu.dma_semaphore, #tpu.memory_space<semaphore_mem>>) src(%arg11 : memref<512x16xf32, #tpu.memory_space<vmem>>) dst(%dma_wait3A_810 : memref<10240x16xf32, #tpu.memory_space<vmem_shared>>)
    %dma_wait3A_811 = arith.constant 16 : i32
    %dma_wait3A_812 = arith.constant 0 : i32
    %dma_wait3A_813 = tpu.memref_slice %arg10[%dma_wait3A_811, %dma_wait3A_812] : memref<20x512xi32, #tpu.memory_space<vmem>> -> memref<1x512xi32, #tpu.memory_space<vmem>>
    %dma_wait3A_814 = tpu.memref_squeeze %dma_wait3A_813 : memref<1x512xi32, #tpu.memory_space<vmem>> -> memref<512xi32, #tpu.memory_space<vmem>>
    %dma_wait3A_815 = arith.constant 0 : i32
    %dma_wait3A_816 = arith.constant 0 : i32
    %dma_wait3A_817 = tpu.memref_slice %arg13[%dma_wait3A_815, %dma_wait3A_816] : memref<10240x16xf32, #tpu.memory_space<vmem_shared>> -> memref<10240x16xf32, #tpu.memory_space<vmem_shared>>
    tpu.wait_indirect_dma semaphore(%arg38 : memref<!tpu.dma_semaphore, #tpu.memory_space<semaphore_mem>>) src(%arg11 : memref<512x16xf32, #tpu.memory_space<vmem>>) dst(%dma_wait3A_817 : memref<10240x16xf32, #tpu.memory_space<vmem_shared>>)
    %dma_wait3A_818 = arith.constant 17 : i32
    %dma_wait3A_819 = arith.constant 0 : i32
    %dma_wait3A_820 = tpu.memref_slice %arg10[%dma_wait3A_818, %dma_wait3A_819] : memref<20x512xi32, #tpu.memory_space<vmem>> -> memref<1x512xi32, #tpu.memory_space<vmem>>
    %dma_wait3A_821 = tpu.memref_squeeze %dma_wait3A_820 : memref<1x512xi32, #tpu.memory_space<vmem>> -> memref<512xi32, #tpu.memory_space<vmem>>
    %dma_wait3A_822 = arith.constant 0 : i32
    %dma_wait3A_823 = arith.constant 0 : i32
    %dma_wait3A_824 = tpu.memref_slice %arg13[%dma_wait3A_822, %dma_wait3A_823] : memref<10240x16xf32, #tpu.memory_space<vmem_shared>> -> memref<10240x16xf32, #tpu.memory_space<vmem_shared>>
    tpu.wait_indirect_dma semaphore(%arg38 : memref<!tpu.dma_semaphore, #tpu.memory_space<semaphore_mem>>) src(%arg11 : memref<512x16xf32, #tpu.memory_space<vmem>>) dst(%dma_wait3A_824 : memref<10240x16xf32, #tpu.memory_space<vmem_shared>>)
    %dma_wait3A_825 = arith.constant 18 : i32
    %dma_wait3A_826 = arith.constant 0 : i32
    %dma_wait3A_827 = tpu.memref_slice %arg10[%dma_wait3A_825, %dma_wait3A_826] : memref<20x512xi32, #tpu.memory_space<vmem>> -> memref<1x512xi32, #tpu.memory_space<vmem>>
    %dma_wait3A_828 = tpu.memref_squeeze %dma_wait3A_827 : memref<1x512xi32, #tpu.memory_space<vmem>> -> memref<512xi32, #tpu.memory_space<vmem>>
    %dma_wait3A_829 = arith.constant 0 : i32
    %dma_wait3A_830 = arith.constant 0 : i32
    %dma_wait3A_831 = tpu.memref_slice %arg13[%dma_wait3A_829, %dma_wait3A_830] : memref<10240x16xf32, #tpu.memory_space<vmem_shared>> -> memref<10240x16xf32, #tpu.memory_space<vmem_shared>>
    tpu.wait_indirect_dma semaphore(%arg38 : memref<!tpu.dma_semaphore, #tpu.memory_space<semaphore_mem>>) src(%arg11 : memref<512x16xf32, #tpu.memory_space<vmem>>) dst(%dma_wait3A_831 : memref<10240x16xf32, #tpu.memory_space<vmem_shared>>)
    %dma_wait3A_832 = arith.constant 19 : i32
    %dma_wait3A_833 = arith.constant 0 : i32
    %dma_wait3A_834 = tpu.memref_slice %arg10[%dma_wait3A_832, %dma_wait3A_833] : memref<20x512xi32, #tpu.memory_space<vmem>> -> memref<1x512xi32, #tpu.memory_space<vmem>>
    %dma_wait3A_835 = tpu.memref_squeeze %dma_wait3A_834 : memref<1x512xi32, #tpu.memory_space<vmem>> -> memref<512xi32, #tpu.memory_space<vmem>>
    %dma_wait3A_836 = arith.constant 0 : i32
    %dma_wait3A_837 = arith.constant 0 : i32
    %dma_wait3A_838 = tpu.memref_slice %arg13[%dma_wait3A_836, %dma_wait3A_837] : memref<10240x16xf32, #tpu.memory_space<vmem_shared>> -> memref<10240x16xf32, #tpu.memory_space<vmem_shared>>
    tpu.wait_indirect_dma semaphore(%arg38 : memref<!tpu.dma_semaphore, #tpu.memory_space<semaphore_mem>>) src(%arg11 : memref<512x16xf32, #tpu.memory_space<vmem>>) dst(%dma_wait3A_838 : memref<10240x16xf32, #tpu.memory_space<vmem_shared>>)
    %barrier3A_839 = arith.constant 0 : index
    tpu.barrier barrier_id(%barrier3A_839)
    "tpu.region"() ({
      %run_scoped3A = tpu.sem_alloc : memref<!tpu.dma_semaphore, #tpu.memory_space<semaphore_mem>>
      %dma_start3A_840 = arith.constant 0 : i32
      %dma_start3A_841 = arith.constant 0 : i32
      %dma_start3A_842 = tpu.memref_slice %arg7[%arg0, %dma_start3A_840, %dma_start3A_841] : memref<2x10240x16xf32, #tpu.memory_space<hbm>> -> memref<1x10240x16xf32, #tpu.memory_space<hbm>>
      %dma_start3A_843 = tpu.memref_squeeze %dma_start3A_842 : memref<1x10240x16xf32, #tpu.memory_space<hbm>> -> memref<10240x16xf32, #tpu.memory_space<hbm>>
      %dma_start3A_844 = arith.constant 0 : i32
      %dma_start3A_845 = tpu.memref_slice %dma_start3A_843[%mul3A_0, %dma_start3A_844] : memref<10240x16xf32, #tpu.memory_space<hbm>> -> memref<640x16xf32, #tpu.memory_space<hbm>>
      %dma_start3A_846 = arith.constant 0 : i32
      %dma_start3A_847 = tpu.memref_slice %arg12[%mul3A_0, %dma_start3A_846] : memref<10240x16xf32, #tpu.memory_space<vmem_shared>> -> memref<640x16xf32, #tpu.memory_space<vmem_shared>>
      tpu.enqueue_dma source(%dma_start3A_847 : memref<640x16xf32, #tpu.memory_space<vmem_shared>>) target(%dma_start3A_845 : memref<640x16xf32, #tpu.memory_space<hbm>>) target_semaphore(%run_scoped3A : memref<!tpu.dma_semaphore, #tpu.memory_space<semaphore_mem>>)
      %dma_wait3A_848 = arith.constant 0 : i32
      %dma_wait3A_849 = arith.constant 0 : i32
      %dma_wait3A_850 = tpu.memref_slice %arg7[%arg0, %dma_wait3A_848, %dma_wait3A_849] : memref<2x10240x16xf32, #tpu.memory_space<hbm>> -> memref<1x10240x16xf32, #tpu.memory_space<hbm>>
      %dma_wait3A_851 = tpu.memref_squeeze %dma_wait3A_850 : memref<1x10240x16xf32, #tpu.memory_space<hbm>> -> memref<10240x16xf32, #tpu.memory_space<hbm>>
      %dma_wait3A_852 = arith.constant 0 : i32
      %dma_wait3A_853 = tpu.memref_slice %dma_wait3A_851[%mul3A_0, %dma_wait3A_852] : memref<10240x16xf32, #tpu.memory_space<hbm>> -> memref<640x16xf32, #tpu.memory_space<hbm>>
      %dma_wait3A_854 = arith.constant 0 : i32
      %dma_wait3A_855 = tpu.memref_slice %arg12[%mul3A_0, %dma_wait3A_854] : memref<10240x16xf32, #tpu.memory_space<vmem_shared>> -> memref<640x16xf32, #tpu.memory_space<vmem_shared>>
      tpu.wait_dma2 semaphore(%run_scoped3A : memref<!tpu.dma_semaphore, #tpu.memory_space<semaphore_mem>>) src(%dma_wait3A_855 : memref<640x16xf32, #tpu.memory_space<vmem_shared>>) dst(%dma_wait3A_853 : memref<640x16xf32, #tpu.memory_space<hbm>>)
      tpu.yield
    }) : () -> ()
    "tpu.region"() ({
      %run_scoped3A = tpu.sem_alloc : memref<!tpu.dma_semaphore, #tpu.memory_space<semaphore_mem>>
      %dma_start3A_840 = arith.constant 0 : i32
      %dma_start3A_841 = arith.constant 0 : i32
      %dma_start3A_842 = tpu.memref_slice %arg8[%arg0, %dma_start3A_840, %dma_start3A_841] : memref<2x10240x16xf32, #tpu.memory_space<hbm>> -> memref<1x10240x16xf32, #tpu.memory_space<hbm>>
      %dma_start3A_843 = tpu.memref_squeeze %dma_start3A_842 : memref<1x10240x16xf32, #tpu.memory_space<hbm>> -> memref<10240x16xf32, #tpu.memory_space<hbm>>
      %dma_start3A_844 = arith.constant 0 : i32
      %dma_start3A_845 = tpu.memref_slice %dma_start3A_843[%mul3A_0, %dma_start3A_844] : memref<10240x16xf32, #tpu.memory_space<hbm>> -> memref<640x16xf32, #tpu.memory_space<hbm>>
      %dma_start3A_846 = arith.constant 0 : i32
      %dma_start3A_847 = tpu.memref_slice %arg13[%mul3A_0, %dma_start3A_846] : memref<10240x16xf32, #tpu.memory_space<vmem_shared>> -> memref<640x16xf32, #tpu.memory_space<vmem_shared>>
      tpu.enqueue_dma source(%dma_start3A_847 : memref<640x16xf32, #tpu.memory_space<vmem_shared>>) target(%dma_start3A_845 : memref<640x16xf32, #tpu.memory_space<hbm>>) target_semaphore(%run_scoped3A : memref<!tpu.dma_semaphore, #tpu.memory_space<semaphore_mem>>)
      %dma_wait3A_848 = arith.constant 0 : i32
      %dma_wait3A_849 = arith.constant 0 : i32
      %dma_wait3A_850 = tpu.memref_slice %arg8[%arg0, %dma_wait3A_848, %dma_wait3A_849] : memref<2x10240x16xf32, #tpu.memory_space<hbm>> -> memref<1x10240x16xf32, #tpu.memory_space<hbm>>
      %dma_wait3A_851 = tpu.memref_squeeze %dma_wait3A_850 : memref<1x10240x16xf32, #tpu.memory_space<hbm>> -> memref<10240x16xf32, #tpu.memory_space<hbm>>
      %dma_wait3A_852 = arith.constant 0 : i32
      %dma_wait3A_853 = tpu.memref_slice %dma_wait3A_851[%mul3A_0, %dma_wait3A_852] : memref<10240x16xf32, #tpu.memory_space<hbm>> -> memref<640x16xf32, #tpu.memory_space<hbm>>
      %dma_wait3A_854 = arith.constant 0 : i32
      %dma_wait3A_855 = tpu.memref_slice %arg13[%mul3A_0, %dma_wait3A_854] : memref<10240x16xf32, #tpu.memory_space<vmem_shared>> -> memref<640x16xf32, #tpu.memory_space<vmem_shared>>
      tpu.wait_dma2 semaphore(%run_scoped3A : memref<!tpu.dma_semaphore, #tpu.memory_space<semaphore_mem>>) src(%dma_wait3A_855 : memref<640x16xf32, #tpu.memory_space<vmem_shared>>) dst(%dma_wait3A_853 : memref<640x16xf32, #tpu.memory_space<hbm>>)
      tpu.yield
    }) : () -> ()
    return
  }
}

module attributes {stable_mosaic.version = 14 : i64} {
  func.func @_mm_in_body(%arg0: memref<10240x128xf32, #tpu.memory_space<vmem>>, %arg1: memref<128x16xf32, #tpu.memory_space<vmem>>, %arg2: memref<128x16xf32, #tpu.memory_space<vmem>>, %arg3: memref<1x16xf32, #tpu.memory_space<vmem>>, %arg4: memref<10240x16xf32, #tpu.memory_space<vmem>>, %arg5: memref<10240x16xf32, #tpu.memory_space<vmem>>) attributes {dimension_semantics = [], scalar_prefetch = 0 : i64, scratch_operands = 0 : i64, tpu.core_type = #tpu.core_type<tc>} {
    %get3A = arith.constant 0 : index
    %get3A_0 = arith.constant 0 : index
    %get3A_1 = vector.load %arg0[%get3A, %get3A_0] : memref<10240x128xf32, #tpu.memory_space<vmem>>, vector<10240x128xf32>
    %get3A_2 = arith.constant 0 : index
    %get3A_3 = arith.constant 0 : index
    %get3A_4 = vector.load %arg1[%get3A_2, %get3A_3] : memref<128x16xf32, #tpu.memory_space<vmem>>, vector<128x16xf32>
    %dot_general3A = arith.constant dense<0.000000e+00> : vector<10240x16xf32>
    %dot_general3A_5 = tpu.matmul %get3A_1, %get3A_4, %dot_general3A {dimension_numbers = #tpu.dot_dimension_numbers<[1], [0], [0], [1], [0, 0, 1, 1], [], []>, transpose_lhs_hint = false} : vector<10240x128xf32>, vector<128x16xf32>, vector<10240x16xf32> -> vector<10240x16xf32>
    %swap3A = arith.constant 0 : index
    %swap3A_6 = arith.constant 0 : index
    %swap3A_7 = vector.load %arg4[%swap3A, %swap3A_6] : memref<10240x16xf32, #tpu.memory_space<vmem>>, vector<10240x16xf32>
    tpu.vector_store %arg4[%swap3A, %swap3A_6], %dot_general3A_5 {strides = array<i32>} : memref<10240x16xf32, #tpu.memory_space<vmem>>, vector<10240x16xf32>,
    %get3A_8 = arith.constant 0 : index
    %get3A_9 = arith.constant 0 : index
    %get3A_10 = vector.load %arg2[%get3A_8, %get3A_9] : memref<128x16xf32, #tpu.memory_space<vmem>>, vector<128x16xf32>
    %dot_general3A_11 = arith.constant dense<0.000000e+00> : vector<10240x16xf32>
    %dot_general3A_12 = tpu.matmul %get3A_1, %get3A_10, %dot_general3A_11 {dimension_numbers = #tpu.dot_dimension_numbers<[1], [0], [0], [1], [0, 0, 1, 1], [], []>, transpose_lhs_hint = false} : vector<10240x128xf32>, vector<128x16xf32>, vector<10240x16xf32> -> vector<10240x16xf32>
    %get3A_13 = arith.constant 0 : index
    %get3A_14 = arith.constant 0 : index
    %get3A_15 = vector.load %arg3[%get3A_13, %get3A_14] : memref<1x16xf32, #tpu.memory_space<vmem>>, vector<1x16xf32>
    %add3A = vector.broadcast %get3A_15 : vector<1x16xf32> to vector<10240x16xf32>
    %add3A_16 = arith.addf %dot_general3A_12, %add3A : vector<10240x16xf32>
    %swap3A_17 = arith.constant 0 : index
    %swap3A_18 = arith.constant 0 : index
    %swap3A_19 = vector.load %arg5[%swap3A_17, %swap3A_18] : memref<10240x16xf32, #tpu.memory_space<vmem>>, vector<10240x16xf32>
    tpu.vector_store %arg5[%swap3A_17, %swap3A_18], %add3A_16 {strides = array<i32>} : memref<10240x16xf32, #tpu.memory_space<vmem>>, vector<10240x16xf32>,
    return
  }
}

module attributes {stable_mosaic.version = 14 : i64} {
  func.func @_out_body(%arg0: memref<2x10240x16xf32, #tpu.memory_space<vmem>>, %arg1: memref<2x10240x16xf32, #tpu.memory_space<vmem>>, %arg2: memref<2x10240x16xf32, #tpu.memory_space<vmem>>, %arg3: memref<16x128xf32, #tpu.memory_space<vmem>>, %arg4: memref<1x128xf32, #tpu.memory_space<vmem>>, %arg5: memref<16x128xf32, #tpu.memory_space<vmem>>, %arg6: memref<10240x128xf32, #tpu.memory_space<vmem>>) attributes {dimension_semantics = [], scalar_prefetch = 0 : i64, scratch_operands = 0 : i64, tpu.core_type = #tpu.core_type<tc>} {
    %get3A = arith.constant 0 : index
    %get3A_0 = arith.constant 0 : index
    %get3A_1 = arith.constant 0 : index
    %get3A_2 = vector.load %arg1[%get3A, %get3A_0, %get3A_1] : memref<2x10240x16xf32, #tpu.memory_space<vmem>>, vector<1x10240x16xf32>
    %get3A_3 = vector.shape_cast %get3A_2 : vector<1x10240x16xf32> to vector<10240x16xf32>
    %get3A_4 = arith.constant 1 : index
    %get3A_5 = arith.constant 0 : index
    %get3A_6 = arith.constant 0 : index
    %get3A_7 = vector.load %arg1[%get3A_4, %get3A_5, %get3A_6] : memref<2x10240x16xf32, #tpu.memory_space<vmem>>, vector<1x10240x16xf32>
    %get3A_8 = vector.shape_cast %get3A_7 : vector<1x10240x16xf32> to vector<10240x16xf32>
    %add3A = arith.addf %get3A_3, %get3A_8 : vector<10240x16xf32>
    %get3A_9 = arith.constant 0 : index
    %get3A_10 = arith.constant 0 : index
    %get3A_11 = arith.constant 0 : index
    %get3A_12 = vector.load %arg0[%get3A_9, %get3A_10, %get3A_11] : memref<2x10240x16xf32, #tpu.memory_space<vmem>>, vector<1x10240x16xf32>
    %get3A_13 = vector.shape_cast %get3A_12 : vector<1x10240x16xf32> to vector<10240x16xf32>
    %get3A_14 = arith.constant 1 : index
    %get3A_15 = arith.constant 0 : index
    %get3A_16 = arith.constant 0 : index
    %get3A_17 = vector.load %arg0[%get3A_14, %get3A_15, %get3A_16] : memref<2x10240x16xf32, #tpu.memory_space<vmem>>, vector<1x10240x16xf32>
    %get3A_18 = vector.shape_cast %get3A_17 : vector<1x10240x16xf32> to vector<10240x16xf32>
    %add3A_19 = arith.addf %get3A_13, %get3A_18 : vector<10240x16xf32>
    %max3A = arith.constant 1.000000e+00 : f32
    %max3A_20 = vector.broadcast %max3A : f32 to vector<10240x16xf32>
    %max3A_21 = arith.maximumf %add3A, %max3A_20 : vector<10240x16xf32>
    %div3A = arith.divf %add3A_19, %max3A_21 : vector<10240x16xf32>
    %get3A_22 = arith.constant 0 : index
    %get3A_23 = arith.constant 0 : index
    %get3A_24 = vector.load %arg3[%get3A_22, %get3A_23] : memref<16x128xf32, #tpu.memory_space<vmem>>, vector<16x128xf32>
    %dot_general3A = arith.constant dense<0.000000e+00> : vector<10240x128xf32>
    %dot_general3A_25 = tpu.matmul %div3A, %get3A_24, %dot_general3A {dimension_numbers = #tpu.dot_dimension_numbers<[1], [0], [0], [1], [0, 0, 1, 1], [], []>, transpose_lhs_hint = false} : vector<10240x16xf32>, vector<16x128xf32>, vector<10240x128xf32> -> vector<10240x128xf32>
    %get3A_26 = arith.constant 0 : index
    %get3A_27 = arith.constant 0 : index
    %get3A_28 = vector.load %arg4[%get3A_26, %get3A_27] : memref<1x128xf32, #tpu.memory_space<vmem>>, vector<1x128xf32>
    %add3A_29 = vector.broadcast %get3A_28 : vector<1x128xf32> to vector<10240x128xf32>
    %add3A_30 = arith.addf %dot_general3A_25, %add3A_29 : vector<10240x128xf32>
    %get3A_31 = arith.constant 0 : index
    %get3A_32 = arith.constant 0 : index
    %get3A_33 = arith.constant 0 : index
    %get3A_34 = vector.load %arg2[%get3A_31, %get3A_32, %get3A_33] : memref<2x10240x16xf32, #tpu.memory_space<vmem>>, vector<1x10240x16xf32>
    %get3A_35 = vector.shape_cast %get3A_34 : vector<1x10240x16xf32> to vector<10240x16xf32>
    %get3A_36 = arith.constant 0 : index
    %get3A_37 = arith.constant 0 : index
    %get3A_38 = vector.load %arg5[%get3A_36, %get3A_37] : memref<16x128xf32, #tpu.memory_space<vmem>>, vector<16x128xf32>
    %dot_general3A_39 = arith.constant dense<0.000000e+00> : vector<10240x128xf32>
    %dot_general3A_40 = tpu.matmul %get3A_35, %get3A_38, %dot_general3A_39 {dimension_numbers = #tpu.dot_dimension_numbers<[1], [0], [0], [1], [0, 0, 1, 1], [], []>, transpose_lhs_hint = false} : vector<10240x16xf32>, vector<16x128xf32>, vector<10240x128xf32> -> vector<10240x128xf32>
    %add3A_41 = arith.addf %add3A_30, %dot_general3A_40 : vector<10240x128xf32>
    %swap3A = arith.constant 0 : index
    %swap3A_42 = arith.constant 0 : index
    %swap3A_43 = vector.load %arg6[%swap3A, %swap3A_42] : memref<10240x128xf32, #tpu.memory_space<vmem>>, vector<10240x128xf32>
    tpu.vector_store %arg6[%swap3A, %swap3A_42], %add3A_41 {strides = array<i32>} : memref<10240x128xf32, #tpu.memory_space<vmem>>, vector<10240x128xf32>,
    return
  }
}

</mosaic_0001>

<sc_bundles>
// kernel: _impl.6.cloned.1.call-start
scs
__scs_entry_jumppad:
0x0: {  	(pc) =	sbr.rel $0x88, $3  }
0x1: {  	(tag) =	ssettag $0x0;
	lr =	simm.s32 $0x1  }
0x2: {  	[smem:$0x3F99] =	sst lr;
	_ =	strace $0xD0000000  }
0x3: {  	_ = 	snop  }
0x4: {  	_ = 	snop  }
0x5: {  	_ = 	snop  }
0x6: {  	_ = 	snop  }
0x7: {  	_ = 	snop  }
__scs_overlays_trampoline_lowered:
0x8: {  	[smem:$0x3FA8] =	sst s0  }
0x9: {  	[smem:$0x3FA9] =	sst s1  }
0xa: {  	[smem:$0x3FAA] =	sst s2  }
0xb: {  	[smem:$0x3FAB] =	sst s3  }
0xc: {  	[smem:$0x3FAC] =	sst s4  }
0xd: {  	[smem:$0x3FAD] =	sst s5  }
0xe: {  	[smem:$0x3FAE] =	sst s6  }
0xf: {  	[smem:$0x3FAF] =	sst s7  }
0x10: {  	[smem:$0x3FB0] =	sst s8  }
0x11: {  	[smem:$0x3FB1] =	sst s9;
	s0 =	simm.s32 @!p0 $0x0  }
0x12: {  	s1 =	sld [smem:$0x3F97];
	s0 =	simm.s32 @p0 $0x1  }
0x13: {  	[smem:$0x3FB2] =	sst s0;
	s0 =	simm.s32 @!p1 $0x0  }
0x14: {  	s2 =	sld [smem:$0x3F96];
	s0 =	simm.s32 @p1 $0x1  }
0x15: {  	[smem:$0x3FB3] =	sst s0;
	s0 =	simm.s32 @!p2 $0x0  }
0x16: {  	s3 =	sld [smem:$0x3FDB];
	s0 =	simm.s32 @p2 $0x1  }
0x17: {  	s4 =	simm.s32 $0x1BF5;
	[smem:$0x3FB5] =	sst s0  }
0x18: {  	s0 =	sld [smem:$0x3F98];
	_ =	swait.ge [sflag:s4], $0x0  }
0x19: {  	s7 =	sld [smem:$0x3F99]  }
0x1a: {  	s8 =	sadd.s32 $0xFFFFE003, lr  }
0x1b: {  	s9 =	sadd.s32 $0xFFFFFEF7, lr;
	s5 =	simm.s32 $0xFFFFFFFF;
	p2 =	slt.u32 s8, $0xFFFFF086  }
0x1c: {  	p1 =	slt.u32 s9, $0xF7A;
	s5 =	simm.s32 @!p2 $0x0  }
0x1d: {  	s5 =	simm.s32 @p1 $0x1;
	p0 =	seq.s32 s7, s2  }
0x1e: {  	s7 =	smul.u32 @!p0 $0xF7A, s2;
	p2 =	seq.s32 @!p0 s5, $0x0  }
0x1f: {  	s9 =	smul.u32 $0xF7A, s1;
	s8 =	simm.s32 @!p0 $0x1BF5;
	p2 =	por !p2, p0  }
0x20: {  	[sflag:s8] =	ssyncset.s32 @!p0 $0xFFFFF086;
	s6 =	sadd.s32 @!p0 s3, s7;
	s7 =	simm.s32 @!p0 $0x108  }
0x21: {  	s3 =	sadd.s32 s3, s9;
	s6 =	sadd.s32 @!p0 $0x88, s6;
	s7 =	simm.s32 @p2 $0x1082  }
0x22: {  	[simem:s7], [sflag:s8] =	dma.local @!p0 [hbm:s6], $0xF7A  }
0x23: {  	s9 =	sor.u32 $0xD0000000, s2;
	s6 =	simm.s32 $0x108;
	_ =	swait.ge @!p0 [sflag:s8], $0x0  }
0x24: {  	s3 =	sadd.s32 $0x88, s3;
	s6 =	simm.s32 @!p1 $0x1082;
	[sflag:s4] =	ssyncset.s32 $0xFFFFF086  }
0x25: {  	[simem:s6], [sflag:s4] =	dma.local [hbm:s3], $0xF7A  }
0x26: {  	[smem:$0x3F99] =	sst s1;
	(tag) =	ssettag s2;
	_ =	strace s9  }
0x27: {  	s1 =	sld [smem:$0x3FA9]  }
0x28: {  	s2 =	sld [smem:$0x3FAA]  }
0x29: {  	s4 =	sld [smem:$0x3FAC]  }
0x2a: {  	p0 =	seq.s32 s5, $0x0;
	s5 =	sld [smem:$0x3FAD]  }
0x2b: {  	s6 =	sld [smem:$0x3FAE]  }
0x2c: {  	s7 =	sld [smem:$0x3FAF]  }
0x2d: {  	s3 =	simm.s32 $0x108;
	s8 =	sld [smem:$0x3FB0]  }
0x2e: {  	s3 =	simm.s32 @!p0 $0x1082;
	s9 =	sld [smem:$0x3FB1]  }
0x2f: {  	lr =	sadd.s32 s0, s3;
	s0 =	sld [smem:$0x3FA8]  }
0x30: {  	s3 =	sld [smem:$0x3FAB]  }
0x31: {  	[smem:$0x3FB4] =	sst s10  }
0x32: {  	s10 =	sld [smem:$0x3FB2];
	_ =	sdelay $0x3  }
0x33: {  	p0 =	seq.s32 s10, $0x1;
	s10 =	sld [smem:$0x3FB4];
	_ =	sdelay $0x3  }
0x34: {  	[smem:$0x3FB4] =	sst s10  }
0x35: {  	s10 =	sld [smem:$0x3FB3];
	_ =	sdelay $0x3  }
0x36: {  	p1 =	seq.s32 s10, $0x1;
	s10 =	sld [smem:$0x3FB4];
	_ =	sdelay $0x3  }
0x37: {  	[smem:$0x3FB4] =	sst s10  }
0x38: {  	s10 =	sld [smem:$0x3FB5]  }
0x39: {  	_ = 	snop;
	(pc) =	sbr.ind lr, $3  }
0x3a: {  	_ = 	snop  }
0x3b: {  	_ = 	snop  }
0x3c: {  	p2 =	seq.s32 s10, $0x1;
	s10 =	sld [smem:$0x3FB4]  }
0x3d: {  	_ =	shalt  }
0x3e: {  	_ =	shalt  }
0x3f: {  	_ =	shalt  }
0x40: {  	_ =	shalt  }
0x41: {  	_ =	shalt  }
0x42: {  	_ =	shalt  }
0x43: {  	_ =	shalt  }
0x44: {  	_ =	shalt  }
0x45: {  	_ =	shalt  }
0x46: {  	_ =	shalt  }
0x47: {  	_ =	shalt  }
0x48: {  	_ =	shalt  }
0x49: {  	_ =	shalt  }
0x4a: {  	_ =	shalt  }
0x4b: {  	_ =	shalt  }
0x4c: {  	_ =	shalt  }
0x4d: {  	_ =	shalt  }
0x4e: {  	_ =	shalt  }
0x4f: {  	_ =	shalt  }
0x50: {  	_ =	shalt  }
0x51: {  	_ =	shalt  }
0x52: {  	_ =	shalt  }
0x53: {  	_ =	shalt  }
0x54: {  	_ =	shalt  }
0x55: {  	_ =	shalt  }
0x56: {  	_ =	shalt  }
0x57: {  	_ =	shalt  }
0x58: {  	_ =	shalt  }
0x59: {  	_ =	shalt  }
0x5a: {  	_ =	shalt  }
0x5b: {  	_ =	shalt  }
0x5c: {  	_ =	shalt  }
0x5d: {  	_ =	shalt  }
0x5e: {  	_ =	shalt  }
0x5f: {  	_ =	shalt  }
0x60: {  	_ =	shalt  }
0x61: {  	_ =	shalt  }
0x62: {  	_ =	shalt  }
0x63: {  	_ =	shalt  }
0x64: {  	_ =	shalt  }
0x65: {  	_ =	shalt  }
0x66: {  	_ =	shalt  }
0x67: {  	_ =	shalt  }
0x68: {  	_ =	shalt  }
0x69: {  	_ =	shalt  }
0x6a: {  	_ =	shalt  }
0x6b: {  	_ =	shalt  }
0x6c: {  	_ =	shalt  }
0x6d: {  	_ =	shalt  }
0x6e: {  	_ =	shalt  }
0x6f: {  	_ =	shalt  }
0x70: {  	_ =	shalt  }
0x71: {  	_ =	shalt  }
0x72: {  	_ =	shalt  }
0x73: {  	_ =	shalt  }
0x74: {  	_ =	shalt  }
0x75: {  	_ =	shalt  }
0x76: {  	_ =	shalt  }
0x77: {  	_ =	shalt  }
0x78: {  	_ =	shalt  }
0x79: {  	_ =	shalt  }
0x7a: {  	_ =	shalt  }
0x7b: {  	_ =	shalt  }
0x7c: {  	_ =	shalt  }
0x7d: {  	_ =	shalt  }
0x7e: {  	_ =	shalt  }
0x7f: {  	_ =	shalt  }
0x80: {  	_ =	shalt  }
0x81: {  	_ =	shalt  }
0x82: {  	_ =	shalt  }
0x83: {  	_ =	shalt  }
0x84: {  	_ =	shalt  }
0x85: {  	_ =	shalt  }
0x86: {  	_ =	shalt  }
0x87: {  	_ =	shalt  }
.Lfunc_end0:
.L_simem_size_0:
called_computation_lowered:
.L_overlay_start_0:
0x88: {  	s2 =	sld [smem:$0x3FD9]  }
0x89: {  	s3 =	sld [smem:$0x3FFE];
	_ =	sdelay $0x1  }
0x8a: {  	s1 =	srdreg.scid  }
0x8b: {  	s0 =	sand.u32 $0x1, s1  }
0x8c: {  	s17 =	sshll.u32 s0, $0xA;
	s2 =	sadd.s32 s3, s2  }
0x8d: {  	s2 =	sadd.s32 s2, s17  }
0x8e: {  	[smem:$0x3FC0] =	sst s2  }
0x8f: {  	_ = 	snop  }
0x90: {  	s2 =	sld [smem:$0x3FD0];
	(tm) =	ssettm $0x1  }
0x91: {  	s18 =	sld [smem:$0x3FFB];
	_ =	sdelay $0x3  }
0x92: {  	_ =	strace s18  }
0x93: {  	s3 =	sld [smem:$0x3FFC];
	_ =	sdelay $0x3  }
0x94: {  	_ =	strace s3  }
0x95: {  	s3 =	sld [smem:$0x3FFD];
	_ =	sdelay $0x3  }
0x96: {  	_ =	strace s3  }
0x97: {  	_ =	strace $0x8FFFFFFF  }
0x98: {  	s19 =	sld [smem:$0x3FDB];
	_ =	sdelay $0x1  }
0x99: {  	s4 =	simm.s32 $_scs_section_size  }
0x9a: {  	s5 =	simm.s32 $_size__tile_overlayer_lowered;
	s6 =	simm.s32 $_tile_overlayer_lowered  }
0x9b: {  	s22 =	simm.s32 $0x1BFF;
	s21 =	sshll.u32 s6, $0x1;
	s3 =	sadd.s32 s4, s19  }
0x9c: {  	s7 =	simm.s32 $0x0;
	s20 =	sshll.u32 s5, $0x1;
	s5 =	sadd.s32 s21, s3  }
0x9d: {  	[timem:s7], [sflag:s22] =	dma.local [hbm:s5], s20  }
0x9e: {  	_ =	swait.ge [sflag:s22], s20  }
0x9f: {  	s4 =	ssub.s32 $0x0, s20;
	[sflag:s22] =	ssyncset.done $0x0  }
0xa0: {  	[sflag:s22] =	ssyncadd.s32 s4;
	_ =	sdelay $0x1  }
0xa1: {  	s23 =	simm.s32 $0x1B8B  }
0xa2: {  	_ =	swait.ge [sflag:s23], $0x1  }
0xa3: {  	[sflag:s23] =	ssyncset.done $0x0  }
0xa4: {  	s25 =	simm.s32 $0x1B8E;
	s24 =	sld [smem:$0x3FFE];
	[sflag:s23] =	ssyncadd.s32 $0xFFFFFFFF  }
0xa5: {  	s26 =	simm.s32 $execute0_lowered;
	[smem:$0x3FD2] =	sst s25  }
0xa6: {  	s5 =	sshll.u32 s26, $0x1;
	_ =	strace $0x80000046;
	[dreg:$0x1] =	wrdreg $0xFFFFFFFF  }
0xa7: {  	s28 =	simm.s32 $_size_execute0_lowered;
	s3 =	sadd.s32 s3, s5;
	[dreg:$0x0] =	wrdreg $0x0  }
0xa8: {  	s5 =	sshll.u32 s28, $0x1;
	[dreg:$0x2] =	wrdreg s3  }
0xa9: {  	[dreg:$0x3] =	wrdreg s5  }
0xaa: {  	[dreg:$0x4] =	wrdreg $0xC0  }
0xab: {  	_ =	task [dreg:s7], $0x5FFFF  }
0xac: {  	[dreg:$0x1] =	wrdreg $0xFFFFFFFF  }
0xad: {  	[dreg:$0x0] =	wrdreg $0x60  }
0xae: {  	[dreg:$0x2] =	wrdreg s24  }
0xaf: {  	[dreg:$0x3] =	wrdreg s2  }
0xb0: {  	[dreg:$0x4] =	wrdreg $0x70000  }
0xb1: {  	[dreg:$0x5] =	wrdreg $0x98000  }
0xb2: {  	[dreg:$0x6] =	wrdreg $0x9  }
0xb3: {  	_ =	task.clear_ibuf [dreg:s7], $0x7FFFF;
	_ =	strace $0x90000046  }
0xb4: {  	s29 =	simm.s32 $0x9;
	_ =	strace $0x80000048  }
0xb5: {  	_ =	swait.ge [sflag:s29], $0x1  }
0xb6: {  	[sflag:s29] =	ssyncadd.s32 $0xFFFFFFFF  }
0xb7: {  	_ =	strace $0x90000048  }
0xb8: {  	_ =	sfence  }
0xb9: {  	s30 =	sld [smem:$0x0];
	_ =	sdelay $0x2  }
0xba: {  	s31 =	sshll.u32 s1, $0xD;
	s1 =	sshrl.u32 s1, $0x2  }
0xbb: {  	s3 =	sand.u32 $0x4000, s31;
	s1 =	sadd.s32 s1, s30  }
0xbc: {  	s0 =	sor.u32 s3, s0;
	s1 =	sshll.u32 s1, $0x11  }
0xbd: {  	s0 =	sor.u32 s1, s0  }
0xbe: {  	s0 =	sadd.s32 $0x8F2B, s0  }
0xbf: {  	[sflag:s0] =	ssyncadd.remote.s32 $0x1  }
0xc0: {  	_ =	sfence.sel $0xFFFF  }
0xc1: {  	[dreg:$0x0] =	wrdreg $0xFFFFFFFF;
	(pc) =	sbr.abs _section_cstart, $3  }
0xc2: {  	[dreg:$0x1] =	wrdreg $0xFFFFFFFF  }
0xc3: {  	_ =	task.clear_ibuf [dreg:s7], $0x2FFFF;
	_ =	strace $0x9FFFFFFF  }
0xc4: {  	(tm) =	ssettm $0x7FFFFFFF  }
0xc5: {  	_ =	shalt  }
tec
execute0_lowered:
.L_overlay_start_1:
0x0: {  	(tag) =	ssettag $0x1  }
0x1: {  	s0 =	rddreg [dreg:$0x0]  }
0x2: {  	s3 =	rddreg [dreg:$0x1]  }
0x3: {  	s2 =	rddreg [dreg:$0x2]  }
0x4: {  	s22 =	rddreg [dreg:$0x3];
	s11 =	simm.s32 $0x0;
	s4 =	srdreg.scid  }
0x5: {  	[smem:$0x7FF] =	sst s11;
	s1 =	sand.u32 $0x1, s4  }
0x6: {  	s6 =	sadd.s32 $0x10A00, s0;
	[smem:$0x7FD] =	sst s1  }
0x7: {  	s8 =	simm.s32 $0x400;
	_ =	strace $0x80000047;
	[dreg:$0x5] =	wrdreg s6  }
0x8: {  	s10 =	simm.s32 $0x600;
	[dreg:$0x8] =	wrdreg s8  }
0x9: {  	s12 =	simm.s32 $0x800;
	[dreg:$0x9] =	wrdreg s10  }
0xa: {  	s13 =	simm.s32 $0xA00;
	[dreg:$0xa] =	wrdreg s12  }
0xb: {  	s14 =	simm.s32 $0xC00;
	[dreg:$0xb] =	wrdreg s13  }
0xc: {  	s15 =	simm.s32 $0xE00;
	[dreg:$0xc] =	wrdreg s14  }
0xd: {  	s16 =	simm.s32 $0x1000;
	[dreg:$0xd] =	wrdreg s15  }
0xe: {  	s17 =	simm.s32 $0x1200;
	[dreg:$0xe] =	wrdreg s16  }
0xf: {  	s18 =	simm.s32 $0x1400;
	[dreg:$0xf] =	wrdreg s17  }
0x10: {  	s19 =	simm.s32 $0x1600;
	[dreg:$0x10] =	wrdreg s18  }
0x11: {  	s21 =	simm.s32 $0x1800;
	[dreg:$0x11] =	wrdreg s19  }
0x12: {  	s9 =	stileid.u32;
	s23 =	simm.s32 $0x1A00;
	[dreg:$0x12] =	wrdreg s21  }
0x13: {  	s25 =	simm.s32 $0x1C00;
	s28 =	simm.s32 $0x1E00;
	[dreg:$0x13] =	wrdreg s23  }
0x14: {  	s29 =	simm.s32 $0x2000;
	s5 =	smul.u32 $0x500, s9;
	[dreg:$0x14] =	wrdreg s25  }
0x15: {  	s30 =	simm.s32 $0x2200;
	s20 =	smul.u32 $0x2800, s9;
	[dreg:$0x15] =	wrdreg s28  }
0x16: {  	s31 =	simm.s32 $0x12;
	s4 =	smul.u32 $0x5000, s1;
	[dreg:$0x16] =	wrdreg s29  }
0x17: {  	s24 =	sshrl.u32 s20, $0x3;
	s8 =	sadd.s32 s20, s2;
	[dreg:$0x17] =	wrdreg s30  }
0x18: {  	s12 =	simm.s32 $0x2400;
	s14 =	simm.s32 $0x2600;
	s19 =	sadd.s32 s20, s22  }
0x19: {  	s7 =	sadd.s32 s4, s0;
	s3 =	sadd.s32 s3, s4;
	[dreg:$0x18] =	wrdreg s12  }
0x1a: {  	s26 =	sadd.s32 s24, s0;
	[dreg:$0x19] =	wrdreg s14;
	s18 =	sshrl.u32 s8, $0x3  }
0x1b: {  	s1 =	sadd.s32 $0x6A00, s7;
	s3 =	sadd.s32 s5, s3;
	[dreg:$0x1d] =	wrdreg s18  }
0x1c: {  	s13 =	sadd.s32 $0x15E00, s7;
	[dreg:$0x6] =	wrdreg s3;
	s6 =	sadd.s32 s5, s1  }
0x1d: {  	s7 =	sadd.s32 $0x1FE00, s7;
	s15 =	sadd.s32 s24, s13;
	[dreg:$0x7] =	wrdreg s6  }
0x1e: {  	s1 =	sshll.u32 s9, $0x6;
	s17 =	sadd.s32 s24, s7;
	[dreg:$0x1a] =	wrdreg s15  }
0x1f: {  	s10 =	sadd.s32 $0x10E00, s26;
	s16 =	sor.u32 $0x1C12, s1;
	[dreg:$0x1b] =	wrdreg s17  }
0x20: {  	[spmem:s18], [sflag:s16] =	dma.local [hbm:s10], $0x500  }
0x21: {  	s20 =	sshrl.u32 s19, $0x3;
	_ =	swait.ge [sflag:s31], $0x500  }
0x22: {  	[dreg:$0x1e] =	wrdreg s20;
	[sflag:s31] =	ssyncset.done $0x0  }
0x23: {  	[dreg:$0x1c] =	wrdreg s10;
	[sflag:s31] =	ssyncadd.s32 $0xFFFFFB00  }
0x24: {  	[spmem:s20], [sflag:s16] =	dma.local [hbm:s10], $0x500  }
0x25: {  	_ =	swait.ge [sflag:s31], $0x500  }
0x26: {  	[sflag:s31] =	ssyncset.done $0x0  }
0x27: {  	s10 =	simm.s32 $0x5000;
	s21 =	rddreg [dreg:$0x5];
	[sflag:s31] =	ssyncadd.s32 $0xFFFFFB00  }
0x28: {  	[tilespmem:s10], [sflag:$0x12] =	stream.linear.gather [hbm4b:s21+s11], $0x2000, $0x38;
	[tilespmem:$0x1C000] =	vst v63  }
0x29: {  	_ =	swait.ge [sflag:s31], $0x2000  }
0x2a: {  	[sflag:s31] =	ssyncset.done $0x0  }
0x2b: {  	s23 =	rddreg [dreg:$0x6];
	[sflag:s31] =	ssyncadd.s32 $0xFFFFE000  }
0x2c: {  	[tilespmem:s11], [sflag:$0x12] =	stream.linear.gather [hbm4b:s23+s11], $0x2800, $0x38;
	[tilespmem:$0x1C000] =	vst v63  }
0x2d: {  	_ =	swait.ge [sflag:s31], $0x2800  }
0x2e: {  	[sflag:s31] =	ssyncset.done $0x0  }
0x2f: {  	s25 =	simm.s32 $0x2800;
	s24 =	rddreg [dreg:$0x7];
	[sflag:s31] =	ssyncadd.s32 $0xFFFFD800  }
0x30: {  	[tilespmem:s25], [sflag:$0x12] =	stream.linear.gather [hbm4b:s24+s11], $0x2800, $0x38;
	[tilespmem:$0x1C000] =	vst v63  }
0x31: {  	_ =	swait.ge [sflag:s31], $0x2800  }
0x32: {  	[sflag:s31] =	ssyncset.done $0x0  }
0x33: {  	s12 =	sadd.s32 $0x1A00, s0;
	[sflag:s31] =	ssyncadd.s32 $0xFFFFD800  }
0x34: {  	s13 =	simm.s32 $0x200;
	s17 =	simm.s32 $0xC000;
	[bflag:$0x0] =	sbarrier.arrive $0xFFFF  }
0x35: {  	[tilespmem:s17], [sflag:$0x1] =	stream.indirect.gather [hbm4b:s12+s13], $0x10, s11, s13, $0xb8;
	[tilespmem:$0x1C000] =	vst v63  }
0x36: {  	s20 =	simm.s32 $0xE000  }
0x37: {  	[tilespmem:s20], [sflag:$0x2] =	stream.indirect.gather [hbm4b:s12+s13], $0x10, s13, s13, $0xb8;
	[tilespmem:$0x1C000] =	vst v63  }
0x38: {  	s19 =	simm.s32 $0x10000;
	s28 =	rddreg [dreg:$0x8]  }
0x39: {  	[tilespmem:s19], [sflag:$0x3] =	stream.indirect.gather [hbm4b:s12+s13], $0x10, s28, s13, $0xb8;
	[tilespmem:$0x1C000] =	vst v63  }
0x3a: {  	s23 =	simm.s32 $0x12000;
	s29 =	rddreg [dreg:$0x9]  }
0x3b: {  	[tilespmem:s23], [sflag:$0x4] =	stream.indirect.gather [hbm4b:s12+s13], $0x10, s29, s13, $0xb8;
	[tilespmem:$0x1C000] =	vst v63  }
0x3c: {  	s26 =	simm.s32 $0x14000;
	s1 =	simm.s32 $0x1;
	s30 =	rddreg [dreg:$0xa]  }
0x3d: {  	[tilespmem:s26], [sflag:$0x5] =	stream.indirect.gather [hbm4b:s12+s13], $0x10, s30, s13, $0xb8;
	[tilespmem:$0x1C000] =	vst v63  }
0x3e: {  	_ =	swait.ge [sflag:s1], $0x2000  }
0x3f: {  	[sflag:s1] =	ssyncset.done $0x0  }
0x40: {  	[sflag:s1] =	ssyncadd.s32 $0xFFFFE000  }
0x41: {  	[spmem:s2] =	stream.indirect.scatter.add.f32 [tilespmem:s17], [sflag:$0x9], $0x10, s25, s13, $0xb8;
	[tilespmem:$0x1C000] =	vst v63  }
0x42: {  	_ = 	snop  }
0x43: {  	[spmem:s22] =	stream.indirect.scatter.add.f32 [tilespmem:s10], [sflag:$0x11], $0x10, s25, s13, $0xb8;
	[tilespmem:$0x1C000] =	vst v63  }
0x44: {  	s21 =	simm.s32 $0x2;
	s28 =	simm.s32 $0x16000;
	s3 =	rddreg [dreg:$0xb]  }
0x45: {  	[tilespmem:s28], [sflag:$0x6] =	stream.indirect.gather [hbm4b:s12+s13], $0x10, s3, s13, $0xb8;
	[tilespmem:$0x1C000] =	vst v63  }
0x46: {  	_ =	swait.ge [sflag:s21], $0x2000  }
0x47: {  	[sflag:s21] =	ssyncset.done $0x0  }
0x48: {  	s5 =	simm.s32 $0x2A00;
	[sflag:s21] =	ssyncadd.s32 $0xFFFFE000  }
0x49: {  	[spmem:s2] =	stream.indirect.scatter.add.f32 [tilespmem:s20], [sflag:$0xA], $0x10, s5, s13, $0xb8;
	[tilespmem:$0x1C000] =	vst v63  }
0x4a: {  	_ = 	snop  }
0x4b: {  	[spmem:s22] =	stream.indirect.scatter.add.f32 [tilespmem:s10], [sflag:$0x11], $0x10, s5, s13, $0xb8;
	[tilespmem:$0x1C000] =	vst v63  }
0x4c: {  	s7 =	simm.s32 $0x18000;
	s24 =	simm.s32 $0x3;
	s6 =	rddreg [dreg:$0xc]  }
0x4d: {  	[tilespmem:s7], [sflag:$0x7] =	stream.indirect.gather [hbm4b:s12+s13], $0x10, s6, s13, $0xb8;
	[tilespmem:$0x1C000] =	vst v63  }
0x4e: {  	_ =	swait.ge [sflag:s24], $0x2000  }
0x4f: {  	[sflag:s24] =	ssyncset.done $0x0  }
0x50: {  	s8 =	simm.s32 $0x2C00;
	[sflag:s24] =	ssyncadd.s32 $0xFFFFE000  }
0x51: {  	[spmem:s2] =	stream.indirect.scatter.add.f32 [tilespmem:s19], [sflag:$0xB], $0x10, s8, s13, $0xb8;
	[tilespmem:$0x1C000] =	vst v63  }
0x52: {  	_ = 	snop  }
0x53: {  	[spmem:s22] =	stream.indirect.scatter.add.f32 [tilespmem:s10], [sflag:$0x11], $0x10, s8, s13, $0xb8;
	[tilespmem:$0x1C000] =	vst v63  }
0x54: {  	s11 =	simm.s32 $0x1A000;
	s30 =	simm.s32 $0x4;
	s9 =	rddreg [dreg:$0xd]  }
0x55: {  	[tilespmem:s11], [sflag:$0x8] =	stream.indirect.gather [hbm4b:s12+s13], $0x10, s9, s13, $0xb8;
	[tilespmem:$0x1C000] =	vst v63  }
0x56: {  	_ =	swait.ge [sflag:s30], $0x2000  }
0x57: {  	[sflag:s30] =	ssyncset.done $0x0  }
0x58: {  	s14 =	simm.s32 $0x2E00;
	[sflag:s30] =	ssyncadd.s32 $0xFFFFE000  }
0x59: {  	[spmem:s2] =	stream.indirect.scatter.add.f32 [tilespmem:s23], [sflag:$0xC], $0x10, s14, s13, $0xb8;
	[tilespmem:$0x1C000] =	vst v63  }
0x5a: {  	s3 =	simm.s32 $0x9  }
0x5b: {  	[spmem:s22] =	stream.indirect.scatter.add.f32 [tilespmem:s10], [sflag:$0x11], $0x10, s14, s13, $0xb8;
	[tilespmem:$0x1C000] =	vst v63  }
0x5c: {  	_ =	swait.ge [sflag:s3], $0x2000  }
0x5d: {  	[sflag:s3] =	ssyncset.done $0x0  }
0x5e: {  	s6 =	simm.s32 $0x5;
	s15 =	rddreg [dreg:$0xe];
	[sflag:s3] =	ssyncadd.s32 $0xFFFFE000  }
0x5f: {  	[tilespmem:s17], [sflag:$0x1] =	stream.indirect.gather [hbm4b:s12+s13], $0x10, s15, s13, $0xb8;
	[tilespmem:$0x1C000] =	vst v63  }
0x60: {  	_ =	swait.ge [sflag:s6], $0x2000  }
0x61: {  	[sflag:s6] =	ssyncset.done $0x0  }
0x62: {  	s18 =	simm.s32 $0x3000;
	[sflag:s6] =	ssyncadd.s32 $0xFFFFE000  }
0x63: {  	[spmem:s2] =	stream.indirect.scatter.add.f32 [tilespmem:s26], [sflag:$0xD], $0x10, s18, s13, $0xb8;
	[tilespmem:$0x1C000] =	vst v63  }
0x64: {  	s14 =	simm.s32 $0xA  }
0x65: {  	[spmem:s22] =	stream.indirect.scatter.add.f32 [tilespmem:s10], [sflag:$0x11], $0x10, s18, s13, $0xb8;
	[tilespmem:$0x1C000] =	vst v63  }
0x66: {  	_ =	swait.ge [sflag:s14], $0x2000  }
0x67: {  	[sflag:s14] =	ssyncset.done $0x0  }
0x68: {  	s11 =	simm.s32 $0x6;
	s25 =	rddreg [dreg:$0xf];
	[sflag:s14] =	ssyncadd.s32 $0xFFFFE000  }
0x69: {  	[tilespmem:s20], [sflag:$0x2] =	stream.indirect.gather [hbm4b:s12+s13], $0x10, s25, s13, $0xb8;
	[tilespmem:$0x1C000] =	vst v63  }
0x6a: {  	_ =	swait.ge [sflag:s11], $0x2000  }
0x6b: {  	[sflag:s11] =	ssyncset.done $0x0  }
0x6c: {  	s29 =	simm.s32 $0x3200;
	[sflag:s11] =	ssyncadd.s32 $0xFFFFE000  }
0x6d: {  	[spmem:s2] =	stream.indirect.scatter.add.f32 [tilespmem:s28], [sflag:$0xE], $0x10, s29, s13, $0xb8;
	[tilespmem:$0x1C000] =	vst v63  }
0x6e: {  	s25 =	simm.s32 $0xB  }
0x6f: {  	[spmem:s22] =	stream.indirect.scatter.add.f32 [tilespmem:s10], [sflag:$0x11], $0x10, s29, s13, $0xb8;
	[tilespmem:$0x1C000] =	vst v63  }
0x70: {  	_ =	swait.ge [sflag:s25], $0x2000  }
0x71: {  	[sflag:s25] =	ssyncset.done $0x0  }
0x72: {  	s0 =	simm.s32 $0x7;
	s4 =	rddreg [dreg:$0x10];
	[sflag:s25] =	ssyncadd.s32 $0xFFFFE000  }
0x73: {  	[tilespmem:s19], [sflag:$0x3] =	stream.indirect.gather [hbm4b:s12+s13], $0x10, s4, s13, $0xb8;
	[tilespmem:$0x1C000] =	vst v63  }
0x74: {  	_ =	swait.ge [sflag:s0], $0x2000  }
0x75: {  	[sflag:s0] =	ssyncset.done $0x0  }
0x76: {  	s5 =	simm.s32 $0x18000;
	s7 =	simm.s32 $0x3400;
	[sflag:s0] =	ssyncadd.s32 $0xFFFFE000  }
0x77: {  	[spmem:s2] =	stream.indirect.scatter.add.f32 [tilespmem:s5], [sflag:$0xF], $0x10, s7, s13, $0xb8;
	[tilespmem:$0x1C000] =	vst v63  }
0x78: {  	s29 =	simm.s32 $0xC  }
0x79: {  	[spmem:s22] =	stream.indirect.scatter.add.f32 [tilespmem:s10], [sflag:$0x11], $0x10, s7, s13, $0xb8;
	[tilespmem:$0x1C000] =	vst v63  }
0x7a: {  	_ =	swait.ge [sflag:s29], $0x2000  }
0x7b: {  	[sflag:s29] =	ssyncset.done $0x0  }
0x7c: {  	s4 =	simm.s32 $0x8;
	s9 =	rddreg [dreg:$0x11];
	[sflag:s29] =	ssyncadd.s32 $0xFFFFE000  }
0x7d: {  	[tilespmem:s23], [sflag:$0x4] =	stream.indirect.gather [hbm4b:s12+s13], $0x10, s9, s13, $0xb8;
	[tilespmem:$0x1C000] =	vst v63  }
0x7e: {  	_ =	swait.ge [sflag:s4], $0x2000  }
0x7f: {  	[sflag:s4] =	ssyncset.done $0x0  }
0x80: {  	s8 =	simm.s32 $0x1A000;
	s15 =	simm.s32 $0x3600;
	[sflag:s4] =	ssyncadd.s32 $0xFFFFE000  }
0x81: {  	[spmem:s2] =	stream.indirect.scatter.add.f32 [tilespmem:s8], [sflag:$0x10], $0x10, s15, s13, $0xb8;
	[tilespmem:$0x1C000] =	vst v63  }
0x82: {  	_ = 	snop  }
0x83: {  	[spmem:s22] =	stream.indirect.scatter.add.f32 [tilespmem:s10], [sflag:$0x11], $0x10, s15, s13, $0xb8;
	[tilespmem:$0x1C000] =	vst v63  }
0x84: {  	s15 =	simm.s32 $0xD  }
0x85: {  	_ =	swait.ge [sflag:s15], $0x2000  }
0x86: {  	[sflag:s15] =	ssyncset.done $0x0  }
0x87: {  	s9 =	rddreg [dreg:$0x12];
	[sflag:s15] =	ssyncadd.s32 $0xFFFFE000  }
0x88: {  	[tilespmem:s26], [sflag:$0x5] =	stream.indirect.gather [hbm4b:s12+s13], $0x10, s9, s13, $0xb8;
	[tilespmem:$0x1C000] =	vst v63  }
0x89: {  	_ =	swait.ge [sflag:s1], $0x2000  }
0x8a: {  	[sflag:s1] =	ssyncset.done $0x0  }
0x8b: {  	s8 =	simm.s32 $0x3800;
	[sflag:s1] =	ssyncadd.s32 $0xFFFFE000  }
0x8c: {  	[spmem:s2] =	stream.indirect.scatter.add.f32 [tilespmem:s17], [sflag:$0x9], $0x10, s8, s13, $0xb8;
	[tilespmem:$0x1C000] =	vst v63  }
0x8d: {  	s5 =	simm.s32 $0xE  }
0x8e: {  	[spmem:s22] =	stream.indirect.scatter.add.f32 [tilespmem:s10], [sflag:$0x11], $0x10, s8, s13, $0xb8;
	[tilespmem:$0x1C000] =	vst v63  }
0x8f: {  	_ =	swait.ge [sflag:s5], $0x2000  }
0x90: {  	[sflag:s5] =	ssyncset.done $0x0  }
0x91: {  	s9 =	rddreg [dreg:$0x13];
	[sflag:s5] =	ssyncadd.s32 $0xFFFFE000  }
0x92: {  	[tilespmem:s28], [sflag:$0x6] =	stream.indirect.gather [hbm4b:s12+s13], $0x10, s9, s13, $0xb8;
	[tilespmem:$0x1C000] =	vst v63  }
0x93: {  	_ =	swait.ge [sflag:s21], $0x2000  }
0x94: {  	[sflag:s21] =	ssyncset.done $0x0  }
0x95: {  	s9 =	simm.s32 $0x3A00;
	[sflag:s21] =	ssyncadd.s32 $0xFFFFE000  }
0x96: {  	[spmem:s2] =	stream.indirect.scatter.add.f32 [tilespmem:s20], [sflag:$0xA], $0x10, s9, s13, $0xb8;
	[tilespmem:$0x1C000] =	vst v63  }
0x97: {  	s8 =	simm.s32 $0xF  }
0x98: {  	[spmem:s22] =	stream.indirect.scatter.add.f32 [tilespmem:s10], [sflag:$0x11], $0x10, s9, s13, $0xb8;
	[tilespmem:$0x1C000] =	vst v63  }
0x99: {  	_ =	swait.ge [sflag:s8], $0x2000  }
0x9a: {  	[sflag:s8] =	ssyncset.done $0x0  }
0x9b: {  	s18 =	simm.s32 $0x18000;
	s9 =	rddreg [dreg:$0x14];
	[sflag:s8] =	ssyncadd.s32 $0xFFFFE000  }
0x9c: {  	[tilespmem:s18], [sflag:$0x7] =	stream.indirect.gather [hbm4b:s12+s13], $0x10, s9, s13, $0xb8;
	[tilespmem:$0x1C000] =	vst v63  }
0x9d: {  	_ =	swait.ge [sflag:s24], $0x2000  }
0x9e: {  	[sflag:s24] =	ssyncset.done $0x0  }
0x9f: {  	s18 =	simm.s32 $0x3C00;
	[sflag:s24] =	ssyncadd.s32 $0xFFFFE000  }
0xa0: {  	[spmem:s2] =	stream.indirect.scatter.add.f32 [tilespmem:s19], [sflag:$0xB], $0x10, s18, s13, $0xb8;
	[tilespmem:$0x1C000] =	vst v63  }
0xa1: {  	s9 =	simm.s32 $0x10  }
0xa2: {  	[spmem:s22] =	stream.indirect.scatter.add.f32 [tilespmem:s10], [sflag:$0x11], $0x10, s18, s13, $0xb8;
	[tilespmem:$0x1C000] =	vst v63  }
0xa3: {  	_ =	swait.ge [sflag:s9], $0x2000  }
0xa4: {  	[sflag:s9] =	ssyncset.done $0x0  }
0xa5: {  	s7 =	simm.s32 $0x1A000;
	s18 =	rddreg [dreg:$0x15];
	[sflag:s9] =	ssyncadd.s32 $0xFFFFE000  }
0xa6: {  	[tilespmem:s7], [sflag:$0x8] =	stream.indirect.gather [hbm4b:s12+s13], $0x10, s18, s13, $0xb8;
	[tilespmem:$0x1C000] =	vst v63  }
0xa7: {  	_ =	swait.ge [sflag:s30], $0x2000  }
0xa8: {  	[sflag:s30] =	ssyncset.done $0x0  }
0xa9: {  	s18 =	simm.s32 $0x3E00;
	[sflag:s30] =	ssyncadd.s32 $0xFFFFE000  }
0xaa: {  	[spmem:s2] =	stream.indirect.scatter.add.f32 [tilespmem:s23], [sflag:$0xC], $0x10, s18, s13, $0xb8;
	[tilespmem:$0x1C000] =	vst v63  }
0xab: {  	_ = 	snop  }
0xac: {  	[spmem:s22] =	stream.indirect.scatter.add.f32 [tilespmem:s10], [sflag:$0x11], $0x10, s18, s13, $0xb8;
	[tilespmem:$0x1C000] =	vst v63  }
0xad: {  	_ =	swait.ge [sflag:s3], $0x2000  }
0xae: {  	[sflag:s3] =	ssyncset.done $0x0  }
0xaf: {  	s18 =	rddreg [dreg:$0x16];
	[sflag:s3] =	ssyncadd.s32 $0xFFFFE000  }
0xb0: {  	[tilespmem:s17], [sflag:$0x1] =	stream.indirect.gather [hbm4b:s12+s13], $0x10, s18, s13, $0xb8;
	[tilespmem:$0x1C000] =	vst v63  }
0xb1: {  	_ =	swait.ge [sflag:s6], $0x2000  }
0xb2: {  	[sflag:s6] =	ssyncset.done $0x0  }
0xb3: {  	s18 =	simm.s32 $0x4000;
	[sflag:s6] =	ssyncadd.s32 $0xFFFFE000  }
0xb4: {  	[spmem:s2] =	stream.indirect.scatter.add.f32 [tilespmem:s26], [sflag:$0xD], $0x10, s18, s13, $0xb8;
	[tilespmem:$0x1C000] =	vst v63  }
0xb5: {  	_ = 	snop  }
0xb6: {  	[spmem:s22] =	stream.indirect.scatter.add.f32 [tilespmem:s10], [sflag:$0x11], $0x10, s18, s13, $0xb8;
	[tilespmem:$0x1C000] =	vst v63  }
0xb7: {  	_ =	swait.ge [sflag:s14], $0x2000  }
0xb8: {  	[sflag:s14] =	ssyncset.done $0x0  }
0xb9: {  	s6 =	rddreg [dreg:$0x17];
	[sflag:s14] =	ssyncadd.s32 $0xFFFFE000  }
0xba: {  	[tilespmem:s20], [sflag:$0x2] =	stream.indirect.gather [hbm4b:s12+s13], $0x10, s6, s13, $0xb8;
	[tilespmem:$0x1C000] =	vst v63  }
0xbb: {  	_ =	swait.ge [sflag:s11], $0x2000  }
0xbc: {  	[sflag:s11] =	ssyncset.done $0x0  }
0xbd: {  	s26 =	simm.s32 $0x4200;
	[sflag:s11] =	ssyncadd.s32 $0xFFFFE000  }
0xbe: {  	[spmem:s2] =	stream.indirect.scatter.add.f32 [tilespmem:s28], [sflag:$0xE], $0x10, s26, s13, $0xb8;
	[tilespmem:$0x1C000] =	vst v63  }
0xbf: {  	_ = 	snop  }
0xc0: {  	[spmem:s22] =	stream.indirect.scatter.add.f32 [tilespmem:s10], [sflag:$0x11], $0x10, s26, s13, $0xb8;
	[tilespmem:$0x1C000] =	vst v63  }
0xc1: {  	_ =	swait.ge [sflag:s25], $0x2000  }
0xc2: {  	[sflag:s25] =	ssyncset.done $0x0  }
0xc3: {  	s11 =	rddreg [dreg:$0x18];
	[sflag:s25] =	ssyncadd.s32 $0xFFFFE000  }
0xc4: {  	[tilespmem:s19], [sflag:$0x3] =	stream.indirect.gather [hbm4b:s12+s13], $0x10, s11, s13, $0xb8;
	[tilespmem:$0x1C000] =	vst v63  }
0xc5: {  	_ =	swait.ge [sflag:s0], $0x2000  }
0xc6: {  	[sflag:s0] =	ssyncset.done $0x0  }
0xc7: {  	s28 =	simm.s32 $0x18000;
	s26 =	simm.s32 $0x4400;
	[sflag:s0] =	ssyncadd.s32 $0xFFFFE000  }
0xc8: {  	[spmem:s2] =	stream.indirect.scatter.add.f32 [tilespmem:s28], [sflag:$0xF], $0x10, s26, s13, $0xb8;
	[tilespmem:$0x1C000] =	vst v63  }
0xc9: {  	_ = 	snop  }
0xca: {  	[spmem:s22] =	stream.indirect.scatter.add.f32 [tilespmem:s10], [sflag:$0x11], $0x10, s26, s13, $0xb8;
	[tilespmem:$0x1C000] =	vst v63  }
0xcb: {  	_ =	swait.ge [sflag:s29], $0x2000  }
0xcc: {  	[sflag:s29] =	ssyncset.done $0x0  }
0xcd: {  	s0 =	rddreg [dreg:$0x19];
	[sflag:s29] =	ssyncadd.s32 $0xFFFFE000  }
0xce: {  	[tilespmem:s23], [sflag:$0x4] =	stream.indirect.gather [hbm4b:s12+s13], $0x10, s0, s13, $0xb8;
	[tilespmem:$0x1C000] =	vst v63  }
0xcf: {  	_ =	swait.ge [sflag:s4], $0x2000  }
0xd0: {  	[sflag:s4] =	ssyncset.done $0x0  }
0xd1: {  	s7 =	simm.s32 $0x1A000;
	s6 =	simm.s32 $0x4600;
	[sflag:s4] =	ssyncadd.s32 $0xFFFFE000  }
0xd2: {  	[spmem:s2] =	stream.indirect.scatter.add.f32 [tilespmem:s7], [sflag:$0x10], $0x10, s6, s13, $0xb8;
	[tilespmem:$0x1C000] =	vst v63  }
0xd3: {  	_ = 	snop  }
0xd4: {  	[spmem:s22] =	stream.indirect.scatter.add.f32 [tilespmem:s10], [sflag:$0x11], $0x10, s6, s13, $0xb8;
	[tilespmem:$0x1C000] =	vst v63  }
0xd5: {  	_ =	swait.ge [sflag:s1], $0x2000  }
0xd6: {  	[sflag:s1] =	ssyncset.done $0x0  }
0xd7: {  	s11 =	simm.s32 $0x4800;
	[sflag:s1] =	ssyncadd.s32 $0xFFFFE000  }
0xd8: {  	[spmem:s2] =	stream.indirect.scatter.add.f32 [tilespmem:s17], [sflag:$0x9], $0x10, s11, s13, $0xb8;
	[tilespmem:$0x1C000] =	vst v63  }
0xd9: {  	_ = 	snop  }
0xda: {  	[spmem:s22] =	stream.indirect.scatter.add.f32 [tilespmem:s10], [sflag:$0x11], $0x10, s11, s13, $0xb8;
	[tilespmem:$0x1C000] =	vst v63  }
0xdb: {  	_ =	swait.ge [sflag:s21], $0x2000  }
0xdc: {  	[sflag:s21] =	ssyncset.done $0x0  }
0xdd: {  	s18 =	simm.s32 $0x4A00;
	[sflag:s21] =	ssyncadd.s32 $0xFFFFE000  }
0xde: {  	[spmem:s2] =	stream.indirect.scatter.add.f32 [tilespmem:s20], [sflag:$0xA], $0x10, s18, s13, $0xb8;
	[tilespmem:$0x1C000] =	vst v63  }
0xdf: {  	_ = 	snop  }
0xe0: {  	[spmem:s22] =	stream.indirect.scatter.add.f32 [tilespmem:s10], [sflag:$0x11], $0x10, s18, s13, $0xb8;
	[tilespmem:$0x1C000] =	vst v63  }
0xe1: {  	_ =	swait.ge [sflag:s24], $0x2000  }
0xe2: {  	[sflag:s24] =	ssyncset.done $0x0  }
0xe3: {  	s20 =	simm.s32 $0x4C00;
	[sflag:s24] =	ssyncadd.s32 $0xFFFFE000  }
0xe4: {  	[spmem:s2] =	stream.indirect.scatter.add.f32 [tilespmem:s19], [sflag:$0xB], $0x10, s20, s13, $0xb8;
	[tilespmem:$0x1C000] =	vst v63  }
0xe5: {  	_ = 	snop  }
0xe6: {  	[spmem:s22] =	stream.indirect.scatter.add.f32 [tilespmem:s10], [sflag:$0x11], $0x10, s20, s13, $0xb8;
	[tilespmem:$0x1C000] =	vst v63  }
0xe7: {  	_ =	swait.ge [sflag:s30], $0x2000  }
0xe8: {  	[sflag:s30] =	ssyncset.done $0x0  }
0xe9: {  	s21 =	simm.s32 $0x4E00;
	[sflag:s30] =	ssyncadd.s32 $0xFFFFE000  }
0xea: {  	[spmem:s2] =	stream.indirect.scatter.add.f32 [tilespmem:s23], [sflag:$0xC], $0x10, s21, s13, $0xb8;
	[tilespmem:$0x1C000] =	vst v63  }
0xeb: {  	_ = 	snop  }
0xec: {  	[spmem:s22] =	stream.indirect.scatter.add.f32 [tilespmem:s10], [sflag:$0x11], $0x10, s21, s13, $0xb8;
	[tilespmem:$0x1C000] =	vst v63  }
0xed: {  	_ =	swait.ge [sflag:s15], $0x2000  }
0xee: {  	[sflag:s15] =	ssyncset.done $0x0  }
0xef: {  	[sflag:s15] =	ssyncadd.s32 $0xFFFFE000  }
0xf0: {  	_ =	swait.ge [sflag:s5], $0x2000  }
0xf1: {  	[sflag:s5] =	ssyncset.done $0x0  }
0xf2: {  	[sflag:s5] =	ssyncadd.s32 $0xFFFFE000  }
0xf3: {  	_ =	swait.ge [sflag:s8], $0x2000  }
0xf4: {  	[sflag:s8] =	ssyncset.done $0x0  }
0xf5: {  	[sflag:s8] =	ssyncadd.s32 $0xFFFFE000  }
0xf6: {  	_ =	swait.ge [sflag:s9], $0x2000  }
0xf7: {  	[sflag:s9] =	ssyncset.done $0x0  }
0xf8: {  	[sflag:s9] =	ssyncadd.s32 $0xFFFFE000  }
0xf9: {  	_ =	swait.ge [sflag:s3], $0x2000  }
0xfa: {  	[sflag:s3] =	ssyncset.done $0x0  }
0xfb: {  	[sflag:s3] =	ssyncadd.s32 $0xFFFFE000  }
0xfc: {  	_ =	swait.ge [sflag:s14], $0x2000  }
0xfd: {  	[sflag:s14] =	ssyncset.done $0x0  }
0xfe: {  	[sflag:s14] =	ssyncadd.s32 $0xFFFFE000  }
0xff: {  	_ =	swait.ge [sflag:s25], $0x2000  }
0x100: {  	[sflag:s25] =	ssyncset.done $0x0  }
0x101: {  	[sflag:s25] =	ssyncadd.s32 $0xFFFFE000  }
0x102: {  	_ =	swait.ge [sflag:s29], $0x2000  }
0x103: {  	[sflag:s29] =	ssyncset.done $0x0  }
0x104: {  	s18 =	simm.s32 $0x11;
	[sflag:s29] =	ssyncadd.s32 $0xFFFFE000  }
0x105: {  	_ =	swait.ge [sflag:s18], $0x2000  }
0x106: {  	[sflag:s18] =	ssyncset.done $0x0  }
0x107: {  	[sflag:s18] =	ssyncadd.s32 $0xFFFFE000  }
0x108: {  	_ =	swait.ge [sflag:s18], $0x2000  }
0x109: {  	[sflag:s18] =	ssyncset.done $0x0  }
0x10a: {  	[sflag:s18] =	ssyncadd.s32 $0xFFFFE000  }
0x10b: {  	_ =	swait.ge [sflag:s18], $0x2000  }
0x10c: {  	[sflag:s18] =	ssyncset.done $0x0  }
0x10d: {  	[sflag:s18] =	ssyncadd.s32 $0xFFFFE000  }
0x10e: {  	_ =	swait.ge [sflag:s18], $0x2000  }
0x10f: {  	[sflag:s18] =	ssyncset.done $0x0  }
0x110: {  	[sflag:s18] =	ssyncadd.s32 $0xFFFFE000  }
0x111: {  	_ =	swait.ge [sflag:s18], $0x2000  }
0x112: {  	[sflag:s18] =	ssyncset.done $0x0  }
0x113: {  	[sflag:s18] =	ssyncadd.s32 $0xFFFFE000  }
0x114: {  	_ =	swait.ge [sflag:s18], $0x2000  }
0x115: {  	[sflag:s18] =	ssyncset.done $0x0  }
0x116: {  	[sflag:s18] =	ssyncadd.s32 $0xFFFFE000  }
0x117: {  	_ =	swait.ge [sflag:s18], $0x2000  }
0x118: {  	[sflag:s18] =	ssyncset.done $0x0  }
0x119: {  	[sflag:s18] =	ssyncadd.s32 $0xFFFFE000  }
0x11a: {  	_ =	swait.ge [sflag:s18], $0x2000  }
0x11b: {  	[sflag:s18] =	ssyncset.done $0x0  }
0x11c: {  	[sflag:s18] =	ssyncadd.s32 $0xFFFFE000  }
0x11d: {  	_ =	swait.ge [sflag:s18], $0x2000  }
0x11e: {  	[sflag:s18] =	ssyncset.done $0x0  }
0x11f: {  	[sflag:s18] =	ssyncadd.s32 $0xFFFFE000  }
0x120: {  	_ =	swait.ge [sflag:s18], $0x2000  }
0x121: {  	[sflag:s18] =	ssyncset.done $0x0  }
0x122: {  	[sflag:s18] =	ssyncadd.s32 $0xFFFFE000  }
0x123: {  	_ =	swait.ge [sflag:s18], $0x2000  }
0x124: {  	[sflag:s18] =	ssyncset.done $0x0  }
0x125: {  	[sflag:s18] =	ssyncadd.s32 $0xFFFFE000  }
0x126: {  	_ =	swait.ge [sflag:s18], $0x2000  }
0x127: {  	[sflag:s18] =	ssyncset.done $0x0  }
0x128: {  	[sflag:s18] =	ssyncadd.s32 $0xFFFFE000  }
0x129: {  	_ =	swait.ge [sflag:s18], $0x2000  }
0x12a: {  	[sflag:s18] =	ssyncset.done $0x0  }
0x12b: {  	[sflag:s18] =	ssyncadd.s32 $0xFFFFE000  }
0x12c: {  	_ =	swait.ge [sflag:s18], $0x2000  }
0x12d: {  	[sflag:s18] =	ssyncset.done $0x0  }
0x12e: {  	[sflag:s18] =	ssyncadd.s32 $0xFFFFE000  }
0x12f: {  	_ =	swait.ge [sflag:s18], $0x2000  }
0x130: {  	[sflag:s18] =	ssyncset.done $0x0  }
0x131: {  	[sflag:s18] =	ssyncadd.s32 $0xFFFFE000  }
0x132: {  	_ =	swait.ge [sflag:s18], $0x2000  }
0x133: {  	[sflag:s18] =	ssyncset.done $0x0  }
0x134: {  	[sflag:s18] =	ssyncadd.s32 $0xFFFFE000  }
0x135: {  	_ =	swait.ge [sflag:s18], $0x2000  }
0x136: {  	[sflag:s18] =	ssyncset.done $0x0  }
0x137: {  	[sflag:s18] =	ssyncadd.s32 $0xFFFFE000  }
0x138: {  	_ =	swait.ge [sflag:s18], $0x2000  }
0x139: {  	[sflag:s18] =	ssyncset.done $0x0  }
0x13a: {  	[sflag:s18] =	ssyncadd.s32 $0xFFFFE000  }
0x13b: {  	_ =	swait.ge [sflag:s18], $0x2000  }
0x13c: {  	[sflag:s18] =	ssyncset.done $0x0  }
0x13d: {  	[sflag:s18] =	ssyncadd.s32 $0xFFFFE000  }
0x13e: {  	_ =	swait.ge [sflag:s18], $0x2000  }
0x13f: {  	[sflag:s18] =	ssyncset.done $0x0  }
0x140: {  	[sflag:s18] =	ssyncadd.s32 $0xFFFFE000  }
0x141: {  	[bflag:$0x0] =	sbarrier.arrive $0xFFFF  }
0x142: {  	s24 =	rddreg [dreg:$0x1a]  }
0x143: {  	s25 =	rddreg [dreg:$0x1d]  }
0x144: {  	[hbm:s24], [sflag:s16] =	dma.local [spmem:s25], $0x500  }
0x145: {  	_ =	swait.ge [sflag:s31], $0x500  }
0x146: {  	s26 =	sld [smem:$0x7FD];
	_ =	sdelay $0x2  }
0x147: {  	s0 =	ssub.s32 $0x2, s26  }
0x148: {  	s29 =	sshrl.u32 s0, $0x1  }
0x149: {  	s20 =	ssub.s32 s0, s29  }
0x14a: {  	s20 =	smax.u32 s20, $0x1  }
0x14b: {  	[dreg:$0x1f] =	wrdreg s16;
	p0 =	sne.s32 s20, $0x1  }
.Ltmp0:
0x14c: {  	s28 =	rddreg [dreg:$0x1b];
	[sflag:s31] =	ssyncset.done $0x0;
	(pc) =	sbr.rel @!p0 .LBB2_3-.Ltmp0, $4  }
0x14d: {  	s30 =	rddreg [dreg:$0x1e];
	[sflag:s31] =	ssyncadd.s32 $0xFFFFFB00  }
0x14e: {  	[hbm:s28], [sflag:s16] =	dma.local [spmem:s30], $0x500  }
0x14f: {  	_ =	swait.ge [sflag:s31], $0x500  }
0x150: {  	[sflag:s31] =	ssyncset.done $0x0;
	s20 =	sadd.s32 $0xFFFFFFFF, s20  }
0x151: {  	s17 =	simm.s32 $0xC000  }
0x152: {  	s21 =	simm.s32 $0x1;
	s24 =	simm.s32 $0x2;
	s28 =	simm.s32 $0x3  }
0x153: {  	s30 =	simm.s32 $0x4;
	s29 =	simm.s32 $0xA;
	s25 =	simm.s32 $0xB  }
0x154: {  	s9 =	simm.s32 $0x7;
	s15 =	simm.s32 $0xD;
	s14 =	simm.s32 $0xE  }
.LBB2_2:
0x155: {  	s23 =	rddreg [dreg:$0x1c]  }
0x156: {  	s1 =	rddreg [dreg:$0x1d]  }
0x157: {  	[sflag:s31] =	ssyncadd.s32 $0xFFFFFB00;
	s0 =	rddreg [dreg:$0x1f]  }
0x158: {  	[spmem:s1], [sflag:s0] =	dma.local [hbm:s23], $0x500  }
0x159: {  	_ =	swait.ge [sflag:s31], $0x500  }
0x15a: {  	[sflag:s31] =	ssyncset.done $0x0  }
0x15b: {  	s26 =	rddreg [dreg:$0x1e];
	[sflag:s31] =	ssyncadd.s32 $0xFFFFFB00  }
0x15c: {  	[spmem:s26], [sflag:s0] =	dma.local [hbm:s23], $0x500  }
0x15d: {  	_ =	swait.ge [sflag:s31], $0x500  }
0x15e: {  	[sflag:s31] =	ssyncset.done $0x0  }
0x15f: {  	s26 =	simm.s32 $0x0;
	s2 =	rddreg [dreg:$0x5];
	[sflag:s31] =	ssyncadd.s32 $0xFFFFFB00  }
0x160: {  	[tilespmem:s10], [sflag:$0x12] =	stream.linear.gather [hbm4b:s2+s26], $0x2000, $0x38;
	[tilespmem:$0x1C000] =	vst v63  }
0x161: {  	_ =	swait.ge [sflag:s31], $0x2000  }
0x162: {  	[sflag:s31] =	ssyncset.done $0x0  }
0x163: {  	s3 =	rddreg [dreg:$0x6];
	[sflag:s31] =	ssyncadd.s32 $0xFFFFE000  }
0x164: {  	[tilespmem:s26], [sflag:$0x12] =	stream.linear.gather [hbm4b:s3+s26], $0x2800, $0x38;
	[tilespmem:$0x1C000] =	vst v63  }
0x165: {  	_ =	swait.ge [sflag:s31], $0x2800  }
0x166: {  	[sflag:s31] =	ssyncset.done $0x0  }
0x167: {  	s16 =	simm.s32 $0x2800;
	s4 =	rddreg [dreg:$0x7];
	[sflag:s31] =	ssyncadd.s32 $0xFFFFD800  }
0x168: {  	[tilespmem:s16], [sflag:$0x12] =	stream.linear.gather [hbm4b:s4+s26], $0x2800, $0x38;
	[tilespmem:$0x1C000] =	vst v63  }
0x169: {  	_ =	swait.ge [sflag:s31], $0x2800  }
0x16a: {  	[sflag:s31] =	ssyncset.done $0x0  }
0x16b: {  	[sflag:s31] =	ssyncadd.s32 $0xFFFFD800  }
0x16c: {  	[bflag:$0x0] =	sbarrier.arrive $0xFFFF  }
0x16d: {  	[tilespmem:s17], [sflag:$0x1] =	stream.indirect.gather [hbm4b:s12+s13], $0x10, s26, s13, $0xb8;
	[tilespmem:$0x1C000] =	vst v63  }
0x16e: {  	s6 =	simm.s32 $0xE000  }
0x16f: {  	[tilespmem:s6], [sflag:$0x2] =	stream.indirect.gather [hbm4b:s12+s13], $0x10, s13, s13, $0xb8;
	[tilespmem:$0x1C000] =	vst v63  }
0x170: {  	s8 =	simm.s32 $0x10000;
	s5 =	rddreg [dreg:$0x8]  }
0x171: {  	[tilespmem:s8], [sflag:$0x3] =	stream.indirect.gather [hbm4b:s12+s13], $0x10, s5, s13, $0xb8;
	[tilespmem:$0x1C000] =	vst v63  }
0x172: {  	s19 =	simm.s32 $0x12000;
	s7 =	rddreg [dreg:$0x9]  }
0x173: {  	[tilespmem:s19], [sflag:$0x4] =	stream.indirect.gather [hbm4b:s12+s13], $0x10, s7, s13, $0xb8;
	[tilespmem:$0x1C000] =	vst v63  }
0x174: {  	s11 =	rddreg [dreg:$0xa];
	s26 =	simm.s32 $0x14000  }
0x175: {  	[tilespmem:s26], [sflag:$0x5] =	stream.indirect.gather [hbm4b:s12+s13], $0x10, s11, s13, $0xb8;
	[tilespmem:$0x1C000] =	vst v63  }
0x176: {  	_ =	swait.ge [sflag:s21], $0x2000  }
0x177: {  	[sflag:s21] =	ssyncset.done $0x0  }
0x178: {  	[sflag:s21] =	ssyncadd.s32 $0xFFFFE000  }
0x179: {  	s2 =	rddreg [dreg:$0x2]  }
0x17a: {  	[spmem:s2] =	stream.indirect.scatter.add.f32 [tilespmem:s17], [sflag:$0x9], $0x10, s16, s13, $0xb8;
	[tilespmem:$0x1C000] =	vst v63  }
0x17b: {  	s7 =	rddreg [dreg:$0x3]  }
0x17c: {  	[spmem:s7] =	stream.indirect.scatter.add.f32 [tilespmem:s10], [sflag:$0x11], $0x10, s16, s13, $0xb8;
	[tilespmem:$0x1C000] =	vst v63  }
0x17d: {  	s4 =	simm.s32 $0x16000;
	s22 =	rddreg [dreg:$0xb]  }
0x17e: {  	[tilespmem:s4], [sflag:$0x6] =	stream.indirect.gather [hbm4b:s12+s13], $0x10, s22, s13, $0xb8;
	[tilespmem:$0x1C000] =	vst v63  }
0x17f: {  	_ =	swait.ge [sflag:s24], $0x2000  }
0x180: {  	[sflag:s24] =	ssyncset.done $0x0  }
0x181: {  	s3 =	simm.s32 $0xE000;
	s11 =	simm.s32 $0x2A00;
	[sflag:s24] =	ssyncadd.s32 $0xFFFFE000  }
0x182: {  	[spmem:s2] =	stream.indirect.scatter.add.f32 [tilespmem:s3], [sflag:$0xA], $0x10, s11, s13, $0xb8;
	[tilespmem:$0x1C000] =	vst v63  }
0x183: {  	_ = 	snop  }
0x184: {  	[spmem:s7] =	stream.indirect.scatter.add.f32 [tilespmem:s10], [sflag:$0x11], $0x10, s11, s13, $0xb8;
	[tilespmem:$0x1C000] =	vst v63  }
0x185: {  	s5 =	simm.s32 $0x18000;
	s4 =	rddreg [dreg:$0xc]  }
0x186: {  	[tilespmem:s5], [sflag:$0x7] =	stream.indirect.gather [hbm4b:s12+s13], $0x10, s4, s13, $0xb8;
	[tilespmem:$0x1C000] =	vst v63  }
0x187: {  	_ =	swait.ge [sflag:s28], $0x2000  }
0x188: {  	[sflag:s28] =	ssyncset.done $0x0  }
0x189: {  	s1 =	simm.s32 $0x10000;
	s6 =	simm.s32 $0x2C00;
	[sflag:s28] =	ssyncadd.s32 $0xFFFFE000  }
0x18a: {  	[spmem:s2] =	stream.indirect.scatter.add.f32 [tilespmem:s1], [sflag:$0xB], $0x10, s6, s13, $0xb8;
	[tilespmem:$0x1C000] =	vst v63  }
0x18b: {  	_ = 	snop  }
0x18c: {  	[spmem:s7] =	stream.indirect.scatter.add.f32 [tilespmem:s10], [sflag:$0x11], $0x10, s6, s13, $0xb8;
	[tilespmem:$0x1C000] =	vst v63  }
0x18d: {  	s16 =	simm.s32 $0x1A000;
	s11 =	rddreg [dreg:$0xd]  }
0x18e: {  	[tilespmem:s16], [sflag:$0x8] =	stream.indirect.gather [hbm4b:s12+s13], $0x10, s11, s13, $0xb8;
	[tilespmem:$0x1C000] =	vst v63  }
0x18f: {  	_ =	swait.ge [sflag:s30], $0x2000  }
0x190: {  	[sflag:s30] =	ssyncset.done $0x0  }
0x191: {  	s0 =	simm.s32 $0x12000;
	s19 =	simm.s32 $0x2E00;
	[sflag:s30] =	ssyncadd.s32 $0xFFFFE000  }
0x192: {  	[spmem:s2] =	stream.indirect.scatter.add.f32 [tilespmem:s0], [sflag:$0xC], $0x10, s19, s13, $0xb8;
	[tilespmem:$0x1C000] =	vst v63  }
0x193: {  	s3 =	simm.s32 $0x9  }
0x194: {  	[spmem:s7] =	stream.indirect.scatter.add.f32 [tilespmem:s10], [sflag:$0x11], $0x10, s19, s13, $0xb8;
	[tilespmem:$0x1C000] =	vst v63  }
0x195: {  	_ =	swait.ge [sflag:s3], $0x2000  }
0x196: {  	[sflag:s3] =	ssyncset.done $0x0  }
0x197: {  	s5 =	simm.s32 $0x5;
	s22 =	rddreg [dreg:$0xe];
	[sflag:s3] =	ssyncadd.s32 $0xFFFFE000  }
0x198: {  	[tilespmem:s17], [sflag:$0x1] =	stream.indirect.gather [hbm4b:s12+s13], $0x10, s22, s13, $0xb8;
	[tilespmem:$0x1C000] =	vst v63  }
0x199: {  	_ =	swait.ge [sflag:s5], $0x2000  }
0x19a: {  	[sflag:s5] =	ssyncset.done $0x0  }
0x19b: {  	s0 =	simm.s32 $0x3000;
	[sflag:s5] =	ssyncadd.s32 $0xFFFFE000  }
0x19c: {  	[spmem:s2] =	stream.indirect.scatter.add.f32 [tilespmem:s26], [sflag:$0xD], $0x10, s0, s13, $0xb8;
	[tilespmem:$0x1C000] =	vst v63  }
0x19d: {  	_ = 	snop  }
0x19e: {  	[spmem:s7] =	stream.indirect.scatter.add.f32 [tilespmem:s10], [sflag:$0x11], $0x10, s0, s13, $0xb8;
	[tilespmem:$0x1C000] =	vst v63  }
0x19f: {  	_ =	swait.ge [sflag:s29], $0x2000  }
0x1a0: {  	[sflag:s29] =	ssyncset.done $0x0  }
0x1a1: {  	s8 =	simm.s32 $0xE000;
	s4 =	rddreg [dreg:$0xf];
	[sflag:s29] =	ssyncadd.s32 $0xFFFFE000  }
0x1a2: {  	[tilespmem:s8], [sflag:$0x2] =	stream.indirect.gather [hbm4b:s12+s13], $0x10, s4, s13, $0xb8;
	[tilespmem:$0x1C000] =	vst v63  }
0x1a3: {  	s8 =	simm.s32 $0x6  }
0x1a4: {  	_ =	swait.ge [sflag:s8], $0x2000  }
0x1a5: {  	[sflag:s8] =	ssyncset.done $0x0  }
0x1a6: {  	s16 =	simm.s32 $0x3200;
	s4 =	simm.s32 $0x16000;
	[sflag:s8] =	ssyncadd.s32 $0xFFFFE000  }
0x1a7: {  	[spmem:s2] =	stream.indirect.scatter.add.f32 [tilespmem:s4], [sflag:$0xE], $0x10, s16, s13, $0xb8;
	[tilespmem:$0x1C000] =	vst v63  }
0x1a8: {  	_ = 	snop  }
0x1a9: {  	[spmem:s7] =	stream.indirect.scatter.add.f32 [tilespmem:s10], [sflag:$0x11], $0x10, s16, s13, $0xb8;
	[tilespmem:$0x1C000] =	vst v63  }
0x1aa: {  	_ =	swait.ge [sflag:s25], $0x2000  }
0x1ab: {  	[sflag:s25] =	ssyncset.done $0x0  }
0x1ac: {  	s1 =	simm.s32 $0x10000;
	s19 =	rddreg [dreg:$0x10];
	[sflag:s25] =	ssyncadd.s32 $0xFFFFE000  }
0x1ad: {  	[tilespmem:s1], [sflag:$0x3] =	stream.indirect.gather [hbm4b:s12+s13], $0x10, s19, s13, $0xb8;
	[tilespmem:$0x1C000] =	vst v63  }
0x1ae: {  	_ =	swait.ge [sflag:s9], $0x2000  }
0x1af: {  	[sflag:s9] =	ssyncset.done $0x0  }
0x1b0: {  	s0 =	simm.s32 $0x3400;
	s19 =	simm.s32 $0x18000;
	[sflag:s9] =	ssyncadd.s32 $0xFFFFE000  }
0x1b1: {  	[spmem:s2] =	stream.indirect.scatter.add.f32 [tilespmem:s19], [sflag:$0xF], $0x10, s0, s13, $0xb8;
	[tilespmem:$0x1C000] =	vst v63  }
0x1b2: {  	_ = 	snop  }
0x1b3: {  	[spmem:s7] =	stream.indirect.scatter.add.f32 [tilespmem:s10], [sflag:$0x11], $0x10, s0, s13, $0xb8;
	[tilespmem:$0x1C000] =	vst v63  }
0x1b4: {  	s0 =	simm.s32 $0xC  }
0x1b5: {  	_ =	swait.ge [sflag:s0], $0x2000  }
0x1b6: {  	[sflag:s0] =	ssyncset.done $0x0  }
0x1b7: {  	s6 =	simm.s32 $0x12000;
	s1 =	rddreg [dreg:$0x11];
	[sflag:s0] =	ssyncadd.s32 $0xFFFFE000  }
0x1b8: {  	[tilespmem:s6], [sflag:$0x4] =	stream.indirect.gather [hbm4b:s12+s13], $0x10, s1, s13, $0xb8;
	[tilespmem:$0x1C000] =	vst v63  }
0x1b9: {  	s6 =	simm.s32 $0x8  }
0x1ba: {  	_ =	swait.ge [sflag:s6], $0x2000  }
0x1bb: {  	[sflag:s6] =	ssyncset.done $0x0  }
0x1bc: {  	s11 =	simm.s32 $0x1A000;
	s1 =	simm.s32 $0x3600;
	[sflag:s6] =	ssyncadd.s32 $0xFFFFE000  }
0x1bd: {  	[spmem:s2] =	stream.indirect.scatter.add.f32 [tilespmem:s11], [sflag:$0x10], $0x10, s1, s13, $0xb8;
	[tilespmem:$0x1C000] =	vst v63  }
0x1be: {  	_ = 	snop  }
0x1bf: {  	[spmem:s7] =	stream.indirect.scatter.add.f32 [tilespmem:s10], [sflag:$0x11], $0x10, s1, s13, $0xb8;
	[tilespmem:$0x1C000] =	vst v63  }
0x1c0: {  	_ =	swait.ge [sflag:s15], $0x2000  }
0x1c1: {  	[sflag:s15] =	ssyncset.done $0x0  }
0x1c2: {  	s1 =	rddreg [dreg:$0x12];
	[sflag:s15] =	ssyncadd.s32 $0xFFFFE000  }
0x1c3: {  	[tilespmem:s26], [sflag:$0x5] =	stream.indirect.gather [hbm4b:s12+s13], $0x10, s1, s13, $0xb8;
	[tilespmem:$0x1C000] =	vst v63  }
0x1c4: {  	_ =	swait.ge [sflag:s21], $0x2000  }
0x1c5: {  	[sflag:s21] =	ssyncset.done $0x0  }
0x1c6: {  	s1 =	simm.s32 $0x3800;
	[sflag:s21] =	ssyncadd.s32 $0xFFFFE000  }
0x1c7: {  	[spmem:s2] =	stream.indirect.scatter.add.f32 [tilespmem:s17], [sflag:$0x9], $0x10, s1, s13, $0xb8;
	[tilespmem:$0x1C000] =	vst v63  }
0x1c8: {  	_ = 	snop  }
0x1c9: {  	[spmem:s7] =	stream.indirect.scatter.add.f32 [tilespmem:s10], [sflag:$0x11], $0x10, s1, s13, $0xb8;
	[tilespmem:$0x1C000] =	vst v63  }
0x1ca: {  	_ =	swait.ge [sflag:s14], $0x2000  }
0x1cb: {  	[sflag:s14] =	ssyncset.done $0x0  }
0x1cc: {  	s1 =	rddreg [dreg:$0x13];
	[sflag:s14] =	ssyncadd.s32 $0xFFFFE000  }
0x1cd: {  	[tilespmem:s4], [sflag:$0x6] =	stream.indirect.gather [hbm4b:s12+s13], $0x10, s1, s13, $0xb8;
	[tilespmem:$0x1C000] =	vst v63  }
0x1ce: {  	_ =	swait.ge [sflag:s24], $0x2000  }
0x1cf: {  	[sflag:s24] =	ssyncset.done $0x0  }
0x1d0: {  	s22 =	simm.s32 $0xE000;
	s1 =	simm.s32 $0x3A00;
	[sflag:s24] =	ssyncadd.s32 $0xFFFFE000  }
0x1d1: {  	[spmem:s2] =	stream.indirect.scatter.add.f32 [tilespmem:s22], [sflag:$0xA], $0x10, s1, s13, $0xb8;
	[tilespmem:$0x1C000] =	vst v63  }
0x1d2: {  	_ = 	snop  }
0x1d3: {  	[spmem:s7] =	stream.indirect.scatter.add.f32 [tilespmem:s10], [sflag:$0x11], $0x10, s1, s13, $0xb8;
	[tilespmem:$0x1C000] =	vst v63  }
0x1d4: {  	s1 =	simm.s32 $0xF  }
0x1d5: {  	_ =	swait.ge [sflag:s1], $0x2000  }
0x1d6: {  	[sflag:s1] =	ssyncset.done $0x0  }
0x1d7: {  	s22 =	rddreg [dreg:$0x14];
	[sflag:s1] =	ssyncadd.s32 $0xFFFFE000  }
0x1d8: {  	[tilespmem:s19], [sflag:$0x7] =	stream.indirect.gather [hbm4b:s12+s13], $0x10, s22, s13, $0xb8;
	[tilespmem:$0x1C000] =	vst v63  }
0x1d9: {  	_ =	swait.ge [sflag:s28], $0x2000  }
0x1da: {  	[sflag:s28] =	ssyncset.done $0x0  }
0x1db: {  	s16 =	simm.s32 $0x10000;
	s19 =	simm.s32 $0x3C00;
	[sflag:s28] =	ssyncadd.s32 $0xFFFFE000  }
0x1dc: {  	[spmem:s2] =	stream.indirect.scatter.add.f32 [tilespmem:s16], [sflag:$0xB], $0x10, s19, s13, $0xb8;
	[tilespmem:$0x1C000] =	vst v63  }
0x1dd: {  	_ = 	snop  }
0x1de: {  	[spmem:s7] =	stream.indirect.scatter.add.f32 [tilespmem:s10], [sflag:$0x11], $0x10, s19, s13, $0xb8;
	[tilespmem:$0x1C000] =	vst v63  }
0x1df: {  	s19 =	simm.s32 $0x10  }
0x1e0: {  	_ =	swait.ge [sflag:s19], $0x2000  }
0x1e1: {  	[sflag:s19] =	ssyncset.done $0x0  }
0x1e2: {  	s11 =	simm.s32 $0x1A000;
	s22 =	rddreg [dreg:$0x15];
	[sflag:s19] =	ssyncadd.s32 $0xFFFFE000  }
0x1e3: {  	[tilespmem:s11], [sflag:$0x8] =	stream.indirect.gather [hbm4b:s12+s13], $0x10, s22, s13, $0xb8;
	[tilespmem:$0x1C000] =	vst v63  }
0x1e4: {  	_ =	swait.ge [sflag:s30], $0x2000  }
0x1e5: {  	[sflag:s30] =	ssyncset.done $0x0  }
0x1e6: {  	s23 =	simm.s32 $0x3E00;
	s22 =	simm.s32 $0x12000;
	[sflag:s30] =	ssyncadd.s32 $0xFFFFE000  }
0x1e7: {  	[spmem:s2] =	stream.indirect.scatter.add.f32 [tilespmem:s22], [sflag:$0xC], $0x10, s23, s13, $0xb8;
	[tilespmem:$0x1C000] =	vst v63  }
0x1e8: {  	_ = 	snop  }
0x1e9: {  	[spmem:s7] =	stream.indirect.scatter.add.f32 [tilespmem:s10], [sflag:$0x11], $0x10, s23, s13, $0xb8;
	[tilespmem:$0x1C000] =	vst v63  }
0x1ea: {  	_ =	swait.ge [sflag:s3], $0x2000  }
0x1eb: {  	[sflag:s3] =	ssyncset.done $0x0  }
0x1ec: {  	s23 =	rddreg [dreg:$0x16];
	[sflag:s3] =	ssyncadd.s32 $0xFFFFE000  }
0x1ed: {  	[tilespmem:s17], [sflag:$0x1] =	stream.indirect.gather [hbm4b:s12+s13], $0x10, s23, s13, $0xb8;
	[tilespmem:$0x1C000] =	vst v63  }
0x1ee: {  	_ =	swait.ge [sflag:s5], $0x2000  }
0x1ef: {  	[sflag:s5] =	ssyncset.done $0x0  }
0x1f0: {  	s23 =	simm.s32 $0x4000;
	[sflag:s5] =	ssyncadd.s32 $0xFFFFE000  }
0x1f1: {  	[spmem:s2] =	stream.indirect.scatter.add.f32 [tilespmem:s26], [sflag:$0xD], $0x10, s23, s13, $0xb8;
	[tilespmem:$0x1C000] =	vst v63  }
0x1f2: {  	_ = 	snop  }
0x1f3: {  	[spmem:s7] =	stream.indirect.scatter.add.f32 [tilespmem:s10], [sflag:$0x11], $0x10, s23, s13, $0xb8;
	[tilespmem:$0x1C000] =	vst v63  }
0x1f4: {  	_ =	swait.ge [sflag:s29], $0x2000  }
0x1f5: {  	[sflag:s29] =	ssyncset.done $0x0  }
0x1f6: {  	s4 =	simm.s32 $0xE000;
	s5 =	rddreg [dreg:$0x17];
	[sflag:s29] =	ssyncadd.s32 $0xFFFFE000  }
0x1f7: {  	[tilespmem:s4], [sflag:$0x2] =	stream.indirect.gather [hbm4b:s12+s13], $0x10, s5, s13, $0xb8;
	[tilespmem:$0x1C000] =	vst v63  }
0x1f8: {  	_ =	swait.ge [sflag:s8], $0x2000  }
0x1f9: {  	[sflag:s8] =	ssyncset.done $0x0  }
0x1fa: {  	s23 =	simm.s32 $0x16000;
	[sflag:s8] =	ssyncadd.s32 $0xFFFFE000;
	s8 =	simm.s32 $0x4200  }
0x1fb: {  	[spmem:s2] =	stream.indirect.scatter.add.f32 [tilespmem:s23], [sflag:$0xE], $0x10, s8, s13, $0xb8;
	[tilespmem:$0x1C000] =	vst v63  }
0x1fc: {  	_ = 	snop  }
0x1fd: {  	[spmem:s7] =	stream.indirect.scatter.add.f32 [tilespmem:s10], [sflag:$0x11], $0x10, s8, s13, $0xb8;
	[tilespmem:$0x1C000] =	vst v63  }
0x1fe: {  	_ =	swait.ge [sflag:s25], $0x2000  }
0x1ff: {  	[sflag:s25] =	ssyncset.done $0x0  }
0x200: {  	s16 =	simm.s32 $0x10000;
	s5 =	rddreg [dreg:$0x18];
	[sflag:s25] =	ssyncadd.s32 $0xFFFFE000  }
0x201: {  	[tilespmem:s16], [sflag:$0x3] =	stream.indirect.gather [hbm4b:s12+s13], $0x10, s5, s13, $0xb8;
	[tilespmem:$0x1C000] =	vst v63  }
0x202: {  	_ =	swait.ge [sflag:s9], $0x2000  }
0x203: {  	[sflag:s9] =	ssyncset.done $0x0  }
0x204: {  	s23 =	simm.s32 $0x18000;
	s8 =	simm.s32 $0x4400;
	[sflag:s9] =	ssyncadd.s32 $0xFFFFE000  }
0x205: {  	[spmem:s2] =	stream.indirect.scatter.add.f32 [tilespmem:s23], [sflag:$0xF], $0x10, s8, s13, $0xb8;
	[tilespmem:$0x1C000] =	vst v63  }
0x206: {  	_ = 	snop  }
0x207: {  	[spmem:s7] =	stream.indirect.scatter.add.f32 [tilespmem:s10], [sflag:$0x11], $0x10, s8, s13, $0xb8;
	[tilespmem:$0x1C000] =	vst v63  }
0x208: {  	_ =	swait.ge [sflag:s0], $0x2000  }
0x209: {  	[sflag:s0] =	ssyncset.done $0x0  }
0x20a: {  	s5 =	rddreg [dreg:$0x19];
	[sflag:s0] =	ssyncadd.s32 $0xFFFFE000  }
0x20b: {  	[tilespmem:s22], [sflag:$0x4] =	stream.indirect.gather [hbm4b:s12+s13], $0x10, s5, s13, $0xb8;
	[tilespmem:$0x1C000] =	vst v63  }
0x20c: {  	_ =	swait.ge [sflag:s6], $0x2000  }
0x20d: {  	[sflag:s6] =	ssyncset.done $0x0  }
0x20e: {  	s11 =	simm.s32 $0x1A000;
	[sflag:s6] =	ssyncadd.s32 $0xFFFFE000;
	s6 =	simm.s32 $0x4600  }
0x20f: {  	[spmem:s2] =	stream.indirect.scatter.add.f32 [tilespmem:s11], [sflag:$0x10], $0x10, s6, s13, $0xb8;
	[tilespmem:$0x1C000] =	vst v63  }
0x210: {  	_ = 	snop  }
0x211: {  	[spmem:s7] =	stream.indirect.scatter.add.f32 [tilespmem:s10], [sflag:$0x11], $0x10, s6, s13, $0xb8;
	[tilespmem:$0x1C000] =	vst v63  }
0x212: {  	_ =	swait.ge [sflag:s21], $0x2000  }
0x213: {  	[sflag:s21] =	ssyncset.done $0x0  }
0x214: {  	s22 =	simm.s32 $0x4800;
	[sflag:s21] =	ssyncadd.s32 $0xFFFFE000  }
0x215: {  	[spmem:s2] =	stream.indirect.scatter.add.f32 [tilespmem:s17], [sflag:$0x9], $0x10, s22, s13, $0xb8;
	[tilespmem:$0x1C000] =	vst v63  }
0x216: {  	_ = 	snop  }
0x217: {  	[spmem:s7] =	stream.indirect.scatter.add.f32 [tilespmem:s10], [sflag:$0x11], $0x10, s22, s13, $0xb8;
	[tilespmem:$0x1C000] =	vst v63  }
0x218: {  	_ =	swait.ge [sflag:s24], $0x2000  }
0x219: {  	[sflag:s24] =	ssyncset.done $0x0  }
0x21a: {  	s26 =	simm.s32 $0xE000;
	s23 =	simm.s32 $0x4A00;
	[sflag:s24] =	ssyncadd.s32 $0xFFFFE000  }
0x21b: {  	[spmem:s2] =	stream.indirect.scatter.add.f32 [tilespmem:s26], [sflag:$0xA], $0x10, s23, s13, $0xb8;
	[tilespmem:$0x1C000] =	vst v63  }
0x21c: {  	_ = 	snop  }
0x21d: {  	[spmem:s7] =	stream.indirect.scatter.add.f32 [tilespmem:s10], [sflag:$0x11], $0x10, s23, s13, $0xb8;
	[tilespmem:$0x1C000] =	vst v63  }
0x21e: {  	_ =	swait.ge [sflag:s28], $0x2000  }
0x21f: {  	[sflag:s28] =	ssyncset.done $0x0  }
0x220: {  	s5 =	simm.s32 $0x4C00;
	[sflag:s28] =	ssyncadd.s32 $0xFFFFE000  }
0x221: {  	[spmem:s2] =	stream.indirect.scatter.add.f32 [tilespmem:s16], [sflag:$0xB], $0x10, s5, s13, $0xb8;
	[tilespmem:$0x1C000] =	vst v63  }
0x222: {  	_ = 	snop  }
0x223: {  	[spmem:s7] =	stream.indirect.scatter.add.f32 [tilespmem:s10], [sflag:$0x11], $0x10, s5, s13, $0xb8;
	[tilespmem:$0x1C000] =	vst v63  }
0x224: {  	_ =	swait.ge [sflag:s30], $0x2000  }
0x225: {  	[sflag:s30] =	ssyncset.done $0x0  }
0x226: {  	s8 =	simm.s32 $0x12000;
	s6 =	simm.s32 $0x4E00;
	[sflag:s30] =	ssyncadd.s32 $0xFFFFE000  }
0x227: {  	[spmem:s2] =	stream.indirect.scatter.add.f32 [tilespmem:s8], [sflag:$0xC], $0x10, s6, s13, $0xb8;
	[tilespmem:$0x1C000] =	vst v63  }
0x228: {  	_ = 	snop  }
0x229: {  	[spmem:s7] =	stream.indirect.scatter.add.f32 [tilespmem:s10], [sflag:$0x11], $0x10, s6, s13, $0xb8;
	[tilespmem:$0x1C000] =	vst v63  }
0x22a: {  	_ =	swait.ge [sflag:s15], $0x2000  }
0x22b: {  	[sflag:s15] =	ssyncset.done $0x0  }
0x22c: {  	[sflag:s15] =	ssyncadd.s32 $0xFFFFE000  }
0x22d: {  	_ =	swait.ge [sflag:s14], $0x2000  }
0x22e: {  	[sflag:s14] =	ssyncset.done $0x0  }
0x22f: {  	[sflag:s14] =	ssyncadd.s32 $0xFFFFE000  }
0x230: {  	_ =	swait.ge [sflag:s1], $0x2000  }
0x231: {  	[sflag:s1] =	ssyncset.done $0x0  }
0x232: {  	[sflag:s1] =	ssyncadd.s32 $0xFFFFE000  }
0x233: {  	_ =	swait.ge [sflag:s19], $0x2000  }
0x234: {  	[sflag:s19] =	ssyncset.done $0x0  }
0x235: {  	[sflag:s19] =	ssyncadd.s32 $0xFFFFE000  }
0x236: {  	_ =	swait.ge [sflag:s3], $0x2000  }
0x237: {  	[sflag:s3] =	ssyncset.done $0x0  }
0x238: {  	[sflag:s3] =	ssyncadd.s32 $0xFFFFE000  }
0x239: {  	_ =	swait.ge [sflag:s29], $0x2000  }
0x23a: {  	[sflag:s29] =	ssyncset.done $0x0  }
0x23b: {  	[sflag:s29] =	ssyncadd.s32 $0xFFFFE000  }
0x23c: {  	_ =	swait.ge [sflag:s25], $0x2000  }
0x23d: {  	[sflag:s25] =	ssyncset.done $0x0  }
0x23e: {  	[sflag:s25] =	ssyncadd.s32 $0xFFFFE000  }
0x23f: {  	_ =	swait.ge [sflag:s0], $0x2000  }
0x240: {  	[sflag:s0] =	ssyncset.done $0x0  }
0x241: {  	[sflag:s0] =	ssyncadd.s32 $0xFFFFE000  }
0x242: {  	_ =	swait.ge [sflag:s18], $0x2000  }
0x243: {  	[sflag:s18] =	ssyncset.done $0x0  }
0x244: {  	[sflag:s18] =	ssyncadd.s32 $0xFFFFE000  }
0x245: {  	_ =	swait.ge [sflag:s18], $0x2000  }
0x246: {  	[sflag:s18] =	ssyncset.done $0x0  }
0x247: {  	[sflag:s18] =	ssyncadd.s32 $0xFFFFE000  }
0x248: {  	_ =	swait.ge [sflag:s18], $0x2000  }
0x249: {  	[sflag:s18] =	ssyncset.done $0x0  }
0x24a: {  	[sflag:s18] =	ssyncadd.s32 $0xFFFFE000  }
0x24b: {  	_ =	swait.ge [sflag:s18], $0x2000  }
0x24c: {  	[sflag:s18] =	ssyncset.done $0x0  }
0x24d: {  	[sflag:s18] =	ssyncadd.s32 $0xFFFFE000  }
0x24e: {  	_ =	swait.ge [sflag:s18], $0x2000  }
0x24f: {  	[sflag:s18] =	ssyncset.done $0x0  }
0x250: {  	[sflag:s18] =	ssyncadd.s32 $0xFFFFE000  }
0x251: {  	_ =	swait.ge [sflag:s18], $0x2000  }
0x252: {  	[sflag:s18] =	ssyncset.done $0x0  }
0x253: {  	[sflag:s18] =	ssyncadd.s32 $0xFFFFE000  }
0x254: {  	_ =	swait.ge [sflag:s18], $0x2000  }
0x255: {  	[sflag:s18] =	ssyncset.done $0x0  }
0x256: {  	[sflag:s18] =	ssyncadd.s32 $0xFFFFE000  }
0x257: {  	_ =	swait.ge [sflag:s18], $0x2000  }
0x258: {  	[sflag:s18] =	ssyncset.done $0x0  }
0x259: {  	[sflag:s18] =	ssyncadd.s32 $0xFFFFE000  }
0x25a: {  	_ =	swait.ge [sflag:s18], $0x2000  }
0x25b: {  	[sflag:s18] =	ssyncset.done $0x0  }
0x25c: {  	[sflag:s18] =	ssyncadd.s32 $0xFFFFE000  }
0x25d: {  	_ =	swait.ge [sflag:s18], $0x2000  }
0x25e: {  	[sflag:s18] =	ssyncset.done $0x0  }
0x25f: {  	[sflag:s18] =	ssyncadd.s32 $0xFFFFE000  }
0x260: {  	_ =	swait.ge [sflag:s18], $0x2000  }
0x261: {  	[sflag:s18] =	ssyncset.done $0x0  }
0x262: {  	[sflag:s18] =	ssyncadd.s32 $0xFFFFE000  }
0x263: {  	_ =	swait.ge [sflag:s18], $0x2000  }
0x264: {  	[sflag:s18] =	ssyncset.done $0x0  }
0x265: {  	[sflag:s18] =	ssyncadd.s32 $0xFFFFE000  }
0x266: {  	_ =	swait.ge [sflag:s18], $0x2000  }
0x267: {  	[sflag:s18] =	ssyncset.done $0x0  }
0x268: {  	[sflag:s18] =	ssyncadd.s32 $0xFFFFE000  }
0x269: {  	_ =	swait.ge [sflag:s18], $0x2000  }
0x26a: {  	[sflag:s18] =	ssyncset.done $0x0  }
0x26b: {  	[sflag:s18] =	ssyncadd.s32 $0xFFFFE000  }
0x26c: {  	_ =	swait.ge [sflag:s18], $0x2000  }
0x26d: {  	[sflag:s18] =	ssyncset.done $0x0  }
0x26e: {  	[sflag:s18] =	ssyncadd.s32 $0xFFFFE000  }
0x26f: {  	_ =	swait.ge [sflag:s18], $0x2000  }
0x270: {  	[sflag:s18] =	ssyncset.done $0x0  }
0x271: {  	[sflag:s18] =	ssyncadd.s32 $0xFFFFE000  }
0x272: {  	_ =	swait.ge [sflag:s18], $0x2000  }
0x273: {  	[sflag:s18] =	ssyncset.done $0x0  }
0x274: {  	[sflag:s18] =	ssyncadd.s32 $0xFFFFE000  }
0x275: {  	_ =	swait.ge [sflag:s18], $0x2000  }
0x276: {  	[sflag:s18] =	ssyncset.done $0x0  }
0x277: {  	[sflag:s18] =	ssyncadd.s32 $0xFFFFE000  }
0x278: {  	_ =	swait.ge [sflag:s18], $0x2000  }
0x279: {  	[sflag:s18] =	ssyncset.done $0x0  }
0x27a: {  	[sflag:s18] =	ssyncadd.s32 $0xFFFFE000  }
0x27b: {  	_ =	swait.ge [sflag:s18], $0x2000  }
0x27c: {  	[sflag:s18] =	ssyncset.done $0x0  }
0x27d: {  	[sflag:s18] =	ssyncadd.s32 $0xFFFFE000  }
0x27e: {  	[bflag:$0x0] =	sbarrier.arrive $0xFFFF  }
0x27f: {  	s11 =	rddreg [dreg:$0x1a]  }
0x280: {  	s16 =	rddreg [dreg:$0x1f]  }
0x281: {  	s19 =	rddreg [dreg:$0x1d]  }
0x282: {  	[hbm:s11], [sflag:s16] =	dma.local [spmem:s19], $0x500  }
0x283: {  	p0 =	sne.s32 s20, $0x1;
	_ =	swait.ge [sflag:s31], $0x500  }
.Ltmp1:
0x284: {  	[sflag:s31] =	ssyncset.done $0x0;
	s22 =	rddreg [dreg:$0x1b];
	(pc) =	sbr.rel @p0 .LBB2_2-.Ltmp1, $4  }
0x285: {  	s26 =	rddreg [dreg:$0x1e];
	[sflag:s31] =	ssyncadd.s32 $0xFFFFFB00  }
0x286: {  	[hbm:s22], [sflag:s16] =	dma.local [spmem:s26], $0x500  }
0x287: {  	_ =	swait.ge [sflag:s31], $0x500  }
0x288: {  	s20 =	sadd.s32 $0xFFFFFFFF, s20;
	[sflag:s31] =	ssyncset.done $0x0  }
.LBB2_3:
0x289: {  	[sflag:s31] =	ssyncadd.s32 $0xFFFFFB00  }
0x28a: {  	_ =	sfence.sel $0x180000  }
0x28b: {  	[bflag:$0x0] =	sbarrier.arrive $0xFFFF  }
0x28c: {  	_ =	strace $0x90000047  }
0x28d: {  	s0 =	stileid.u32;
	[bflag:$0x2] =	sbarrier.arrive $0xFFFF  }
0x28e: {  	p0 =	sne.s32 s0, $0x0;
	s0 =	rddreg [dreg:$0x4]  }
0x28f: {  	s0 =	sadd.s32 @!p0 $0x100000, s0  }
0x290: {  	[sflag:s0] =	ssyncadd.tile.s32 @!p0 $0x1;
	_ =	shalt  }
.Lfunc_end2:
_tile_overlayer_lowered:
.L_overlay_start_2:
0x291: {  	(tag) =	ssettag $0x2  }
0x292: {  	s0 =	rddreg [dreg:$0x0];
	s2 =	stileid.u32  }
0x293: {  	s1 =	rddreg [dreg:$0x1];
	p0 =	sne.s32 s2, $0x0  }
0x294: {  	s3 =	rddreg [dreg:$0x2];
	[bflag:$0x3] =	sbarrier.arrive $0xFFFF;
	s2 =	simm.s32 @!p0 $0x1C12  }
0x295: {  	[timem:s3], [sflag:s2] =	dma.local @!p0 [hbm:s0], s1  }
0x296: {  	s0 =	simm.s32 @!p0 $0x12  }
0x297: {  	_ =	swait.ge @!p0 [sflag:s0], s1  }
0x298: {  	s1 =	ssub.s32 @!p0 $0x0, s1;
	[sflag:s0] =	ssyncset.done @!p0 $0x0  }
0x299: {  	[sflag:s0] =	ssyncadd.s32 @!p0 s1  }
0x29a: {  	[bflag:$0x3] =	sbarrier.arrive $0xFFFF  }
0x29b: {  	_ =	shalt  }

// kernel: _impl.9.cloned.1.call-start
scs
__scs_entry_jumppad:
0x0: {  	(pc) =	sbr.rel $0x88, $3  }
0x1: {  	(tag) =	ssettag $0x0;
	lr =	simm.s32 $0x1  }
0x2: {  	[smem:$0x3F99] =	sst lr;
	_ =	strace $0xD0000000  }
0x3: {  	_ = 	snop  }
0x4: {  	_ = 	snop  }
0x5: {  	_ = 	snop  }
0x6: {  	_ = 	snop  }
0x7: {  	_ = 	snop  }
__scs_overlays_trampoline_lowered:
0x8: {  	[smem:$0x3FA8] =	sst s0  }
0x9: {  	[smem:$0x3FA9] =	sst s1  }
0xa: {  	[smem:$0x3FAA] =	sst s2  }
0xb: {  	[smem:$0x3FAB] =	sst s3  }
0xc: {  	[smem:$0x3FAC] =	sst s4  }
0xd: {  	[smem:$0x3FAD] =	sst s5  }
0xe: {  	[smem:$0x3FAE] =	sst s6  }
0xf: {  	[smem:$0x3FAF] =	sst s7  }
0x10: {  	[smem:$0x3FB0] =	sst s8  }
0x11: {  	[smem:$0x3FB1] =	sst s9;
	s0 =	simm.s32 @!p0 $0x0  }
0x12: {  	s1 =	sld [smem:$0x3F97];
	s0 =	simm.s32 @p0 $0x1  }
0x13: {  	[smem:$0x3FB2] =	sst s0;
	s0 =	simm.s32 @!p1 $0x0  }
0x14: {  	s2 =	sld [smem:$0x3F96];
	s0 =	simm.s32 @p1 $0x1  }
0x15: {  	[smem:$0x3FB3] =	sst s0;
	s0 =	simm.s32 @!p2 $0x0  }
0x16: {  	s3 =	sld [smem:$0x3FDB];
	s0 =	simm.s32 @p2 $0x1  }
0x17: {  	s4 =	simm.s32 $0x1BF5;
	[smem:$0x3FB5] =	sst s0  }
0x18: {  	s0 =	sld [smem:$0x3F98];
	_ =	swait.ge [sflag:s4], $0x0  }
0x19: {  	s7 =	sld [smem:$0x3F99]  }
0x1a: {  	s8 =	sadd.s32 $0xFFFFE003, lr  }
0x1b: {  	s9 =	sadd.s32 $0xFFFFFEF7, lr;
	s5 =	simm.s32 $0xFFFFFFFF;
	p2 =	slt.u32 s8, $0xFFFFF086  }
0x1c: {  	p1 =	slt.u32 s9, $0xF7A;
	s5 =	simm.s32 @!p2 $0x0  }
0x1d: {  	s5 =	simm.s32 @p1 $0x1;
	p0 =	seq.s32 s7, s2  }
0x1e: {  	s7 =	smul.u32 @!p0 $0xF7A, s2;
	p2 =	seq.s32 @!p0 s5, $0x0  }
0x1f: {  	s9 =	smul.u32 $0xF7A, s1;
	s8 =	simm.s32 @!p0 $0x1BF5;
	p2 =	por !p2, p0  }
0x20: {  	[sflag:s8] =	ssyncset.s32 @!p0 $0xFFFFF086;
	s6 =	sadd.s32 @!p0 s3, s7;
	s7 =	simm.s32 @!p0 $0x108  }
0x21: {  	s3 =	sadd.s32 s3, s9;
	s6 =	sadd.s32 @!p0 $0x88, s6;
	s7 =	simm.s32 @p2 $0x1082  }
0x22: {  	[simem:s7], [sflag:s8] =	dma.local @!p0 [hbm:s6], $0xF7A  }
0x23: {  	s9 =	sor.u32 $0xD0000000, s2;
	s6 =	simm.s32 $0x108;
	_ =	swait.ge @!p0 [sflag:s8], $0x0  }
0x24: {  	s3 =	sadd.s32 $0x88, s3;
	s6 =	simm.s32 @!p1 $0x1082;
	[sflag:s4] =	ssyncset.s32 $0xFFFFF086  }
0x25: {  	[simem:s6], [sflag:s4] =	dma.local [hbm:s3], $0xF7A  }
0x26: {  	[smem:$0x3F99] =	sst s1;
	(tag) =	ssettag s2;
	_ =	strace s9  }
0x27: {  	s1 =	sld [smem:$0x3FA9]  }
0x28: {  	s2 =	sld [smem:$0x3FAA]  }
0x29: {  	s4 =	sld [smem:$0x3FAC]  }
0x2a: {  	p0 =	seq.s32 s5, $0x0;
	s5 =	sld [smem:$0x3FAD]  }
0x2b: {  	s6 =	sld [smem:$0x3FAE]  }
0x2c: {  	s7 =	sld [smem:$0x3FAF]  }
0x2d: {  	s3 =	simm.s32 $0x108;
	s8 =	sld [smem:$0x3FB0]  }
0x2e: {  	s3 =	simm.s32 @!p0 $0x1082;
	s9 =	sld [smem:$0x3FB1]  }
0x2f: {  	lr =	sadd.s32 s0, s3;
	s0 =	sld [smem:$0x3FA8]  }
0x30: {  	s3 =	sld [smem:$0x3FAB]  }
0x31: {  	[smem:$0x3FB4] =	sst s10  }
0x32: {  	s10 =	sld [smem:$0x3FB2];
	_ =	sdelay $0x3  }
0x33: {  	p0 =	seq.s32 s10, $0x1;
	s10 =	sld [smem:$0x3FB4];
	_ =	sdelay $0x3  }
0x34: {  	[smem:$0x3FB4] =	sst s10  }
0x35: {  	s10 =	sld [smem:$0x3FB3];
	_ =	sdelay $0x3  }
0x36: {  	p1 =	seq.s32 s10, $0x1;
	s10 =	sld [smem:$0x3FB4];
	_ =	sdelay $0x3  }
0x37: {  	[smem:$0x3FB4] =	sst s10  }
0x38: {  	s10 =	sld [smem:$0x3FB5]  }
0x39: {  	_ = 	snop;
	(pc) =	sbr.ind lr, $3  }
0x3a: {  	_ = 	snop  }
0x3b: {  	_ = 	snop  }
0x3c: {  	p2 =	seq.s32 s10, $0x1;
	s10 =	sld [smem:$0x3FB4]  }
0x3d: {  	_ =	shalt  }
0x3e: {  	_ =	shalt  }
0x3f: {  	_ =	shalt  }
0x40: {  	_ =	shalt  }
0x41: {  	_ =	shalt  }
0x42: {  	_ =	shalt  }
0x43: {  	_ =	shalt  }
0x44: {  	_ =	shalt  }
0x45: {  	_ =	shalt  }
0x46: {  	_ =	shalt  }
0x47: {  	_ =	shalt  }
0x48: {  	_ =	shalt  }
0x49: {  	_ =	shalt  }
0x4a: {  	_ =	shalt  }
0x4b: {  	_ =	shalt  }
0x4c: {  	_ =	shalt  }
0x4d: {  	_ =	shalt  }
0x4e: {  	_ =	shalt  }
0x4f: {  	_ =	shalt  }
0x50: {  	_ =	shalt  }
0x51: {  	_ =	shalt  }
0x52: {  	_ =	shalt  }
0x53: {  	_ =	shalt  }
0x54: {  	_ =	shalt  }
0x55: {  	_ =	shalt  }
0x56: {  	_ =	shalt  }
0x57: {  	_ =	shalt  }
0x58: {  	_ =	shalt  }
0x59: {  	_ =	shalt  }
0x5a: {  	_ =	shalt  }
0x5b: {  	_ =	shalt  }
0x5c: {  	_ =	shalt  }
0x5d: {  	_ =	shalt  }
0x5e: {  	_ =	shalt  }
0x5f: {  	_ =	shalt  }
0x60: {  	_ =	shalt  }
0x61: {  	_ =	shalt  }
0x62: {  	_ =	shalt  }
0x63: {  	_ =	shalt  }
0x64: {  	_ =	shalt  }
0x65: {  	_ =	shalt  }
0x66: {  	_ =	shalt  }
0x67: {  	_ =	shalt  }
0x68: {  	_ =	shalt  }
0x69: {  	_ =	shalt  }
0x6a: {  	_ =	shalt  }
0x6b: {  	_ =	shalt  }
0x6c: {  	_ =	shalt  }
0x6d: {  	_ =	shalt  }
0x6e: {  	_ =	shalt  }
0x6f: {  	_ =	shalt  }
0x70: {  	_ =	shalt  }
0x71: {  	_ =	shalt  }
0x72: {  	_ =	shalt  }
0x73: {  	_ =	shalt  }
0x74: {  	_ =	shalt  }
0x75: {  	_ =	shalt  }
0x76: {  	_ =	shalt  }
0x77: {  	_ =	shalt  }
0x78: {  	_ =	shalt  }
0x79: {  	_ =	shalt  }
0x7a: {  	_ =	shalt  }
0x7b: {  	_ =	shalt  }
0x7c: {  	_ =	shalt  }
0x7d: {  	_ =	shalt  }
0x7e: {  	_ =	shalt  }
0x7f: {  	_ =	shalt  }
0x80: {  	_ =	shalt  }
0x81: {  	_ =	shalt  }
0x82: {  	_ =	shalt  }
0x83: {  	_ =	shalt  }
0x84: {  	_ =	shalt  }
0x85: {  	_ =	shalt  }
0x86: {  	_ =	shalt  }
0x87: {  	_ =	shalt  }
.Lfunc_end0:
.L_simem_size_0:
called_computation.1_lowered:
.L_overlay_start_0:
0x88: {  	s2 =	sld [smem:$0x3FD9]  }
0x89: {  	s3 =	sld [smem:$0x3FFE];
	_ =	sdelay $0x1  }
0x8a: {  	s1 =	srdreg.scid  }
0x8b: {  	s0 =	sand.u32 $0x1, s1  }
0x8c: {  	s17 =	sshll.u32 s0, $0xA;
	s2 =	sadd.s32 s3, s2  }
0x8d: {  	s2 =	sadd.s32 s2, s17  }
0x8e: {  	[smem:$0x3FC0] =	sst s2  }
0x8f: {  	_ = 	snop  }
0x90: {  	s2 =	sld [smem:$0x3FD0];
	(tm) =	ssettm $0x1  }
0x91: {  	s18 =	sld [smem:$0x3FFB];
	_ =	sdelay $0x3  }
0x92: {  	_ =	strace s18  }
0x93: {  	s3 =	sld [smem:$0x3FFC];
	_ =	sdelay $0x3  }
0x94: {  	_ =	strace s3  }
0x95: {  	s3 =	sld [smem:$0x3FFD];
	_ =	sdelay $0x3  }
0x96: {  	_ =	strace s3  }
0x97: {  	_ =	strace $0x8FFFFFFF  }
0x98: {  	s19 =	sld [smem:$0x3FDB];
	_ =	sdelay $0x1  }
0x99: {  	s4 =	simm.s32 $_scs_section_size  }
0x9a: {  	s5 =	simm.s32 $_size__tile_overlayer_lowered;
	s6 =	simm.s32 $_tile_overlayer_lowered  }
0x9b: {  	s22 =	simm.s32 $0x1BFF;
	s21 =	sshll.u32 s6, $0x1;
	s3 =	sadd.s32 s4, s19  }
0x9c: {  	s7 =	simm.s32 $0x0;
	s20 =	sshll.u32 s5, $0x1;
	s5 =	sadd.s32 s21, s3  }
0x9d: {  	[timem:s7], [sflag:s22] =	dma.local [hbm:s5], s20  }
0x9e: {  	_ =	swait.ge [sflag:s22], s20  }
0x9f: {  	s4 =	ssub.s32 $0x0, s20;
	[sflag:s22] =	ssyncset.done $0x0  }
0xa0: {  	[sflag:s22] =	ssyncadd.s32 s4;
	_ =	sdelay $0x1  }
0xa1: {  	s23 =	simm.s32 $0x1B8B  }
0xa2: {  	_ =	swait.ge [sflag:s23], $0x1  }
0xa3: {  	[sflag:s23] =	ssyncset.done $0x0  }
0xa4: {  	s25 =	simm.s32 $0x1B8E;
	s24 =	sld [smem:$0x3FFE];
	[sflag:s23] =	ssyncadd.s32 $0xFFFFFFFF  }
0xa5: {  	s26 =	simm.s32 $execute0_lowered;
	[smem:$0x3FD2] =	sst s25  }
0xa6: {  	s5 =	sshll.u32 s26, $0x1;
	_ =	strace $0x80000049;
	[dreg:$0x1] =	wrdreg $0xFFFFFFFF  }
0xa7: {  	s28 =	simm.s32 $_size_execute0_lowered;
	s3 =	sadd.s32 s3, s5;
	[dreg:$0x0] =	wrdreg $0x0  }
0xa8: {  	s5 =	sshll.u32 s28, $0x1;
	[dreg:$0x2] =	wrdreg s3  }
0xa9: {  	[dreg:$0x3] =	wrdreg s5  }
0xaa: {  	[dreg:$0x4] =	wrdreg $0xC0  }
0xab: {  	_ =	task [dreg:s7], $0x5FFFF  }
0xac: {  	[dreg:$0x1] =	wrdreg $0xFFFFFFFF  }
0xad: {  	[dreg:$0x0] =	wrdreg $0x60  }
0xae: {  	[dreg:$0x2] =	wrdreg s24  }
0xaf: {  	[dreg:$0x3] =	wrdreg s2  }
0xb0: {  	[dreg:$0x4] =	wrdreg $0x50000  }
0xb1: {  	[dreg:$0x5] =	wrdreg $0x9  }
0xb2: {  	_ =	task.clear_ibuf [dreg:s7], $0x6FFFF;
	_ =	strace $0x90000049  }
0xb3: {  	s29 =	simm.s32 $0x9;
	_ =	strace $0x8000004B  }
0xb4: {  	_ =	swait.ge [sflag:s29], $0x1  }
0xb5: {  	[sflag:s29] =	ssyncadd.s32 $0xFFFFFFFF  }
0xb6: {  	_ =	strace $0x9000004B  }
0xb7: {  	_ =	sfence  }
0xb8: {  	s30 =	sld [smem:$0x0];
	_ =	sdelay $0x2  }
0xb9: {  	s31 =	sshll.u32 s1, $0xD;
	s1 =	sshrl.u32 s1, $0x2  }
0xba: {  	s3 =	sand.u32 $0x4000, s31;
	s1 =	sadd.s32 s1, s30  }
0xbb: {  	s0 =	sor.u32 s3, s0;
	s1 =	sshll.u32 s1, $0x11  }
0xbc: {  	s0 =	sor.u32 s1, s0  }
0xbd: {  	s0 =	sadd.s32 $0x8F2B, s0  }
0xbe: {  	[sflag:s0] =	ssyncadd.remote.s32 $0x1  }
0xbf: {  	_ =	sfence.sel $0xFFFF  }
0xc0: {  	[dreg:$0x0] =	wrdreg $0xFFFFFFFF;
	(pc) =	sbr.abs _section_cstart, $3  }
0xc1: {  	[dreg:$0x1] =	wrdreg $0xFFFFFFFF  }
0xc2: {  	_ =	task.clear_ibuf [dreg:s7], $0x2FFFF;
	_ =	strace $0x9FFFFFFF  }
0xc3: {  	(tm) =	ssettm $0x7FFFFFFF  }
tec
execute0_lowered:
.L_overlay_start_1:
0x0: {  	(tag) =	ssettag $0x1  }
0x1: {  	s0 =	rddreg [dreg:$0x0]  }
0x2: {  	s2 =	rddreg [dreg:$0x1]  }
0x3: {  	s1 =	rddreg [dreg:$0x2]  }
0x4: {  	s3 =	simm.s32 $0x0;
	s13 =	stileid.u32;
	s4 =	srdreg.scid  }
0x5: {  	s19 =	simm.s32 $0x11;
	s31 =	simm.s32 $0x200;
	s28 =	simm.s32 $0xB800  }
0x6: {  	[smem:$0x7FF] =	sst s3;
	s5 =	sadd.s32 $0x15E00, s0;
	s6 =	smul.u32 $0x2800, s13  }
0x7: {  	s4 =	sand.u32 $0x1, s4;
	s7 =	sadd.s32 $0x1FE00, s0;
	s9 =	sadd.s32 $0x29E00, s0  }
0x8: {  	s17 =	sshll.u32 s13, $0x6;
	s18 =	smul.u32 $0x500, s13;
	s22 =	sadd.s32 $0x1AE00, s0  }
0x9: {  	s13 =	simm.s32 $0x9;
	_ =	strace $0x8000004A;
	s8 =	smul.u32 $0x5000, s4  }
0xa: {  	s4 =	ssub.s32 $0x2, s4;
	[dreg:$0x9] =	wrdreg s22;
	s22 =	simm.s32 $0xA  }
0xb: {  	s15 =	sshrl.u32 s6, $0x3;
	s10 =	sshrl.u32 s4, $0x1;
	s6 =	sadd.s32 s6, s1  }
0xc: {  	s11 =	sadd.s32 s15, s0;
	s12 =	sadd.s32 s8, s0;
	[dreg:$0x5] =	wrdreg s6  }
0xd: {  	s4 =	ssub.s32 s4, s10;
	s21 =	sadd.s32 s5, s15;
	[dreg:$0x4] =	wrdreg s15  }
0xe: {  	s2 =	sadd.s32 s2, s8;
	s23 =	sadd.s32 s7, s15;
	[dreg:$0x8] =	wrdreg s21  }
0xf: {  	s0 =	sadd.s32 $0x24E00, s0;
	s24 =	sadd.s32 $0x280, s15;
	[dreg:$0xa] =	wrdreg s23  }
0x10: {  	s25 =	sadd.s32 s9, s15;
	s6 =	simm.s32 $0x3;
	[dreg:$0xb] =	wrdreg s0  }
0x11: {  	s10 =	simm.s32 $0x4;
	s16 =	sadd.s32 $0x10E00, s11;
	[dreg:$0xd] =	wrdreg s25  }
0x12: {  	s20 =	sadd.s32 $0x6A00, s12;
	s14 =	sadd.s32 $0x2EE00, s12;
	[dreg:$0xc] =	wrdreg s24  }
0x13: {  	s5 =	sadd.s32 s5, s24;
	s26 =	sadd.s32 s7, s24;
	[dreg:$0x6] =	wrdreg s16  }
0x14: {  	s0 =	sadd.s32 s9, s24;
	s29 =	sadd.s32 $0x38E00, s12;
	[dreg:$0xe] =	wrdreg s5  }
0x15: {  	s4 =	smax.u32 s4, $0x1;
	s2 =	sadd.s32 s18, s2;
	[dreg:$0xf] =	wrdreg s26  }
0x16: {  	s12 =	simm.s32 $0x2800;
	s23 =	simm.s32 $0x7800;
	[dreg:$0x10] =	wrdreg s0  }
0x17: {  	s24 =	simm.s32 $0x9800;
	s25 =	simm.s32 $0xB800;
	[dreg:$0x11] =	wrdreg s4  }
0x18: {  	s21 =	simm.s32 $0x11800;
	s16 =	sor.u32 $0x1C11, s17;
	[dreg:$0x12] =	wrdreg s2  }
0x19: {  	s30 =	sadd.s32 s18, s20;
	s0 =	sadd.s32 s15, s29;
	s26 =	simm.s32 $0xD800  }
0x1a: {  	s15 =	simm.s32 $0xF800;
	s2 =	simm.s32 $0x1;
	[dreg:$0x13] =	wrdreg s30  }
0x1b: {  	s17 =	simm.s32 $0xB;
	s20 =	simm.s32 $0xC;
	[dreg:$0x14] =	wrdreg s0  }
0x1c: {  	s5 =	simm.s32 $0x0;
	s0 =	simm.s32 $0x2;
	[dreg:$0x7] =	wrdreg s16  }
.LBB2_1:
0x1d: {  	s4 =	rddreg [dreg:$0x5]  }
0x1e: {  	s9 =	rddreg [dreg:$0x6];
	s7 =	sshrl.u32 s4, $0x3  }
0x1f: {  	[dreg:$0x15] =	wrdreg s7  }
0x20: {  	[spmem:s7], [sflag:s16] =	dma.local [hbm:s9], $0x500  }
0x21: {  	_ =	swait.ge [sflag:s19], $0x500  }
0x22: {  	[sflag:s19] =	ssyncset.done $0x0  }
0x23: {  	s11 =	rddreg [dreg:$0x12];
	[sflag:s19] =	ssyncadd.s32 $0xFFFFFB00  }
0x24: {  	[tilespmem:s3], [sflag:$0x11] =	stream.linear.gather [hbm4b:s11+s3], $0x2800, $0x38;
	[tilespmem:$0x17800] =	vst v63  }
0x25: {  	_ =	swait.ge [sflag:s19], $0x2800  }
0x26: {  	[sflag:s19] =	ssyncset.done $0x0  }
0x27: {  	s16 =	rddreg [dreg:$0x13];
	[sflag:s19] =	ssyncadd.s32 $0xFFFFD800  }
0x28: {  	[tilespmem:s12], [sflag:$0x11] =	stream.linear.gather [hbm4b:s16+s3], $0x2800, $0x38;
	[tilespmem:$0x17800] =	vst v63  }
0x29: {  	_ =	swait.ge [sflag:s19], $0x2800  }
0x2a: {  	[sflag:s19] =	ssyncset.done $0x0  }
0x2b: {  	s18 =	rddreg [dreg:$0x8];
	[sflag:s19] =	ssyncadd.s32 $0xFFFFD800  }
0x2c: {  	[tilespmem:s23], [sflag:$0x11] =	stream.linear.gather [hbm4b:s18+s3], $0x1400, $0x38;
	[tilespmem:$0x17800] =	vst v63  }
0x2d: {  	_ =	swait.ge [sflag:s19], $0x1400  }
0x2e: {  	s7 =	rddreg [dreg:$0x4]  }
0x2f: {  	[sflag:s19] =	ssyncset.done $0x0;
	s8 =	rddreg [dreg:$0x9]  }
0x30: {  	[sflag:s19] =	ssyncadd.s32 $0xFFFFEC00;
	s4 =	sadd.s32 s7, s8  }
0x31: {  	[tilespmem:s24], [sflag:$0x11] =	stream.linear.gather [hbm4b:s4+s3], $0x1400, $0x38;
	[tilespmem:$0x17800] =	vst v63  }
0x32: {  	_ =	swait.ge [sflag:s19], $0x1400  }
0x33: {  	[sflag:s19] =	ssyncset.done $0x0  }
0x34: {  	s9 =	rddreg [dreg:$0xa];
	[sflag:s19] =	ssyncadd.s32 $0xFFFFEC00  }
0x35: {  	[tilespmem:s25], [sflag:$0x11] =	stream.linear.gather [hbm4b:s9+s3], $0x1400, $0x38;
	[tilespmem:$0x17800] =	vst v63  }
0x36: {  	_ =	swait.ge [sflag:s19], $0x1400  }
0x37: {  	[sflag:s19] =	ssyncset.done $0x0;
	s11 =	rddreg [dreg:$0xb]  }
0x38: {  	[sflag:s19] =	ssyncadd.s32 $0xFFFFEC00;
	s4 =	sadd.s32 s7, s11  }
0x39: {  	[tilespmem:s26], [sflag:$0x11] =	stream.linear.gather [hbm4b:s4+s3], $0x1400, $0x38;
	[tilespmem:$0x17800] =	vst v63  }
0x3a: {  	_ =	swait.ge [sflag:s19], $0x1400  }
0x3b: {  	[sflag:s19] =	ssyncset.done $0x0  }
0x3c: {  	s16 =	rddreg [dreg:$0xd];
	[sflag:s19] =	ssyncadd.s32 $0xFFFFEC00  }
0x3d: {  	[tilespmem:s15], [sflag:$0x11] =	stream.linear.gather [hbm4b:s16+s3], $0x1400, $0x38;
	[tilespmem:$0x17800] =	vst v63  }
0x3e: {  	_ =	swait.ge [sflag:s19], $0x1400  }
0x3f: {  	[sflag:s19] =	ssyncset.done $0x0  }
0x40: {  	s12 =	simm.s32 $0x0;
	[sflag:s19] =	ssyncadd.s32 $0xFFFFEC00  }
0x41: {  	v0 =	vld [tilespmem:s12+$0xB800]  }
0x42: {  	v1 =	vld [tilespmem:s12+$0xD800];
	_ =	sdelay $0x4  }
0x43: {  	v0 =	vadd.f32 v1, v0;
	_ =	sdelay $0x1  }
0x44: {  	s30 =	simm.s32 $0x10;
	v0 =	vmax.f32 v0, $1.000000000e+00  }
0x45: {  	v2 =	vld [tilespmem:s30+$0xD800];
	(erf) = vrcp.f32 v0  }
0x46: {  	v1 =	vld [tilespmem:s30+$0xB800]  }
0x47: {  	v3 =	vld [tilespmem:s12+$0x7800]  }
0x48: {  	s29 =	simm.s32 $0x20;
	v4 =	vld [tilespmem:s12+$0x9800]  }
0x49: {  	v6 =	vld [tilespmem:s29+$0xB800]  }
0x4a: {  	v7 =	vld [tilespmem:s29+$0xD800]  }
0x4b: {  	v1 =	vadd.f32 v2, v1;
	_ =	sdelay $0x1  }
0x4c: {  	v1 =	vmax.f32 v1, $1.000000000e+00  }
0x4d: {  	v8 =	vld [tilespmem:s12+$0xF800];
	v2 =	vadd.f32 v4, v3;
	v4 =	vpop (erf);
	(erf) = vrcp.f32 v1  }
0x4e: {  	v5 =	vld [tilespmem:s30+$0x7800];
	v6 =	vadd.f32 v7, v6  }
0x4f: {  	s4 =	simm.s32 $0x30;
	v0 =	vld [tilespmem:s30+$0x9800]  }
0x50: {  	v6 =	vmax.f32 v6, $1.000000000e+00;
	v3 =	vld [tilespmem:s4+$0xB800]  }
0x51: {  	v2 =	vmul.f32 v4, v2;
	v4 =	vld [tilespmem:s4+$0xD800];
	(erf) = vrcp.f32 v6;
	_ =	sdelay $0x1  }
0x52: {  	v1 =	vld [tilespmem:s30+$0xF800];
	v6 =	vadd.f32 v2, v8  }
0x53: {  	s18 =	simm.s32 $0xF800;
	s15 =	simm.s32 $0x100;
	v2 =	vld [tilespmem:s29+$0x7800]  }
.LBB2_2:
0x54: {  	s16 =	sshra.s32 s15, $0x2;
	v5 =	vadd.f32 v0, v5;
	v0 =	vld [tilespmem:s29+$0x9800];
	v6 =	vmax.f32 v6, $0.0e+00;
	p0 =	sne.s32 s15, $0x4FC0  }
.Ltmp0:
0x55: {  	s15 =	sadd.s32 $0x40, s15;
	v7 =	vadd.f32 v4, v3;
	v3 =	vld [tilespmem:s16+$0xB800];
	v8 =	vpop (erf);
	[tilespmem:s12+$0x11800] =	vst v6;
	(pc) =	sbr.rel @p0 .LBB2_2-.Ltmp0, $4  }
0x56: {  	s12 =	smov.u32 s30;
	s30 =	smov.u32 s29;
	s29 =	smov.u32 s4;
	v4 =	vld [tilespmem:s16+$0xD800];
	v8 =	vmul.f32 v8, v5  }
0x57: {  	s4 =	smov.u32 s16;
	v6 =	vmax.f32 v7, $1.000000000e+00  }
0x58: {  	(erf) = vrcp.f32 v6;
	v6 =	vadd.f32 v8, v1;
	v1 =	vld [tilespmem:s30+$0xF800];
	v5 =	vmov v2  }
0x59: {  	v2 =	vld [tilespmem:s29+$0x7800]  }
0x5a: {  	_ = 	snop  }
0x5b: {  	v3 =	vadd.f32 v4, v3;
	_ =	sdelay $0x1  }
0x5c: {  	v0 =	vadd.f32 v0, v5;
	v3 =	vmax.f32 v3, $1.000000000e+00  }
0x5d: {  	v5 =	vmax.f32 v6, $0.0e+00;
	v6 =	vpop (erf);
	(erf) = vrcp.f32 v3  }
0x5e: {  	v4 =	vld [tilespmem:s29+$0x9800];
	[tilespmem:s12+$0x11800] =	vst v5;
	v0 =	vmul.f32 v6, v0  }
0x5f: {  	v3 =	vld [tilespmem:s4+$0x7800]  }
0x60: {  	v0 =	vadd.f32 v0, v1;
	v1 =	vld [tilespmem:s4+$0x9800];
	_ =	sdelay $0x1  }
0x61: {  	v0 =	vmax.f32 v0, $0.0e+00  }
0x62: {  	v5 =	vld [tilespmem:s29+$0xF800];
	[tilespmem:s30+$0x11800] =	vst v0  }
0x63: {  	v0 =	vadd.f32 v4, v2;
	v2 =	vld [tilespmem:s4+$0xF800]  }
0x64: {  	v4 =	vpop (erf);
	v1 =	vadd.f32 v1, v3  }
0x65: {  	v0 =	vmul.f32 v4, v0;
	v3 =	vpop (erf)  }
0x66: {  	v1 =	vmul.f32 v3, v1  }
0x67: {  	v0 =	vadd.f32 v0, v5  }
0x68: {  	v1 =	vadd.f32 v1, v2  }
0x69: {  	v0 =	vmax.f32 v0, $0.0e+00  }
0x6a: {  	s16 =	rddreg [dreg:$0x4];
	[tilespmem:s29+$0x11800] =	vst v0;
	v0 =	vmax.f32 v1, $0.0e+00  }
0x6b: {  	s7 =	simm.s32 $0x0;
	[tilespmem:s4+$0x11800] =	vst v0;
	s4 =	sadd.s32 s16, s14  }
0x6c: {  	[hbm4b:s4+s7] =	stream.linear.scatter [tilespmem:s21], [sflag:$0x11], $0x1400, $0x38;
	[tilespmem:$0x17800] =	vst v63  }
0x6d: {  	_ =	swait.ge [sflag:s19], $0x1400  }
0x6e: {  	[sflag:s19] =	ssyncset.done $0x0  }
0x6f: {  	s8 =	rddreg [dreg:$0xe];
	[sflag:s19] =	ssyncadd.s32 $0xFFFFEC00  }
0x70: {  	[tilespmem:s23], [sflag:$0x11] =	stream.linear.gather [hbm4b:s8+s7], $0x1400, $0x38;
	[tilespmem:$0x17800] =	vst v63  }
0x71: {  	_ =	swait.ge [sflag:s19], $0x1400  }
0x72: {  	s9 =	rddreg [dreg:$0x9]  }
0x73: {  	[sflag:s19] =	ssyncset.done $0x0;
	s15 =	rddreg [dreg:$0xc]  }
0x74: {  	[sflag:s19] =	ssyncadd.s32 $0xFFFFEC00;
	s4 =	sadd.s32 s15, s9  }
0x75: {  	[tilespmem:s24], [sflag:$0x11] =	stream.linear.gather [hbm4b:s4+s7], $0x1400, $0x38;
	[tilespmem:$0x17800] =	vst v63  }
0x76: {  	_ =	swait.ge [sflag:s19], $0x1400  }
0x77: {  	[sflag:s19] =	ssyncset.done $0x0  }
0x78: {  	s11 =	rddreg [dreg:$0xf];
	[sflag:s19] =	ssyncadd.s32 $0xFFFFEC00  }
0x79: {  	[tilespmem:s25], [sflag:$0x11] =	stream.linear.gather [hbm4b:s11+s7], $0x1400, $0x38;
	[tilespmem:$0x17800] =	vst v63  }
0x7a: {  	_ =	swait.ge [sflag:s19], $0x1400  }
0x7b: {  	[sflag:s19] =	ssyncset.done $0x0;
	s16 =	rddreg [dreg:$0xb]  }
0x7c: {  	[sflag:s19] =	ssyncadd.s32 $0xFFFFEC00;
	s4 =	sadd.s32 s15, s16  }
0x7d: {  	[tilespmem:s26], [sflag:$0x11] =	stream.linear.gather [hbm4b:s4+s7], $0x1400, $0x38;
	[tilespmem:$0x17800] =	vst v63  }
0x7e: {  	_ =	swait.ge [sflag:s19], $0x1400  }
0x7f: {  	[sflag:s19] =	ssyncset.done $0x0  }
0x80: {  	s21 =	rddreg [dreg:$0x10];
	[sflag:s19] =	ssyncadd.s32 $0xFFFFEC00  }
0x81: {  	[tilespmem:s18], [sflag:$0x11] =	stream.linear.gather [hbm4b:s21+s7], $0x1400, $0x38;
	[tilespmem:$0x17800] =	vst v63  }
0x82: {  	_ =	swait.ge [sflag:s19], $0x1400  }
0x83: {  	[sflag:s19] =	ssyncset.done $0x0  }
0x84: {  	s12 =	simm.s32 $0x0;
	[sflag:s19] =	ssyncadd.s32 $0xFFFFEC00  }
0x85: {  	v0 =	vld [tilespmem:s12+$0xB800]  }
0x86: {  	v1 =	vld [tilespmem:s12+$0xD800];
	_ =	sdelay $0x3  }
0x87: {  	s30 =	simm.s32 $0x10  }
0x88: {  	v2 =	vld [tilespmem:s30+$0xD800];
	v0 =	vadd.f32 v1, v0  }
0x89: {  	v1 =	vld [tilespmem:s30+$0xB800]  }
0x8a: {  	v0 =	vmax.f32 v0, $1.000000000e+00  }
0x8b: {  	s29 =	simm.s32 $0x20;
	v3 =	vld [tilespmem:s12+$0x7800];
	(erf) = vrcp.f32 v0  }
0x8c: {  	v6 =	vld [tilespmem:s29+$0xB800]  }
0x8d: {  	v7 =	vld [tilespmem:s29+$0xD800]  }
0x8e: {  	v4 =	vld [tilespmem:s12+$0x9800];
	v1 =	vadd.f32 v2, v1;
	_ =	sdelay $0x1  }
0x8f: {  	v1 =	vmax.f32 v1, $1.000000000e+00  }
0x90: {  	v8 =	vld [tilespmem:s12+$0xF800];
	(erf) = vrcp.f32 v1  }
0x91: {  	v5 =	vld [tilespmem:s30+$0x7800];
	v6 =	vadd.f32 v7, v6  }
0x92: {  	s4 =	simm.s32 $0x30;
	v0 =	vld [tilespmem:s30+$0x9800];
	v2 =	vadd.f32 v4, v3  }
0x93: {  	v6 =	vmax.f32 v6, $1.000000000e+00;
	v3 =	vld [tilespmem:s4+$0xB800];
	v4 =	vpop (erf)  }
0x94: {  	(erf) = vrcp.f32 v6;
	v2 =	vmul.f32 v4, v2;
	v4 =	vld [tilespmem:s4+$0xD800];
	_ =	sdelay $0x1  }
0x95: {  	v1 =	vld [tilespmem:s30+$0xF800];
	v6 =	vadd.f32 v2, v8  }
0x96: {  	s15 =	simm.s32 $0x100;
	v2 =	vld [tilespmem:s29+$0x7800]  }
.LBB2_4:
0x97: {  	s16 =	sshra.s32 s15, $0x2;
	v5 =	vadd.f32 v0, v5;
	v0 =	vld [tilespmem:s29+$0x9800];
	v6 =	vmax.f32 v6, $0.0e+00;
	p0 =	sne.s32 s15, $0x4FC0  }
.Ltmp1:
0x98: {  	s15 =	sadd.s32 $0x40, s15;
	v7 =	vadd.f32 v4, v3;
	v3 =	vld [tilespmem:s16+$0xB800];
	v8 =	vpop (erf);
	[tilespmem:s12+$0x11800] =	vst v6;
	(pc) =	sbr.rel @p0 .LBB2_4-.Ltmp1, $4  }
0x99: {  	s12 =	smov.u32 s30;
	s30 =	smov.u32 s29;
	s29 =	smov.u32 s4;
	v4 =	vld [tilespmem:s16+$0xD800];
	v8 =	vmul.f32 v8, v5  }
0x9a: {  	s4 =	smov.u32 s16;
	v6 =	vmax.f32 v7, $1.000000000e+00  }
0x9b: {  	(erf) = vrcp.f32 v6;
	v6 =	vadd.f32 v8, v1;
	v1 =	vld [tilespmem:s30+$0xF800];
	v5 =	vmov v2  }
0x9c: {  	v2 =	vld [tilespmem:s29+$0x7800]  }
0x9d: {  	_ = 	snop  }
0x9e: {  	v3 =	vadd.f32 v4, v3;
	_ =	sdelay $0x1  }
0x9f: {  	v0 =	vadd.f32 v0, v5;
	v3 =	vmax.f32 v3, $1.000000000e+00  }
0xa0: {  	v55 =	vmax.f32 v6, $0.0e+00;
	v56 =	vpop (erf);
	(erf) = vrcp.f32 v3  }
0xa1: {  	v54 =	vld [tilespmem:s29+$0x9800];
	[tilespmem:s12+$0x11800] =	vst v55;
	v0 =	vmul.f32 v56, v0  }
0xa2: {  	v57 =	vld [tilespmem:s4+$0x7800]  }
0xa3: {  	v58 =	vld [tilespmem:s4+$0x9800];
	v0 =	vadd.f32 v0, v1;
	_ =	sdelay $0x1  }
0xa4: {  	v0 =	vmax.f32 v0, $0.0e+00  }
0xa5: {  	v5 =	vld [tilespmem:s29+$0xF800];
	[tilespmem:s30+$0x11800] =	vst v0  }
0xa6: {  	v59 =	vadd.f32 v54, v2;
	v60 =	vld [tilespmem:s4+$0xF800]  }
0xa7: {  	v61 =	vpop (erf);
	v1 =	vadd.f32 v58, v57  }
0xa8: {  	v0 =	vmul.f32 v61, v59;
	v62 =	vpop (erf)  }
0xa9: {  	v1 =	vmul.f32 v62, v1  }
0xaa: {  	v0 =	vadd.f32 v0, v5  }
0xab: {  	v1 =	vadd.f32 v1, v60  }
0xac: {  	v0 =	vmax.f32 v0, $0.0e+00  }
0xad: {  	s30 =	rddreg [dreg:$0xc];
	[tilespmem:s29+$0x11800] =	vst v0;
	v63 =	vmax.f32 v1, $0.0e+00  }
0xae: {  	s16 =	simm.s32 $0x11800;
	[tilespmem:s4+$0x11800] =	vst v63;
	s4 =	sadd.s32 s30, s14  }
0xaf: {  	[hbm4b:s4+s3] =	stream.linear.scatter [tilespmem:s16], [sflag:$0x11], $0x1400, $0x38;
	[tilespmem:$0x17800] =	vst v63  }
0xb0: {  	_ =	swait.ge [sflag:s19], $0x1400  }
0xb1: {  	[sflag:s19] =	ssyncset.done $0x0  }
0xb2: {  	[sflag:s19] =	ssyncadd.s32 $0xFFFFEC00  }
0xb3: {  	[bflag:$0x0] =	sbarrier.arrive $0xFFFF  }
0xb4: {  	[tilespmem:s23], [sflag:$0x1] =	stream.indirect.gather [hbm4b:s14+s31], $0x10, s3, s31, $0xb8;
	[tilespmem:$0x17800] =	vst v63  }
0xb5: {  	_ = 	snop  }
0xb6: {  	[tilespmem:s24], [sflag:$0x2] =	stream.indirect.gather [hbm4b:s14+s31], $0x10, s31, s31, $0xb8;
	[tilespmem:$0x17800] =	vst v63  }
0xb7: {  	s7 =	simm.s32 $0x400  }
0xb8: {  	[tilespmem:s25], [sflag:$0x3] =	stream.indirect.gather [hbm4b:s14+s31], $0x10, s7, s31, $0xb8;
	[tilespmem:$0x17800] =	vst v63  }
0xb9: {  	s8 =	simm.s32 $0x600  }
0xba: {  	[tilespmem:s26], [sflag:$0x4] =	stream.indirect.gather [hbm4b:s14+s31], $0x10, s8, s31, $0xb8;
	[tilespmem:$0x17800] =	vst v63  }
0xbb: {  	s15 =	simm.s32 $0xF800;
	s9 =	simm.s32 $0x800  }
0xbc: {  	[tilespmem:s15], [sflag:$0x5] =	stream.indirect.gather [hbm4b:s14+s31], $0x10, s9, s31, $0xb8;
	[tilespmem:$0x17800] =	vst v63  }
0xbd: {  	_ =	swait.ge [sflag:s2], $0x2000  }
0xbe: {  	[sflag:s2] =	ssyncset.done $0x0  }
0xbf: {  	s12 =	simm.s32 $0x2800;
	[sflag:s2] =	ssyncadd.s32 $0xFFFFE000  }
0xc0: {  	[spmem:s1] =	stream.indirect.scatter.add.f32 [tilespmem:s23], [sflag:$0x9], $0x10, s12, s31, $0xb8;
	[tilespmem:$0x17800] =	vst v63  }
0xc1: {  	s11 =	simm.s32 $0xA00  }
0xc2: {  	[tilespmem:s16], [sflag:$0x6] =	stream.indirect.gather [hbm4b:s14+s31], $0x10, s11, s31, $0xb8;
	[tilespmem:$0x17800] =	vst v63  }
0xc3: {  	_ =	swait.ge [sflag:s0], $0x2000  }
0xc4: {  	[sflag:s0] =	ssyncset.done $0x0  }
0xc5: {  	s18 =	simm.s32 $0x2A00;
	[sflag:s0] =	ssyncadd.s32 $0xFFFFE000  }
0xc6: {  	[spmem:s1] =	stream.indirect.scatter.add.f32 [tilespmem:s24], [sflag:$0xA], $0x10, s18, s31, $0xb8;
	[tilespmem:$0x17800] =	vst v63  }
0xc7: {  	s21 =	simm.s32 $0xC00;
	s18 =	simm.s32 $0x13800  }
0xc8: {  	[tilespmem:s18], [sflag:$0x7] =	stream.indirect.gather [hbm4b:s14+s31], $0x10, s21, s31, $0xb8;
	[tilespmem:$0x17800] =	vst v63  }
0xc9: {  	_ =	swait.ge [sflag:s6], $0x2000  }
0xca: {  	[sflag:s6] =	ssyncset.done $0x0  }
0xcb: {  	s29 =	simm.s32 $0x2C00;
	[sflag:s6] =	ssyncadd.s32 $0xFFFFE000  }
0xcc: {  	[spmem:s1] =	stream.indirect.scatter.add.f32 [tilespmem:s25], [sflag:$0xB], $0x10, s29, s31, $0xb8;
	[tilespmem:$0x17800] =	vst v63  }
0xcd: {  	s30 =	simm.s32 $0xE00;
	s29 =	simm.s32 $0x15800  }
0xce: {  	[tilespmem:s29], [sflag:$0x8] =	stream.indirect.gather [hbm4b:s14+s31], $0x10, s30, s31, $0xb8;
	[tilespmem:$0x17800] =	vst v63  }
0xcf: {  	_ =	swait.ge [sflag:s10], $0x2000  }
0xd0: {  	[sflag:s10] =	ssyncset.done $0x0  }
0xd1: {  	s7 =	simm.s32 $0x2E00;
	[sflag:s10] =	ssyncadd.s32 $0xFFFFE000  }
0xd2: {  	[spmem:s1] =	stream.indirect.scatter.add.f32 [tilespmem:s26], [sflag:$0xC], $0x10, s7, s31, $0xb8;
	[tilespmem:$0x17800] =	vst v63  }
0xd3: {  	_ =	swait.ge [sflag:s13], $0x2000  }
0xd4: {  	[sflag:s13] =	ssyncset.done $0x0  }
0xd5: {  	s4 =	simm.s32 $0x5;
	s8 =	simm.s32 $0x1000;
	[sflag:s13] =	ssyncadd.s32 $0xFFFFE000  }
0xd6: {  	[tilespmem:s23], [sflag:$0x1] =	stream.indirect.gather [hbm4b:s14+s31], $0x10, s8, s31, $0xb8;
	[tilespmem:$0x17800] =	vst v63  }
0xd7: {  	_ =	swait.ge [sflag:s4], $0x2000  }
0xd8: {  	[sflag:s4] =	ssyncset.done $0x0  }
0xd9: {  	s21 =	simm.s32 $0x3000;
	[sflag:s4] =	ssyncadd.s32 $0xFFFFE000  }
0xda: {  	[spmem:s1] =	stream.indirect.scatter.add.f32 [tilespmem:s15], [sflag:$0xD], $0x10, s21, s31, $0xb8;
	[tilespmem:$0x17800] =	vst v63  }
0xdb: {  	_ =	swait.ge [sflag:s22], $0x2000  }
0xdc: {  	[sflag:s22] =	ssyncset.done $0x0  }
0xdd: {  	s9 =	simm.s32 $0x1200;
	s21 =	simm.s32 $0x6;
	[sflag:s22] =	ssyncadd.s32 $0xFFFFE000  }
0xde: {  	[tilespmem:s24], [sflag:$0x2] =	stream.indirect.gather [hbm4b:s14+s31], $0x10, s9, s31, $0xb8;
	[tilespmem:$0x17800] =	vst v63  }
0xdf: {  	_ =	swait.ge [sflag:s21], $0x2000  }
0xe0: {  	[sflag:s21] =	ssyncset.done $0x0  }
0xe1: {  	s11 =	simm.s32 $0x3200;
	[sflag:s21] =	ssyncadd.s32 $0xFFFFE000  }
0xe2: {  	[spmem:s1] =	stream.indirect.scatter.add.f32 [tilespmem:s16], [sflag:$0xE], $0x10, s11, s31, $0xb8;
	[tilespmem:$0x17800] =	vst v63  }
0xe3: {  	_ =	swait.ge [sflag:s17], $0x2000  }
0xe4: {  	[sflag:s17] =	ssyncset.done $0x0  }
0xe5: {  	s30 =	simm.s32 $0x7;
	s7 =	simm.s32 $0x1400;
	[sflag:s17] =	ssyncadd.s32 $0xFFFFE000  }
0xe6: {  	[tilespmem:s25], [sflag:$0x3] =	stream.indirect.gather [hbm4b:s14+s31], $0x10, s7, s31, $0xb8;
	[tilespmem:$0x17800] =	vst v63  }
0xe7: {  	_ =	swait.ge [sflag:s30], $0x2000  }
0xe8: {  	[sflag:s30] =	ssyncset.done $0x0  }
0xe9: {  	s8 =	simm.s32 $0x3400;
	[sflag:s30] =	ssyncadd.s32 $0xFFFFE000  }
0xea: {  	[spmem:s1] =	stream.indirect.scatter.add.f32 [tilespmem:s18], [sflag:$0xF], $0x10, s8, s31, $0xb8;
	[tilespmem:$0x17800] =	vst v63  }
0xeb: {  	_ =	swait.ge [sflag:s20], $0x2000  }
0xec: {  	[sflag:s20] =	ssyncset.done $0x0  }
0xed: {  	s9 =	simm.s32 $0x1600;
	s25 =	simm.s32 $0x8;
	[sflag:s20] =	ssyncadd.s32 $0xFFFFE000  }
0xee: {  	[tilespmem:s26], [sflag:$0x4] =	stream.indirect.gather [hbm4b:s14+s31], $0x10, s9, s31, $0xb8;
	[tilespmem:$0x17800] =	vst v63  }
0xef: {  	_ =	swait.ge [sflag:s25], $0x2000  }
0xf0: {  	[sflag:s25] =	ssyncset.done $0x0  }
0xf1: {  	s7 =	simm.s32 $0x3600;
	[sflag:s25] =	ssyncadd.s32 $0xFFFFE000  }
0xf2: {  	[spmem:s1] =	stream.indirect.scatter.add.f32 [tilespmem:s29], [sflag:$0x10], $0x10, s7, s31, $0xb8;
	[tilespmem:$0x17800] =	vst v63  }
0xf3: {  	s7 =	simm.s32 $0xD  }
0xf4: {  	_ =	swait.ge [sflag:s7], $0x2000  }
0xf5: {  	[sflag:s7] =	ssyncset.done $0x0  }
0xf6: {  	s9 =	simm.s32 $0x1800;
	[sflag:s7] =	ssyncadd.s32 $0xFFFFE000  }
0xf7: {  	[tilespmem:s15], [sflag:$0x5] =	stream.indirect.gather [hbm4b:s14+s31], $0x10, s9, s31, $0xb8;
	[tilespmem:$0x17800] =	vst v63  }
0xf8: {  	_ =	swait.ge [sflag:s2], $0x2000  }
0xf9: {  	[sflag:s2] =	ssyncset.done $0x0  }
0xfa: {  	s11 =	simm.s32 $0x3800;
	s9 =	simm.s32 $0xE;
	[sflag:s2] =	ssyncadd.s32 $0xFFFFE000  }
0xfb: {  	[spmem:s1] =	stream.indirect.scatter.add.f32 [tilespmem:s23], [sflag:$0x9], $0x10, s11, s31, $0xb8;
	[tilespmem:$0x17800] =	vst v63  }
0xfc: {  	_ =	swait.ge [sflag:s9], $0x2000  }
0xfd: {  	[sflag:s9] =	ssyncset.done $0x0  }
0xfe: {  	s11 =	simm.s32 $0x1A00;
	[sflag:s9] =	ssyncadd.s32 $0xFFFFE000  }
0xff: {  	[tilespmem:s16], [sflag:$0x6] =	stream.indirect.gather [hbm4b:s14+s31], $0x10, s11, s31, $0xb8;
	[tilespmem:$0x17800] =	vst v63  }
0x100: {  	_ =	swait.ge [sflag:s0], $0x2000  }
0x101: {  	[sflag:s0] =	ssyncset.done $0x0  }
0x102: {  	s8 =	simm.s32 $0x3A00;
	s11 =	simm.s32 $0xF;
	[sflag:s0] =	ssyncadd.s32 $0xFFFFE000  }
0x103: {  	[spmem:s1] =	stream.indirect.scatter.add.f32 [tilespmem:s24], [sflag:$0xA], $0x10, s8, s31, $0xb8;
	[tilespmem:$0x17800] =	vst v63  }
0x104: {  	_ =	swait.ge [sflag:s11], $0x2000  }
0x105: {  	[sflag:s11] =	ssyncset.done $0x0  }
0x106: {  	s8 =	simm.s32 $0x1C00;
	[sflag:s11] =	ssyncadd.s32 $0xFFFFE000  }
0x107: {  	[tilespmem:s18], [sflag:$0x7] =	stream.indirect.gather [hbm4b:s14+s31], $0x10, s8, s31, $0xb8;
	[tilespmem:$0x17800] =	vst v63  }
0x108: {  	_ =	swait.ge [sflag:s6], $0x2000  }
0x109: {  	[sflag:s6] =	ssyncset.done $0x0  }
0x10a: {  	s23 =	simm.s32 $0x3C00;
	s8 =	simm.s32 $0x10;
	[sflag:s6] =	ssyncadd.s32 $0xFFFFE000  }
0x10b: {  	[spmem:s1] =	stream.indirect.scatter.add.f32 [tilespmem:s28], [sflag:$0xB], $0x10, s23, s31, $0xb8;
	[tilespmem:$0x17800] =	vst v63  }
0x10c: {  	_ =	swait.ge [sflag:s8], $0x2000  }
0x10d: {  	[sflag:s8] =	ssyncset.done $0x0  }
0x10e: {  	s24 =	simm.s32 $0x1E00;
	[sflag:s8] =	ssyncadd.s32 $0xFFFFE000  }
0x10f: {  	[tilespmem:s29], [sflag:$0x8] =	stream.indirect.gather [hbm4b:s14+s31], $0x10, s24, s31, $0xb8;
	[tilespmem:$0x17800] =	vst v63  }
0x110: {  	_ =	swait.ge [sflag:s10], $0x2000  }
0x111: {  	[sflag:s10] =	ssyncset.done $0x0  }
0x112: {  	s24 =	simm.s32 $0x3E00;
	[sflag:s10] =	ssyncadd.s32 $0xFFFFE000  }
0x113: {  	[spmem:s1] =	stream.indirect.scatter.add.f32 [tilespmem:s26], [sflag:$0xC], $0x10, s24, s31, $0xb8;
	[tilespmem:$0x17800] =	vst v63  }
0x114: {  	_ =	swait.ge [sflag:s13], $0x2000  }
0x115: {  	[sflag:s13] =	ssyncset.done $0x0  }
0x116: {  	s23 =	simm.s32 $0x7800;
	s26 =	simm.s32 $0x2000;
	[sflag:s13] =	ssyncadd.s32 $0xFFFFE000  }
0x117: {  	[tilespmem:s23], [sflag:$0x1] =	stream.indirect.gather [hbm4b:s14+s31], $0x10, s26, s31, $0xb8;
	[tilespmem:$0x17800] =	vst v63  }
0x118: {  	_ =	swait.ge [sflag:s4], $0x2000  }
0x119: {  	[sflag:s4] =	ssyncset.done $0x0  }
0x11a: {  	[sflag:s4] =	ssyncadd.s32 $0xFFFFE000;
	s4 =	simm.s32 $0x4000  }
0x11b: {  	[spmem:s1] =	stream.indirect.scatter.add.f32 [tilespmem:s15], [sflag:$0xD], $0x10, s4, s31, $0xb8;
	[tilespmem:$0x17800] =	vst v63  }
0x11c: {  	_ =	swait.ge [sflag:s22], $0x2000  }
0x11d: {  	[sflag:s22] =	ssyncset.done $0x0  }
0x11e: {  	s24 =	simm.s32 $0x9800;
	s4 =	simm.s32 $0x2200;
	[sflag:s22] =	ssyncadd.s32 $0xFFFFE000  }
0x11f: {  	[tilespmem:s24], [sflag:$0x2] =	stream.indirect.gather [hbm4b:s14+s31], $0x10, s4, s31, $0xb8;
	[tilespmem:$0x17800] =	vst v63  }
0x120: {  	_ =	swait.ge [sflag:s21], $0x2000  }
0x121: {  	[sflag:s21] =	ssyncset.done $0x0  }
0x122: {  	s4 =	simm.s32 $0x4200;
	[sflag:s21] =	ssyncadd.s32 $0xFFFFE000  }
0x123: {  	[spmem:s1] =	stream.indirect.scatter.add.f32 [tilespmem:s16], [sflag:$0xE], $0x10, s4, s31, $0xb8;
	[tilespmem:$0x17800] =	vst v63  }
0x124: {  	_ =	swait.ge [sflag:s17], $0x2000  }
0x125: {  	[sflag:s17] =	ssyncset.done $0x0  }
0x126: {  	s16 =	simm.s32 $0x2400;
	[sflag:s17] =	ssyncadd.s32 $0xFFFFE000  }
0x127: {  	[tilespmem:s28], [sflag:$0x3] =	stream.indirect.gather [hbm4b:s14+s31], $0x10, s16, s31, $0xb8;
	[tilespmem:$0x17800] =	vst v63  }
0x128: {  	_ =	swait.ge [sflag:s30], $0x2000  }
0x129: {  	[sflag:s30] =	ssyncset.done $0x0  }
0x12a: {  	s16 =	simm.s32 $0x4400;
	[sflag:s30] =	ssyncadd.s32 $0xFFFFE000  }
0x12b: {  	[spmem:s1] =	stream.indirect.scatter.add.f32 [tilespmem:s18], [sflag:$0xF], $0x10, s16, s31, $0xb8;
	[tilespmem:$0x17800] =	vst v63  }
0x12c: {  	_ =	swait.ge [sflag:s20], $0x2000  }
0x12d: {  	[sflag:s20] =	ssyncset.done $0x0  }
0x12e: {  	s26 =	simm.s32 $0xD800;
	s30 =	simm.s32 $0x2600;
	[sflag:s20] =	ssyncadd.s32 $0xFFFFE000  }
0x12f: {  	[tilespmem:s26], [sflag:$0x4] =	stream.indirect.gather [hbm4b:s14+s31], $0x10, s30, s31, $0xb8;
	[tilespmem:$0x17800] =	vst v63  }
0x130: {  	_ =	swait.ge [sflag:s25], $0x2000  }
0x131: {  	[sflag:s25] =	ssyncset.done $0x0  }
0x132: {  	s16 =	simm.s32 $0x4600;
	[sflag:s25] =	ssyncadd.s32 $0xFFFFE000  }
0x133: {  	[spmem:s1] =	stream.indirect.scatter.add.f32 [tilespmem:s29], [sflag:$0x10], $0x10, s16, s31, $0xb8;
	[tilespmem:$0x17800] =	vst v63  }
0x134: {  	_ =	swait.ge [sflag:s2], $0x2000  }
0x135: {  	[sflag:s2] =	ssyncset.done $0x0  }
0x136: {  	s18 =	simm.s32 $0x4800;
	[sflag:s2] =	ssyncadd.s32 $0xFFFFE000  }
0x137: {  	[spmem:s1] =	stream.indirect.scatter.add.f32 [tilespmem:s23], [sflag:$0x9], $0x10, s18, s31, $0xb8;
	[tilespmem:$0x17800] =	vst v63  }
0x138: {  	_ =	swait.ge [sflag:s0], $0x2000  }
0x139: {  	[sflag:s0] =	ssyncset.done $0x0  }
0x13a: {  	s29 =	simm.s32 $0x4A00;
	[sflag:s0] =	ssyncadd.s32 $0xFFFFE000  }
0x13b: {  	[spmem:s1] =	stream.indirect.scatter.add.f32 [tilespmem:s24], [sflag:$0xA], $0x10, s29, s31, $0xb8;
	[tilespmem:$0x17800] =	vst v63  }
0x13c: {  	_ =	swait.ge [sflag:s6], $0x2000  }
0x13d: {  	[sflag:s6] =	ssyncset.done $0x0  }
0x13e: {  	s30 =	simm.s32 $0x4C00;
	s25 =	simm.s32 $0xB800;
	[sflag:s6] =	ssyncadd.s32 $0xFFFFE000  }
0x13f: {  	[spmem:s1] =	stream.indirect.scatter.add.f32 [tilespmem:s25], [sflag:$0xB], $0x10, s30, s31, $0xb8;
	[tilespmem:$0x17800] =	vst v63  }
0x140: {  	_ =	swait.ge [sflag:s10], $0x2000  }
0x141: {  	[sflag:s10] =	ssyncset.done $0x0  }
0x142: {  	s16 =	simm.s32 $0x4E00;
	[sflag:s10] =	ssyncadd.s32 $0xFFFFE000  }
0x143: {  	[spmem:s1] =	stream.indirect.scatter.add.f32 [tilespmem:s26], [sflag:$0xC], $0x10, s16, s31, $0xb8;
	[tilespmem:$0x17800] =	vst v63  }
0x144: {  	_ =	swait.ge [sflag:s7], $0x2000  }
0x145: {  	[sflag:s7] =	ssyncset.done $0x0  }
0x146: {  	[sflag:s7] =	ssyncadd.s32 $0xFFFFE000  }
0x147: {  	_ =	swait.ge [sflag:s9], $0x2000  }
0x148: {  	[sflag:s9] =	ssyncset.done $0x0  }
0x149: {  	[sflag:s9] =	ssyncadd.s32 $0xFFFFE000  }
0x14a: {  	_ =	swait.ge [sflag:s11], $0x2000  }
0x14b: {  	[sflag:s11] =	ssyncset.done $0x0  }
0x14c: {  	[sflag:s11] =	ssyncadd.s32 $0xFFFFE000  }
0x14d: {  	_ =	swait.ge [sflag:s8], $0x2000  }
0x14e: {  	[sflag:s8] =	ssyncset.done $0x0  }
0x14f: {  	[sflag:s8] =	ssyncadd.s32 $0xFFFFE000  }
0x150: {  	_ =	swait.ge [sflag:s13], $0x2000  }
0x151: {  	[sflag:s13] =	ssyncset.done $0x0  }
0x152: {  	[sflag:s13] =	ssyncadd.s32 $0xFFFFE000  }
0x153: {  	_ =	swait.ge [sflag:s22], $0x2000  }
0x154: {  	[sflag:s22] =	ssyncset.done $0x0  }
0x155: {  	[sflag:s22] =	ssyncadd.s32 $0xFFFFE000  }
0x156: {  	_ =	swait.ge [sflag:s17], $0x2000  }
0x157: {  	[sflag:s17] =	ssyncset.done $0x0  }
0x158: {  	[sflag:s17] =	ssyncadd.s32 $0xFFFFE000  }
0x159: {  	_ =	swait.ge [sflag:s20], $0x2000  }
0x15a: {  	[sflag:s20] =	ssyncset.done $0x0  }
0x15b: {  	[sflag:s20] =	ssyncadd.s32 $0xFFFFE000  }
0x15c: {  	[bflag:$0x0] =	sbarrier.arrive $0xFFFF  }
0x15d: {  	s16 =	rddreg [dreg:$0x7]  }
0x15e: {  	s18 =	rddreg [dreg:$0x14]  }
0x15f: {  	s29 =	rddreg [dreg:$0x15]  }
0x160: {  	[hbm:s18], [sflag:s16] =	dma.local [spmem:s29], $0x500  }
0x161: {  	_ =	swait.ge [sflag:s19], $0x500  }
0x162: {  	s5 =	sadd.s32 $0x1, s5;
	s30 =	rddreg [dreg:$0x11]  }
0x163: {  	p0 =	sne.s32 s5, s30  }
.Ltmp2:
0x164: {  	_ = 	snop;
	(pc) =	sbr.rel @p0 .LBB2_1-.Ltmp2, $3  }
0x165: {  	_ =	sdelay $0x1  }
0x166: {  	[sflag:s19] =	ssyncset.done $0x0  }
0x167: {  	s21 =	simm.s32 $0x11800;
	[sflag:s19] =	ssyncadd.s32 $0xFFFFFB00  }
0x168: {  	_ =	sfence.sel $0x180000  }
0x169: {  	[bflag:$0x0] =	sbarrier.arrive $0xFFFF  }
0x16a: {  	_ =	strace $0x9000004A  }
0x16b: {  	s0 =	stileid.u32;
	[bflag:$0x2] =	sbarrier.arrive $0xFFFF  }
0x16c: {  	p0 =	sne.s32 s0, $0x0;
	s0 =	rddreg [dreg:$0x3]  }
0x16d: {  	s0 =	sadd.s32 @!p0 $0x100000, s0  }
0x16e: {  	[sflag:s0] =	ssyncadd.tile.s32 @!p0 $0x1;
	_ =	shalt  }
.Lfunc_end2:
_tile_overlayer_lowered:
.L_overlay_start_2:
0x16f: {  	(tag) =	ssettag $0x2  }
0x170: {  	s0 =	rddreg [dreg:$0x0];
	s2 =	stileid.u32  }
0x171: {  	s1 =	rddreg [dreg:$0x1];
	p0 =	sne.s32 s2, $0x0  }
0x172: {  	s3 =	rddreg [dreg:$0x2];
	[bflag:$0x3] =	sbarrier.arrive $0xFFFF;
	s2 =	simm.s32 @!p0 $0x1C11  }
0x173: {  	[timem:s3], [sflag:s2] =	dma.local @!p0 [hbm:s0], s1  }
0x174: {  	s0 =	simm.s32 @!p0 $0x11  }
0x175: {  	_ =	swait.ge @!p0 [sflag:s0], s1  }
0x176: {  	s1 =	ssub.s32 @!p0 $0x0, s1;
	[sflag:s0] =	ssyncset.done @!p0 $0x0  }
0x177: {  	[sflag:s0] =	ssyncadd.s32 @!p0 s1  }
0x178: {  	[bflag:$0x3] =	sbarrier.arrive $0xFFFF  }
0x179: {  	_ =	shalt  }

</sc_bundles>
